<compile_context>
chip_gen: v7x
topology: tpu7x:2x2x1
jax: 0.10.2.dev20260603
libtpu: 0.0.44.dev20260713+nightly
codegen_flags: <defaults>
</compile_context>

<pallas_src>
import functools

import jax
import jax.numpy as jnp
from jax import lax
from jax.experimental import pallas as pl
from jax.experimental.pallas import tpu as pltpu
from jax.experimental.pallas import tpu_sc as plsc

_N = 10000
_E = 320000
_D = 128
_DE = 16
_B = 64

_NC = 2
_NS = 16
_NW = _NC * _NS
_EPW = _E // _NW
_C = 80
_NCH = _EPW // _C
_STRIPE = 624
_TAIL = _N - _NS * _STRIPE
_ZR = 104

_EB = 3200
_NB = 2000

_f32 = jnp.float32


def _gates_body(ef_ref, w1, b1, w2, b2, o):
    ef = ef_ref[...]
    h = jnp.maximum(
        jnp.dot(ef, w1[...], preferred_element_type=_f32) + b1[...], 0.0)
    o[...] = jax.nn.sigmoid(
        jnp.dot(h, w2[...], preferred_element_type=_f32) + b2[...])


def _edge_gate(ef, w1, b1, w2, b2):
    full = lambda arr: pl.BlockSpec(arr.shape, lambda i: (0,) * arr.ndim)
    args = [ef, w1, b1.reshape(1, _D), w2, b2.reshape(1, _D)]
    in_specs = [pl.BlockSpec((_EB, _DE), lambda i: (i, 0))]
    in_specs += [full(a) for a in args[1:]]
    return pl.pallas_call(
        _gates_body,
        grid=(_E // _EB,),
        in_specs=in_specs,
        out_specs=pl.BlockSpec((_EB, _D), lambda i: (i, 0)),
        out_shape=jax.ShapeDtypeStruct((_E, _D), _f32),
    )(*args)


def _lin_body(x_ref, w_ref, b_ref, o_ref):
    o_ref[...] = (jnp.dot(x_ref[...], w_ref[...], preferred_element_type=_f32)
                  + b_ref[...])


def _linear(x, w, b):
    return pl.pallas_call(
        _lin_body,
        grid=(_N // _NB,),
        in_specs=[pl.BlockSpec((_NB, _D), lambda i: (i, 0)),
                  pl.BlockSpec((_D, _D), lambda i: (0, 0)),
                  pl.BlockSpec((1, _D), lambda i: (0, 0))],
        out_specs=pl.BlockSpec((_NB, _D), lambda i: (i, 0)),
        out_shape=jax.ShapeDtypeStruct((_N, _D), _f32),
    )(x, w, b.reshape(1, _D))


def _lin2_body(p_ref, w_ref, b_ref, o_ref):
    x = jnp.maximum(p_ref[0] + p_ref[1], 0.0)
    o_ref[...] = (jnp.dot(x, w_ref[...], preferred_element_type=_f32)
                  + b_ref[...])


def _linear_from_partials(p, w, b):
    return pl.pallas_call(
        _lin2_body,
        grid=(_N // _NB,),
        in_specs=[pl.BlockSpec((2, _NB, _D), lambda i: (0, i, 0)),
                  pl.BlockSpec((_D, _D), lambda i: (0, 0)),
                  pl.BlockSpec((1, _D), lambda i: (0, 0))],
        out_specs=pl.BlockSpec((_NB, _D), lambda i: (i, 0)),
        out_shape=jax.ShapeDtypeStruct((_N, _D), _f32),
    )(p, w, b.reshape(1, _D))


def _pool_body(p_ref, batch_ref, o_ref):
    i = pl.program_id(0)

    @pl.when(i == 0)
    def _():
        o_ref[...] = jnp.zeros_like(o_ref)

    x = p_ref[0] + p_ref[1]
    seg = batch_ref[...]
    gids = lax.broadcasted_iota(jnp.int32, (1, _B), 1)
    onehot = (seg == gids).astype(_f32)
    o_ref[...] += lax.dot_general(
        onehot, x, (((0,), (0,)), ((), ())), preferred_element_type=_f32)


def _pool(p, batch):
    return pl.pallas_call(
        _pool_body,
        grid=(_N // _NB,),
        in_specs=[pl.BlockSpec((2, _NB, _D), lambda i: (0, i, 0)),
                  pl.BlockSpec((_NB, 1), lambda i: (i, 0))],
        out_specs=pl.BlockSpec((_B, _D), lambda i: (0, 0)),
        out_shape=jax.ShapeDtypeStruct((_B, _D), _f32),
    )(p, batch.reshape(_N, 1))


def _sc_body(sup_hbm, ef_hbm, esrc_hbm, etgt_hbm, out_hbm,
             esrc0_v, esrc1_v, etgt0_v, etgt1_v,
             rows0_v, rows1_v, ef0_v, ef1_v, acc_sh,
             si0, si1, st0, st1, sg0, sg1, se0, se1, ss0, ss1):
    c = lax.axis_index("c")
    s = lax.axis_index("s")
    wid = c * _NS + s

    zero16 = jnp.zeros((16,), _f32)

    @pl.loop(0, _C)
    def _zfill(i):
        for j in range(_D // 16):
            rows0_v[i, pl.ds(j * 16, 16)] = zero16

    @pl.loop(0, 7)
    def _zcopy(k):
        pltpu.sync_copy(rows0_v, acc_sh.at[pl.ds(s * _STRIPE + k * _C, _C)])

    pltpu.sync_copy(rows0_v.at[pl.ds(0, _STRIPE - 7 * _C)],
                    acc_sh.at[pl.ds(s * _STRIPE + 7 * _C, _STRIPE - 7 * _C)])

    @pl.when(s == _NS - 1)
    def _ztail():
        pltpu.sync_copy(rows0_v.at[pl.ds(0, _TAIL)],
                        acc_sh.at[pl.ds(_NS * _STRIPE, _TAIL)])

    plsc.subcore_barrier()

    slots = ((esrc0_v, etgt0_v, rows0_v, ef0_v, si0, st0, sg0, se0, ss0),
             (esrc1_v, etgt1_v, rows1_v, ef1_v, si1, st1, sg1, se1, ss1))

    def _esrc_src(i):
        return esrc_hbm.at[pl.ds(wid * _EPW + i * _C, _C)]

    def _etgt_src(i):
        return etgt_hbm.at[pl.ds(wid * _EPW + i * _C, _C)]

    def _ef_src(i):
        return ef_hbm.at[pl.ds(wid * _EPW + i * _C, _C)]

    pltpu.sync_copy(_esrc_src(0), esrc0_v)
    pltpu.sync_copy(_etgt_src(0), etgt0_v)
    pltpu.async_copy(sup_hbm.at[esrc0_v], rows0_v, sg0)
    pltpu.async_copy(_ef_src(0), ef0_v, se0)

    @pl.loop(0, _NCH + 1, step=2)
    def _outer(g):
        for b in range(2):
            i = g + b
            esrc_c, etgt_c, rows_c, ef_c, si_c, st_c, sg_c, se_c, ss_c = slots[b]
            esrc_n, etgt_n, rows_n, ef_n, si_n, st_n, sg_n, se_n, ss_n = slots[1 - b]

            @pl.when(i < _NCH)
            def _iter():
                has_next = i + 1 < _NCH

                @pl.when(jnp.logical_and(has_next, i >= 1))
                def _():
                    pltpu.make_async_copy(
                        rows_n, acc_sh.at[etgt_n], ss_n).wait()

                @pl.when(has_next)
                def _():
                    pltpu.async_copy(_esrc_src(i + 1), esrc_n, si_n)
                    pltpu.async_copy(_etgt_src(i + 1), etgt_n, st_n)

                pltpu.make_async_copy(sup_hbm.at[esrc_c], rows_c, sg_c).wait()

                @pl.when(has_next)
                def _():
                    pltpu.make_async_copy(_esrc_src(i + 1), esrc_n, si_n).wait()
                    pltpu.make_async_copy(_etgt_src(i + 1), etgt_n, st_n).wait()
                    pltpu.async_copy(sup_hbm.at[esrc_n], rows_n, sg_n)
                    pltpu.async_copy(_ef_src(i + 1), ef_n, se_n)

                pltpu.make_async_copy(_ef_src(i), ef_c, se_c).wait()

                @pl.loop(0, _C)
                def _mul(r):
                    for j in range(_D // 16):
                        sl = pl.ds(j * 16, 16)
                        rows_c[r, sl] = rows_c[r, sl] * ef_c[r, sl]

                @pl.when(i >= _NCH - 2)
                def _():
                    pltpu.sync_copy(rows_c, acc_sh.at[etgt_c], add=True)

                @pl.when(i < _NCH - 2)
                def _():
                    pltpu.async_copy(rows_c, acc_sh.at[etgt_c], ss_c,
                                     add=True)

    plsc.subcore_barrier()

    off = s * _STRIPE
    pltpu.sync_copy(acc_sh.at[pl.ds(off, _STRIPE)],
                    out_hbm.at[c, pl.ds(off, _STRIPE)])

    @pl.when(s == _NS - 1)
    def _otail():
        pltpu.sync_copy(acc_sh.at[pl.ds(_NS * _STRIPE, _TAIL)],
                        out_hbm.at[c, pl.ds(_NS * _STRIPE, _TAIL)])


@functools.cache
def _make_sc_layer():
    return pl.kernel(
        _sc_body,
        out_type=jax.ShapeDtypeStruct((_NC, _N, _D), _f32),
        mesh=plsc.VectorSubcoreMesh(core_axis_name="c", subcore_axis_name="s",
                                    num_cores=_NC, num_subcores=_NS),
        scratch_types=[
            pltpu.VMEM((_C,), jnp.int32),
            pltpu.VMEM((_C,), jnp.int32),
            pltpu.VMEM((_C,), jnp.int32),
            pltpu.VMEM((_C,), jnp.int32),
            pltpu.VMEM((_C, _D), _f32),
            pltpu.VMEM((_C, _D), _f32),
            pltpu.VMEM((_C, _D), _f32),
            pltpu.VMEM((_C, _D), _f32),
            pltpu.VMEM_SHARED((_N, _D), _f32),
        ] + [pltpu.SemaphoreType.DMA] * 10,
    )


def _sc_layer(support, ef, esrc, etgt):
    return _make_sc_layer()(support, ef, esrc, etgt)


def kernel(node_features, edge_features, Esrc, Etgt, batch,
           gc1_W, gc1_b, gc2_W, gc2_b, gc3_W, gc3_b,
           ee1_W1, ee1_b1, ee1_W2, ee1_b2,
           ee2_W1, ee2_b1, ee2_W2, ee2_b2,
           ee3_W1, ee3_b1, ee3_W2, ee3_b2):
    Esrc = Esrc.astype(jnp.int32)
    Etgt = Etgt.astype(jnp.int32)
    batch = batch.astype(jnp.int32)

    ef1 = _edge_gate(edge_features, ee1_W1, ee1_b1, ee1_W2, ee1_b2)
    s1 = _linear(node_features, gc1_W, gc1_b)
    p1 = _sc_layer(s1, ef1, Esrc, Etgt)
    ef2 = _edge_gate(edge_features, ee2_W1, ee2_b1, ee2_W2, ee2_b2)
    s2 = _linear_from_partials(p1, gc2_W, gc2_b)
    p2 = _sc_layer(s2, ef2, Esrc, Etgt)
    ef3 = _edge_gate(edge_features, ee3_W1, ee3_b1, ee3_W2, ee3_b2)
    s3 = _linear_from_partials(p2, gc3_W, gc3_b)
    p3 = _sc_layer(s3, ef3, Esrc, Etgt)
    return _pool(p3, batch)

# --- scband reference (transcript-rebuilt; emitter-appended) ---
"""Pipeline reference for scband-edge-gcn3-sum-22153441313214 (READ-ONLY COPY).

The authoritative reference and input builder live on the scoring server;
editing this copy changes nothing except your own understanding.
"""

import jax, jax.numpy as jnp
import numpy as np

N = 10000
E = 320000
DF = 128
DE = 16
H = 128
OUT = 128
B = 64


def _init(key, shape, fan_in):
    return jax.random.normal(key, shape, dtype=jnp.float32) / np.sqrt(fan_in)


def setup_inputs(seed: int = 0):
    key = jax.random.key(seed)
    ks = jax.random.split(key, 32)
    inp = {}
    inp["node_features"] = jax.random.normal(ks[0], (N, DF), dtype=jnp.float32)
    inp["edge_features"] = jax.random.normal(ks[1], (E, DE), dtype=jnp.float32)
    inp["Esrc"] = jax.random.randint(ks[2], (E,), 0, N)
    inp["Etgt"] = jax.random.randint(ks[3], (E,), 0, N)
    inp["batch"] = jnp.sort(jax.random.randint(ks[4], (N,), 0, B))
    # EdgeGraphConvolution weights (linear transform per layer)
    inp["gc1_W"] = _init(ks[5], (DF, H), DF)
    inp["gc1_b"] = jnp.zeros((H,), dtype=jnp.float32)
    inp["gc2_W"] = _init(ks[6], (H, H), H)
    inp["gc2_b"] = jnp.zeros((H,), dtype=jnp.float32)
    inp["gc3_W"] = _init(ks[7], (H, OUT), H)
    inp["gc3_b"] = jnp.zeros((OUT,), dtype=jnp.float32)
    # EdgeEncoderMLP weights: Linear -> ReLU -> Linear -> sigmoid gate
    inp["ee1_W1"] = _init(ks[8], (DE, H), DE)
    inp["ee1_b1"] = jnp.zeros((H,), dtype=jnp.float32)
    inp["ee1_W2"] = _init(ks[9], (H, H), H)
    inp["ee1_b2"] = jnp.zeros((H,), dtype=jnp.float32)
    inp["ee2_W1"] = _init(ks[10], (DE, H), DE)
    inp["ee2_b1"] = jnp.zeros((H,), dtype=jnp.float32)
    inp["ee2_W2"] = _init(ks[11], (H, H), H)
    inp["ee2_b2"] = jnp.zeros((H,), dtype=jnp.float32)
    inp["ee3_W1"] = _init(ks[12], (DE, H), DE)
    inp["ee3_b1"] = jnp.zeros((H,), dtype=jnp.float32)
    inp["ee3_W2"] = _init(ks[13], (H, OUT), H)
    inp["ee3_b2"] = jnp.zeros((OUT,), dtype=jnp.float32)
    return inp


def _ee(ef, W1, b1, W2, b2):
    h = jax.nn.relu(ef @ W1 + b1)
    return jax.nn.sigmoid(h @ W2 + b2)


def _gc(x, Esrc, Etgt, ef, W, b):
    support = x @ W + b
    msg = jnp.take(support, Esrc, axis=0) * ef
    return jax.ops.segment_sum(msg, Etgt, num_segments=N)


def reference(node_features, edge_features, Esrc, Etgt, batch,
              gc1_W, gc1_b, gc2_W, gc2_b, gc3_W, gc3_b,
              ee1_W1, ee1_b1, ee1_W2, ee1_b2,
              ee2_W1, ee2_b1, ee2_W2, ee2_b2,
              ee3_W1, ee3_b1, ee3_W2, ee3_b2):
    x = node_features
    ef1 = _ee(edge_features, ee1_W1, ee1_b1, ee1_W2, ee1_b2)
    x = jax.nn.relu(_gc(x, Esrc, Etgt, ef1, gc1_W, gc1_b))
    # dropout p=0, eval mode: identity
    ef2 = _ee(edge_features, ee2_W1, ee2_b1, ee2_W2, ee2_b2)
    x = jax.nn.relu(_gc(x, Esrc, Etgt, ef2, gc2_W, gc2_b))
    ef3 = _ee(edge_features, ee3_W1, ee3_b1, ee3_W2, ee3_b2)
    x = _gc(x, Esrc, Etgt, ef3, gc3_W, gc3_b)
    out = jax.ops.segment_sum(x, batch, num_segments=B)
    return out  # regression head: no log_softmax

if __name__ == "__main__":
    import jax
    _d = setup_inputs()
    print(jax.jit(kernel)(*tuple(_d.values())))

</pallas_src>

<mosaic_0001>
#map = affine_map<(d0, d1) -> (0, 0)>
#map1 = affine_map<(d0, d1) -> (0)>
#map2 = affine_map<(d0, d1) -> (0, 0, 0)>
module attributes {stable_mosaic.version = 14 : i64} {
  func.func @_sc_body(%arg0: i32, %arg1: i32, %arg2: memref<10000x128xf32, #tpu.memory_space<hbm>>, %arg3: memref<320000x128xf32, #tpu.memory_space<hbm>>, %arg4: memref<320000xi32, #tpu.memory_space<hbm>>, %arg5: memref<320000xi32, #tpu.memory_space<hbm>>, %arg6: memref<2x10000x128xf32, #tpu.memory_space<hbm>>, %arg7: memref<80xi32, #tpu.memory_space<vmem>>, %arg8: memref<80xi32, #tpu.memory_space<vmem>>, %arg9: memref<80xi32, #tpu.memory_space<vmem>>, %arg10: memref<80xi32, #tpu.memory_space<vmem>>, %arg11: memref<80x128xf32, #tpu.memory_space<vmem>>, %arg12: memref<80x128xf32, #tpu.memory_space<vmem>>, %arg13: memref<80x128xf32, #tpu.memory_space<vmem>>, %arg14: memref<80x128xf32, #tpu.memory_space<vmem>>, %arg15: memref<10000x128xf32, #tpu.memory_space<vmem_shared>>, %arg16: memref<!tpu.dma_semaphore, #tpu.memory_space<semaphore_mem>>, %arg17: memref<!tpu.dma_semaphore, #tpu.memory_space<semaphore_mem>>, %arg18: memref<!tpu.dma_semaphore, #tpu.memory_space<semaphore_mem>>, %arg19: memref<!tpu.dma_semaphore, #tpu.memory_space<semaphore_mem>>, %arg20: memref<!tpu.dma_semaphore, #tpu.memory_space<semaphore_mem>>, %arg21: memref<!tpu.dma_semaphore, #tpu.memory_space<semaphore_mem>>, %arg22: memref<!tpu.dma_semaphore, #tpu.memory_space<semaphore_mem>>, %arg23: memref<!tpu.dma_semaphore, #tpu.memory_space<semaphore_mem>>, %arg24: memref<!tpu.dma_semaphore, #tpu.memory_space<semaphore_mem>>, %arg25: memref<!tpu.dma_semaphore, #tpu.memory_space<semaphore_mem>>) attributes {dimension_semantics = [#tpu.dimension_semantics<core_parallel>, #tpu.dimension_semantics<subcore_parallel>], iteration_bounds = array<i64: 2, 16>, scalar_prefetch = 0 : i64, scratch_operands = 19 : i64, tpu.core_type = #tpu.core_type<sc_vector_subcore>, window_params = [{transform_indices = #map}, {transform_indices = #map}, {transform_indices = #map1}, {transform_indices = #map1}, {transform_indices = #map2}]} {
    %mul3A = arith.constant 16 : i32
    %mul3A_0 = arith.muli %arg0, %mul3A : i32
    %add3A = arith.addi %mul3A_0, %arg1 : i32
    %broadcast_in_dim3A = arith.constant 0.000000e+00 : f32
    %broadcast_in_dim3A_1 = vector.broadcast %broadcast_in_dim3A : f32 to vector<16xf32>
    %scan3A = arith.constant 0 : i32
    %scan3A_2 = arith.constant 80 : i32
    %scan3A_3 = arith.addi %scan3A, %scan3A_2 : i32
    %scan3A_4 = arith.constant 1 : i32
    scf.for %scan3A_48 = %scan3A to %scan3A_3 step %scan3A_4  : i32 {
      %mul3A_49 = arith.constant 1 : i32
      %mul3A_50 = arith.muli %scan3A_48, %mul3A_49 : i32
      %add3A_51 = arith.constant 0 : i32
      %add3A_52 = arith.addi %add3A_51, %mul3A_50 : i32
      %swap3A = arith.index_cast %add3A_52 : i32 to index
      %swap3A_53 = arith.constant 0 : index
      %swap3A_54 = tpu.vector_load %arg11[%swap3A, %swap3A_53] {strides = array<i32>} : memref<80x128xf32, #tpu.memory_space<vmem>>, vector<1x16xf32>,
      %swap3A_55 = vector.shape_cast %swap3A_54 : vector<1x16xf32> to vector<16xf32>
      %swap3A_56 = vector.shape_cast %broadcast_in_dim3A_1 : vector<16xf32> to vector<1x16xf32>
      tpu.vector_store %arg11[%swap3A, %swap3A_53], %swap3A_56 {strides = array<i32>} : memref<80x128xf32, #tpu.memory_space<vmem>>, vector<1x16xf32>,
      %swap3A_57 = arith.index_cast %add3A_52 : i32 to index
      %swap3A_58 = arith.constant 16 : index
      %swap3A_59 = tpu.vector_load %arg11[%swap3A_57, %swap3A_58] {strides = array<i32>} : memref<80x128xf32, #tpu.memory_space<vmem>>, vector<1x16xf32>,
      %swap3A_60 = vector.shape_cast %swap3A_59 : vector<1x16xf32> to vector<16xf32>
      %swap3A_61 = vector.shape_cast %broadcast_in_dim3A_1 : vector<16xf32> to vector<1x16xf32>
      tpu.vector_store %arg11[%swap3A_57, %swap3A_58], %swap3A_61 {strides = array<i32>} : memref<80x128xf32, #tpu.memory_space<vmem>>, vector<1x16xf32>,
      %swap3A_62 = arith.index_cast %add3A_52 : i32 to index
      %swap3A_63 = arith.constant 32 : index
      %swap3A_64 = tpu.vector_load %arg11[%swap3A_62, %swap3A_63] {strides = array<i32>} : memref<80x128xf32, #tpu.memory_space<vmem>>, vector<1x16xf32>,
      %swap3A_65 = vector.shape_cast %swap3A_64 : vector<1x16xf32> to vector<16xf32>
      %swap3A_66 = vector.shape_cast %broadcast_in_dim3A_1 : vector<16xf32> to vector<1x16xf32>
      tpu.vector_store %arg11[%swap3A_62, %swap3A_63], %swap3A_66 {strides = array<i32>} : memref<80x128xf32, #tpu.memory_space<vmem>>, vector<1x16xf32>,
      %swap3A_67 = arith.index_cast %add3A_52 : i32 to index
      %swap3A_68 = arith.constant 48 : index
      %swap3A_69 = tpu.vector_load %arg11[%swap3A_67, %swap3A_68] {strides = array<i32>} : memref<80x128xf32, #tpu.memory_space<vmem>>, vector<1x16xf32>,
      %swap3A_70 = vector.shape_cast %swap3A_69 : vector<1x16xf32> to vector<16xf32>
      %swap3A_71 = vector.shape_cast %broadcast_in_dim3A_1 : vector<16xf32> to vector<1x16xf32>
      tpu.vector_store %arg11[%swap3A_67, %swap3A_68], %swap3A_71 {strides = array<i32>} : memref<80x128xf32, #tpu.memory_space<vmem>>, vector<1x16xf32>,
      %swap3A_72 = arith.index_cast %add3A_52 : i32 to index
      %swap3A_73 = arith.constant 64 : index
      %swap3A_74 = tpu.vector_load %arg11[%swap3A_72, %swap3A_73] {strides = array<i32>} : memref<80x128xf32, #tpu.memory_space<vmem>>, vector<1x16xf32>,
      %swap3A_75 = vector.shape_cast %swap3A_74 : vector<1x16xf32> to vector<16xf32>
      %swap3A_76 = vector.shape_cast %broadcast_in_dim3A_1 : vector<16xf32> to vector<1x16xf32>
      tpu.vector_store %arg11[%swap3A_72, %swap3A_73], %swap3A_76 {strides = array<i32>} : memref<80x128xf32, #tpu.memory_space<vmem>>, vector<1x16xf32>,
      %swap3A_77 = arith.index_cast %add3A_52 : i32 to index
      %swap3A_78 = arith.constant 80 : index
      %swap3A_79 = tpu.vector_load %arg11[%swap3A_77, %swap3A_78] {strides = array<i32>} : memref<80x128xf32, #tpu.memory_space<vmem>>, vector<1x16xf32>,
      %swap3A_80 = vector.shape_cast %swap3A_79 : vector<1x16xf32> to vector<16xf32>
      %swap3A_81 = vector.shape_cast %broadcast_in_dim3A_1 : vector<16xf32> to vector<1x16xf32>
      tpu.vector_store %arg11[%swap3A_77, %swap3A_78], %swap3A_81 {strides = array<i32>} : memref<80x128xf32, #tpu.memory_space<vmem>>, vector<1x16xf32>,
      %swap3A_82 = arith.index_cast %add3A_52 : i32 to index
      %swap3A_83 = arith.constant 96 : index
      %swap3A_84 = tpu.vector_load %arg11[%swap3A_82, %swap3A_83] {strides = array<i32>} : memref<80x128xf32, #tpu.memory_space<vmem>>, vector<1x16xf32>,
      %swap3A_85 = vector.shape_cast %swap3A_84 : vector<1x16xf32> to vector<16xf32>
      %swap3A_86 = vector.shape_cast %broadcast_in_dim3A_1 : vector<16xf32> to vector<1x16xf32>
      tpu.vector_store %arg11[%swap3A_82, %swap3A_83], %swap3A_86 {strides = array<i32>} : memref<80x128xf32, #tpu.memory_space<vmem>>, vector<1x16xf32>,
      %swap3A_87 = arith.index_cast %add3A_52 : i32 to index
      %swap3A_88 = arith.constant 112 : index
      %swap3A_89 = tpu.vector_load %arg11[%swap3A_87, %swap3A_88] {strides = array<i32>} : memref<80x128xf32, #tpu.memory_space<vmem>>, vector<1x16xf32>,
      %swap3A_90 = vector.shape_cast %swap3A_89 : vector<1x16xf32> to vector<16xf32>
      %swap3A_91 = vector.shape_cast %broadcast_in_dim3A_1 : vector<16xf32> to vector<1x16xf32>
      tpu.vector_store %arg11[%swap3A_87, %swap3A_88], %swap3A_91 {strides = array<i32>} : memref<80x128xf32, #tpu.memory_space<vmem>>, vector<1x16xf32>,
    }
    %scan3A_5 = arith.constant 80 : i32
    %scan3A_6 = arith.constant 0 : i32
    %scan3A_7 = arith.constant 7 : i32
    %scan3A_8 = arith.addi %scan3A_6, %scan3A_7 : i32
    %scan3A_9 = arith.constant 1 : i32
    scf.for %scan3A_48 = %scan3A_6 to %scan3A_8 step %scan3A_9  : i32 {
      %mul3A_49 = arith.constant 1 : i32
      %mul3A_50 = arith.muli %scan3A_48, %mul3A_49 : i32
      %add3A_51 = arith.constant 0 : i32
      %add3A_52 = arith.addi %add3A_51, %mul3A_50 : i32
      %mul3A_53 = arith.constant 624 : i32
      %mul3A_54 = arith.muli %arg1, %mul3A_53 : i32
      %mul3A_55 = arith.constant 80 : i32
      %mul3A_56 = arith.muli %add3A_52, %mul3A_55 : i32
      %add3A_57 = arith.addi %mul3A_54, %mul3A_56 : i32
      "tpu.region"() ({
        %run_scoped3A = tpu.sem_alloc : memref<!tpu.dma_semaphore, #tpu.memory_space<semaphore_mem>>
        %dma_start3A_58 = arith.constant 0 : i32
        %dma_start3A_59 = tpu.memref_slice %arg15[%add3A_57, %dma_start3A_58] : memref<10000x128xf32, #tpu.memory_space<vmem_shared>> -> memref<80x128xf32, #tpu.memory_space<vmem_shared>>
        %dma_start3A_60 = arith.constant 0 : i32
        %dma_start3A_61 = tpu.memref_slice %arg15[%add3A_57, %dma_start3A_60] : memref<10000x128xf32, #tpu.memory_space<vmem_shared>> -> memref<80x128xf32, #tpu.memory_space<vmem_shared>>
        tpu.enqueue_dma source(%arg11 : memref<80x128xf32, #tpu.memory_space<vmem>>) target(%dma_start3A_61 : memref<80x128xf32, #tpu.memory_space<vmem_shared>>) target_semaphore(%run_scoped3A : memref<!tpu.dma_semaphore, #tpu.memory_space<semaphore_mem>>)
        %dma_wait3A = arith.constant 0 : i32
        %dma_wait3A_62 = tpu.memref_slice %arg15[%add3A_57, %dma_wait3A] : memref<10000x128xf32, #tpu.memory_space<vmem_shared>> -> memref<80x128xf32, #tpu.memory_space<vmem_shared>>
        %dma_wait3A_63 = arith.constant 0 : i32
        %dma_wait3A_64 = tpu.memref_slice %arg15[%add3A_57, %dma_wait3A_63] : memref<10000x128xf32, #tpu.memory_space<vmem_shared>> -> memref<80x128xf32, #tpu.memory_space<vmem_shared>>
        tpu.wait_dma2 semaphore(%run_scoped3A : memref<!tpu.dma_semaphore, #tpu.memory_space<semaphore_mem>>) src(%arg11 : memref<80x128xf32, #tpu.memory_space<vmem>>) dst(%dma_wait3A_64 : memref<80x128xf32, #tpu.memory_space<vmem_shared>>)
        tpu.yield
      }) : () -> ()
    }
    %scan3A_10 = arith.constant 7 : i32
    %mul3A_11 = arith.constant 624 : i32
    %mul3A_12 = arith.muli %arg1, %mul3A_11 : i32
    %add3A_13 = arith.constant 560 : i32
    %add3A_14 = arith.addi %mul3A_12, %add3A_13 : i32
    "tpu.region"() ({
      %run_scoped3A = tpu.sem_alloc : memref<!tpu.dma_semaphore, #tpu.memory_space<semaphore_mem>>
      %dma_start3A_48 = arith.constant 0 : i32
      %dma_start3A_49 = arith.constant 0 : i32
      %dma_start3A_50 = tpu.memref_slice %arg11[%dma_start3A_48, %dma_start3A_49] : memref<80x128xf32, #tpu.memory_space<vmem>> -> memref<64x128xf32, #tpu.memory_space<vmem>>
      %dma_start3A_51 = arith.constant 0 : i32
      %dma_start3A_52 = tpu.memref_slice %arg15[%add3A_14, %dma_start3A_51] : memref<10000x128xf32, #tpu.memory_space<vmem_shared>> -> memref<64x128xf32, #tpu.memory_space<vmem_shared>>
      %dma_start3A_53 = arith.constant 0 : i32
      %dma_start3A_54 = tpu.memref_slice %arg15[%add3A_14, %dma_start3A_53] : memref<10000x128xf32, #tpu.memory_space<vmem_shared>> -> memref<64x128xf32, #tpu.memory_space<vmem_shared>>
      %dma_start3A_55 = arith.constant 0 : i32
      %dma_start3A_56 = arith.constant 0 : i32
      %dma_start3A_57 = tpu.memref_slice %arg11[%dma_start3A_55, %dma_start3A_56] : memref<80x128xf32, #tpu.memory_space<vmem>> -> memref<64x128xf32, #tpu.memory_space<vmem>>
      tpu.enqueue_dma source(%dma_start3A_57 : memref<64x128xf32, #tpu.memory_space<vmem>>) target(%dma_start3A_54 : memref<64x128xf32, #tpu.memory_space<vmem_shared>>) target_semaphore(%run_scoped3A : memref<!tpu.dma_semaphore, #tpu.memory_space<semaphore_mem>>)
      %dma_wait3A = arith.constant 0 : i32
      %dma_wait3A_58 = arith.constant 0 : i32
      %dma_wait3A_59 = tpu.memref_slice %arg11[%dma_wait3A, %dma_wait3A_58] : memref<80x128xf32, #tpu.memory_space<vmem>> -> memref<64x128xf32, #tpu.memory_space<vmem>>
      %dma_wait3A_60 = arith.constant 0 : i32
      %dma_wait3A_61 = tpu.memref_slice %arg15[%add3A_14, %dma_wait3A_60] : memref<10000x128xf32, #tpu.memory_space<vmem_shared>> -> memref<64x128xf32, #tpu.memory_space<vmem_shared>>
      %dma_wait3A_62 = arith.constant 0 : i32
      %dma_wait3A_63 = tpu.memref_slice %arg15[%add3A_14, %dma_wait3A_62] : memref<10000x128xf32, #tpu.memory_space<vmem_shared>> -> memref<64x128xf32, #tpu.memory_space<vmem_shared>>
      %dma_wait3A_64 = arith.constant 0 : i32
      %dma_wait3A_65 = arith.constant 0 : i32
      %dma_wait3A_66 = tpu.memref_slice %arg11[%dma_wait3A_64, %dma_wait3A_65] : memref<80x128xf32, #tpu.memory_space<vmem>> -> memref<64x128xf32, #tpu.memory_space<vmem>>
      tpu.wait_dma2 semaphore(%run_scoped3A : memref<!tpu.dma_semaphore, #tpu.memory_space<semaphore_mem>>) src(%dma_wait3A_66 : memref<64x128xf32, #tpu.memory_space<vmem>>) dst(%dma_wait3A_63 : memref<64x128xf32, #tpu.memory_space<vmem_shared>>)
      tpu.yield
    }) : () -> ()
    %eq3A = arith.constant 15 : i32
    %eq3A_15 = arith.cmpi eq, %arg1, %eq3A : i32
    %convert_element_type3A = arith.extui %eq3A_15 : i1 to i32
    %cond3A = arith.constant 0 : i32
    %cond3A_16 = arith.cmpi ne, %convert_element_type3A, %cond3A : i32
    scf.if %cond3A_16 {
      "tpu.region"() ({
        %run_scoped3A = tpu.sem_alloc : memref<!tpu.dma_semaphore, #tpu.memory_space<semaphore_mem>>
        %dma_start3A_48 = arith.constant 0 : i32
        %dma_start3A_49 = arith.constant 0 : i32
        %dma_start3A_50 = tpu.memref_slice %arg11[%dma_start3A_48, %dma_start3A_49] : memref<80x128xf32, #tpu.memory_space<vmem>> -> memref<16x128xf32, #tpu.memory_space<vmem>>
        %dma_start3A_51 = arith.constant 9984 : i32
        %dma_start3A_52 = arith.constant 0 : i32
        %dma_start3A_53 = tpu.memref_slice %arg15[%dma_start3A_51, %dma_start3A_52] : memref<10000x128xf32, #tpu.memory_space<vmem_shared>> -> memref<16x128xf32, #tpu.memory_space<vmem_shared>>
        %dma_start3A_54 = arith.constant 9984 : i32
        %dma_start3A_55 = arith.constant 0 : i32
        %dma_start3A_56 = tpu.memref_slice %arg15[%dma_start3A_54, %dma_start3A_55] : memref<10000x128xf32, #tpu.memory_space<vmem_shared>> -> memref<16x128xf32, #tpu.memory_space<vmem_shared>>
        %dma_start3A_57 = arith.constant 0 : i32
        %dma_start3A_58 = arith.constant 0 : i32
        %dma_start3A_59 = tpu.memref_slice %arg11[%dma_start3A_57, %dma_start3A_58] : memref<80x128xf32, #tpu.memory_space<vmem>> -> memref<16x128xf32, #tpu.memory_space<vmem>>
        tpu.enqueue_dma source(%dma_start3A_59 : memref<16x128xf32, #tpu.memory_space<vmem>>) target(%dma_start3A_56 : memref<16x128xf32, #tpu.memory_space<vmem_shared>>) target_semaphore(%run_scoped3A : memref<!tpu.dma_semaphore, #tpu.memory_space<semaphore_mem>>)
        %dma_wait3A = arith.constant 0 : i32
        %dma_wait3A_60 = arith.constant 0 : i32
        %dma_wait3A_61 = tpu.memref_slice %arg11[%dma_wait3A, %dma_wait3A_60] : memref<80x128xf32, #tpu.memory_space<vmem>> -> memref<16x128xf32, #tpu.memory_space<vmem>>
        %dma_wait3A_62 = arith.constant 9984 : i32
        %dma_wait3A_63 = arith.constant 0 : i32
        %dma_wait3A_64 = tpu.memref_slice %arg15[%dma_wait3A_62, %dma_wait3A_63] : memref<10000x128xf32, #tpu.memory_space<vmem_shared>> -> memref<16x128xf32, #tpu.memory_space<vmem_shared>>
        %dma_wait3A_65 = arith.constant 9984 : i32
        %dma_wait3A_66 = arith.constant 0 : i32
        %dma_wait3A_67 = tpu.memref_slice %arg15[%dma_wait3A_65, %dma_wait3A_66] : memref<10000x128xf32, #tpu.memory_space<vmem_shared>> -> memref<16x128xf32, #tpu.memory_space<vmem_shared>>
        %dma_wait3A_68 = arith.constant 0 : i32
        %dma_wait3A_69 = arith.constant 0 : i32
        %dma_wait3A_70 = tpu.memref_slice %arg11[%dma_wait3A_68, %dma_wait3A_69] : memref<80x128xf32, #tpu.memory_space<vmem>> -> memref<16x128xf32, #tpu.memory_space<vmem>>
        tpu.wait_dma2 semaphore(%run_scoped3A : memref<!tpu.dma_semaphore, #tpu.memory_space<semaphore_mem>>) src(%dma_wait3A_70 : memref<16x128xf32, #tpu.memory_space<vmem>>) dst(%dma_wait3A_67 : memref<16x128xf32, #tpu.memory_space<vmem_shared>>)
        tpu.yield
      }) : () -> ()
    } else {
    }
    %barrier3A = arith.constant 0 : index
    tpu.barrier barrier_id(%barrier3A)
    %mul3A_17 = arith.constant 10000 : i32
    %mul3A_18 = arith.muli %add3A, %mul3A_17 : i32
    %add3A_19 = arith.constant 0 : i32
    %add3A_20 = arith.addi %mul3A_18, %add3A_19 : i32
    "tpu.region"() ({
      %run_scoped3A = tpu.sem_alloc : memref<!tpu.dma_semaphore, #tpu.memory_space<semaphore_mem>>
      %dma_start3A_48 = tpu.memref_slice %arg4[%add3A_20] : memref<320000xi32, #tpu.memory_space<hbm>> -> memref<80xi32, #tpu.memory_space<hbm>>
      %dma_start3A_49 = tpu.memref_slice %arg4[%add3A_20] : memref<320000xi32, #tpu.memory_space<hbm>> -> memref<80xi32, #tpu.memory_space<hbm>>
      tpu.enqueue_dma source(%dma_start3A_49 : memref<80xi32, #tpu.memory_space<hbm>>) target(%arg7 : memref<80xi32, #tpu.memory_space<vmem>>) target_semaphore(%run_scoped3A : memref<!tpu.dma_semaphore, #tpu.memory_space<semaphore_mem>>)
      %dma_wait3A = tpu.memref_slice %arg4[%add3A_20] : memref<320000xi32, #tpu.memory_space<hbm>> -> memref<80xi32, #tpu.memory_space<hbm>>
      %dma_wait3A_50 = tpu.memref_slice %arg4[%add3A_20] : memref<320000xi32, #tpu.memory_space<hbm>> -> memref<80xi32, #tpu.memory_space<hbm>>
      tpu.wait_dma2 semaphore(%run_scoped3A : memref<!tpu.dma_semaphore, #tpu.memory_space<semaphore_mem>>) src(%dma_wait3A_50 : memref<80xi32, #tpu.memory_space<hbm>>) dst(%arg7 : memref<80xi32, #tpu.memory_space<vmem>>)
      tpu.yield
    }) : () -> ()
    %mul3A_21 = arith.constant 10000 : i32
    %mul3A_22 = arith.muli %add3A, %mul3A_21 : i32
    %add3A_23 = arith.constant 0 : i32
    %add3A_24 = arith.addi %mul3A_22, %add3A_23 : i32
    "tpu.region"() ({
      %run_scoped3A = tpu.sem_alloc : memref<!tpu.dma_semaphore, #tpu.memory_space<semaphore_mem>>
      %dma_start3A_48 = tpu.memref_slice %arg5[%add3A_24] : memref<320000xi32, #tpu.memory_space<hbm>> -> memref<80xi32, #tpu.memory_space<hbm>>
      %dma_start3A_49 = tpu.memref_slice %arg5[%add3A_24] : memref<320000xi32, #tpu.memory_space<hbm>> -> memref<80xi32, #tpu.memory_space<hbm>>
      tpu.enqueue_dma source(%dma_start3A_49 : memref<80xi32, #tpu.memory_space<hbm>>) target(%arg9 : memref<80xi32, #tpu.memory_space<vmem>>) target_semaphore(%run_scoped3A : memref<!tpu.dma_semaphore, #tpu.memory_space<semaphore_mem>>)
      %dma_wait3A = tpu.memref_slice %arg5[%add3A_24] : memref<320000xi32, #tpu.memory_space<hbm>> -> memref<80xi32, #tpu.memory_space<hbm>>
      %dma_wait3A_50 = tpu.memref_slice %arg5[%add3A_24] : memref<320000xi32, #tpu.memory_space<hbm>> -> memref<80xi32, #tpu.memory_space<hbm>>
      tpu.wait_dma2 semaphore(%run_scoped3A : memref<!tpu.dma_semaphore, #tpu.memory_space<semaphore_mem>>) src(%dma_wait3A_50 : memref<80xi32, #tpu.memory_space<hbm>>) dst(%arg9 : memref<80xi32, #tpu.memory_space<vmem>>)
      tpu.yield
    }) : () -> ()
    %dma_start3A = arith.constant 0 : i32
    %dma_start3A_25 = arith.constant 0 : i32
    %dma_start3A_26 = tpu.memref_slice %arg2[%dma_start3A, %dma_start3A_25] : memref<10000x128xf32, #tpu.memory_space<hbm>> -> memref<10000x128xf32, #tpu.memory_space<hbm>>
    tpu.enqueue_indirect_dma source(%dma_start3A_26 : memref<10000x128xf32, #tpu.memory_space<hbm>>) target(%arg11 : memref<80x128xf32, #tpu.memory_space<vmem>>) offsets(%arg7 : memref<80xi32, #tpu.memory_space<vmem>>) semaphore(%arg20 : memref<!tpu.dma_semaphore, #tpu.memory_space<semaphore_mem>>)
    %mul3A_27 = arith.constant 10000 : i32
    %mul3A_28 = arith.muli %add3A, %mul3A_27 : i32
    %add3A_29 = arith.constant 0 : i32
    %add3A_30 = arith.addi %mul3A_28, %add3A_29 : i32
    %dma_start3A_31 = arith.constant 0 : i32
    %dma_start3A_32 = tpu.memref_slice %arg3[%add3A_30, %dma_start3A_31] : memref<320000x128xf32, #tpu.memory_space<hbm>> -> memref<80x128xf32, #tpu.memory_space<hbm>>
    %dma_start3A_33 = arith.constant 0 : i32
    %dma_start3A_34 = tpu.memref_slice %arg3[%add3A_30, %dma_start3A_33] : memref<320000x128xf32, #tpu.memory_space<hbm>> -> memref<80x128xf32, #tpu.memory_space<hbm>>
    tpu.enqueue_dma source(%dma_start3A_34 : memref<80x128xf32, #tpu.memory_space<hbm>>) target(%arg13 : memref<80x128xf32, #tpu.memory_space<vmem>>) target_semaphore(%arg22 : memref<!tpu.dma_semaphore, #tpu.memory_space<semaphore_mem>>)
    %scan3A_35 = arith.constant 0 : i32
    %scan3A_36 = arith.constant 63 : i32
    %scan3A_37 = arith.addi %scan3A_35, %scan3A_36 : i32
    %scan3A_38 = arith.constant 1 : i32
    scf.for %scan3A_48 = %scan3A_35 to %scan3A_37 step %scan3A_38  : i32 {
      %mul3A_49 = arith.constant 2 : i32
      %mul3A_50 = arith.muli %scan3A_48, %mul3A_49 : i32
      %add3A_51 = arith.constant 0 : i32
      %add3A_52 = arith.addi %add3A_51, %mul3A_50 : i32
      %add3A_53 = arith.constant 0 : i32
      %add3A_54 = arith.addi %add3A_52, %add3A_53 : i32
      %lt3A = arith.constant 125 : i32
      %lt3A_55 = arith.cmpi slt, %add3A_54, %lt3A : i32
      %convert_element_type3A_56 = arith.extui %lt3A_55 : i1 to i32
      %cond3A_57 = arith.constant 0 : i32
      %cond3A_58 = arith.cmpi ne, %convert_element_type3A_56, %cond3A_57 : i32
      scf.if %cond3A_58 {
        %add3A_66 = arith.constant 1 : i32
        %add3A_67 = arith.addi %add3A_54, %add3A_66 : i32
        %lt3A_68 = arith.constant 125 : i32
        %lt3A_69 = arith.cmpi slt, %add3A_67, %lt3A_68 : i32
        %ge3A = arith.constant 1 : i32
        %ge3A_70 = arith.cmpi sge, %add3A_54, %ge3A : i32
        %and3A = arith.andi %lt3A_69, %ge3A_70 : i1
        %convert_element_type3A_71 = arith.extui %and3A : i1 to i32
        %cond3A_72 = arith.constant 0 : i32
        %cond3A_73 = arith.cmpi ne, %convert_element_type3A_71, %cond3A_72 : i32
        scf.if %cond3A_73 {
          %dma_wait3A_106 = arith.constant 0 : i32
          %dma_wait3A_107 = arith.constant 0 : i32
          %dma_wait3A_108 = tpu.memref_slice %arg15[%dma_wait3A_106, %dma_wait3A_107] : memref<10000x128xf32, #tpu.memory_space<vmem_shared>> -> memref<10000x128xf32, #tpu.memory_space<vmem_shared>>
          tpu.wait_indirect_dma semaphore(%arg25 : memref<!tpu.dma_semaphore, #tpu.memory_space<semaphore_mem>>) src(%arg12 : memref<80x128xf32, #tpu.memory_space<vmem>>) dst(%dma_wait3A_108 : memref<10000x128xf32, #tpu.memory_space<vmem_shared>>)
        } else {
        }
        %convert_element_type3A_74 = arith.extui %lt3A_69 : i1 to i32
        %cond3A_75 = arith.constant 0 : i32
        %cond3A_76 = arith.cmpi ne, %convert_element_type3A_74, %cond3A_75 : i32
        scf.if %cond3A_76 {
          %add3A_106 = arith.constant 1 : i32
          %add3A_107 = arith.addi %add3A_54, %add3A_106 : i32
          %mul3A_108 = arith.constant 10000 : i32
          %mul3A_109 = arith.muli %add3A, %mul3A_108 : i32
          %mul3A_110 = arith.constant 80 : i32
          %mul3A_111 = arith.muli %add3A_107, %mul3A_110 : i32
          %add3A_112 = arith.addi %mul3A_109, %mul3A_111 : i32
          %dma_start3A_113 = tpu.memref_slice %arg4[%add3A_112] : memref<320000xi32, #tpu.memory_space<hbm>> -> memref<80xi32, #tpu.memory_space<hbm>>
          %dma_start3A_114 = tpu.memref_slice %arg4[%add3A_112] : memref<320000xi32, #tpu.memory_space<hbm>> -> memref<80xi32, #tpu.memory_space<hbm>>
          tpu.enqueue_dma source(%dma_start3A_114 : memref<80xi32, #tpu.memory_space<hbm>>) target(%arg8 : memref<80xi32, #tpu.memory_space<vmem>>) target_semaphore(%arg17 : memref<!tpu.dma_semaphore, #tpu.memory_space<semaphore_mem>>)
          %add3A_115 = arith.constant 1 : i32
          %add3A_116 = arith.addi %add3A_54, %add3A_115 : i32
          %mul3A_117 = arith.constant 10000 : i32
          %mul3A_118 = arith.muli %add3A, %mul3A_117 : i32
          %mul3A_119 = arith.constant 80 : i32
          %mul3A_120 = arith.muli %add3A_116, %mul3A_119 : i32
          %add3A_121 = arith.addi %mul3A_118, %mul3A_120 : i32
          %dma_start3A_122 = tpu.memref_slice %arg5[%add3A_121] : memref<320000xi32, #tpu.memory_space<hbm>> -> memref<80xi32, #tpu.memory_space<hbm>>
          %dma_start3A_123 = tpu.memref_slice %arg5[%add3A_121] : memref<320000xi32, #tpu.memory_space<hbm>> -> memref<80xi32, #tpu.memory_space<hbm>>
          tpu.enqueue_dma source(%dma_start3A_123 : memref<80xi32, #tpu.memory_space<hbm>>) target(%arg10 : memref<80xi32, #tpu.memory_space<vmem>>) target_semaphore(%arg19 : memref<!tpu.dma_semaphore, #tpu.memory_space<semaphore_mem>>)
        } else {
        }
        %dma_wait3A = arith.constant 0 : i32
        %dma_wait3A_77 = arith.constant 0 : i32
        %dma_wait3A_78 = tpu.memref_slice %arg2[%dma_wait3A, %dma_wait3A_77] : memref<10000x128xf32, #tpu.memory_space<hbm>> -> memref<10000x128xf32, #tpu.memory_space<hbm>>
        tpu.wait_indirect_dma semaphore(%arg20 : memref<!tpu.dma_semaphore, #tpu.memory_space<semaphore_mem>>) src(%dma_wait3A_78 : memref<10000x128xf32, #tpu.memory_space<hbm>>) dst(%arg11 : memref<80x128xf32, #tpu.memory_space<vmem>>)
        %convert_element_type3A_79 = arith.extui %lt3A_69 : i1 to i32
        %cond3A_80 = arith.constant 0 : i32
        %cond3A_81 = arith.cmpi ne, %convert_element_type3A_79, %cond3A_80 : i32
        scf.if %cond3A_81 {
          %add3A_106 = arith.constant 1 : i32
          %add3A_107 = arith.addi %add3A_54, %add3A_106 : i32
          %mul3A_108 = arith.constant 10000 : i32
          %mul3A_109 = arith.muli %add3A, %mul3A_108 : i32
          %mul3A_110 = arith.constant 80 : i32
          %mul3A_111 = arith.muli %add3A_107, %mul3A_110 : i32
          %add3A_112 = arith.addi %mul3A_109, %mul3A_111 : i32
          %dma_wait3A_113 = tpu.memref_slice %arg4[%add3A_112] : memref<320000xi32, #tpu.memory_space<hbm>> -> memref<80xi32, #tpu.memory_space<hbm>>
          %dma_wait3A_114 = tpu.memref_slice %arg4[%add3A_112] : memref<320000xi32, #tpu.memory_space<hbm>> -> memref<80xi32, #tpu.memory_space<hbm>>
          tpu.wait_dma2 semaphore(%arg17 : memref<!tpu.dma_semaphore, #tpu.memory_space<semaphore_mem>>) src(%dma_wait3A_114 : memref<80xi32, #tpu.memory_space<hbm>>) dst(%arg8 : memref<80xi32, #tpu.memory_space<vmem>>)
          %add3A_115 = arith.constant 1 : i32
          %add3A_116 = arith.addi %add3A_54, %add3A_115 : i32
          %mul3A_117 = arith.constant 10000 : i32
          %mul3A_118 = arith.muli %add3A, %mul3A_117 : i32
          %mul3A_119 = arith.constant 80 : i32
          %mul3A_120 = arith.muli %add3A_116, %mul3A_119 : i32
          %add3A_121 = arith.addi %mul3A_118, %mul3A_120 : i32
          %dma_wait3A_122 = tpu.memref_slice %arg5[%add3A_121] : memref<320000xi32, #tpu.memory_space<hbm>> -> memref<80xi32, #tpu.memory_space<hbm>>
          %dma_wait3A_123 = tpu.memref_slice %arg5[%add3A_121] : memref<320000xi32, #tpu.memory_space<hbm>> -> memref<80xi32, #tpu.memory_space<hbm>>
          tpu.wait_dma2 semaphore(%arg19 : memref<!tpu.dma_semaphore, #tpu.memory_space<semaphore_mem>>) src(%dma_wait3A_123 : memref<80xi32, #tpu.memory_space<hbm>>) dst(%arg10 : memref<80xi32, #tpu.memory_space<vmem>>)
          %dma_start3A_124 = arith.constant 0 : i32
          %dma_start3A_125 = arith.constant 0 : i32
          %dma_start3A_126 = tpu.memref_slice %arg2[%dma_start3A_124, %dma_start3A_125] : memref<10000x128xf32, #tpu.memory_space<hbm>> -> memref<10000x128xf32, #tpu.memory_space<hbm>>
          tpu.enqueue_indirect_dma source(%dma_start3A_126 : memref<10000x128xf32, #tpu.memory_space<hbm>>) target(%arg12 : memref<80x128xf32, #tpu.memory_space<vmem>>) offsets(%arg8 : memref<80xi32, #tpu.memory_space<vmem>>) semaphore(%arg21 : memref<!tpu.dma_semaphore, #tpu.memory_space<semaphore_mem>>)
          %add3A_127 = arith.constant 1 : i32
          %add3A_128 = arith.addi %add3A_54, %add3A_127 : i32
          %mul3A_129 = arith.constant 10000 : i32
          %mul3A_130 = arith.muli %add3A, %mul3A_129 : i32
          %mul3A_131 = arith.constant 80 : i32
          %mul3A_132 = arith.muli %add3A_128, %mul3A_131 : i32
          %add3A_133 = arith.addi %mul3A_130, %mul3A_132 : i32
          %dma_start3A_134 = arith.constant 0 : i32
          %dma_start3A_135 = tpu.memref_slice %arg3[%add3A_133, %dma_start3A_134] : memref<320000x128xf32, #tpu.memory_space<hbm>> -> memref<80x128xf32, #tpu.memory_space<hbm>>
          %dma_start3A_136 = arith.constant 0 : i32
          %dma_start3A_137 = tpu.memref_slice %arg3[%add3A_133, %dma_start3A_136] : memref<320000x128xf32, #tpu.memory_space<hbm>> -> memref<80x128xf32, #tpu.memory_space<hbm>>
          tpu.enqueue_dma source(%dma_start3A_137 : memref<80x128xf32, #tpu.memory_space<hbm>>) target(%arg14 : memref<80x128xf32, #tpu.memory_space<vmem>>) target_semaphore(%arg23 : memref<!tpu.dma_semaphore, #tpu.memory_space<semaphore_mem>>)
        } else {
        }
        %mul3A_82 = arith.constant 10000 : i32
        %mul3A_83 = arith.muli %add3A, %mul3A_82 : i32
        %mul3A_84 = arith.constant 80 : i32
        %mul3A_85 = arith.muli %add3A_54, %mul3A_84 : i32
        %add3A_86 = arith.addi %mul3A_83, %mul3A_85 : i32
        %dma_wait3A_87 = arith.constant 0 : i32
        %dma_wait3A_88 = tpu.memref_slice %arg3[%add3A_86, %dma_wait3A_87] : memref<320000x128xf32, #tpu.memory_space<hbm>> -> memref<80x128xf32, #tpu.memory_space<hbm>>
        %dma_wait3A_89 = arith.constant 0 : i32
        %dma_wait3A_90 = tpu.memref_slice %arg3[%add3A_86, %dma_wait3A_89] : memref<320000x128xf32, #tpu.memory_space<hbm>> -> memref<80x128xf32, #tpu.memory_space<hbm>>
        tpu.wait_dma2 semaphore(%arg22 : memref<!tpu.dma_semaphore, #tpu.memory_space<semaphore_mem>>) src(%dma_wait3A_90 : memref<80x128xf32, #tpu.memory_space<hbm>>) dst(%arg13 : memref<80x128xf32, #tpu.memory_space<vmem>>)
        %scan3A_91 = arith.constant 0 : i32
        %scan3A_92 = arith.constant 80 : i32
        %scan3A_93 = arith.addi %scan3A_91, %scan3A_92 : i32
        %scan3A_94 = arith.constant 1 : i32
        scf.for %scan3A_106 = %scan3A_91 to %scan3A_93 step %scan3A_94  : i32 {
          %mul3A_107 = arith.constant 1 : i32
          %mul3A_108 = arith.muli %scan3A_106, %mul3A_107 : i32
          %add3A_109 = arith.constant 0 : i32
          %add3A_110 = arith.addi %add3A_109, %mul3A_108 : i32
          %get3A = arith.index_cast %add3A_110 : i32 to index
          %get3A_111 = arith.constant 0 : index
          %get3A_112 = tpu.vector_load %arg11[%get3A, %get3A_111] {strides = array<i32>} : memref<80x128xf32, #tpu.memory_space<vmem>>, vector<1x16xf32>,
          %get3A_113 = vector.shape_cast %get3A_112 : vector<1x16xf32> to vector<16xf32>
          %get3A_114 = arith.index_cast %add3A_110 : i32 to index
          %get3A_115 = arith.constant 0 : index
          %get3A_116 = tpu.vector_load %arg13[%get3A_114, %get3A_115] {strides = array<i32>} : memref<80x128xf32, #tpu.memory_space<vmem>>, vector<1x16xf32>,
          %get3A_117 = vector.shape_cast %get3A_116 : vector<1x16xf32> to vector<16xf32>
          %mul3A_118 = arith.mulf %get3A_113, %get3A_117 : vector<16xf32>
          %swap3A = arith.index_cast %add3A_110 : i32 to index
          %swap3A_119 = arith.constant 0 : index
          %swap3A_120 = tpu.vector_load %arg11[%swap3A, %swap3A_119] {strides = array<i32>} : memref<80x128xf32, #tpu.memory_space<vmem>>, vector<1x16xf32>,
          %swap3A_121 = vector.shape_cast %swap3A_120 : vector<1x16xf32> to vector<16xf32>
          %swap3A_122 = vector.shape_cast %mul3A_118 : vector<16xf32> to vector<1x16xf32>
          tpu.vector_store %arg11[%swap3A, %swap3A_119], %swap3A_122 {strides = array<i32>} : memref<80x128xf32, #tpu.memory_space<vmem>>, vector<1x16xf32>,
          %get3A_123 = arith.index_cast %add3A_110 : i32 to index
          %get3A_124 = arith.constant 16 : index
          %get3A_125 = tpu.vector_load %arg11[%get3A_123, %get3A_124] {strides = array<i32>} : memref<80x128xf32, #tpu.memory_space<vmem>>, vector<1x16xf32>,
          %get3A_126 = vector.shape_cast %get3A_125 : vector<1x16xf32> to vector<16xf32>
          %get3A_127 = arith.index_cast %add3A_110 : i32 to index
          %get3A_128 = arith.constant 16 : index
          %get3A_129 = tpu.vector_load %arg13[%get3A_127, %get3A_128] {strides = array<i32>} : memref<80x128xf32, #tpu.memory_space<vmem>>, vector<1x16xf32>,
          %get3A_130 = vector.shape_cast %get3A_129 : vector<1x16xf32> to vector<16xf32>
          %mul3A_131 = arith.mulf %get3A_126, %get3A_130 : vector<16xf32>
          %swap3A_132 = arith.index_cast %add3A_110 : i32 to index
          %swap3A_133 = arith.constant 16 : index
          %swap3A_134 = tpu.vector_load %arg11[%swap3A_132, %swap3A_133] {strides = array<i32>} : memref<80x128xf32, #tpu.memory_space<vmem>>, vector<1x16xf32>,
          %swap3A_135 = vector.shape_cast %swap3A_134 : vector<1x16xf32> to vector<16xf32>
          %swap3A_136 = vector.shape_cast %mul3A_131 : vector<16xf32> to vector<1x16xf32>
          tpu.vector_store %arg11[%swap3A_132, %swap3A_133], %swap3A_136 {strides = array<i32>} : memref<80x128xf32, #tpu.memory_space<vmem>>, vector<1x16xf32>,
          %get3A_137 = arith.index_cast %add3A_110 : i32 to index
          %get3A_138 = arith.constant 32 : index
          %get3A_139 = tpu.vector_load %arg11[%get3A_137, %get3A_138] {strides = array<i32>} : memref<80x128xf32, #tpu.memory_space<vmem>>, vector<1x16xf32>,
          %get3A_140 = vector.shape_cast %get3A_139 : vector<1x16xf32> to vector<16xf32>
          %get3A_141 = arith.index_cast %add3A_110 : i32 to index
          %get3A_142 = arith.constant 32 : index
          %get3A_143 = tpu.vector_load %arg13[%get3A_141, %get3A_142] {strides = array<i32>} : memref<80x128xf32, #tpu.memory_space<vmem>>, vector<1x16xf32>,
          %get3A_144 = vector.shape_cast %get3A_143 : vector<1x16xf32> to vector<16xf32>
          %mul3A_145 = arith.mulf %get3A_140, %get3A_144 : vector<16xf32>
          %swap3A_146 = arith.index_cast %add3A_110 : i32 to index
          %swap3A_147 = arith.constant 32 : index
          %swap3A_148 = tpu.vector_load %arg11[%swap3A_146, %swap3A_147] {strides = array<i32>} : memref<80x128xf32, #tpu.memory_space<vmem>>, vector<1x16xf32>,
          %swap3A_149 = vector.shape_cast %swap3A_148 : vector<1x16xf32> to vector<16xf32>
          %swap3A_150 = vector.shape_cast %mul3A_145 : vector<16xf32> to vector<1x16xf32>
          tpu.vector_store %arg11[%swap3A_146, %swap3A_147], %swap3A_150 {strides = array<i32>} : memref<80x128xf32, #tpu.memory_space<vmem>>, vector<1x16xf32>,
          %get3A_151 = arith.index_cast %add3A_110 : i32 to index
          %get3A_152 = arith.constant 48 : index
          %get3A_153 = tpu.vector_load %arg11[%get3A_151, %get3A_152] {strides = array<i32>} : memref<80x128xf32, #tpu.memory_space<vmem>>, vector<1x16xf32>,
          %get3A_154 = vector.shape_cast %get3A_153 : vector<1x16xf32> to vector<16xf32>
          %get3A_155 = arith.index_cast %add3A_110 : i32 to index
          %get3A_156 = arith.constant 48 : index
          %get3A_157 = tpu.vector_load %arg13[%get3A_155, %get3A_156] {strides = array<i32>} : memref<80x128xf32, #tpu.memory_space<vmem>>, vector<1x16xf32>,
          %get3A_158 = vector.shape_cast %get3A_157 : vector<1x16xf32> to vector<16xf32>
          %mul3A_159 = arith.mulf %get3A_154, %get3A_158 : vector<16xf32>
          %swap3A_160 = arith.index_cast %add3A_110 : i32 to index
          %swap3A_161 = arith.constant 48 : index
          %swap3A_162 = tpu.vector_load %arg11[%swap3A_160, %swap3A_161] {strides = array<i32>} : memref<80x128xf32, #tpu.memory_space<vmem>>, vector<1x16xf32>,
          %swap3A_163 = vector.shape_cast %swap3A_162 : vector<1x16xf32> to vector<16xf32>
          %swap3A_164 = vector.shape_cast %mul3A_159 : vector<16xf32> to vector<1x16xf32>
          tpu.vector_store %arg11[%swap3A_160, %swap3A_161], %swap3A_164 {strides = array<i32>} : memref<80x128xf32, #tpu.memory_space<vmem>>, vector<1x16xf32>,
          %get3A_165 = arith.index_cast %add3A_110 : i32 to index
          %get3A_166 = arith.constant 64 : index
          %get3A_167 = tpu.vector_load %arg11[%get3A_165, %get3A_166] {strides = array<i32>} : memref<80x128xf32, #tpu.memory_space<vmem>>, vector<1x16xf32>,
          %get3A_168 = vector.shape_cast %get3A_167 : vector<1x16xf32> to vector<16xf32>
          %get3A_169 = arith.index_cast %add3A_110 : i32 to index
          %get3A_170 = arith.constant 64 : index
          %get3A_171 = tpu.vector_load %arg13[%get3A_169, %get3A_170] {strides = array<i32>} : memref<80x128xf32, #tpu.memory_space<vmem>>, vector<1x16xf32>,
          %get3A_172 = vector.shape_cast %get3A_171 : vector<1x16xf32> to vector<16xf32>
          %mul3A_173 = arith.mulf %get3A_168, %get3A_172 : vector<16xf32>
          %swap3A_174 = arith.index_cast %add3A_110 : i32 to index
          %swap3A_175 = arith.constant 64 : index
          %swap3A_176 = tpu.vector_load %arg11[%swap3A_174, %swap3A_175] {strides = array<i32>} : memref<80x128xf32, #tpu.memory_space<vmem>>, vector<1x16xf32>,
          %swap3A_177 = vector.shape_cast %swap3A_176 : vector<1x16xf32> to vector<16xf32>
          %swap3A_178 = vector.shape_cast %mul3A_173 : vector<16xf32> to vector<1x16xf32>
          tpu.vector_store %arg11[%swap3A_174, %swap3A_175], %swap3A_178 {strides = array<i32>} : memref<80x128xf32, #tpu.memory_space<vmem>>, vector<1x16xf32>,
          %get3A_179 = arith.index_cast %add3A_110 : i32 to index
          %get3A_180 = arith.constant 80 : index
          %get3A_181 = tpu.vector_load %arg11[%get3A_179, %get3A_180] {strides = array<i32>} : memref<80x128xf32, #tpu.memory_space<vmem>>, vector<1x16xf32>,
          %get3A_182 = vector.shape_cast %get3A_181 : vector<1x16xf32> to vector<16xf32>
          %get3A_183 = arith.index_cast %add3A_110 : i32 to index
          %get3A_184 = arith.constant 80 : index
          %get3A_185 = tpu.vector_load %arg13[%get3A_183, %get3A_184] {strides = array<i32>} : memref<80x128xf32, #tpu.memory_space<vmem>>, vector<1x16xf32>,
          %get3A_186 = vector.shape_cast %get3A_185 : vector<1x16xf32> to vector<16xf32>
          %mul3A_187 = arith.mulf %get3A_182, %get3A_186 : vector<16xf32>
          %swap3A_188 = arith.index_cast %add3A_110 : i32 to index
          %swap3A_189 = arith.constant 80 : index
          %swap3A_190 = tpu.vector_load %arg11[%swap3A_188, %swap3A_189] {strides = array<i32>} : memref<80x128xf32, #tpu.memory_space<vmem>>, vector<1x16xf32>,
          %swap3A_191 = vector.shape_cast %swap3A_190 : vector<1x16xf32> to vector<16xf32>
          %swap3A_192 = vector.shape_cast %mul3A_187 : vector<16xf32> to vector<1x16xf32>
          tpu.vector_store %arg11[%swap3A_188, %swap3A_189], %swap3A_192 {strides = array<i32>} : memref<80x128xf32, #tpu.memory_space<vmem>>, vector<1x16xf32>,
          %get3A_193 = arith.index_cast %add3A_110 : i32 to index
          %get3A_194 = arith.constant 96 : index
          %get3A_195 = tpu.vector_load %arg11[%get3A_193, %get3A_194] {strides = array<i32>} : memref<80x128xf32, #tpu.memory_space<vmem>>, vector<1x16xf32>,
          %get3A_196 = vector.shape_cast %get3A_195 : vector<1x16xf32> to vector<16xf32>
          %get3A_197 = arith.index_cast %add3A_110 : i32 to index
          %get3A_198 = arith.constant 96 : index
          %get3A_199 = tpu.vector_load %arg13[%get3A_197, %get3A_198] {strides = array<i32>} : memref<80x128xf32, #tpu.memory_space<vmem>>, vector<1x16xf32>,
          %get3A_200 = vector.shape_cast %get3A_199 : vector<1x16xf32> to vector<16xf32>
          %mul3A_201 = arith.mulf %get3A_196, %get3A_200 : vector<16xf32>
          %swap3A_202 = arith.index_cast %add3A_110 : i32 to index
          %swap3A_203 = arith.constant 96 : index
          %swap3A_204 = tpu.vector_load %arg11[%swap3A_202, %swap3A_203] {strides = array<i32>} : memref<80x128xf32, #tpu.memory_space<vmem>>, vector<1x16xf32>,
          %swap3A_205 = vector.shape_cast %swap3A_204 : vector<1x16xf32> to vector<16xf32>
          %swap3A_206 = vector.shape_cast %mul3A_201 : vector<16xf32> to vector<1x16xf32>
          tpu.vector_store %arg11[%swap3A_202, %swap3A_203], %swap3A_206 {strides = array<i32>} : memref<80x128xf32, #tpu.memory_space<vmem>>, vector<1x16xf32>,
          %get3A_207 = arith.index_cast %add3A_110 : i32 to index
          %get3A_208 = arith.constant 112 : index
          %get3A_209 = tpu.vector_load %arg11[%get3A_207, %get3A_208] {strides = array<i32>} : memref<80x128xf32, #tpu.memory_space<vmem>>, vector<1x16xf32>,
          %get3A_210 = vector.shape_cast %get3A_209 : vector<1x16xf32> to vector<16xf32>
          %get3A_211 = arith.index_cast %add3A_110 : i32 to index
          %get3A_212 = arith.constant 112 : index
          %get3A_213 = tpu.vector_load %arg13[%get3A_211, %get3A_212] {strides = array<i32>} : memref<80x128xf32, #tpu.memory_space<vmem>>, vector<1x16xf32>,
          %get3A_214 = vector.shape_cast %get3A_213 : vector<1x16xf32> to vector<16xf32>
          %mul3A_215 = arith.mulf %get3A_210, %get3A_214 : vector<16xf32>
          %swap3A_216 = arith.index_cast %add3A_110 : i32 to index
          %swap3A_217 = arith.constant 112 : index
          %swap3A_218 = tpu.vector_load %arg11[%swap3A_216, %swap3A_217] {strides = array<i32>} : memref<80x128xf32, #tpu.memory_space<vmem>>, vector<1x16xf32>,
          %swap3A_219 = vector.shape_cast %swap3A_218 : vector<1x16xf32> to vector<16xf32>
          %swap3A_220 = vector.shape_cast %mul3A_215 : vector<16xf32> to vector<1x16xf32>
          tpu.vector_store %arg11[%swap3A_216, %swap3A_217], %swap3A_220 {strides = array<i32>} : memref<80x128xf32, #tpu.memory_space<vmem>>, vector<1x16xf32>,
        }
        %scan3A_95 = arith.constant 80 : i32
        %ge3A_96 = arith.constant 123 : i32
        %ge3A_97 = arith.cmpi sge, %add3A_54, %ge3A_96 : i32
        %convert_element_type3A_98 = arith.extui %ge3A_97 : i1 to i32
        %cond3A_99 = arith.constant 0 : i32
        %cond3A_100 = arith.cmpi ne, %convert_element_type3A_98, %cond3A_99 : i32
        scf.if %cond3A_100 {
          "tpu.region"() ({
            %run_scoped3A = tpu.sem_alloc : memref<!tpu.dma_semaphore, #tpu.memory_space<semaphore_mem>>
            %dma_start3A_106 = arith.constant 0 : i32
            %dma_start3A_107 = arith.constant 0 : i32
            %dma_start3A_108 = tpu.memref_slice %arg15[%dma_start3A_106, %dma_start3A_107] : memref<10000x128xf32, #tpu.memory_space<vmem_shared>> -> memref<10000x128xf32, #tpu.memory_space<vmem_shared>>
            tpu.enqueue_indirect_dma source(%arg11 : memref<80x128xf32, #tpu.memory_space<vmem>>) target(%dma_start3A_108 : memref<10000x128xf32, #tpu.memory_space<vmem_shared>>) offsets(%arg9 : memref<80xi32, #tpu.memory_space<vmem>>) semaphore(%run_scoped3A : memref<!tpu.dma_semaphore, #tpu.memory_space<semaphore_mem>>) {add = true}
            %dma_wait3A_109 = arith.constant 0 : i32
            %dma_wait3A_110 = arith.constant 0 : i32
            %dma_wait3A_111 = tpu.memref_slice %arg15[%dma_wait3A_109, %dma_wait3A_110] : memref<10000x128xf32, #tpu.memory_space<vmem_shared>> -> memref<10000x128xf32, #tpu.memory_space<vmem_shared>>
            tpu.wait_indirect_dma semaphore(%run_scoped3A : memref<!tpu.dma_semaphore, #tpu.memory_space<semaphore_mem>>) src(%arg11 : memref<80x128xf32, #tpu.memory_space<vmem>>) dst(%dma_wait3A_111 : memref<10000x128xf32, #tpu.memory_space<vmem_shared>>)
            tpu.yield
          }) : () -> ()
        } else {
        }
        %lt3A_101 = arith.constant 123 : i32
        %lt3A_102 = arith.cmpi slt, %add3A_54, %lt3A_101 : i32
        %convert_element_type3A_103 = arith.extui %lt3A_102 : i1 to i32
        %cond3A_104 = arith.constant 0 : i32
        %cond3A_105 = arith.cmpi ne, %convert_element_type3A_103, %cond3A_104 : i32
        scf.if %cond3A_105 {
          %dma_start3A_106 = arith.constant 0 : i32
          %dma_start3A_107 = arith.constant 0 : i32
          %dma_start3A_108 = tpu.memref_slice %arg15[%dma_start3A_106, %dma_start3A_107] : memref<10000x128xf32, #tpu.memory_space<vmem_shared>> -> memref<10000x128xf32, #tpu.memory_space<vmem_shared>>
          tpu.enqueue_indirect_dma source(%arg11 : memref<80x128xf32, #tpu.memory_space<vmem>>) target(%dma_start3A_108 : memref<10000x128xf32, #tpu.memory_space<vmem_shared>>) offsets(%arg9 : memref<80xi32, #tpu.memory_space<vmem>>) semaphore(%arg24 : memref<!tpu.dma_semaphore, #tpu.memory_space<semaphore_mem>>) {add = true}
        } else {
        }
      } else {
      }
      %add3A_59 = arith.constant 1 : i32
      %add3A_60 = arith.addi %add3A_52, %add3A_59 : i32
      %lt3A_61 = arith.constant 125 : i32
      %lt3A_62 = arith.cmpi slt, %add3A_60, %lt3A_61 : i32
      %convert_element_type3A_63 = arith.extui %lt3A_62 : i1 to i32
      %cond3A_64 = arith.constant 0 : i32
      %cond3A_65 = arith.cmpi ne, %convert_element_type3A_63, %cond3A_64 : i32
      scf.if %cond3A_65 {
        %add3A_66 = arith.constant 1 : i32
        %add3A_67 = arith.addi %add3A_60, %add3A_66 : i32
        %lt3A_68 = arith.constant 125 : i32
        %lt3A_69 = arith.cmpi slt, %add3A_67, %lt3A_68 : i32
        %ge3A = arith.constant 1 : i32
        %ge3A_70 = arith.cmpi sge, %add3A_60, %ge3A : i32
        %and3A = arith.andi %lt3A_69, %ge3A_70 : i1
        %convert_element_type3A_71 = arith.extui %and3A : i1 to i32
        %cond3A_72 = arith.constant 0 : i32
        %cond3A_73 = arith.cmpi ne, %convert_element_type3A_71, %cond3A_72 : i32
        scf.if %cond3A_73 {
          %dma_wait3A_106 = arith.constant 0 : i32
          %dma_wait3A_107 = arith.constant 0 : i32
          %dma_wait3A_108 = tpu.memref_slice %arg15[%dma_wait3A_106, %dma_wait3A_107] : memref<10000x128xf32, #tpu.memory_space<vmem_shared>> -> memref<10000x128xf32, #tpu.memory_space<vmem_shared>>
          tpu.wait_indirect_dma semaphore(%arg24 : memref<!tpu.dma_semaphore, #tpu.memory_space<semaphore_mem>>) src(%arg11 : memref<80x128xf32, #tpu.memory_space<vmem>>) dst(%dma_wait3A_108 : memref<10000x128xf32, #tpu.memory_space<vmem_shared>>)
        } else {
        }
        %convert_element_type3A_74 = arith.extui %lt3A_69 : i1 to i32
        %cond3A_75 = arith.constant 0 : i32
        %cond3A_76 = arith.cmpi ne, %convert_element_type3A_74, %cond3A_75 : i32
        scf.if %cond3A_76 {
          %add3A_106 = arith.constant 1 : i32
          %add3A_107 = arith.addi %add3A_60, %add3A_106 : i32
          %mul3A_108 = arith.constant 10000 : i32
          %mul3A_109 = arith.muli %add3A, %mul3A_108 : i32
          %mul3A_110 = arith.constant 80 : i32
          %mul3A_111 = arith.muli %add3A_107, %mul3A_110 : i32
          %add3A_112 = arith.addi %mul3A_109, %mul3A_111 : i32
          %dma_start3A_113 = tpu.memref_slice %arg4[%add3A_112] : memref<320000xi32, #tpu.memory_space<hbm>> -> memref<80xi32, #tpu.memory_space<hbm>>
          %dma_start3A_114 = tpu.memref_slice %arg4[%add3A_112] : memref<320000xi32, #tpu.memory_space<hbm>> -> memref<80xi32, #tpu.memory_space<hbm>>
          tpu.enqueue_dma source(%dma_start3A_114 : memref<80xi32, #tpu.memory_space<hbm>>) target(%arg7 : memref<80xi32, #tpu.memory_space<vmem>>) target_semaphore(%arg16 : memref<!tpu.dma_semaphore, #tpu.memory_space<semaphore_mem>>)
          %add3A_115 = arith.constant 1 : i32
          %add3A_116 = arith.addi %add3A_60, %add3A_115 : i32
          %mul3A_117 = arith.constant 10000 : i32
          %mul3A_118 = arith.muli %add3A, %mul3A_117 : i32
          %mul3A_119 = arith.constant 80 : i32
          %mul3A_120 = arith.muli %add3A_116, %mul3A_119 : i32
          %add3A_121 = arith.addi %mul3A_118, %mul3A_120 : i32
          %dma_start3A_122 = tpu.memref_slice %arg5[%add3A_121] : memref<320000xi32, #tpu.memory_space<hbm>> -> memref<80xi32, #tpu.memory_space<hbm>>
          %dma_start3A_123 = tpu.memref_slice %arg5[%add3A_121] : memref<320000xi32, #tpu.memory_space<hbm>> -> memref<80xi32, #tpu.memory_space<hbm>>
          tpu.enqueue_dma source(%dma_start3A_123 : memref<80xi32, #tpu.memory_space<hbm>>) target(%arg9 : memref<80xi32, #tpu.memory_space<vmem>>) target_semaphore(%arg18 : memref<!tpu.dma_semaphore, #tpu.memory_space<semaphore_mem>>)
        } else {
        }
        %dma_wait3A = arith.constant 0 : i32
        %dma_wait3A_77 = arith.constant 0 : i32
        %dma_wait3A_78 = tpu.memref_slice %arg2[%dma_wait3A, %dma_wait3A_77] : memref<10000x128xf32, #tpu.memory_space<hbm>> -> memref<10000x128xf32, #tpu.memory_space<hbm>>
        tpu.wait_indirect_dma semaphore(%arg21 : memref<!tpu.dma_semaphore, #tpu.memory_space<semaphore_mem>>) src(%dma_wait3A_78 : memref<10000x128xf32, #tpu.memory_space<hbm>>) dst(%arg12 : memref<80x128xf32, #tpu.memory_space<vmem>>)
        %convert_element_type3A_79 = arith.extui %lt3A_69 : i1 to i32
        %cond3A_80 = arith.constant 0 : i32
        %cond3A_81 = arith.cmpi ne, %convert_element_type3A_79, %cond3A_80 : i32
        scf.if %cond3A_81 {
          %add3A_106 = arith.constant 1 : i32
          %add3A_107 = arith.addi %add3A_60, %add3A_106 : i32
          %mul3A_108 = arith.constant 10000 : i32
          %mul3A_109 = arith.muli %add3A, %mul3A_108 : i32
          %mul3A_110 = arith.constant 80 : i32
          %mul3A_111 = arith.muli %add3A_107, %mul3A_110 : i32
          %add3A_112 = arith.addi %mul3A_109, %mul3A_111 : i32
          %dma_wait3A_113 = tpu.memref_slice %arg4[%add3A_112] : memref<320000xi32, #tpu.memory_space<hbm>> -> memref<80xi32, #tpu.memory_space<hbm>>
          %dma_wait3A_114 = tpu.memref_slice %arg4[%add3A_112] : memref<320000xi32, #tpu.memory_space<hbm>> -> memref<80xi32, #tpu.memory_space<hbm>>
          tpu.wait_dma2 semaphore(%arg16 : memref<!tpu.dma_semaphore, #tpu.memory_space<semaphore_mem>>) src(%dma_wait3A_114 : memref<80xi32, #tpu.memory_space<hbm>>) dst(%arg7 : memref<80xi32, #tpu.memory_space<vmem>>)
          %add3A_115 = arith.constant 1 : i32
          %add3A_116 = arith.addi %add3A_60, %add3A_115 : i32
          %mul3A_117 = arith.constant 10000 : i32
          %mul3A_118 = arith.muli %add3A, %mul3A_117 : i32
          %mul3A_119 = arith.constant 80 : i32
          %mul3A_120 = arith.muli %add3A_116, %mul3A_119 : i32
          %add3A_121 = arith.addi %mul3A_118, %mul3A_120 : i32
          %dma_wait3A_122 = tpu.memref_slice %arg5[%add3A_121] : memref<320000xi32, #tpu.memory_space<hbm>> -> memref<80xi32, #tpu.memory_space<hbm>>
          %dma_wait3A_123 = tpu.memref_slice %arg5[%add3A_121] : memref<320000xi32, #tpu.memory_space<hbm>> -> memref<80xi32, #tpu.memory_space<hbm>>
          tpu.wait_dma2 semaphore(%arg18 : memref<!tpu.dma_semaphore, #tpu.memory_space<semaphore_mem>>) src(%dma_wait3A_123 : memref<80xi32, #tpu.memory_space<hbm>>) dst(%arg9 : memref<80xi32, #tpu.memory_space<vmem>>)
          %dma_start3A_124 = arith.constant 0 : i32
          %dma_start3A_125 = arith.constant 0 : i32
          %dma_start3A_126 = tpu.memref_slice %arg2[%dma_start3A_124, %dma_start3A_125] : memref<10000x128xf32, #tpu.memory_space<hbm>> -> memref<10000x128xf32, #tpu.memory_space<hbm>>
          tpu.enqueue_indirect_dma source(%dma_start3A_126 : memref<10000x128xf32, #tpu.memory_space<hbm>>) target(%arg11 : memref<80x128xf32, #tpu.memory_space<vmem>>) offsets(%arg7 : memref<80xi32, #tpu.memory_space<vmem>>) semaphore(%arg20 : memref<!tpu.dma_semaphore, #tpu.memory_space<semaphore_mem>>)
          %add3A_127 = arith.constant 1 : i32
          %add3A_128 = arith.addi %add3A_60, %add3A_127 : i32
          %mul3A_129 = arith.constant 10000 : i32
          %mul3A_130 = arith.muli %add3A, %mul3A_129 : i32
          %mul3A_131 = arith.constant 80 : i32
          %mul3A_132 = arith.muli %add3A_128, %mul3A_131 : i32
          %add3A_133 = arith.addi %mul3A_130, %mul3A_132 : i32
          %dma_start3A_134 = arith.constant 0 : i32
          %dma_start3A_135 = tpu.memref_slice %arg3[%add3A_133, %dma_start3A_134] : memref<320000x128xf32, #tpu.memory_space<hbm>> -> memref<80x128xf32, #tpu.memory_space<hbm>>
          %dma_start3A_136 = arith.constant 0 : i32
          %dma_start3A_137 = tpu.memref_slice %arg3[%add3A_133, %dma_start3A_136] : memref<320000x128xf32, #tpu.memory_space<hbm>> -> memref<80x128xf32, #tpu.memory_space<hbm>>
          tpu.enqueue_dma source(%dma_start3A_137 : memref<80x128xf32, #tpu.memory_space<hbm>>) target(%arg13 : memref<80x128xf32, #tpu.memory_space<vmem>>) target_semaphore(%arg22 : memref<!tpu.dma_semaphore, #tpu.memory_space<semaphore_mem>>)
        } else {
        }
        %mul3A_82 = arith.constant 10000 : i32
        %mul3A_83 = arith.muli %add3A, %mul3A_82 : i32
        %mul3A_84 = arith.constant 80 : i32
        %mul3A_85 = arith.muli %add3A_60, %mul3A_84 : i32
        %add3A_86 = arith.addi %mul3A_83, %mul3A_85 : i32
        %dma_wait3A_87 = arith.constant 0 : i32
        %dma_wait3A_88 = tpu.memref_slice %arg3[%add3A_86, %dma_wait3A_87] : memref<320000x128xf32, #tpu.memory_space<hbm>> -> memref<80x128xf32, #tpu.memory_space<hbm>>
        %dma_wait3A_89 = arith.constant 0 : i32
        %dma_wait3A_90 = tpu.memref_slice %arg3[%add3A_86, %dma_wait3A_89] : memref<320000x128xf32, #tpu.memory_space<hbm>> -> memref<80x128xf32, #tpu.memory_space<hbm>>
        tpu.wait_dma2 semaphore(%arg23 : memref<!tpu.dma_semaphore, #tpu.memory_space<semaphore_mem>>) src(%dma_wait3A_90 : memref<80x128xf32, #tpu.memory_space<hbm>>) dst(%arg14 : memref<80x128xf32, #tpu.memory_space<vmem>>)
        %scan3A_91 = arith.constant 0 : i32
        %scan3A_92 = arith.constant 80 : i32
        %scan3A_93 = arith.addi %scan3A_91, %scan3A_92 : i32
        %scan3A_94 = arith.constant 1 : i32
        scf.for %scan3A_106 = %scan3A_91 to %scan3A_93 step %scan3A_94  : i32 {
          %mul3A_107 = arith.constant 1 : i32
          %mul3A_108 = arith.muli %scan3A_106, %mul3A_107 : i32
          %add3A_109 = arith.constant 0 : i32
          %add3A_110 = arith.addi %add3A_109, %mul3A_108 : i32
          %get3A = arith.index_cast %add3A_110 : i32 to index
          %get3A_111 = arith.constant 0 : index
          %get3A_112 = tpu.vector_load %arg12[%get3A, %get3A_111] {strides = array<i32>} : memref<80x128xf32, #tpu.memory_space<vmem>>, vector<1x16xf32>,
          %get3A_113 = vector.shape_cast %get3A_112 : vector<1x16xf32> to vector<16xf32>
          %get3A_114 = arith.index_cast %add3A_110 : i32 to index
          %get3A_115 = arith.constant 0 : index
          %get3A_116 = tpu.vector_load %arg14[%get3A_114, %get3A_115] {strides = array<i32>} : memref<80x128xf32, #tpu.memory_space<vmem>>, vector<1x16xf32>,
          %get3A_117 = vector.shape_cast %get3A_116 : vector<1x16xf32> to vector<16xf32>
          %mul3A_118 = arith.mulf %get3A_113, %get3A_117 : vector<16xf32>
          %swap3A = arith.index_cast %add3A_110 : i32 to index
          %swap3A_119 = arith.constant 0 : index
          %swap3A_120 = tpu.vector_load %arg12[%swap3A, %swap3A_119] {strides = array<i32>} : memref<80x128xf32, #tpu.memory_space<vmem>>, vector<1x16xf32>,
          %swap3A_121 = vector.shape_cast %swap3A_120 : vector<1x16xf32> to vector<16xf32>
          %swap3A_122 = vector.shape_cast %mul3A_118 : vector<16xf32> to vector<1x16xf32>
          tpu.vector_store %arg12[%swap3A, %swap3A_119], %swap3A_122 {strides = array<i32>} : memref<80x128xf32, #tpu.memory_space<vmem>>, vector<1x16xf32>,
          %get3A_123 = arith.index_cast %add3A_110 : i32 to index
          %get3A_124 = arith.constant 16 : index
          %get3A_125 = tpu.vector_load %arg12[%get3A_123, %get3A_124] {strides = array<i32>} : memref<80x128xf32, #tpu.memory_space<vmem>>, vector<1x16xf32>,
          %get3A_126 = vector.shape_cast %get3A_125 : vector<1x16xf32> to vector<16xf32>
          %get3A_127 = arith.index_cast %add3A_110 : i32 to index
          %get3A_128 = arith.constant 16 : index
          %get3A_129 = tpu.vector_load %arg14[%get3A_127, %get3A_128] {strides = array<i32>} : memref<80x128xf32, #tpu.memory_space<vmem>>, vector<1x16xf32>,
          %get3A_130 = vector.shape_cast %get3A_129 : vector<1x16xf32> to vector<16xf32>
          %mul3A_131 = arith.mulf %get3A_126, %get3A_130 : vector<16xf32>
          %swap3A_132 = arith.index_cast %add3A_110 : i32 to index
          %swap3A_133 = arith.constant 16 : index
          %swap3A_134 = tpu.vector_load %arg12[%swap3A_132, %swap3A_133] {strides = array<i32>} : memref<80x128xf32, #tpu.memory_space<vmem>>, vector<1x16xf32>,
          %swap3A_135 = vector.shape_cast %swap3A_134 : vector<1x16xf32> to vector<16xf32>
          %swap3A_136 = vector.shape_cast %mul3A_131 : vector<16xf32> to vector<1x16xf32>
          tpu.vector_store %arg12[%swap3A_132, %swap3A_133], %swap3A_136 {strides = array<i32>} : memref<80x128xf32, #tpu.memory_space<vmem>>, vector<1x16xf32>,
          %get3A_137 = arith.index_cast %add3A_110 : i32 to index
          %get3A_138 = arith.constant 32 : index
          %get3A_139 = tpu.vector_load %arg12[%get3A_137, %get3A_138] {strides = array<i32>} : memref<80x128xf32, #tpu.memory_space<vmem>>, vector<1x16xf32>,
          %get3A_140 = vector.shape_cast %get3A_139 : vector<1x16xf32> to vector<16xf32>
          %get3A_141 = arith.index_cast %add3A_110 : i32 to index
          %get3A_142 = arith.constant 32 : index
          %get3A_143 = tpu.vector_load %arg14[%get3A_141, %get3A_142] {strides = array<i32>} : memref<80x128xf32, #tpu.memory_space<vmem>>, vector<1x16xf32>,
          %get3A_144 = vector.shape_cast %get3A_143 : vector<1x16xf32> to vector<16xf32>
          %mul3A_145 = arith.mulf %get3A_140, %get3A_144 : vector<16xf32>
          %swap3A_146 = arith.index_cast %add3A_110 : i32 to index
          %swap3A_147 = arith.constant 32 : index
          %swap3A_148 = tpu.vector_load %arg12[%swap3A_146, %swap3A_147] {strides = array<i32>} : memref<80x128xf32, #tpu.memory_space<vmem>>, vector<1x16xf32>,
          %swap3A_149 = vector.shape_cast %swap3A_148 : vector<1x16xf32> to vector<16xf32>
          %swap3A_150 = vector.shape_cast %mul3A_145 : vector<16xf32> to vector<1x16xf32>
          tpu.vector_store %arg12[%swap3A_146, %swap3A_147], %swap3A_150 {strides = array<i32>} : memref<80x128xf32, #tpu.memory_space<vmem>>, vector<1x16xf32>,
          %get3A_151 = arith.index_cast %add3A_110 : i32 to index
          %get3A_152 = arith.constant 48 : index
          %get3A_153 = tpu.vector_load %arg12[%get3A_151, %get3A_152] {strides = array<i32>} : memref<80x128xf32, #tpu.memory_space<vmem>>, vector<1x16xf32>,
          %get3A_154 = vector.shape_cast %get3A_153 : vector<1x16xf32> to vector<16xf32>
          %get3A_155 = arith.index_cast %add3A_110 : i32 to index
          %get3A_156 = arith.constant 48 : index
          %get3A_157 = tpu.vector_load %arg14[%get3A_155, %get3A_156] {strides = array<i32>} : memref<80x128xf32, #tpu.memory_space<vmem>>, vector<1x16xf32>,
          %get3A_158 = vector.shape_cast %get3A_157 : vector<1x16xf32> to vector<16xf32>
          %mul3A_159 = arith.mulf %get3A_154, %get3A_158 : vector<16xf32>
          %swap3A_160 = arith.index_cast %add3A_110 : i32 to index
          %swap3A_161 = arith.constant 48 : index
          %swap3A_162 = tpu.vector_load %arg12[%swap3A_160, %swap3A_161] {strides = array<i32>} : memref<80x128xf32, #tpu.memory_space<vmem>>, vector<1x16xf32>,
          %swap3A_163 = vector.shape_cast %swap3A_162 : vector<1x16xf32> to vector<16xf32>
          %swap3A_164 = vector.shape_cast %mul3A_159 : vector<16xf32> to vector<1x16xf32>
          tpu.vector_store %arg12[%swap3A_160, %swap3A_161], %swap3A_164 {strides = array<i32>} : memref<80x128xf32, #tpu.memory_space<vmem>>, vector<1x16xf32>,
          %get3A_165 = arith.index_cast %add3A_110 : i32 to index
          %get3A_166 = arith.constant 64 : index
          %get3A_167 = tpu.vector_load %arg12[%get3A_165, %get3A_166] {strides = array<i32>} : memref<80x128xf32, #tpu.memory_space<vmem>>, vector<1x16xf32>,
          %get3A_168 = vector.shape_cast %get3A_167 : vector<1x16xf32> to vector<16xf32>
          %get3A_169 = arith.index_cast %add3A_110 : i32 to index
          %get3A_170 = arith.constant 64 : index
          %get3A_171 = tpu.vector_load %arg14[%get3A_169, %get3A_170] {strides = array<i32>} : memref<80x128xf32, #tpu.memory_space<vmem>>, vector<1x16xf32>,
          %get3A_172 = vector.shape_cast %get3A_171 : vector<1x16xf32> to vector<16xf32>
          %mul3A_173 = arith.mulf %get3A_168, %get3A_172 : vector<16xf32>
          %swap3A_174 = arith.index_cast %add3A_110 : i32 to index
          %swap3A_175 = arith.constant 64 : index
          %swap3A_176 = tpu.vector_load %arg12[%swap3A_174, %swap3A_175] {strides = array<i32>} : memref<80x128xf32, #tpu.memory_space<vmem>>, vector<1x16xf32>,
          %swap3A_177 = vector.shape_cast %swap3A_176 : vector<1x16xf32> to vector<16xf32>
          %swap3A_178 = vector.shape_cast %mul3A_173 : vector<16xf32> to vector<1x16xf32>
          tpu.vector_store %arg12[%swap3A_174, %swap3A_175], %swap3A_178 {strides = array<i32>} : memref<80x128xf32, #tpu.memory_space<vmem>>, vector<1x16xf32>,
          %get3A_179 = arith.index_cast %add3A_110 : i32 to index
          %get3A_180 = arith.constant 80 : index
          %get3A_181 = tpu.vector_load %arg12[%get3A_179, %get3A_180] {strides = array<i32>} : memref<80x128xf32, #tpu.memory_space<vmem>>, vector<1x16xf32>,
          %get3A_182 = vector.shape_cast %get3A_181 : vector<1x16xf32> to vector<16xf32>
          %get3A_183 = arith.index_cast %add3A_110 : i32 to index
          %get3A_184 = arith.constant 80 : index
          %get3A_185 = tpu.vector_load %arg14[%get3A_183, %get3A_184] {strides = array<i32>} : memref<80x128xf32, #tpu.memory_space<vmem>>, vector<1x16xf32>,
          %get3A_186 = vector.shape_cast %get3A_185 : vector<1x16xf32> to vector<16xf32>
          %mul3A_187 = arith.mulf %get3A_182, %get3A_186 : vector<16xf32>
          %swap3A_188 = arith.index_cast %add3A_110 : i32 to index
          %swap3A_189 = arith.constant 80 : index
          %swap3A_190 = tpu.vector_load %arg12[%swap3A_188, %swap3A_189] {strides = array<i32>} : memref<80x128xf32, #tpu.memory_space<vmem>>, vector<1x16xf32>,
          %swap3A_191 = vector.shape_cast %swap3A_190 : vector<1x16xf32> to vector<16xf32>
          %swap3A_192 = vector.shape_cast %mul3A_187 : vector<16xf32> to vector<1x16xf32>
          tpu.vector_store %arg12[%swap3A_188, %swap3A_189], %swap3A_192 {strides = array<i32>} : memref<80x128xf32, #tpu.memory_space<vmem>>, vector<1x16xf32>,
          %get3A_193 = arith.index_cast %add3A_110 : i32 to index
          %get3A_194 = arith.constant 96 : index
          %get3A_195 = tpu.vector_load %arg12[%get3A_193, %get3A_194] {strides = array<i32>} : memref<80x128xf32, #tpu.memory_space<vmem>>, vector<1x16xf32>,
          %get3A_196 = vector.shape_cast %get3A_195 : vector<1x16xf32> to vector<16xf32>
          %get3A_197 = arith.index_cast %add3A_110 : i32 to index
          %get3A_198 = arith.constant 96 : index
          %get3A_199 = tpu.vector_load %arg14[%get3A_197, %get3A_198] {strides = array<i32>} : memref<80x128xf32, #tpu.memory_space<vmem>>, vector<1x16xf32>,
          %get3A_200 = vector.shape_cast %get3A_199 : vector<1x16xf32> to vector<16xf32>
          %mul3A_201 = arith.mulf %get3A_196, %get3A_200 : vector<16xf32>
          %swap3A_202 = arith.index_cast %add3A_110 : i32 to index
          %swap3A_203 = arith.constant 96 : index
          %swap3A_204 = tpu.vector_load %arg12[%swap3A_202, %swap3A_203] {strides = array<i32>} : memref<80x128xf32, #tpu.memory_space<vmem>>, vector<1x16xf32>,
          %swap3A_205 = vector.shape_cast %swap3A_204 : vector<1x16xf32> to vector<16xf32>
          %swap3A_206 = vector.shape_cast %mul3A_201 : vector<16xf32> to vector<1x16xf32>
          tpu.vector_store %arg12[%swap3A_202, %swap3A_203], %swap3A_206 {strides = array<i32>} : memref<80x128xf32, #tpu.memory_space<vmem>>, vector<1x16xf32>,
          %get3A_207 = arith.index_cast %add3A_110 : i32 to index
          %get3A_208 = arith.constant 112 : index
          %get3A_209 = tpu.vector_load %arg12[%get3A_207, %get3A_208] {strides = array<i32>} : memref<80x128xf32, #tpu.memory_space<vmem>>, vector<1x16xf32>,
          %get3A_210 = vector.shape_cast %get3A_209 : vector<1x16xf32> to vector<16xf32>
          %get3A_211 = arith.index_cast %add3A_110 : i32 to index
          %get3A_212 = arith.constant 112 : index
          %get3A_213 = tpu.vector_load %arg14[%get3A_211, %get3A_212] {strides = array<i32>} : memref<80x128xf32, #tpu.memory_space<vmem>>, vector<1x16xf32>,
          %get3A_214 = vector.shape_cast %get3A_213 : vector<1x16xf32> to vector<16xf32>
          %mul3A_215 = arith.mulf %get3A_210, %get3A_214 : vector<16xf32>
          %swap3A_216 = arith.index_cast %add3A_110 : i32 to index
          %swap3A_217 = arith.constant 112 : index
          %swap3A_218 = tpu.vector_load %arg12[%swap3A_216, %swap3A_217] {strides = array<i32>} : memref<80x128xf32, #tpu.memory_space<vmem>>, vector<1x16xf32>,
          %swap3A_219 = vector.shape_cast %swap3A_218 : vector<1x16xf32> to vector<16xf32>
          %swap3A_220 = vector.shape_cast %mul3A_215 : vector<16xf32> to vector<1x16xf32>
          tpu.vector_store %arg12[%swap3A_216, %swap3A_217], %swap3A_220 {strides = array<i32>} : memref<80x128xf32, #tpu.memory_space<vmem>>, vector<1x16xf32>,
        }
        %scan3A_95 = arith.constant 80 : i32
        %ge3A_96 = arith.constant 123 : i32
        %ge3A_97 = arith.cmpi sge, %add3A_60, %ge3A_96 : i32
        %convert_element_type3A_98 = arith.extui %ge3A_97 : i1 to i32
        %cond3A_99 = arith.constant 0 : i32
        %cond3A_100 = arith.cmpi ne, %convert_element_type3A_98, %cond3A_99 : i32
        scf.if %cond3A_100 {
          "tpu.region"() ({
            %run_scoped3A = tpu.sem_alloc : memref<!tpu.dma_semaphore, #tpu.memory_space<semaphore_mem>>
            %dma_start3A_106 = arith.constant 0 : i32
            %dma_start3A_107 = arith.constant 0 : i32
            %dma_start3A_108 = tpu.memref_slice %arg15[%dma_start3A_106, %dma_start3A_107] : memref<10000x128xf32, #tpu.memory_space<vmem_shared>> -> memref<10000x128xf32, #tpu.memory_space<vmem_shared>>
            tpu.enqueue_indirect_dma source(%arg12 : memref<80x128xf32, #tpu.memory_space<vmem>>) target(%dma_start3A_108 : memref<10000x128xf32, #tpu.memory_space<vmem_shared>>) offsets(%arg10 : memref<80xi32, #tpu.memory_space<vmem>>) semaphore(%run_scoped3A : memref<!tpu.dma_semaphore, #tpu.memory_space<semaphore_mem>>) {add = true}
            %dma_wait3A_109 = arith.constant 0 : i32
            %dma_wait3A_110 = arith.constant 0 : i32
            %dma_wait3A_111 = tpu.memref_slice %arg15[%dma_wait3A_109, %dma_wait3A_110] : memref<10000x128xf32, #tpu.memory_space<vmem_shared>> -> memref<10000x128xf32, #tpu.memory_space<vmem_shared>>
            tpu.wait_indirect_dma semaphore(%run_scoped3A : memref<!tpu.dma_semaphore, #tpu.memory_space<semaphore_mem>>) src(%arg12 : memref<80x128xf32, #tpu.memory_space<vmem>>) dst(%dma_wait3A_111 : memref<10000x128xf32, #tpu.memory_space<vmem_shared>>)
            tpu.yield
          }) : () -> ()
        } else {
        }
        %lt3A_101 = arith.constant 123 : i32
        %lt3A_102 = arith.cmpi slt, %add3A_60, %lt3A_101 : i32
        %convert_element_type3A_103 = arith.extui %lt3A_102 : i1 to i32
        %cond3A_104 = arith.constant 0 : i32
        %cond3A_105 = arith.cmpi ne, %convert_element_type3A_103, %cond3A_104 : i32
        scf.if %cond3A_105 {
          %dma_start3A_106 = arith.constant 0 : i32
          %dma_start3A_107 = arith.constant 0 : i32
          %dma_start3A_108 = tpu.memref_slice %arg15[%dma_start3A_106, %dma_start3A_107] : memref<10000x128xf32, #tpu.memory_space<vmem_shared>> -> memref<10000x128xf32, #tpu.memory_space<vmem_shared>>
          tpu.enqueue_indirect_dma source(%arg12 : memref<80x128xf32, #tpu.memory_space<vmem>>) target(%dma_start3A_108 : memref<10000x128xf32, #tpu.memory_space<vmem_shared>>) offsets(%arg10 : memref<80xi32, #tpu.memory_space<vmem>>) semaphore(%arg25 : memref<!tpu.dma_semaphore, #tpu.memory_space<semaphore_mem>>) {add = true}
        } else {
        }
      } else {
      }
    }
    %scan3A_39 = arith.constant 63 : i32
    %barrier3A_40 = arith.constant 0 : index
    tpu.barrier barrier_id(%barrier3A_40)
    %mul3A_41 = arith.constant 624 : i32
    %mul3A_42 = arith.muli %arg1, %mul3A_41 : i32
    "tpu.region"() ({
      %run_scoped3A = tpu.sem_alloc : memref<!tpu.dma_semaphore, #tpu.memory_space<semaphore_mem>>
      %dma_start3A_48 = arith.constant 0 : i32
      %dma_start3A_49 = tpu.memref_slice %arg6[%arg0, %mul3A_42, %dma_start3A_48] : memref<2x10000x128xf32, #tpu.memory_space<hbm>> -> memref<1x624x128xf32, #tpu.memory_space<hbm>>
      %dma_start3A_50 = tpu.memref_squeeze %dma_start3A_49 : memref<1x624x128xf32, #tpu.memory_space<hbm>> -> memref<624x128xf32, #tpu.memory_space<hbm>>
      %dma_start3A_51 = arith.constant 0 : i32
      %dma_start3A_52 = tpu.memref_slice %arg15[%mul3A_42, %dma_start3A_51] : memref<10000x128xf32, #tpu.memory_space<vmem_shared>> -> memref<624x128xf32, #tpu.memory_space<vmem_shared>>
      tpu.enqueue_dma source(%dma_start3A_52 : memref<624x128xf32, #tpu.memory_space<vmem_shared>>) target(%dma_start3A_50 : memref<624x128xf32, #tpu.memory_space<hbm>>) target_semaphore(%run_scoped3A : memref<!tpu.dma_semaphore, #tpu.memory_space<semaphore_mem>>)
      %dma_wait3A = arith.constant 0 : i32
      %dma_wait3A_53 = tpu.memref_slice %arg6[%arg0, %mul3A_42, %dma_wait3A] : memref<2x10000x128xf32, #tpu.memory_space<hbm>> -> memref<1x624x128xf32, #tpu.memory_space<hbm>>
      %dma_wait3A_54 = tpu.memref_squeeze %dma_wait3A_53 : memref<1x624x128xf32, #tpu.memory_space<hbm>> -> memref<624x128xf32, #tpu.memory_space<hbm>>
      %dma_wait3A_55 = arith.constant 0 : i32
      %dma_wait3A_56 = tpu.memref_slice %arg15[%mul3A_42, %dma_wait3A_55] : memref<10000x128xf32, #tpu.memory_space<vmem_shared>> -> memref<624x128xf32, #tpu.memory_space<vmem_shared>>
      tpu.wait_dma2 semaphore(%run_scoped3A : memref<!tpu.dma_semaphore, #tpu.memory_space<semaphore_mem>>) src(%dma_wait3A_56 : memref<624x128xf32, #tpu.memory_space<vmem_shared>>) dst(%dma_wait3A_54 : memref<624x128xf32, #tpu.memory_space<hbm>>)
      tpu.yield
    }) : () -> ()
    %eq3A_43 = arith.constant 15 : i32
    %eq3A_44 = arith.cmpi eq, %arg1, %eq3A_43 : i32
    %convert_element_type3A_45 = arith.extui %eq3A_44 : i1 to i32
    %cond3A_46 = arith.constant 0 : i32
    %cond3A_47 = arith.cmpi ne, %convert_element_type3A_45, %cond3A_46 : i32
    scf.if %cond3A_47 {
      "tpu.region"() ({
        %run_scoped3A = tpu.sem_alloc : memref<!tpu.dma_semaphore, #tpu.memory_space<semaphore_mem>>
        %dma_start3A_48 = arith.constant 9984 : i32
        %dma_start3A_49 = arith.constant 0 : i32
        %dma_start3A_50 = tpu.memref_slice %arg6[%arg0, %dma_start3A_48, %dma_start3A_49] : memref<2x10000x128xf32, #tpu.memory_space<hbm>> -> memref<1x16x128xf32, #tpu.memory_space<hbm>>
        %dma_start3A_51 = tpu.memref_squeeze %dma_start3A_50 : memref<1x16x128xf32, #tpu.memory_space<hbm>> -> memref<16x128xf32, #tpu.memory_space<hbm>>
        %dma_start3A_52 = arith.constant 9984 : i32
        %dma_start3A_53 = arith.constant 0 : i32
        %dma_start3A_54 = tpu.memref_slice %arg15[%dma_start3A_52, %dma_start3A_53] : memref<10000x128xf32, #tpu.memory_space<vmem_shared>> -> memref<16x128xf32, #tpu.memory_space<vmem_shared>>
        tpu.enqueue_dma source(%dma_start3A_54 : memref<16x128xf32, #tpu.memory_space<vmem_shared>>) target(%dma_start3A_51 : memref<16x128xf32, #tpu.memory_space<hbm>>) target_semaphore(%run_scoped3A : memref<!tpu.dma_semaphore, #tpu.memory_space<semaphore_mem>>)
        %dma_wait3A = arith.constant 9984 : i32
        %dma_wait3A_55 = arith.constant 0 : i32
        %dma_wait3A_56 = tpu.memref_slice %arg6[%arg0, %dma_wait3A, %dma_wait3A_55] : memref<2x10000x128xf32, #tpu.memory_space<hbm>> -> memref<1x16x128xf32, #tpu.memory_space<hbm>>
        %dma_wait3A_57 = tpu.memref_squeeze %dma_wait3A_56 : memref<1x16x128xf32, #tpu.memory_space<hbm>> -> memref<16x128xf32, #tpu.memory_space<hbm>>
        %dma_wait3A_58 = arith.constant 9984 : i32
        %dma_wait3A_59 = arith.constant 0 : i32
        %dma_wait3A_60 = tpu.memref_slice %arg15[%dma_wait3A_58, %dma_wait3A_59] : memref<10000x128xf32, #tpu.memory_space<vmem_shared>> -> memref<16x128xf32, #tpu.memory_space<vmem_shared>>
        tpu.wait_dma2 semaphore(%run_scoped3A : memref<!tpu.dma_semaphore, #tpu.memory_space<semaphore_mem>>) src(%dma_wait3A_60 : memref<16x128xf32, #tpu.memory_space<vmem_shared>>) dst(%dma_wait3A_57 : memref<16x128xf32, #tpu.memory_space<hbm>>)
        tpu.yield
      }) : () -> ()
    } else {
    }
    return
  }
}

#map = affine_map<(d0, d1) -> (0, 0)>
#map1 = affine_map<(d0, d1) -> (0)>
#map2 = affine_map<(d0, d1) -> (0, 0, 0)>
module attributes {stable_mosaic.version = 14 : i64} {
  func.func @_sc_body(%arg0: i32, %arg1: i32, %arg2: memref<10000x128xf32, #tpu.memory_space<hbm>>, %arg3: memref<320000x128xf32, #tpu.memory_space<hbm>>, %arg4: memref<320000xi32, #tpu.memory_space<hbm>>, %arg5: memref<320000xi32, #tpu.memory_space<hbm>>, %arg6: memref<2x10000x128xf32, #tpu.memory_space<hbm>>, %arg7: memref<80xi32, #tpu.memory_space<vmem>>, %arg8: memref<80xi32, #tpu.memory_space<vmem>>, %arg9: memref<80xi32, #tpu.memory_space<vmem>>, %arg10: memref<80xi32, #tpu.memory_space<vmem>>, %arg11: memref<80x128xf32, #tpu.memory_space<vmem>>, %arg12: memref<80x128xf32, #tpu.memory_space<vmem>>, %arg13: memref<80x128xf32, #tpu.memory_space<vmem>>, %arg14: memref<80x128xf32, #tpu.memory_space<vmem>>, %arg15: memref<10000x128xf32, #tpu.memory_space<vmem_shared>>, %arg16: memref<!tpu.dma_semaphore, #tpu.memory_space<semaphore_mem>>, %arg17: memref<!tpu.dma_semaphore, #tpu.memory_space<semaphore_mem>>, %arg18: memref<!tpu.dma_semaphore, #tpu.memory_space<semaphore_mem>>, %arg19: memref<!tpu.dma_semaphore, #tpu.memory_space<semaphore_mem>>, %arg20: memref<!tpu.dma_semaphore, #tpu.memory_space<semaphore_mem>>, %arg21: memref<!tpu.dma_semaphore, #tpu.memory_space<semaphore_mem>>, %arg22: memref<!tpu.dma_semaphore, #tpu.memory_space<semaphore_mem>>, %arg23: memref<!tpu.dma_semaphore, #tpu.memory_space<semaphore_mem>>, %arg24: memref<!tpu.dma_semaphore, #tpu.memory_space<semaphore_mem>>, %arg25: memref<!tpu.dma_semaphore, #tpu.memory_space<semaphore_mem>>) attributes {dimension_semantics = [#tpu.dimension_semantics<core_parallel>, #tpu.dimension_semantics<subcore_parallel>], iteration_bounds = array<i64: 2, 16>, scalar_prefetch = 0 : i64, scratch_operands = 19 : i64, tpu.core_type = #tpu.core_type<sc_vector_subcore>, window_params = [{transform_indices = #map}, {transform_indices = #map}, {transform_indices = #map1}, {transform_indices = #map1}, {transform_indices = #map2}]} {
    %mul3A = arith.constant 16 : i32
    %mul3A_0 = arith.muli %arg0, %mul3A : i32
    %add3A = arith.addi %mul3A_0, %arg1 : i32
    %broadcast_in_dim3A = arith.constant 0.000000e+00 : f32
    %broadcast_in_dim3A_1 = vector.broadcast %broadcast_in_dim3A : f32 to vector<16xf32>
    %scan3A = arith.constant 0 : i32
    %scan3A_2 = arith.constant 80 : i32
    %scan3A_3 = arith.addi %scan3A, %scan3A_2 : i32
    %scan3A_4 = arith.constant 1 : i32
    scf.for %scan3A_48 = %scan3A to %scan3A_3 step %scan3A_4  : i32 {
      %mul3A_49 = arith.constant 1 : i32
      %mul3A_50 = arith.muli %scan3A_48, %mul3A_49 : i32
      %add3A_51 = arith.constant 0 : i32
      %add3A_52 = arith.addi %add3A_51, %mul3A_50 : i32
      %swap3A = arith.index_cast %add3A_52 : i32 to index
      %swap3A_53 = arith.constant 0 : index
      %swap3A_54 = tpu.vector_load %arg11[%swap3A, %swap3A_53] {strides = array<i32>} : memref<80x128xf32, #tpu.memory_space<vmem>>, vector<1x16xf32>,
      %swap3A_55 = vector.shape_cast %swap3A_54 : vector<1x16xf32> to vector<16xf32>
      %swap3A_56 = vector.shape_cast %broadcast_in_dim3A_1 : vector<16xf32> to vector<1x16xf32>
      tpu.vector_store %arg11[%swap3A, %swap3A_53], %swap3A_56 {strides = array<i32>} : memref<80x128xf32, #tpu.memory_space<vmem>>, vector<1x16xf32>,
      %swap3A_57 = arith.index_cast %add3A_52 : i32 to index
      %swap3A_58 = arith.constant 16 : index
      %swap3A_59 = tpu.vector_load %arg11[%swap3A_57, %swap3A_58] {strides = array<i32>} : memref<80x128xf32, #tpu.memory_space<vmem>>, vector<1x16xf32>,
      %swap3A_60 = vector.shape_cast %swap3A_59 : vector<1x16xf32> to vector<16xf32>
      %swap3A_61 = vector.shape_cast %broadcast_in_dim3A_1 : vector<16xf32> to vector<1x16xf32>
      tpu.vector_store %arg11[%swap3A_57, %swap3A_58], %swap3A_61 {strides = array<i32>} : memref<80x128xf32, #tpu.memory_space<vmem>>, vector<1x16xf32>,
      %swap3A_62 = arith.index_cast %add3A_52 : i32 to index
      %swap3A_63 = arith.constant 32 : index
      %swap3A_64 = tpu.vector_load %arg11[%swap3A_62, %swap3A_63] {strides = array<i32>} : memref<80x128xf32, #tpu.memory_space<vmem>>, vector<1x16xf32>,
      %swap3A_65 = vector.shape_cast %swap3A_64 : vector<1x16xf32> to vector<16xf32>
      %swap3A_66 = vector.shape_cast %broadcast_in_dim3A_1 : vector<16xf32> to vector<1x16xf32>
      tpu.vector_store %arg11[%swap3A_62, %swap3A_63], %swap3A_66 {strides = array<i32>} : memref<80x128xf32, #tpu.memory_space<vmem>>, vector<1x16xf32>,
      %swap3A_67 = arith.index_cast %add3A_52 : i32 to index
      %swap3A_68 = arith.constant 48 : index
      %swap3A_69 = tpu.vector_load %arg11[%swap3A_67, %swap3A_68] {strides = array<i32>} : memref<80x128xf32, #tpu.memory_space<vmem>>, vector<1x16xf32>,
      %swap3A_70 = vector.shape_cast %swap3A_69 : vector<1x16xf32> to vector<16xf32>
      %swap3A_71 = vector.shape_cast %broadcast_in_dim3A_1 : vector<16xf32> to vector<1x16xf32>
      tpu.vector_store %arg11[%swap3A_67, %swap3A_68], %swap3A_71 {strides = array<i32>} : memref<80x128xf32, #tpu.memory_space<vmem>>, vector<1x16xf32>,
      %swap3A_72 = arith.index_cast %add3A_52 : i32 to index
      %swap3A_73 = arith.constant 64 : index
      %swap3A_74 = tpu.vector_load %arg11[%swap3A_72, %swap3A_73] {strides = array<i32>} : memref<80x128xf32, #tpu.memory_space<vmem>>, vector<1x16xf32>,
      %swap3A_75 = vector.shape_cast %swap3A_74 : vector<1x16xf32> to vector<16xf32>
      %swap3A_76 = vector.shape_cast %broadcast_in_dim3A_1 : vector<16xf32> to vector<1x16xf32>
      tpu.vector_store %arg11[%swap3A_72, %swap3A_73], %swap3A_76 {strides = array<i32>} : memref<80x128xf32, #tpu.memory_space<vmem>>, vector<1x16xf32>,
      %swap3A_77 = arith.index_cast %add3A_52 : i32 to index
      %swap3A_78 = arith.constant 80 : index
      %swap3A_79 = tpu.vector_load %arg11[%swap3A_77, %swap3A_78] {strides = array<i32>} : memref<80x128xf32, #tpu.memory_space<vmem>>, vector<1x16xf32>,
      %swap3A_80 = vector.shape_cast %swap3A_79 : vector<1x16xf32> to vector<16xf32>
      %swap3A_81 = vector.shape_cast %broadcast_in_dim3A_1 : vector<16xf32> to vector<1x16xf32>
      tpu.vector_store %arg11[%swap3A_77, %swap3A_78], %swap3A_81 {strides = array<i32>} : memref<80x128xf32, #tpu.memory_space<vmem>>, vector<1x16xf32>,
      %swap3A_82 = arith.index_cast %add3A_52 : i32 to index
      %swap3A_83 = arith.constant 96 : index
      %swap3A_84 = tpu.vector_load %arg11[%swap3A_82, %swap3A_83] {strides = array<i32>} : memref<80x128xf32, #tpu.memory_space<vmem>>, vector<1x16xf32>,
      %swap3A_85 = vector.shape_cast %swap3A_84 : vector<1x16xf32> to vector<16xf32>
      %swap3A_86 = vector.shape_cast %broadcast_in_dim3A_1 : vector<16xf32> to vector<1x16xf32>
      tpu.vector_store %arg11[%swap3A_82, %swap3A_83], %swap3A_86 {strides = array<i32>} : memref<80x128xf32, #tpu.memory_space<vmem>>, vector<1x16xf32>,
      %swap3A_87 = arith.index_cast %add3A_52 : i32 to index
      %swap3A_88 = arith.constant 112 : index
      %swap3A_89 = tpu.vector_load %arg11[%swap3A_87, %swap3A_88] {strides = array<i32>} : memref<80x128xf32, #tpu.memory_space<vmem>>, vector<1x16xf32>,
      %swap3A_90 = vector.shape_cast %swap3A_89 : vector<1x16xf32> to vector<16xf32>
      %swap3A_91 = vector.shape_cast %broadcast_in_dim3A_1 : vector<16xf32> to vector<1x16xf32>
      tpu.vector_store %arg11[%swap3A_87, %swap3A_88], %swap3A_91 {strides = array<i32>} : memref<80x128xf32, #tpu.memory_space<vmem>>, vector<1x16xf32>,
    }
    %scan3A_5 = arith.constant 80 : i32
    %scan3A_6 = arith.constant 0 : i32
    %scan3A_7 = arith.constant 7 : i32
    %scan3A_8 = arith.addi %scan3A_6, %scan3A_7 : i32
    %scan3A_9 = arith.constant 1 : i32
    scf.for %scan3A_48 = %scan3A_6 to %scan3A_8 step %scan3A_9  : i32 {
      %mul3A_49 = arith.constant 1 : i32
      %mul3A_50 = arith.muli %scan3A_48, %mul3A_49 : i32
      %add3A_51 = arith.constant 0 : i32
      %add3A_52 = arith.addi %add3A_51, %mul3A_50 : i32
      %mul3A_53 = arith.constant 624 : i32
      %mul3A_54 = arith.muli %arg1, %mul3A_53 : i32
      %mul3A_55 = arith.constant 80 : i32
      %mul3A_56 = arith.muli %add3A_52, %mul3A_55 : i32
      %add3A_57 = arith.addi %mul3A_54, %mul3A_56 : i32
      "tpu.region"() ({
        %run_scoped3A = tpu.sem_alloc : memref<!tpu.dma_semaphore, #tpu.memory_space<semaphore_mem>>
        %dma_start3A_58 = arith.constant 0 : i32
        %dma_start3A_59 = tpu.memref_slice %arg15[%add3A_57, %dma_start3A_58] : memref<10000x128xf32, #tpu.memory_space<vmem_shared>> -> memref<80x128xf32, #tpu.memory_space<vmem_shared>>
        %dma_start3A_60 = arith.constant 0 : i32
        %dma_start3A_61 = tpu.memref_slice %arg15[%add3A_57, %dma_start3A_60] : memref<10000x128xf32, #tpu.memory_space<vmem_shared>> -> memref<80x128xf32, #tpu.memory_space<vmem_shared>>
        tpu.enqueue_dma source(%arg11 : memref<80x128xf32, #tpu.memory_space<vmem>>) target(%dma_start3A_61 : memref<80x128xf32, #tpu.memory_space<vmem_shared>>) target_semaphore(%run_scoped3A : memref<!tpu.dma_semaphore, #tpu.memory_space<semaphore_mem>>)
        %dma_wait3A = arith.constant 0 : i32
        %dma_wait3A_62 = tpu.memref_slice %arg15[%add3A_57, %dma_wait3A] : memref<10000x128xf32, #tpu.memory_space<vmem_shared>> -> memref<80x128xf32, #tpu.memory_space<vmem_shared>>
        %dma_wait3A_63 = arith.constant 0 : i32
        %dma_wait3A_64 = tpu.memref_slice %arg15[%add3A_57, %dma_wait3A_63] : memref<10000x128xf32, #tpu.memory_space<vmem_shared>> -> memref<80x128xf32, #tpu.memory_space<vmem_shared>>
        tpu.wait_dma2 semaphore(%run_scoped3A : memref<!tpu.dma_semaphore, #tpu.memory_space<semaphore_mem>>) src(%arg11 : memref<80x128xf32, #tpu.memory_space<vmem>>) dst(%dma_wait3A_64 : memref<80x128xf32, #tpu.memory_space<vmem_shared>>)
        tpu.yield
      }) : () -> ()
    }
    %scan3A_10 = arith.constant 7 : i32
    %mul3A_11 = arith.constant 624 : i32
    %mul3A_12 = arith.muli %arg1, %mul3A_11 : i32
    %add3A_13 = arith.constant 560 : i32
    %add3A_14 = arith.addi %mul3A_12, %add3A_13 : i32
    "tpu.region"() ({
      %run_scoped3A = tpu.sem_alloc : memref<!tpu.dma_semaphore, #tpu.memory_space<semaphore_mem>>
      %dma_start3A_48 = arith.constant 0 : i32
      %dma_start3A_49 = arith.constant 0 : i32
      %dma_start3A_50 = tpu.memref_slice %arg11[%dma_start3A_48, %dma_start3A_49] : memref<80x128xf32, #tpu.memory_space<vmem>> -> memref<64x128xf32, #tpu.memory_space<vmem>>
      %dma_start3A_51 = arith.constant 0 : i32
      %dma_start3A_52 = tpu.memref_slice %arg15[%add3A_14, %dma_start3A_51] : memref<10000x128xf32, #tpu.memory_space<vmem_shared>> -> memref<64x128xf32, #tpu.memory_space<vmem_shared>>
      %dma_start3A_53 = arith.constant 0 : i32
      %dma_start3A_54 = tpu.memref_slice %arg15[%add3A_14, %dma_start3A_53] : memref<10000x128xf32, #tpu.memory_space<vmem_shared>> -> memref<64x128xf32, #tpu.memory_space<vmem_shared>>
      %dma_start3A_55 = arith.constant 0 : i32
      %dma_start3A_56 = arith.constant 0 : i32
      %dma_start3A_57 = tpu.memref_slice %arg11[%dma_start3A_55, %dma_start3A_56] : memref<80x128xf32, #tpu.memory_space<vmem>> -> memref<64x128xf32, #tpu.memory_space<vmem>>
      tpu.enqueue_dma source(%dma_start3A_57 : memref<64x128xf32, #tpu.memory_space<vmem>>) target(%dma_start3A_54 : memref<64x128xf32, #tpu.memory_space<vmem_shared>>) target_semaphore(%run_scoped3A : memref<!tpu.dma_semaphore, #tpu.memory_space<semaphore_mem>>)
      %dma_wait3A = arith.constant 0 : i32
      %dma_wait3A_58 = arith.constant 0 : i32
      %dma_wait3A_59 = tpu.memref_slice %arg11[%dma_wait3A, %dma_wait3A_58] : memref<80x128xf32, #tpu.memory_space<vmem>> -> memref<64x128xf32, #tpu.memory_space<vmem>>
      %dma_wait3A_60 = arith.constant 0 : i32
      %dma_wait3A_61 = tpu.memref_slice %arg15[%add3A_14, %dma_wait3A_60] : memref<10000x128xf32, #tpu.memory_space<vmem_shared>> -> memref<64x128xf32, #tpu.memory_space<vmem_shared>>
      %dma_wait3A_62 = arith.constant 0 : i32
      %dma_wait3A_63 = tpu.memref_slice %arg15[%add3A_14, %dma_wait3A_62] : memref<10000x128xf32, #tpu.memory_space<vmem_shared>> -> memref<64x128xf32, #tpu.memory_space<vmem_shared>>
      %dma_wait3A_64 = arith.constant 0 : i32
      %dma_wait3A_65 = arith.constant 0 : i32
      %dma_wait3A_66 = tpu.memref_slice %arg11[%dma_wait3A_64, %dma_wait3A_65] : memref<80x128xf32, #tpu.memory_space<vmem>> -> memref<64x128xf32, #tpu.memory_space<vmem>>
      tpu.wait_dma2 semaphore(%run_scoped3A : memref<!tpu.dma_semaphore, #tpu.memory_space<semaphore_mem>>) src(%dma_wait3A_66 : memref<64x128xf32, #tpu.memory_space<vmem>>) dst(%dma_wait3A_63 : memref<64x128xf32, #tpu.memory_space<vmem_shared>>)
      tpu.yield
    }) : () -> ()
    %eq3A = arith.constant 15 : i32
    %eq3A_15 = arith.cmpi eq, %arg1, %eq3A : i32
    %convert_element_type3A = arith.extui %eq3A_15 : i1 to i32
    %cond3A = arith.constant 0 : i32
    %cond3A_16 = arith.cmpi ne, %convert_element_type3A, %cond3A : i32
    scf.if %cond3A_16 {
      "tpu.region"() ({
        %run_scoped3A = tpu.sem_alloc : memref<!tpu.dma_semaphore, #tpu.memory_space<semaphore_mem>>
        %dma_start3A_48 = arith.constant 0 : i32
        %dma_start3A_49 = arith.constant 0 : i32
        %dma_start3A_50 = tpu.memref_slice %arg11[%dma_start3A_48, %dma_start3A_49] : memref<80x128xf32, #tpu.memory_space<vmem>> -> memref<16x128xf32, #tpu.memory_space<vmem>>
        %dma_start3A_51 = arith.constant 9984 : i32
        %dma_start3A_52 = arith.constant 0 : i32
        %dma_start3A_53 = tpu.memref_slice %arg15[%dma_start3A_51, %dma_start3A_52] : memref<10000x128xf32, #tpu.memory_space<vmem_shared>> -> memref<16x128xf32, #tpu.memory_space<vmem_shared>>
        %dma_start3A_54 = arith.constant 9984 : i32
        %dma_start3A_55 = arith.constant 0 : i32
        %dma_start3A_56 = tpu.memref_slice %arg15[%dma_start3A_54, %dma_start3A_55] : memref<10000x128xf32, #tpu.memory_space<vmem_shared>> -> memref<16x128xf32, #tpu.memory_space<vmem_shared>>
        %dma_start3A_57 = arith.constant 0 : i32
        %dma_start3A_58 = arith.constant 0 : i32
        %dma_start3A_59 = tpu.memref_slice %arg11[%dma_start3A_57, %dma_start3A_58] : memref<80x128xf32, #tpu.memory_space<vmem>> -> memref<16x128xf32, #tpu.memory_space<vmem>>
        tpu.enqueue_dma source(%dma_start3A_59 : memref<16x128xf32, #tpu.memory_space<vmem>>) target(%dma_start3A_56 : memref<16x128xf32, #tpu.memory_space<vmem_shared>>) target_semaphore(%run_scoped3A : memref<!tpu.dma_semaphore, #tpu.memory_space<semaphore_mem>>)
        %dma_wait3A = arith.constant 0 : i32
        %dma_wait3A_60 = arith.constant 0 : i32
        %dma_wait3A_61 = tpu.memref_slice %arg11[%dma_wait3A, %dma_wait3A_60] : memref<80x128xf32, #tpu.memory_space<vmem>> -> memref<16x128xf32, #tpu.memory_space<vmem>>
        %dma_wait3A_62 = arith.constant 9984 : i32
        %dma_wait3A_63 = arith.constant 0 : i32
        %dma_wait3A_64 = tpu.memref_slice %arg15[%dma_wait3A_62, %dma_wait3A_63] : memref<10000x128xf32, #tpu.memory_space<vmem_shared>> -> memref<16x128xf32, #tpu.memory_space<vmem_shared>>
        %dma_wait3A_65 = arith.constant 9984 : i32
        %dma_wait3A_66 = arith.constant 0 : i32
        %dma_wait3A_67 = tpu.memref_slice %arg15[%dma_wait3A_65, %dma_wait3A_66] : memref<10000x128xf32, #tpu.memory_space<vmem_shared>> -> memref<16x128xf32, #tpu.memory_space<vmem_shared>>
        %dma_wait3A_68 = arith.constant 0 : i32
        %dma_wait3A_69 = arith.constant 0 : i32
        %dma_wait3A_70 = tpu.memref_slice %arg11[%dma_wait3A_68, %dma_wait3A_69] : memref<80x128xf32, #tpu.memory_space<vmem>> -> memref<16x128xf32, #tpu.memory_space<vmem>>
        tpu.wait_dma2 semaphore(%run_scoped3A : memref<!tpu.dma_semaphore, #tpu.memory_space<semaphore_mem>>) src(%dma_wait3A_70 : memref<16x128xf32, #tpu.memory_space<vmem>>) dst(%dma_wait3A_67 : memref<16x128xf32, #tpu.memory_space<vmem_shared>>)
        tpu.yield
      }) : () -> ()
    } else {
    }
    %barrier3A = arith.constant 0 : index
    tpu.barrier barrier_id(%barrier3A)
    %mul3A_17 = arith.constant 10000 : i32
    %mul3A_18 = arith.muli %add3A, %mul3A_17 : i32
    %add3A_19 = arith.constant 0 : i32
    %add3A_20 = arith.addi %mul3A_18, %add3A_19 : i32
    "tpu.region"() ({
      %run_scoped3A = tpu.sem_alloc : memref<!tpu.dma_semaphore, #tpu.memory_space<semaphore_mem>>
      %dma_start3A_48 = tpu.memref_slice %arg4[%add3A_20] : memref<320000xi32, #tpu.memory_space<hbm>> -> memref<80xi32, #tpu.memory_space<hbm>>
      %dma_start3A_49 = tpu.memref_slice %arg4[%add3A_20] : memref<320000xi32, #tpu.memory_space<hbm>> -> memref<80xi32, #tpu.memory_space<hbm>>
      tpu.enqueue_dma source(%dma_start3A_49 : memref<80xi32, #tpu.memory_space<hbm>>) target(%arg7 : memref<80xi32, #tpu.memory_space<vmem>>) target_semaphore(%run_scoped3A : memref<!tpu.dma_semaphore, #tpu.memory_space<semaphore_mem>>)
      %dma_wait3A = tpu.memref_slice %arg4[%add3A_20] : memref<320000xi32, #tpu.memory_space<hbm>> -> memref<80xi32, #tpu.memory_space<hbm>>
      %dma_wait3A_50 = tpu.memref_slice %arg4[%add3A_20] : memref<320000xi32, #tpu.memory_space<hbm>> -> memref<80xi32, #tpu.memory_space<hbm>>
      tpu.wait_dma2 semaphore(%run_scoped3A : memref<!tpu.dma_semaphore, #tpu.memory_space<semaphore_mem>>) src(%dma_wait3A_50 : memref<80xi32, #tpu.memory_space<hbm>>) dst(%arg7 : memref<80xi32, #tpu.memory_space<vmem>>)
      tpu.yield
    }) : () -> ()
    %mul3A_21 = arith.constant 10000 : i32
    %mul3A_22 = arith.muli %add3A, %mul3A_21 : i32
    %add3A_23 = arith.constant 0 : i32
    %add3A_24 = arith.addi %mul3A_22, %add3A_23 : i32
    "tpu.region"() ({
      %run_scoped3A = tpu.sem_alloc : memref<!tpu.dma_semaphore, #tpu.memory_space<semaphore_mem>>
      %dma_start3A_48 = tpu.memref_slice %arg5[%add3A_24] : memref<320000xi32, #tpu.memory_space<hbm>> -> memref<80xi32, #tpu.memory_space<hbm>>
      %dma_start3A_49 = tpu.memref_slice %arg5[%add3A_24] : memref<320000xi32, #tpu.memory_space<hbm>> -> memref<80xi32, #tpu.memory_space<hbm>>
      tpu.enqueue_dma source(%dma_start3A_49 : memref<80xi32, #tpu.memory_space<hbm>>) target(%arg9 : memref<80xi32, #tpu.memory_space<vmem>>) target_semaphore(%run_scoped3A : memref<!tpu.dma_semaphore, #tpu.memory_space<semaphore_mem>>)
      %dma_wait3A = tpu.memref_slice %arg5[%add3A_24] : memref<320000xi32, #tpu.memory_space<hbm>> -> memref<80xi32, #tpu.memory_space<hbm>>
      %dma_wait3A_50 = tpu.memref_slice %arg5[%add3A_24] : memref<320000xi32, #tpu.memory_space<hbm>> -> memref<80xi32, #tpu.memory_space<hbm>>
      tpu.wait_dma2 semaphore(%run_scoped3A : memref<!tpu.dma_semaphore, #tpu.memory_space<semaphore_mem>>) src(%dma_wait3A_50 : memref<80xi32, #tpu.memory_space<hbm>>) dst(%arg9 : memref<80xi32, #tpu.memory_space<vmem>>)
      tpu.yield
    }) : () -> ()
    %dma_start3A = arith.constant 0 : i32
    %dma_start3A_25 = arith.constant 0 : i32
    %dma_start3A_26 = tpu.memref_slice %arg2[%dma_start3A, %dma_start3A_25] : memref<10000x128xf32, #tpu.memory_space<hbm>> -> memref<10000x128xf32, #tpu.memory_space<hbm>>
    tpu.enqueue_indirect_dma source(%dma_start3A_26 : memref<10000x128xf32, #tpu.memory_space<hbm>>) target(%arg11 : memref<80x128xf32, #tpu.memory_space<vmem>>) offsets(%arg7 : memref<80xi32, #tpu.memory_space<vmem>>) semaphore(%arg20 : memref<!tpu.dma_semaphore, #tpu.memory_space<semaphore_mem>>)
    %mul3A_27 = arith.constant 10000 : i32
    %mul3A_28 = arith.muli %add3A, %mul3A_27 : i32
    %add3A_29 = arith.constant 0 : i32
    %add3A_30 = arith.addi %mul3A_28, %add3A_29 : i32
    %dma_start3A_31 = arith.constant 0 : i32
    %dma_start3A_32 = tpu.memref_slice %arg3[%add3A_30, %dma_start3A_31] : memref<320000x128xf32, #tpu.memory_space<hbm>> -> memref<80x128xf32, #tpu.memory_space<hbm>>
    %dma_start3A_33 = arith.constant 0 : i32
    %dma_start3A_34 = tpu.memref_slice %arg3[%add3A_30, %dma_start3A_33] : memref<320000x128xf32, #tpu.memory_space<hbm>> -> memref<80x128xf32, #tpu.memory_space<hbm>>
    tpu.enqueue_dma source(%dma_start3A_34 : memref<80x128xf32, #tpu.memory_space<hbm>>) target(%arg13 : memref<80x128xf32, #tpu.memory_space<vmem>>) target_semaphore(%arg22 : memref<!tpu.dma_semaphore, #tpu.memory_space<semaphore_mem>>)
    %scan3A_35 = arith.constant 0 : i32
    %scan3A_36 = arith.constant 63 : i32
    %scan3A_37 = arith.addi %scan3A_35, %scan3A_36 : i32
    %scan3A_38 = arith.constant 1 : i32
    scf.for %scan3A_48 = %scan3A_35 to %scan3A_37 step %scan3A_38  : i32 {
      %mul3A_49 = arith.constant 2 : i32
      %mul3A_50 = arith.muli %scan3A_48, %mul3A_49 : i32
      %add3A_51 = arith.constant 0 : i32
      %add3A_52 = arith.addi %add3A_51, %mul3A_50 : i32
      %add3A_53 = arith.constant 0 : i32
      %add3A_54 = arith.addi %add3A_52, %add3A_53 : i32
      %lt3A = arith.constant 125 : i32
      %lt3A_55 = arith.cmpi slt, %add3A_54, %lt3A : i32
      %convert_element_type3A_56 = arith.extui %lt3A_55 : i1 to i32
      %cond3A_57 = arith.constant 0 : i32
      %cond3A_58 = arith.cmpi ne, %convert_element_type3A_56, %cond3A_57 : i32
      scf.if %cond3A_58 {
        %add3A_66 = arith.constant 1 : i32
        %add3A_67 = arith.addi %add3A_54, %add3A_66 : i32
        %lt3A_68 = arith.constant 125 : i32
        %lt3A_69 = arith.cmpi slt, %add3A_67, %lt3A_68 : i32
        %ge3A = arith.constant 1 : i32
        %ge3A_70 = arith.cmpi sge, %add3A_54, %ge3A : i32
        %and3A = arith.andi %lt3A_69, %ge3A_70 : i1
        %convert_element_type3A_71 = arith.extui %and3A : i1 to i32
        %cond3A_72 = arith.constant 0 : i32
        %cond3A_73 = arith.cmpi ne, %convert_element_type3A_71, %cond3A_72 : i32
        scf.if %cond3A_73 {
          %dma_wait3A_106 = arith.constant 0 : i32
          %dma_wait3A_107 = arith.constant 0 : i32
          %dma_wait3A_108 = tpu.memref_slice %arg15[%dma_wait3A_106, %dma_wait3A_107] : memref<10000x128xf32, #tpu.memory_space<vmem_shared>> -> memref<10000x128xf32, #tpu.memory_space<vmem_shared>>
          tpu.wait_indirect_dma semaphore(%arg25 : memref<!tpu.dma_semaphore, #tpu.memory_space<semaphore_mem>>) src(%arg12 : memref<80x128xf32, #tpu.memory_space<vmem>>) dst(%dma_wait3A_108 : memref<10000x128xf32, #tpu.memory_space<vmem_shared>>)
        } else {
        }
        %convert_element_type3A_74 = arith.extui %lt3A_69 : i1 to i32
        %cond3A_75 = arith.constant 0 : i32
        %cond3A_76 = arith.cmpi ne, %convert_element_type3A_74, %cond3A_75 : i32
        scf.if %cond3A_76 {
          %add3A_106 = arith.constant 1 : i32
          %add3A_107 = arith.addi %add3A_54, %add3A_106 : i32
          %mul3A_108 = arith.constant 10000 : i32
          %mul3A_109 = arith.muli %add3A, %mul3A_108 : i32
          %mul3A_110 = arith.constant 80 : i32
          %mul3A_111 = arith.muli %add3A_107, %mul3A_110 : i32
          %add3A_112 = arith.addi %mul3A_109, %mul3A_111 : i32
          %dma_start3A_113 = tpu.memref_slice %arg4[%add3A_112] : memref<320000xi32, #tpu.memory_space<hbm>> -> memref<80xi32, #tpu.memory_space<hbm>>
          %dma_start3A_114 = tpu.memref_slice %arg4[%add3A_112] : memref<320000xi32, #tpu.memory_space<hbm>> -> memref<80xi32, #tpu.memory_space<hbm>>
          tpu.enqueue_dma source(%dma_start3A_114 : memref<80xi32, #tpu.memory_space<hbm>>) target(%arg8 : memref<80xi32, #tpu.memory_space<vmem>>) target_semaphore(%arg17 : memref<!tpu.dma_semaphore, #tpu.memory_space<semaphore_mem>>)
          %add3A_115 = arith.constant 1 : i32
          %add3A_116 = arith.addi %add3A_54, %add3A_115 : i32
          %mul3A_117 = arith.constant 10000 : i32
          %mul3A_118 = arith.muli %add3A, %mul3A_117 : i32
          %mul3A_119 = arith.constant 80 : i32
          %mul3A_120 = arith.muli %add3A_116, %mul3A_119 : i32
          %add3A_121 = arith.addi %mul3A_118, %mul3A_120 : i32
          %dma_start3A_122 = tpu.memref_slice %arg5[%add3A_121] : memref<320000xi32, #tpu.memory_space<hbm>> -> memref<80xi32, #tpu.memory_space<hbm>>
          %dma_start3A_123 = tpu.memref_slice %arg5[%add3A_121] : memref<320000xi32, #tpu.memory_space<hbm>> -> memref<80xi32, #tpu.memory_space<hbm>>
          tpu.enqueue_dma source(%dma_start3A_123 : memref<80xi32, #tpu.memory_space<hbm>>) target(%arg10 : memref<80xi32, #tpu.memory_space<vmem>>) target_semaphore(%arg19 : memref<!tpu.dma_semaphore, #tpu.memory_space<semaphore_mem>>)
        } else {
        }
        %dma_wait3A = arith.constant 0 : i32
        %dma_wait3A_77 = arith.constant 0 : i32
        %dma_wait3A_78 = tpu.memref_slice %arg2[%dma_wait3A, %dma_wait3A_77] : memref<10000x128xf32, #tpu.memory_space<hbm>> -> memref<10000x128xf32, #tpu.memory_space<hbm>>
        tpu.wait_indirect_dma semaphore(%arg20 : memref<!tpu.dma_semaphore, #tpu.memory_space<semaphore_mem>>) src(%dma_wait3A_78 : memref<10000x128xf32, #tpu.memory_space<hbm>>) dst(%arg11 : memref<80x128xf32, #tpu.memory_space<vmem>>)
        %convert_element_type3A_79 = arith.extui %lt3A_69 : i1 to i32
        %cond3A_80 = arith.constant 0 : i32
        %cond3A_81 = arith.cmpi ne, %convert_element_type3A_79, %cond3A_80 : i32
        scf.if %cond3A_81 {
          %add3A_106 = arith.constant 1 : i32
          %add3A_107 = arith.addi %add3A_54, %add3A_106 : i32
          %mul3A_108 = arith.constant 10000 : i32
          %mul3A_109 = arith.muli %add3A, %mul3A_108 : i32
          %mul3A_110 = arith.constant 80 : i32
          %mul3A_111 = arith.muli %add3A_107, %mul3A_110 : i32
          %add3A_112 = arith.addi %mul3A_109, %mul3A_111 : i32
          %dma_wait3A_113 = tpu.memref_slice %arg4[%add3A_112] : memref<320000xi32, #tpu.memory_space<hbm>> -> memref<80xi32, #tpu.memory_space<hbm>>
          %dma_wait3A_114 = tpu.memref_slice %arg4[%add3A_112] : memref<320000xi32, #tpu.memory_space<hbm>> -> memref<80xi32, #tpu.memory_space<hbm>>
          tpu.wait_dma2 semaphore(%arg17 : memref<!tpu.dma_semaphore, #tpu.memory_space<semaphore_mem>>) src(%dma_wait3A_114 : memref<80xi32, #tpu.memory_space<hbm>>) dst(%arg8 : memref<80xi32, #tpu.memory_space<vmem>>)
          %add3A_115 = arith.constant 1 : i32
          %add3A_116 = arith.addi %add3A_54, %add3A_115 : i32
          %mul3A_117 = arith.constant 10000 : i32
          %mul3A_118 = arith.muli %add3A, %mul3A_117 : i32
          %mul3A_119 = arith.constant 80 : i32
          %mul3A_120 = arith.muli %add3A_116, %mul3A_119 : i32
          %add3A_121 = arith.addi %mul3A_118, %mul3A_120 : i32
          %dma_wait3A_122 = tpu.memref_slice %arg5[%add3A_121] : memref<320000xi32, #tpu.memory_space<hbm>> -> memref<80xi32, #tpu.memory_space<hbm>>
          %dma_wait3A_123 = tpu.memref_slice %arg5[%add3A_121] : memref<320000xi32, #tpu.memory_space<hbm>> -> memref<80xi32, #tpu.memory_space<hbm>>
          tpu.wait_dma2 semaphore(%arg19 : memref<!tpu.dma_semaphore, #tpu.memory_space<semaphore_mem>>) src(%dma_wait3A_123 : memref<80xi32, #tpu.memory_space<hbm>>) dst(%arg10 : memref<80xi32, #tpu.memory_space<vmem>>)
          %dma_start3A_124 = arith.constant 0 : i32
          %dma_start3A_125 = arith.constant 0 : i32
          %dma_start3A_126 = tpu.memref_slice %arg2[%dma_start3A_124, %dma_start3A_125] : memref<10000x128xf32, #tpu.memory_space<hbm>> -> memref<10000x128xf32, #tpu.memory_space<hbm>>
          tpu.enqueue_indirect_dma source(%dma_start3A_126 : memref<10000x128xf32, #tpu.memory_space<hbm>>) target(%arg12 : memref<80x128xf32, #tpu.memory_space<vmem>>) offsets(%arg8 : memref<80xi32, #tpu.memory_space<vmem>>) semaphore(%arg21 : memref<!tpu.dma_semaphore, #tpu.memory_space<semaphore_mem>>)
          %add3A_127 = arith.constant 1 : i32
          %add3A_128 = arith.addi %add3A_54, %add3A_127 : i32
          %mul3A_129 = arith.constant 10000 : i32
          %mul3A_130 = arith.muli %add3A, %mul3A_129 : i32
          %mul3A_131 = arith.constant 80 : i32
          %mul3A_132 = arith.muli %add3A_128, %mul3A_131 : i32
          %add3A_133 = arith.addi %mul3A_130, %mul3A_132 : i32
          %dma_start3A_134 = arith.constant 0 : i32
          %dma_start3A_135 = tpu.memref_slice %arg3[%add3A_133, %dma_start3A_134] : memref<320000x128xf32, #tpu.memory_space<hbm>> -> memref<80x128xf32, #tpu.memory_space<hbm>>
          %dma_start3A_136 = arith.constant 0 : i32
          %dma_start3A_137 = tpu.memref_slice %arg3[%add3A_133, %dma_start3A_136] : memref<320000x128xf32, #tpu.memory_space<hbm>> -> memref<80x128xf32, #tpu.memory_space<hbm>>
          tpu.enqueue_dma source(%dma_start3A_137 : memref<80x128xf32, #tpu.memory_space<hbm>>) target(%arg14 : memref<80x128xf32, #tpu.memory_space<vmem>>) target_semaphore(%arg23 : memref<!tpu.dma_semaphore, #tpu.memory_space<semaphore_mem>>)
        } else {
        }
        %mul3A_82 = arith.constant 10000 : i32
        %mul3A_83 = arith.muli %add3A, %mul3A_82 : i32
        %mul3A_84 = arith.constant 80 : i32
        %mul3A_85 = arith.muli %add3A_54, %mul3A_84 : i32
        %add3A_86 = arith.addi %mul3A_83, %mul3A_85 : i32
        %dma_wait3A_87 = arith.constant 0 : i32
        %dma_wait3A_88 = tpu.memref_slice %arg3[%add3A_86, %dma_wait3A_87] : memref<320000x128xf32, #tpu.memory_space<hbm>> -> memref<80x128xf32, #tpu.memory_space<hbm>>
        %dma_wait3A_89 = arith.constant 0 : i32
        %dma_wait3A_90 = tpu.memref_slice %arg3[%add3A_86, %dma_wait3A_89] : memref<320000x128xf32, #tpu.memory_space<hbm>> -> memref<80x128xf32, #tpu.memory_space<hbm>>
        tpu.wait_dma2 semaphore(%arg22 : memref<!tpu.dma_semaphore, #tpu.memory_space<semaphore_mem>>) src(%dma_wait3A_90 : memref<80x128xf32, #tpu.memory_space<hbm>>) dst(%arg13 : memref<80x128xf32, #tpu.memory_space<vmem>>)
        %scan3A_91 = arith.constant 0 : i32
        %scan3A_92 = arith.constant 80 : i32
        %scan3A_93 = arith.addi %scan3A_91, %scan3A_92 : i32
        %scan3A_94 = arith.constant 1 : i32
        scf.for %scan3A_106 = %scan3A_91 to %scan3A_93 step %scan3A_94  : i32 {
          %mul3A_107 = arith.constant 1 : i32
          %mul3A_108 = arith.muli %scan3A_106, %mul3A_107 : i32
          %add3A_109 = arith.constant 0 : i32
          %add3A_110 = arith.addi %add3A_109, %mul3A_108 : i32
          %get3A = arith.index_cast %add3A_110 : i32 to index
          %get3A_111 = arith.constant 0 : index
          %get3A_112 = tpu.vector_load %arg11[%get3A, %get3A_111] {strides = array<i32>} : memref<80x128xf32, #tpu.memory_space<vmem>>, vector<1x16xf32>,
          %get3A_113 = vector.shape_cast %get3A_112 : vector<1x16xf32> to vector<16xf32>
          %get3A_114 = arith.index_cast %add3A_110 : i32 to index
          %get3A_115 = arith.constant 0 : index
          %get3A_116 = tpu.vector_load %arg13[%get3A_114, %get3A_115] {strides = array<i32>} : memref<80x128xf32, #tpu.memory_space<vmem>>, vector<1x16xf32>,
          %get3A_117 = vector.shape_cast %get3A_116 : vector<1x16xf32> to vector<16xf32>
          %mul3A_118 = arith.mulf %get3A_113, %get3A_117 : vector<16xf32>
          %swap3A = arith.index_cast %add3A_110 : i32 to index
          %swap3A_119 = arith.constant 0 : index
          %swap3A_120 = tpu.vector_load %arg11[%swap3A, %swap3A_119] {strides = array<i32>} : memref<80x128xf32, #tpu.memory_space<vmem>>, vector<1x16xf32>,
          %swap3A_121 = vector.shape_cast %swap3A_120 : vector<1x16xf32> to vector<16xf32>
          %swap3A_122 = vector.shape_cast %mul3A_118 : vector<16xf32> to vector<1x16xf32>
          tpu.vector_store %arg11[%swap3A, %swap3A_119], %swap3A_122 {strides = array<i32>} : memref<80x128xf32, #tpu.memory_space<vmem>>, vector<1x16xf32>,
          %get3A_123 = arith.index_cast %add3A_110 : i32 to index
          %get3A_124 = arith.constant 16 : index
          %get3A_125 = tpu.vector_load %arg11[%get3A_123, %get3A_124] {strides = array<i32>} : memref<80x128xf32, #tpu.memory_space<vmem>>, vector<1x16xf32>,
          %get3A_126 = vector.shape_cast %get3A_125 : vector<1x16xf32> to vector<16xf32>
          %get3A_127 = arith.index_cast %add3A_110 : i32 to index
          %get3A_128 = arith.constant 16 : index
          %get3A_129 = tpu.vector_load %arg13[%get3A_127, %get3A_128] {strides = array<i32>} : memref<80x128xf32, #tpu.memory_space<vmem>>, vector<1x16xf32>,
          %get3A_130 = vector.shape_cast %get3A_129 : vector<1x16xf32> to vector<16xf32>
          %mul3A_131 = arith.mulf %get3A_126, %get3A_130 : vector<16xf32>
          %swap3A_132 = arith.index_cast %add3A_110 : i32 to index
          %swap3A_133 = arith.constant 16 : index
          %swap3A_134 = tpu.vector_load %arg11[%swap3A_132, %swap3A_133] {strides = array<i32>} : memref<80x128xf32, #tpu.memory_space<vmem>>, vector<1x16xf32>,
          %swap3A_135 = vector.shape_cast %swap3A_134 : vector<1x16xf32> to vector<16xf32>
          %swap3A_136 = vector.shape_cast %mul3A_131 : vector<16xf32> to vector<1x16xf32>
          tpu.vector_store %arg11[%swap3A_132, %swap3A_133], %swap3A_136 {strides = array<i32>} : memref<80x128xf32, #tpu.memory_space<vmem>>, vector<1x16xf32>,
          %get3A_137 = arith.index_cast %add3A_110 : i32 to index
          %get3A_138 = arith.constant 32 : index
          %get3A_139 = tpu.vector_load %arg11[%get3A_137, %get3A_138] {strides = array<i32>} : memref<80x128xf32, #tpu.memory_space<vmem>>, vector<1x16xf32>,
          %get3A_140 = vector.shape_cast %get3A_139 : vector<1x16xf32> to vector<16xf32>
          %get3A_141 = arith.index_cast %add3A_110 : i32 to index
          %get3A_142 = arith.constant 32 : index
          %get3A_143 = tpu.vector_load %arg13[%get3A_141, %get3A_142] {strides = array<i32>} : memref<80x128xf32, #tpu.memory_space<vmem>>, vector<1x16xf32>,
          %get3A_144 = vector.shape_cast %get3A_143 : vector<1x16xf32> to vector<16xf32>
          %mul3A_145 = arith.mulf %get3A_140, %get3A_144 : vector<16xf32>
          %swap3A_146 = arith.index_cast %add3A_110 : i32 to index
          %swap3A_147 = arith.constant 32 : index
          %swap3A_148 = tpu.vector_load %arg11[%swap3A_146, %swap3A_147] {strides = array<i32>} : memref<80x128xf32, #tpu.memory_space<vmem>>, vector<1x16xf32>,
          %swap3A_149 = vector.shape_cast %swap3A_148 : vector<1x16xf32> to vector<16xf32>
          %swap3A_150 = vector.shape_cast %mul3A_145 : vector<16xf32> to vector<1x16xf32>
          tpu.vector_store %arg11[%swap3A_146, %swap3A_147], %swap3A_150 {strides = array<i32>} : memref<80x128xf32, #tpu.memory_space<vmem>>, vector<1x16xf32>,
          %get3A_151 = arith.index_cast %add3A_110 : i32 to index
          %get3A_152 = arith.constant 48 : index
          %get3A_153 = tpu.vector_load %arg11[%get3A_151, %get3A_152] {strides = array<i32>} : memref<80x128xf32, #tpu.memory_space<vmem>>, vector<1x16xf32>,
          %get3A_154 = vector.shape_cast %get3A_153 : vector<1x16xf32> to vector<16xf32>
          %get3A_155 = arith.index_cast %add3A_110 : i32 to index
          %get3A_156 = arith.constant 48 : index
          %get3A_157 = tpu.vector_load %arg13[%get3A_155, %get3A_156] {strides = array<i32>} : memref<80x128xf32, #tpu.memory_space<vmem>>, vector<1x16xf32>,
          %get3A_158 = vector.shape_cast %get3A_157 : vector<1x16xf32> to vector<16xf32>
          %mul3A_159 = arith.mulf %get3A_154, %get3A_158 : vector<16xf32>
          %swap3A_160 = arith.index_cast %add3A_110 : i32 to index
          %swap3A_161 = arith.constant 48 : index
          %swap3A_162 = tpu.vector_load %arg11[%swap3A_160, %swap3A_161] {strides = array<i32>} : memref<80x128xf32, #tpu.memory_space<vmem>>, vector<1x16xf32>,
          %swap3A_163 = vector.shape_cast %swap3A_162 : vector<1x16xf32> to vector<16xf32>
          %swap3A_164 = vector.shape_cast %mul3A_159 : vector<16xf32> to vector<1x16xf32>
          tpu.vector_store %arg11[%swap3A_160, %swap3A_161], %swap3A_164 {strides = array<i32>} : memref<80x128xf32, #tpu.memory_space<vmem>>, vector<1x16xf32>,
          %get3A_165 = arith.index_cast %add3A_110 : i32 to index
          %get3A_166 = arith.constant 64 : index
          %get3A_167 = tpu.vector_load %arg11[%get3A_165, %get3A_166] {strides = array<i32>} : memref<80x128xf32, #tpu.memory_space<vmem>>, vector<1x16xf32>,
          %get3A_168 = vector.shape_cast %get3A_167 : vector<1x16xf32> to vector<16xf32>
          %get3A_169 = arith.index_cast %add3A_110 : i32 to index
          %get3A_170 = arith.constant 64 : index
          %get3A_171 = tpu.vector_load %arg13[%get3A_169, %get3A_170] {strides = array<i32>} : memref<80x128xf32, #tpu.memory_space<vmem>>, vector<1x16xf32>,
          %get3A_172 = vector.shape_cast %get3A_171 : vector<1x16xf32> to vector<16xf32>
          %mul3A_173 = arith.mulf %get3A_168, %get3A_172 : vector<16xf32>
          %swap3A_174 = arith.index_cast %add3A_110 : i32 to index
          %swap3A_175 = arith.constant 64 : index
          %swap3A_176 = tpu.vector_load %arg11[%swap3A_174, %swap3A_175] {strides = array<i32>} : memref<80x128xf32, #tpu.memory_space<vmem>>, vector<1x16xf32>,
          %swap3A_177 = vector.shape_cast %swap3A_176 : vector<1x16xf32> to vector<16xf32>
          %swap3A_178 = vector.shape_cast %mul3A_173 : vector<16xf32> to vector<1x16xf32>
          tpu.vector_store %arg11[%swap3A_174, %swap3A_175], %swap3A_178 {strides = array<i32>} : memref<80x128xf32, #tpu.memory_space<vmem>>, vector<1x16xf32>,
          %get3A_179 = arith.index_cast %add3A_110 : i32 to index
          %get3A_180 = arith.constant 80 : index
          %get3A_181 = tpu.vector_load %arg11[%get3A_179, %get3A_180] {strides = array<i32>} : memref<80x128xf32, #tpu.memory_space<vmem>>, vector<1x16xf32>,
          %get3A_182 = vector.shape_cast %get3A_181 : vector<1x16xf32> to vector<16xf32>
          %get3A_183 = arith.index_cast %add3A_110 : i32 to index
          %get3A_184 = arith.constant 80 : index
          %get3A_185 = tpu.vector_load %arg13[%get3A_183, %get3A_184] {strides = array<i32>} : memref<80x128xf32, #tpu.memory_space<vmem>>, vector<1x16xf32>,
          %get3A_186 = vector.shape_cast %get3A_185 : vector<1x16xf32> to vector<16xf32>
          %mul3A_187 = arith.mulf %get3A_182, %get3A_186 : vector<16xf32>
          %swap3A_188 = arith.index_cast %add3A_110 : i32 to index
          %swap3A_189 = arith.constant 80 : index
          %swap3A_190 = tpu.vector_load %arg11[%swap3A_188, %swap3A_189] {strides = array<i32>} : memref<80x128xf32, #tpu.memory_space<vmem>>, vector<1x16xf32>,
          %swap3A_191 = vector.shape_cast %swap3A_190 : vector<1x16xf32> to vector<16xf32>
          %swap3A_192 = vector.shape_cast %mul3A_187 : vector<16xf32> to vector<1x16xf32>
          tpu.vector_store %arg11[%swap3A_188, %swap3A_189], %swap3A_192 {strides = array<i32>} : memref<80x128xf32, #tpu.memory_space<vmem>>, vector<1x16xf32>,
          %get3A_193 = arith.index_cast %add3A_110 : i32 to index
          %get3A_194 = arith.constant 96 : index
          %get3A_195 = tpu.vector_load %arg11[%get3A_193, %get3A_194] {strides = array<i32>} : memref<80x128xf32, #tpu.memory_space<vmem>>, vector<1x16xf32>,
          %get3A_196 = vector.shape_cast %get3A_195 : vector<1x16xf32> to vector<16xf32>
          %get3A_197 = arith.index_cast %add3A_110 : i32 to index
          %get3A_198 = arith.constant 96 : index
          %get3A_199 = tpu.vector_load %arg13[%get3A_197, %get3A_198] {strides = array<i32>} : memref<80x128xf32, #tpu.memory_space<vmem>>, vector<1x16xf32>,
          %get3A_200 = vector.shape_cast %get3A_199 : vector<1x16xf32> to vector<16xf32>
          %mul3A_201 = arith.mulf %get3A_196, %get3A_200 : vector<16xf32>
          %swap3A_202 = arith.index_cast %add3A_110 : i32 to index
          %swap3A_203 = arith.constant 96 : index
          %swap3A_204 = tpu.vector_load %arg11[%swap3A_202, %swap3A_203] {strides = array<i32>} : memref<80x128xf32, #tpu.memory_space<vmem>>, vector<1x16xf32>,
          %swap3A_205 = vector.shape_cast %swap3A_204 : vector<1x16xf32> to vector<16xf32>
          %swap3A_206 = vector.shape_cast %mul3A_201 : vector<16xf32> to vector<1x16xf32>
          tpu.vector_store %arg11[%swap3A_202, %swap3A_203], %swap3A_206 {strides = array<i32>} : memref<80x128xf32, #tpu.memory_space<vmem>>, vector<1x16xf32>,
          %get3A_207 = arith.index_cast %add3A_110 : i32 to index
          %get3A_208 = arith.constant 112 : index
          %get3A_209 = tpu.vector_load %arg11[%get3A_207, %get3A_208] {strides = array<i32>} : memref<80x128xf32, #tpu.memory_space<vmem>>, vector<1x16xf32>,
          %get3A_210 = vector.shape_cast %get3A_209 : vector<1x16xf32> to vector<16xf32>
          %get3A_211 = arith.index_cast %add3A_110 : i32 to index
          %get3A_212 = arith.constant 112 : index
          %get3A_213 = tpu.vector_load %arg13[%get3A_211, %get3A_212] {strides = array<i32>} : memref<80x128xf32, #tpu.memory_space<vmem>>, vector<1x16xf32>,
          %get3A_214 = vector.shape_cast %get3A_213 : vector<1x16xf32> to vector<16xf32>
          %mul3A_215 = arith.mulf %get3A_210, %get3A_214 : vector<16xf32>
          %swap3A_216 = arith.index_cast %add3A_110 : i32 to index
          %swap3A_217 = arith.constant 112 : index
          %swap3A_218 = tpu.vector_load %arg11[%swap3A_216, %swap3A_217] {strides = array<i32>} : memref<80x128xf32, #tpu.memory_space<vmem>>, vector<1x16xf32>,
          %swap3A_219 = vector.shape_cast %swap3A_218 : vector<1x16xf32> to vector<16xf32>
          %swap3A_220 = vector.shape_cast %mul3A_215 : vector<16xf32> to vector<1x16xf32>
          tpu.vector_store %arg11[%swap3A_216, %swap3A_217], %swap3A_220 {strides = array<i32>} : memref<80x128xf32, #tpu.memory_space<vmem>>, vector<1x16xf32>,
        }
        %scan3A_95 = arith.constant 80 : i32
        %ge3A_96 = arith.constant 123 : i32
        %ge3A_97 = arith.cmpi sge, %add3A_54, %ge3A_96 : i32
        %convert_element_type3A_98 = arith.extui %ge3A_97 : i1 to i32
        %cond3A_99 = arith.constant 0 : i32
        %cond3A_100 = arith.cmpi ne, %convert_element_type3A_98, %cond3A_99 : i32
        scf.if %cond3A_100 {
          "tpu.region"() ({
            %run_scoped3A = tpu.sem_alloc : memref<!tpu.dma_semaphore, #tpu.memory_space<semaphore_mem>>
            %dma_start3A_106 = arith.constant 0 : i32
            %dma_start3A_107 = arith.constant 0 : i32
            %dma_start3A_108 = tpu.memref_slice %arg15[%dma_start3A_106, %dma_start3A_107] : memref<10000x128xf32, #tpu.memory_space<vmem_shared>> -> memref<10000x128xf32, #tpu.memory_space<vmem_shared>>
            tpu.enqueue_indirect_dma source(%arg11 : memref<80x128xf32, #tpu.memory_space<vmem>>) target(%dma_start3A_108 : memref<10000x128xf32, #tpu.memory_space<vmem_shared>>) offsets(%arg9 : memref<80xi32, #tpu.memory_space<vmem>>) semaphore(%run_scoped3A : memref<!tpu.dma_semaphore, #tpu.memory_space<semaphore_mem>>) {add = true}
            %dma_wait3A_109 = arith.constant 0 : i32
            %dma_wait3A_110 = arith.constant 0 : i32
            %dma_wait3A_111 = tpu.memref_slice %arg15[%dma_wait3A_109, %dma_wait3A_110] : memref<10000x128xf32, #tpu.memory_space<vmem_shared>> -> memref<10000x128xf32, #tpu.memory_space<vmem_shared>>
            tpu.wait_indirect_dma semaphore(%run_scoped3A : memref<!tpu.dma_semaphore, #tpu.memory_space<semaphore_mem>>) src(%arg11 : memref<80x128xf32, #tpu.memory_space<vmem>>) dst(%dma_wait3A_111 : memref<10000x128xf32, #tpu.memory_space<vmem_shared>>)
            tpu.yield
          }) : () -> ()
        } else {
        }
        %lt3A_101 = arith.constant 123 : i32
        %lt3A_102 = arith.cmpi slt, %add3A_54, %lt3A_101 : i32
        %convert_element_type3A_103 = arith.extui %lt3A_102 : i1 to i32
        %cond3A_104 = arith.constant 0 : i32
        %cond3A_105 = arith.cmpi ne, %convert_element_type3A_103, %cond3A_104 : i32
        scf.if %cond3A_105 {
          %dma_start3A_106 = arith.constant 0 : i32
          %dma_start3A_107 = arith.constant 0 : i32
          %dma_start3A_108 = tpu.memref_slice %arg15[%dma_start3A_106, %dma_start3A_107] : memref<10000x128xf32, #tpu.memory_space<vmem_shared>> -> memref<10000x128xf32, #tpu.memory_space<vmem_shared>>
          tpu.enqueue_indirect_dma source(%arg11 : memref<80x128xf32, #tpu.memory_space<vmem>>) target(%dma_start3A_108 : memref<10000x128xf32, #tpu.memory_space<vmem_shared>>) offsets(%arg9 : memref<80xi32, #tpu.memory_space<vmem>>) semaphore(%arg24 : memref<!tpu.dma_semaphore, #tpu.memory_space<semaphore_mem>>) {add = true}
        } else {
        }
      } else {
      }
      %add3A_59 = arith.constant 1 : i32
      %add3A_60 = arith.addi %add3A_52, %add3A_59 : i32
      %lt3A_61 = arith.constant 125 : i32
      %lt3A_62 = arith.cmpi slt, %add3A_60, %lt3A_61 : i32
      %convert_element_type3A_63 = arith.extui %lt3A_62 : i1 to i32
      %cond3A_64 = arith.constant 0 : i32
      %cond3A_65 = arith.cmpi ne, %convert_element_type3A_63, %cond3A_64 : i32
      scf.if %cond3A_65 {
        %add3A_66 = arith.constant 1 : i32
        %add3A_67 = arith.addi %add3A_60, %add3A_66 : i32
        %lt3A_68 = arith.constant 125 : i32
        %lt3A_69 = arith.cmpi slt, %add3A_67, %lt3A_68 : i32
        %ge3A = arith.constant 1 : i32
        %ge3A_70 = arith.cmpi sge, %add3A_60, %ge3A : i32
        %and3A = arith.andi %lt3A_69, %ge3A_70 : i1
        %convert_element_type3A_71 = arith.extui %and3A : i1 to i32
        %cond3A_72 = arith.constant 0 : i32
        %cond3A_73 = arith.cmpi ne, %convert_element_type3A_71, %cond3A_72 : i32
        scf.if %cond3A_73 {
          %dma_wait3A_106 = arith.constant 0 : i32
          %dma_wait3A_107 = arith.constant 0 : i32
          %dma_wait3A_108 = tpu.memref_slice %arg15[%dma_wait3A_106, %dma_wait3A_107] : memref<10000x128xf32, #tpu.memory_space<vmem_shared>> -> memref<10000x128xf32, #tpu.memory_space<vmem_shared>>
          tpu.wait_indirect_dma semaphore(%arg24 : memref<!tpu.dma_semaphore, #tpu.memory_space<semaphore_mem>>) src(%arg11 : memref<80x128xf32, #tpu.memory_space<vmem>>) dst(%dma_wait3A_108 : memref<10000x128xf32, #tpu.memory_space<vmem_shared>>)
        } else {
        }
        %convert_element_type3A_74 = arith.extui %lt3A_69 : i1 to i32
        %cond3A_75 = arith.constant 0 : i32
        %cond3A_76 = arith.cmpi ne, %convert_element_type3A_74, %cond3A_75 : i32
        scf.if %cond3A_76 {
          %add3A_106 = arith.constant 1 : i32
          %add3A_107 = arith.addi %add3A_60, %add3A_106 : i32
          %mul3A_108 = arith.constant 10000 : i32
          %mul3A_109 = arith.muli %add3A, %mul3A_108 : i32
          %mul3A_110 = arith.constant 80 : i32
          %mul3A_111 = arith.muli %add3A_107, %mul3A_110 : i32
          %add3A_112 = arith.addi %mul3A_109, %mul3A_111 : i32
          %dma_start3A_113 = tpu.memref_slice %arg4[%add3A_112] : memref<320000xi32, #tpu.memory_space<hbm>> -> memref<80xi32, #tpu.memory_space<hbm>>
          %dma_start3A_114 = tpu.memref_slice %arg4[%add3A_112] : memref<320000xi32, #tpu.memory_space<hbm>> -> memref<80xi32, #tpu.memory_space<hbm>>
          tpu.enqueue_dma source(%dma_start3A_114 : memref<80xi32, #tpu.memory_space<hbm>>) target(%arg7 : memref<80xi32, #tpu.memory_space<vmem>>) target_semaphore(%arg16 : memref<!tpu.dma_semaphore, #tpu.memory_space<semaphore_mem>>)
          %add3A_115 = arith.constant 1 : i32
          %add3A_116 = arith.addi %add3A_60, %add3A_115 : i32
          %mul3A_117 = arith.constant 10000 : i32
          %mul3A_118 = arith.muli %add3A, %mul3A_117 : i32
          %mul3A_119 = arith.constant 80 : i32
          %mul3A_120 = arith.muli %add3A_116, %mul3A_119 : i32
          %add3A_121 = arith.addi %mul3A_118, %mul3A_120 : i32
          %dma_start3A_122 = tpu.memref_slice %arg5[%add3A_121] : memref<320000xi32, #tpu.memory_space<hbm>> -> memref<80xi32, #tpu.memory_space<hbm>>
          %dma_start3A_123 = tpu.memref_slice %arg5[%add3A_121] : memref<320000xi32, #tpu.memory_space<hbm>> -> memref<80xi32, #tpu.memory_space<hbm>>
          tpu.enqueue_dma source(%dma_start3A_123 : memref<80xi32, #tpu.memory_space<hbm>>) target(%arg9 : memref<80xi32, #tpu.memory_space<vmem>>) target_semaphore(%arg18 : memref<!tpu.dma_semaphore, #tpu.memory_space<semaphore_mem>>)
        } else {
        }
        %dma_wait3A = arith.constant 0 : i32
        %dma_wait3A_77 = arith.constant 0 : i32
        %dma_wait3A_78 = tpu.memref_slice %arg2[%dma_wait3A, %dma_wait3A_77] : memref<10000x128xf32, #tpu.memory_space<hbm>> -> memref<10000x128xf32, #tpu.memory_space<hbm>>
        tpu.wait_indirect_dma semaphore(%arg21 : memref<!tpu.dma_semaphore, #tpu.memory_space<semaphore_mem>>) src(%dma_wait3A_78 : memref<10000x128xf32, #tpu.memory_space<hbm>>) dst(%arg12 : memref<80x128xf32, #tpu.memory_space<vmem>>)
        %convert_element_type3A_79 = arith.extui %lt3A_69 : i1 to i32
        %cond3A_80 = arith.constant 0 : i32
        %cond3A_81 = arith.cmpi ne, %convert_element_type3A_79, %cond3A_80 : i32
        scf.if %cond3A_81 {
          %add3A_106 = arith.constant 1 : i32
          %add3A_107 = arith.addi %add3A_60, %add3A_106 : i32
          %mul3A_108 = arith.constant 10000 : i32
          %mul3A_109 = arith.muli %add3A, %mul3A_108 : i32
          %mul3A_110 = arith.constant 80 : i32
          %mul3A_111 = arith.muli %add3A_107, %mul3A_110 : i32
          %add3A_112 = arith.addi %mul3A_109, %mul3A_111 : i32
          %dma_wait3A_113 = tpu.memref_slice %arg4[%add3A_112] : memref<320000xi32, #tpu.memory_space<hbm>> -> memref<80xi32, #tpu.memory_space<hbm>>
          %dma_wait3A_114 = tpu.memref_slice %arg4[%add3A_112] : memref<320000xi32, #tpu.memory_space<hbm>> -> memref<80xi32, #tpu.memory_space<hbm>>
          tpu.wait_dma2 semaphore(%arg16 : memref<!tpu.dma_semaphore, #tpu.memory_space<semaphore_mem>>) src(%dma_wait3A_114 : memref<80xi32, #tpu.memory_space<hbm>>) dst(%arg7 : memref<80xi32, #tpu.memory_space<vmem>>)
          %add3A_115 = arith.constant 1 : i32
          %add3A_116 = arith.addi %add3A_60, %add3A_115 : i32
          %mul3A_117 = arith.constant 10000 : i32
          %mul3A_118 = arith.muli %add3A, %mul3A_117 : i32
          %mul3A_119 = arith.constant 80 : i32
          %mul3A_120 = arith.muli %add3A_116, %mul3A_119 : i32
          %add3A_121 = arith.addi %mul3A_118, %mul3A_120 : i32
          %dma_wait3A_122 = tpu.memref_slice %arg5[%add3A_121] : memref<320000xi32, #tpu.memory_space<hbm>> -> memref<80xi32, #tpu.memory_space<hbm>>
          %dma_wait3A_123 = tpu.memref_slice %arg5[%add3A_121] : memref<320000xi32, #tpu.memory_space<hbm>> -> memref<80xi32, #tpu.memory_space<hbm>>
          tpu.wait_dma2 semaphore(%arg18 : memref<!tpu.dma_semaphore, #tpu.memory_space<semaphore_mem>>) src(%dma_wait3A_123 : memref<80xi32, #tpu.memory_space<hbm>>) dst(%arg9 : memref<80xi32, #tpu.memory_space<vmem>>)
          %dma_start3A_124 = arith.constant 0 : i32
          %dma_start3A_125 = arith.constant 0 : i32
          %dma_start3A_126 = tpu.memref_slice %arg2[%dma_start3A_124, %dma_start3A_125] : memref<10000x128xf32, #tpu.memory_space<hbm>> -> memref<10000x128xf32, #tpu.memory_space<hbm>>
          tpu.enqueue_indirect_dma source(%dma_start3A_126 : memref<10000x128xf32, #tpu.memory_space<hbm>>) target(%arg11 : memref<80x128xf32, #tpu.memory_space<vmem>>) offsets(%arg7 : memref<80xi32, #tpu.memory_space<vmem>>) semaphore(%arg20 : memref<!tpu.dma_semaphore, #tpu.memory_space<semaphore_mem>>)
          %add3A_127 = arith.constant 1 : i32
          %add3A_128 = arith.addi %add3A_60, %add3A_127 : i32
          %mul3A_129 = arith.constant 10000 : i32
          %mul3A_130 = arith.muli %add3A, %mul3A_129 : i32
          %mul3A_131 = arith.constant 80 : i32
          %mul3A_132 = arith.muli %add3A_128, %mul3A_131 : i32
          %add3A_133 = arith.addi %mul3A_130, %mul3A_132 : i32
          %dma_start3A_134 = arith.constant 0 : i32
          %dma_start3A_135 = tpu.memref_slice %arg3[%add3A_133, %dma_start3A_134] : memref<320000x128xf32, #tpu.memory_space<hbm>> -> memref<80x128xf32, #tpu.memory_space<hbm>>
          %dma_start3A_136 = arith.constant 0 : i32
          %dma_start3A_137 = tpu.memref_slice %arg3[%add3A_133, %dma_start3A_136] : memref<320000x128xf32, #tpu.memory_space<hbm>> -> memref<80x128xf32, #tpu.memory_space<hbm>>
          tpu.enqueue_dma source(%dma_start3A_137 : memref<80x128xf32, #tpu.memory_space<hbm>>) target(%arg13 : memref<80x128xf32, #tpu.memory_space<vmem>>) target_semaphore(%arg22 : memref<!tpu.dma_semaphore, #tpu.memory_space<semaphore_mem>>)
        } else {
        }
        %mul3A_82 = arith.constant 10000 : i32
        %mul3A_83 = arith.muli %add3A, %mul3A_82 : i32
        %mul3A_84 = arith.constant 80 : i32
        %mul3A_85 = arith.muli %add3A_60, %mul3A_84 : i32
        %add3A_86 = arith.addi %mul3A_83, %mul3A_85 : i32
        %dma_wait3A_87 = arith.constant 0 : i32
        %dma_wait3A_88 = tpu.memref_slice %arg3[%add3A_86, %dma_wait3A_87] : memref<320000x128xf32, #tpu.memory_space<hbm>> -> memref<80x128xf32, #tpu.memory_space<hbm>>
        %dma_wait3A_89 = arith.constant 0 : i32
        %dma_wait3A_90 = tpu.memref_slice %arg3[%add3A_86, %dma_wait3A_89] : memref<320000x128xf32, #tpu.memory_space<hbm>> -> memref<80x128xf32, #tpu.memory_space<hbm>>
        tpu.wait_dma2 semaphore(%arg23 : memref<!tpu.dma_semaphore, #tpu.memory_space<semaphore_mem>>) src(%dma_wait3A_90 : memref<80x128xf32, #tpu.memory_space<hbm>>) dst(%arg14 : memref<80x128xf32, #tpu.memory_space<vmem>>)
        %scan3A_91 = arith.constant 0 : i32
        %scan3A_92 = arith.constant 80 : i32
        %scan3A_93 = arith.addi %scan3A_91, %scan3A_92 : i32
        %scan3A_94 = arith.constant 1 : i32
        scf.for %scan3A_106 = %scan3A_91 to %scan3A_93 step %scan3A_94  : i32 {
          %mul3A_107 = arith.constant 1 : i32
          %mul3A_108 = arith.muli %scan3A_106, %mul3A_107 : i32
          %add3A_109 = arith.constant 0 : i32
          %add3A_110 = arith.addi %add3A_109, %mul3A_108 : i32
          %get3A = arith.index_cast %add3A_110 : i32 to index
          %get3A_111 = arith.constant 0 : index
          %get3A_112 = tpu.vector_load %arg12[%get3A, %get3A_111] {strides = array<i32>} : memref<80x128xf32, #tpu.memory_space<vmem>>, vector<1x16xf32>,
          %get3A_113 = vector.shape_cast %get3A_112 : vector<1x16xf32> to vector<16xf32>
          %get3A_114 = arith.index_cast %add3A_110 : i32 to index
          %get3A_115 = arith.constant 0 : index
          %get3A_116 = tpu.vector_load %arg14[%get3A_114, %get3A_115] {strides = array<i32>} : memref<80x128xf32, #tpu.memory_space<vmem>>, vector<1x16xf32>,
          %get3A_117 = vector.shape_cast %get3A_116 : vector<1x16xf32> to vector<16xf32>
          %mul3A_118 = arith.mulf %get3A_113, %get3A_117 : vector<16xf32>
          %swap3A = arith.index_cast %add3A_110 : i32 to index
          %swap3A_119 = arith.constant 0 : index
          %swap3A_120 = tpu.vector_load %arg12[%swap3A, %swap3A_119] {strides = array<i32>} : memref<80x128xf32, #tpu.memory_space<vmem>>, vector<1x16xf32>,
          %swap3A_121 = vector.shape_cast %swap3A_120 : vector<1x16xf32> to vector<16xf32>
          %swap3A_122 = vector.shape_cast %mul3A_118 : vector<16xf32> to vector<1x16xf32>
          tpu.vector_store %arg12[%swap3A, %swap3A_119], %swap3A_122 {strides = array<i32>} : memref<80x128xf32, #tpu.memory_space<vmem>>, vector<1x16xf32>,
          %get3A_123 = arith.index_cast %add3A_110 : i32 to index
          %get3A_124 = arith.constant 16 : index
          %get3A_125 = tpu.vector_load %arg12[%get3A_123, %get3A_124] {strides = array<i32>} : memref<80x128xf32, #tpu.memory_space<vmem>>, vector<1x16xf32>,
          %get3A_126 = vector.shape_cast %get3A_125 : vector<1x16xf32> to vector<16xf32>
          %get3A_127 = arith.index_cast %add3A_110 : i32 to index
          %get3A_128 = arith.constant 16 : index
          %get3A_129 = tpu.vector_load %arg14[%get3A_127, %get3A_128] {strides = array<i32>} : memref<80x128xf32, #tpu.memory_space<vmem>>, vector<1x16xf32>,
          %get3A_130 = vector.shape_cast %get3A_129 : vector<1x16xf32> to vector<16xf32>
          %mul3A_131 = arith.mulf %get3A_126, %get3A_130 : vector<16xf32>
          %swap3A_132 = arith.index_cast %add3A_110 : i32 to index
          %swap3A_133 = arith.constant 16 : index
          %swap3A_134 = tpu.vector_load %arg12[%swap3A_132, %swap3A_133] {strides = array<i32>} : memref<80x128xf32, #tpu.memory_space<vmem>>, vector<1x16xf32>,
          %swap3A_135 = vector.shape_cast %swap3A_134 : vector<1x16xf32> to vector<16xf32>
          %swap3A_136 = vector.shape_cast %mul3A_131 : vector<16xf32> to vector<1x16xf32>
          tpu.vector_store %arg12[%swap3A_132, %swap3A_133], %swap3A_136 {strides = array<i32>} : memref<80x128xf32, #tpu.memory_space<vmem>>, vector<1x16xf32>,
          %get3A_137 = arith.index_cast %add3A_110 : i32 to index
          %get3A_138 = arith.constant 32 : index
          %get3A_139 = tpu.vector_load %arg12[%get3A_137, %get3A_138] {strides = array<i32>} : memref<80x128xf32, #tpu.memory_space<vmem>>, vector<1x16xf32>,
          %get3A_140 = vector.shape_cast %get3A_139 : vector<1x16xf32> to vector<16xf32>
          %get3A_141 = arith.index_cast %add3A_110 : i32 to index
          %get3A_142 = arith.constant 32 : index
          %get3A_143 = tpu.vector_load %arg14[%get3A_141, %get3A_142] {strides = array<i32>} : memref<80x128xf32, #tpu.memory_space<vmem>>, vector<1x16xf32>,
          %get3A_144 = vector.shape_cast %get3A_143 : vector<1x16xf32> to vector<16xf32>
          %mul3A_145 = arith.mulf %get3A_140, %get3A_144 : vector<16xf32>
          %swap3A_146 = arith.index_cast %add3A_110 : i32 to index
          %swap3A_147 = arith.constant 32 : index
          %swap3A_148 = tpu.vector_load %arg12[%swap3A_146, %swap3A_147] {strides = array<i32>} : memref<80x128xf32, #tpu.memory_space<vmem>>, vector<1x16xf32>,
          %swap3A_149 = vector.shape_cast %swap3A_148 : vector<1x16xf32> to vector<16xf32>
          %swap3A_150 = vector.shape_cast %mul3A_145 : vector<16xf32> to vector<1x16xf32>
          tpu.vector_store %arg12[%swap3A_146, %swap3A_147], %swap3A_150 {strides = array<i32>} : memref<80x128xf32, #tpu.memory_space<vmem>>, vector<1x16xf32>,
          %get3A_151 = arith.index_cast %add3A_110 : i32 to index
          %get3A_152 = arith.constant 48 : index
          %get3A_153 = tpu.vector_load %arg12[%get3A_151, %get3A_152] {strides = array<i32>} : memref<80x128xf32, #tpu.memory_space<vmem>>, vector<1x16xf32>,
          %get3A_154 = vector.shape_cast %get3A_153 : vector<1x16xf32> to vector<16xf32>
          %get3A_155 = arith.index_cast %add3A_110 : i32 to index
          %get3A_156 = arith.constant 48 : index
          %get3A_157 = tpu.vector_load %arg14[%get3A_155, %get3A_156] {strides = array<i32>} : memref<80x128xf32, #tpu.memory_space<vmem>>, vector<1x16xf32>,
          %get3A_158 = vector.shape_cast %get3A_157 : vector<1x16xf32> to vector<16xf32>
          %mul3A_159 = arith.mulf %get3A_154, %get3A_158 : vector<16xf32>
          %swap3A_160 = arith.index_cast %add3A_110 : i32 to index
          %swap3A_161 = arith.constant 48 : index
          %swap3A_162 = tpu.vector_load %arg12[%swap3A_160, %swap3A_161] {strides = array<i32>} : memref<80x128xf32, #tpu.memory_space<vmem>>, vector<1x16xf32>,
          %swap3A_163 = vector.shape_cast %swap3A_162 : vector<1x16xf32> to vector<16xf32>
          %swap3A_164 = vector.shape_cast %mul3A_159 : vector<16xf32> to vector<1x16xf32>
          tpu.vector_store %arg12[%swap3A_160, %swap3A_161], %swap3A_164 {strides = array<i32>} : memref<80x128xf32, #tpu.memory_space<vmem>>, vector<1x16xf32>,
          %get3A_165 = arith.index_cast %add3A_110 : i32 to index
          %get3A_166 = arith.constant 64 : index
          %get3A_167 = tpu.vector_load %arg12[%get3A_165, %get3A_166] {strides = array<i32>} : memref<80x128xf32, #tpu.memory_space<vmem>>, vector<1x16xf32>,
          %get3A_168 = vector.shape_cast %get3A_167 : vector<1x16xf32> to vector<16xf32>
          %get3A_169 = arith.index_cast %add3A_110 : i32 to index
          %get3A_170 = arith.constant 64 : index
          %get3A_171 = tpu.vector_load %arg14[%get3A_169, %get3A_170] {strides = array<i32>} : memref<80x128xf32, #tpu.memory_space<vmem>>, vector<1x16xf32>,
          %get3A_172 = vector.shape_cast %get3A_171 : vector<1x16xf32> to vector<16xf32>
          %mul3A_173 = arith.mulf %get3A_168, %get3A_172 : vector<16xf32>
          %swap3A_174 = arith.index_cast %add3A_110 : i32 to index
          %swap3A_175 = arith.constant 64 : index
          %swap3A_176 = tpu.vector_load %arg12[%swap3A_174, %swap3A_175] {strides = array<i32>} : memref<80x128xf32, #tpu.memory_space<vmem>>, vector<1x16xf32>,
          %swap3A_177 = vector.shape_cast %swap3A_176 : vector<1x16xf32> to vector<16xf32>
          %swap3A_178 = vector.shape_cast %mul3A_173 : vector<16xf32> to vector<1x16xf32>
          tpu.vector_store %arg12[%swap3A_174, %swap3A_175], %swap3A_178 {strides = array<i32>} : memref<80x128xf32, #tpu.memory_space<vmem>>, vector<1x16xf32>,
          %get3A_179 = arith.index_cast %add3A_110 : i32 to index
          %get3A_180 = arith.constant 80 : index
          %get3A_181 = tpu.vector_load %arg12[%get3A_179, %get3A_180] {strides = array<i32>} : memref<80x128xf32, #tpu.memory_space<vmem>>, vector<1x16xf32>,
          %get3A_182 = vector.shape_cast %get3A_181 : vector<1x16xf32> to vector<16xf32>
          %get3A_183 = arith.index_cast %add3A_110 : i32 to index
          %get3A_184 = arith.constant 80 : index
          %get3A_185 = tpu.vector_load %arg14[%get3A_183, %get3A_184] {strides = array<i32>} : memref<80x128xf32, #tpu.memory_space<vmem>>, vector<1x16xf32>,
          %get3A_186 = vector.shape_cast %get3A_185 : vector<1x16xf32> to vector<16xf32>
          %mul3A_187 = arith.mulf %get3A_182, %get3A_186 : vector<16xf32>
          %swap3A_188 = arith.index_cast %add3A_110 : i32 to index
          %swap3A_189 = arith.constant 80 : index
          %swap3A_190 = tpu.vector_load %arg12[%swap3A_188, %swap3A_189] {strides = array<i32>} : memref<80x128xf32, #tpu.memory_space<vmem>>, vector<1x16xf32>,
          %swap3A_191 = vector.shape_cast %swap3A_190 : vector<1x16xf32> to vector<16xf32>
          %swap3A_192 = vector.shape_cast %mul3A_187 : vector<16xf32> to vector<1x16xf32>
          tpu.vector_store %arg12[%swap3A_188, %swap3A_189], %swap3A_192 {strides = array<i32>} : memref<80x128xf32, #tpu.memory_space<vmem>>, vector<1x16xf32>,
          %get3A_193 = arith.index_cast %add3A_110 : i32 to index
          %get3A_194 = arith.constant 96 : index
          %get3A_195 = tpu.vector_load %arg12[%get3A_193, %get3A_194] {strides = array<i32>} : memref<80x128xf32, #tpu.memory_space<vmem>>, vector<1x16xf32>,
          %get3A_196 = vector.shape_cast %get3A_195 : vector<1x16xf32> to vector<16xf32>
          %get3A_197 = arith.index_cast %add3A_110 : i32 to index
          %get3A_198 = arith.constant 96 : index
          %get3A_199 = tpu.vector_load %arg14[%get3A_197, %get3A_198] {strides = array<i32>} : memref<80x128xf32, #tpu.memory_space<vmem>>, vector<1x16xf32>,
          %get3A_200 = vector.shape_cast %get3A_199 : vector<1x16xf32> to vector<16xf32>
          %mul3A_201 = arith.mulf %get3A_196, %get3A_200 : vector<16xf32>
          %swap3A_202 = arith.index_cast %add3A_110 : i32 to index
          %swap3A_203 = arith.constant 96 : index
          %swap3A_204 = tpu.vector_load %arg12[%swap3A_202, %swap3A_203] {strides = array<i32>} : memref<80x128xf32, #tpu.memory_space<vmem>>, vector<1x16xf32>,
          %swap3A_205 = vector.shape_cast %swap3A_204 : vector<1x16xf32> to vector<16xf32>
          %swap3A_206 = vector.shape_cast %mul3A_201 : vector<16xf32> to vector<1x16xf32>
          tpu.vector_store %arg12[%swap3A_202, %swap3A_203], %swap3A_206 {strides = array<i32>} : memref<80x128xf32, #tpu.memory_space<vmem>>, vector<1x16xf32>,
          %get3A_207 = arith.index_cast %add3A_110 : i32 to index
          %get3A_208 = arith.constant 112 : index
          %get3A_209 = tpu.vector_load %arg12[%get3A_207, %get3A_208] {strides = array<i32>} : memref<80x128xf32, #tpu.memory_space<vmem>>, vector<1x16xf32>,
          %get3A_210 = vector.shape_cast %get3A_209 : vector<1x16xf32> to vector<16xf32>
          %get3A_211 = arith.index_cast %add3A_110 : i32 to index
          %get3A_212 = arith.constant 112 : index
          %get3A_213 = tpu.vector_load %arg14[%get3A_211, %get3A_212] {strides = array<i32>} : memref<80x128xf32, #tpu.memory_space<vmem>>, vector<1x16xf32>,
          %get3A_214 = vector.shape_cast %get3A_213 : vector<1x16xf32> to vector<16xf32>
          %mul3A_215 = arith.mulf %get3A_210, %get3A_214 : vector<16xf32>
          %swap3A_216 = arith.index_cast %add3A_110 : i32 to index
          %swap3A_217 = arith.constant 112 : index
          %swap3A_218 = tpu.vector_load %arg12[%swap3A_216, %swap3A_217] {strides = array<i32>} : memref<80x128xf32, #tpu.memory_space<vmem>>, vector<1x16xf32>,
          %swap3A_219 = vector.shape_cast %swap3A_218 : vector<1x16xf32> to vector<16xf32>
          %swap3A_220 = vector.shape_cast %mul3A_215 : vector<16xf32> to vector<1x16xf32>
          tpu.vector_store %arg12[%swap3A_216, %swap3A_217], %swap3A_220 {strides = array<i32>} : memref<80x128xf32, #tpu.memory_space<vmem>>, vector<1x16xf32>,
        }
        %scan3A_95 = arith.constant 80 : i32
        %ge3A_96 = arith.constant 123 : i32
        %ge3A_97 = arith.cmpi sge, %add3A_60, %ge3A_96 : i32
        %convert_element_type3A_98 = arith.extui %ge3A_97 : i1 to i32
        %cond3A_99 = arith.constant 0 : i32
        %cond3A_100 = arith.cmpi ne, %convert_element_type3A_98, %cond3A_99 : i32
        scf.if %cond3A_100 {
          "tpu.region"() ({
            %run_scoped3A = tpu.sem_alloc : memref<!tpu.dma_semaphore, #tpu.memory_space<semaphore_mem>>
            %dma_start3A_106 = arith.constant 0 : i32
            %dma_start3A_107 = arith.constant 0 : i32
            %dma_start3A_108 = tpu.memref_slice %arg15[%dma_start3A_106, %dma_start3A_107] : memref<10000x128xf32, #tpu.memory_space<vmem_shared>> -> memref<10000x128xf32, #tpu.memory_space<vmem_shared>>
            tpu.enqueue_indirect_dma source(%arg12 : memref<80x128xf32, #tpu.memory_space<vmem>>) target(%dma_start3A_108 : memref<10000x128xf32, #tpu.memory_space<vmem_shared>>) offsets(%arg10 : memref<80xi32, #tpu.memory_space<vmem>>) semaphore(%run_scoped3A : memref<!tpu.dma_semaphore, #tpu.memory_space<semaphore_mem>>) {add = true}
            %dma_wait3A_109 = arith.constant 0 : i32
            %dma_wait3A_110 = arith.constant 0 : i32
            %dma_wait3A_111 = tpu.memref_slice %arg15[%dma_wait3A_109, %dma_wait3A_110] : memref<10000x128xf32, #tpu.memory_space<vmem_shared>> -> memref<10000x128xf32, #tpu.memory_space<vmem_shared>>
            tpu.wait_indirect_dma semaphore(%run_scoped3A : memref<!tpu.dma_semaphore, #tpu.memory_space<semaphore_mem>>) src(%arg12 : memref<80x128xf32, #tpu.memory_space<vmem>>) dst(%dma_wait3A_111 : memref<10000x128xf32, #tpu.memory_space<vmem_shared>>)
            tpu.yield
          }) : () -> ()
        } else {
        }
        %lt3A_101 = arith.constant 123 : i32
        %lt3A_102 = arith.cmpi slt, %add3A_60, %lt3A_101 : i32
        %convert_element_type3A_103 = arith.extui %lt3A_102 : i1 to i32
        %cond3A_104 = arith.constant 0 : i32
        %cond3A_105 = arith.cmpi ne, %convert_element_type3A_103, %cond3A_104 : i32
        scf.if %cond3A_105 {
          %dma_start3A_106 = arith.constant 0 : i32
          %dma_start3A_107 = arith.constant 0 : i32
          %dma_start3A_108 = tpu.memref_slice %arg15[%dma_start3A_106, %dma_start3A_107] : memref<10000x128xf32, #tpu.memory_space<vmem_shared>> -> memref<10000x128xf32, #tpu.memory_space<vmem_shared>>
          tpu.enqueue_indirect_dma source(%arg12 : memref<80x128xf32, #tpu.memory_space<vmem>>) target(%dma_start3A_108 : memref<10000x128xf32, #tpu.memory_space<vmem_shared>>) offsets(%arg10 : memref<80xi32, #tpu.memory_space<vmem>>) semaphore(%arg25 : memref<!tpu.dma_semaphore, #tpu.memory_space<semaphore_mem>>) {add = true}
        } else {
        }
      } else {
      }
    }
    %scan3A_39 = arith.constant 63 : i32
    %barrier3A_40 = arith.constant 0 : index
    tpu.barrier barrier_id(%barrier3A_40)
    %mul3A_41 = arith.constant 624 : i32
    %mul3A_42 = arith.muli %arg1, %mul3A_41 : i32
    "tpu.region"() ({
      %run_scoped3A = tpu.sem_alloc : memref<!tpu.dma_semaphore, #tpu.memory_space<semaphore_mem>>
      %dma_start3A_48 = arith.constant 0 : i32
      %dma_start3A_49 = tpu.memref_slice %arg6[%arg0, %mul3A_42, %dma_start3A_48] : memref<2x10000x128xf32, #tpu.memory_space<hbm>> -> memref<1x624x128xf32, #tpu.memory_space<hbm>>
      %dma_start3A_50 = tpu.memref_squeeze %dma_start3A_49 : memref<1x624x128xf32, #tpu.memory_space<hbm>> -> memref<624x128xf32, #tpu.memory_space<hbm>>
      %dma_start3A_51 = arith.constant 0 : i32
      %dma_start3A_52 = tpu.memref_slice %arg15[%mul3A_42, %dma_start3A_51] : memref<10000x128xf32, #tpu.memory_space<vmem_shared>> -> memref<624x128xf32, #tpu.memory_space<vmem_shared>>
      tpu.enqueue_dma source(%dma_start3A_52 : memref<624x128xf32, #tpu.memory_space<vmem_shared>>) target(%dma_start3A_50 : memref<624x128xf32, #tpu.memory_space<hbm>>) target_semaphore(%run_scoped3A : memref<!tpu.dma_semaphore, #tpu.memory_space<semaphore_mem>>)
      %dma_wait3A = arith.constant 0 : i32
      %dma_wait3A_53 = tpu.memref_slice %arg6[%arg0, %mul3A_42, %dma_wait3A] : memref<2x10000x128xf32, #tpu.memory_space<hbm>> -> memref<1x624x128xf32, #tpu.memory_space<hbm>>
      %dma_wait3A_54 = tpu.memref_squeeze %dma_wait3A_53 : memref<1x624x128xf32, #tpu.memory_space<hbm>> -> memref<624x128xf32, #tpu.memory_space<hbm>>
      %dma_wait3A_55 = arith.constant 0 : i32
      %dma_wait3A_56 = tpu.memref_slice %arg15[%mul3A_42, %dma_wait3A_55] : memref<10000x128xf32, #tpu.memory_space<vmem_shared>> -> memref<624x128xf32, #tpu.memory_space<vmem_shared>>
      tpu.wait_dma2 semaphore(%run_scoped3A : memref<!tpu.dma_semaphore, #tpu.memory_space<semaphore_mem>>) src(%dma_wait3A_56 : memref<624x128xf32, #tpu.memory_space<vmem_shared>>) dst(%dma_wait3A_54 : memref<624x128xf32, #tpu.memory_space<hbm>>)
      tpu.yield
    }) : () -> ()
    %eq3A_43 = arith.constant 15 : i32
    %eq3A_44 = arith.cmpi eq, %arg1, %eq3A_43 : i32
    %convert_element_type3A_45 = arith.extui %eq3A_44 : i1 to i32
    %cond3A_46 = arith.constant 0 : i32
    %cond3A_47 = arith.cmpi ne, %convert_element_type3A_45, %cond3A_46 : i32
    scf.if %cond3A_47 {
      "tpu.region"() ({
        %run_scoped3A = tpu.sem_alloc : memref<!tpu.dma_semaphore, #tpu.memory_space<semaphore_mem>>
        %dma_start3A_48 = arith.constant 9984 : i32
        %dma_start3A_49 = arith.constant 0 : i32
        %dma_start3A_50 = tpu.memref_slice %arg6[%arg0, %dma_start3A_48, %dma_start3A_49] : memref<2x10000x128xf32, #tpu.memory_space<hbm>> -> memref<1x16x128xf32, #tpu.memory_space<hbm>>
        %dma_start3A_51 = tpu.memref_squeeze %dma_start3A_50 : memref<1x16x128xf32, #tpu.memory_space<hbm>> -> memref<16x128xf32, #tpu.memory_space<hbm>>
        %dma_start3A_52 = arith.constant 9984 : i32
        %dma_start3A_53 = arith.constant 0 : i32
        %dma_start3A_54 = tpu.memref_slice %arg15[%dma_start3A_52, %dma_start3A_53] : memref<10000x128xf32, #tpu.memory_space<vmem_shared>> -> memref<16x128xf32, #tpu.memory_space<vmem_shared>>
        tpu.enqueue_dma source(%dma_start3A_54 : memref<16x128xf32, #tpu.memory_space<vmem_shared>>) target(%dma_start3A_51 : memref<16x128xf32, #tpu.memory_space<hbm>>) target_semaphore(%run_scoped3A : memref<!tpu.dma_semaphore, #tpu.memory_space<semaphore_mem>>)
        %dma_wait3A = arith.constant 9984 : i32
        %dma_wait3A_55 = arith.constant 0 : i32
        %dma_wait3A_56 = tpu.memref_slice %arg6[%arg0, %dma_wait3A, %dma_wait3A_55] : memref<2x10000x128xf32, #tpu.memory_space<hbm>> -> memref<1x16x128xf32, #tpu.memory_space<hbm>>
        %dma_wait3A_57 = tpu.memref_squeeze %dma_wait3A_56 : memref<1x16x128xf32, #tpu.memory_space<hbm>> -> memref<16x128xf32, #tpu.memory_space<hbm>>
        %dma_wait3A_58 = arith.constant 9984 : i32
        %dma_wait3A_59 = arith.constant 0 : i32
        %dma_wait3A_60 = tpu.memref_slice %arg15[%dma_wait3A_58, %dma_wait3A_59] : memref<10000x128xf32, #tpu.memory_space<vmem_shared>> -> memref<16x128xf32, #tpu.memory_space<vmem_shared>>
        tpu.wait_dma2 semaphore(%run_scoped3A : memref<!tpu.dma_semaphore, #tpu.memory_space<semaphore_mem>>) src(%dma_wait3A_60 : memref<16x128xf32, #tpu.memory_space<vmem_shared>>) dst(%dma_wait3A_57 : memref<16x128xf32, #tpu.memory_space<hbm>>)
        tpu.yield
      }) : () -> ()
    } else {
    }
    return
  }
}

#map = affine_map<(d0, d1) -> (0, 0)>
#map1 = affine_map<(d0, d1) -> (0)>
#map2 = affine_map<(d0, d1) -> (0, 0, 0)>
module attributes {stable_mosaic.version = 14 : i64} {
  func.func @_sc_body(%arg0: i32, %arg1: i32, %arg2: memref<10000x128xf32, #tpu.memory_space<hbm>>, %arg3: memref<320000x128xf32, #tpu.memory_space<hbm>>, %arg4: memref<320000xi32, #tpu.memory_space<hbm>>, %arg5: memref<320000xi32, #tpu.memory_space<hbm>>, %arg6: memref<2x10000x128xf32, #tpu.memory_space<hbm>>, %arg7: memref<80xi32, #tpu.memory_space<vmem>>, %arg8: memref<80xi32, #tpu.memory_space<vmem>>, %arg9: memref<80xi32, #tpu.memory_space<vmem>>, %arg10: memref<80xi32, #tpu.memory_space<vmem>>, %arg11: memref<80x128xf32, #tpu.memory_space<vmem>>, %arg12: memref<80x128xf32, #tpu.memory_space<vmem>>, %arg13: memref<80x128xf32, #tpu.memory_space<vmem>>, %arg14: memref<80x128xf32, #tpu.memory_space<vmem>>, %arg15: memref<10000x128xf32, #tpu.memory_space<vmem_shared>>, %arg16: memref<!tpu.dma_semaphore, #tpu.memory_space<semaphore_mem>>, %arg17: memref<!tpu.dma_semaphore, #tpu.memory_space<semaphore_mem>>, %arg18: memref<!tpu.dma_semaphore, #tpu.memory_space<semaphore_mem>>, %arg19: memref<!tpu.dma_semaphore, #tpu.memory_space<semaphore_mem>>, %arg20: memref<!tpu.dma_semaphore, #tpu.memory_space<semaphore_mem>>, %arg21: memref<!tpu.dma_semaphore, #tpu.memory_space<semaphore_mem>>, %arg22: memref<!tpu.dma_semaphore, #tpu.memory_space<semaphore_mem>>, %arg23: memref<!tpu.dma_semaphore, #tpu.memory_space<semaphore_mem>>, %arg24: memref<!tpu.dma_semaphore, #tpu.memory_space<semaphore_mem>>, %arg25: memref<!tpu.dma_semaphore, #tpu.memory_space<semaphore_mem>>) attributes {dimension_semantics = [#tpu.dimension_semantics<core_parallel>, #tpu.dimension_semantics<subcore_parallel>], iteration_bounds = array<i64: 2, 16>, scalar_prefetch = 0 : i64, scratch_operands = 19 : i64, tpu.core_type = #tpu.core_type<sc_vector_subcore>, window_params = [{transform_indices = #map}, {transform_indices = #map}, {transform_indices = #map1}, {transform_indices = #map1}, {transform_indices = #map2}]} {
    %mul3A = arith.constant 16 : i32
    %mul3A_0 = arith.muli %arg0, %mul3A : i32
    %add3A = arith.addi %mul3A_0, %arg1 : i32
    %broadcast_in_dim3A = arith.constant 0.000000e+00 : f32
    %broadcast_in_dim3A_1 = vector.broadcast %broadcast_in_dim3A : f32 to vector<16xf32>
    %scan3A = arith.constant 0 : i32
    %scan3A_2 = arith.constant 80 : i32
    %scan3A_3 = arith.addi %scan3A, %scan3A_2 : i32
    %scan3A_4 = arith.constant 1 : i32
    scf.for %scan3A_48 = %scan3A to %scan3A_3 step %scan3A_4  : i32 {
      %mul3A_49 = arith.constant 1 : i32
      %mul3A_50 = arith.muli %scan3A_48, %mul3A_49 : i32
      %add3A_51 = arith.constant 0 : i32
      %add3A_52 = arith.addi %add3A_51, %mul3A_50 : i32
      %swap3A = arith.index_cast %add3A_52 : i32 to index
      %swap3A_53 = arith.constant 0 : index
      %swap3A_54 = tpu.vector_load %arg11[%swap3A, %swap3A_53] {strides = array<i32>} : memref<80x128xf32, #tpu.memory_space<vmem>>, vector<1x16xf32>,
      %swap3A_55 = vector.shape_cast %swap3A_54 : vector<1x16xf32> to vector<16xf32>
      %swap3A_56 = vector.shape_cast %broadcast_in_dim3A_1 : vector<16xf32> to vector<1x16xf32>
      tpu.vector_store %arg11[%swap3A, %swap3A_53], %swap3A_56 {strides = array<i32>} : memref<80x128xf32, #tpu.memory_space<vmem>>, vector<1x16xf32>,
      %swap3A_57 = arith.index_cast %add3A_52 : i32 to index
      %swap3A_58 = arith.constant 16 : index
      %swap3A_59 = tpu.vector_load %arg11[%swap3A_57, %swap3A_58] {strides = array<i32>} : memref<80x128xf32, #tpu.memory_space<vmem>>, vector<1x16xf32>,
      %swap3A_60 = vector.shape_cast %swap3A_59 : vector<1x16xf32> to vector<16xf32>
      %swap3A_61 = vector.shape_cast %broadcast_in_dim3A_1 : vector<16xf32> to vector<1x16xf32>
      tpu.vector_store %arg11[%swap3A_57, %swap3A_58], %swap3A_61 {strides = array<i32>} : memref<80x128xf32, #tpu.memory_space<vmem>>, vector<1x16xf32>,
      %swap3A_62 = arith.index_cast %add3A_52 : i32 to index
      %swap3A_63 = arith.constant 32 : index
      %swap3A_64 = tpu.vector_load %arg11[%swap3A_62, %swap3A_63] {strides = array<i32>} : memref<80x128xf32, #tpu.memory_space<vmem>>, vector<1x16xf32>,
      %swap3A_65 = vector.shape_cast %swap3A_64 : vector<1x16xf32> to vector<16xf32>
      %swap3A_66 = vector.shape_cast %broadcast_in_dim3A_1 : vector<16xf32> to vector<1x16xf32>
      tpu.vector_store %arg11[%swap3A_62, %swap3A_63], %swap3A_66 {strides = array<i32>} : memref<80x128xf32, #tpu.memory_space<vmem>>, vector<1x16xf32>,
      %swap3A_67 = arith.index_cast %add3A_52 : i32 to index
      %swap3A_68 = arith.constant 48 : index
      %swap3A_69 = tpu.vector_load %arg11[%swap3A_67, %swap3A_68] {strides = array<i32>} : memref<80x128xf32, #tpu.memory_space<vmem>>, vector<1x16xf32>,
      %swap3A_70 = vector.shape_cast %swap3A_69 : vector<1x16xf32> to vector<16xf32>
      %swap3A_71 = vector.shape_cast %broadcast_in_dim3A_1 : vector<16xf32> to vector<1x16xf32>
      tpu.vector_store %arg11[%swap3A_67, %swap3A_68], %swap3A_71 {strides = array<i32>} : memref<80x128xf32, #tpu.memory_space<vmem>>, vector<1x16xf32>,
      %swap3A_72 = arith.index_cast %add3A_52 : i32 to index
      %swap3A_73 = arith.constant 64 : index
      %swap3A_74 = tpu.vector_load %arg11[%swap3A_72, %swap3A_73] {strides = array<i32>} : memref<80x128xf32, #tpu.memory_space<vmem>>, vector<1x16xf32>,
      %swap3A_75 = vector.shape_cast %swap3A_74 : vector<1x16xf32> to vector<16xf32>
      %swap3A_76 = vector.shape_cast %broadcast_in_dim3A_1 : vector<16xf32> to vector<1x16xf32>
      tpu.vector_store %arg11[%swap3A_72, %swap3A_73], %swap3A_76 {strides = array<i32>} : memref<80x128xf32, #tpu.memory_space<vmem>>, vector<1x16xf32>,
      %swap3A_77 = arith.index_cast %add3A_52 : i32 to index
      %swap3A_78 = arith.constant 80 : index
      %swap3A_79 = tpu.vector_load %arg11[%swap3A_77, %swap3A_78] {strides = array<i32>} : memref<80x128xf32, #tpu.memory_space<vmem>>, vector<1x16xf32>,
      %swap3A_80 = vector.shape_cast %swap3A_79 : vector<1x16xf32> to vector<16xf32>
      %swap3A_81 = vector.shape_cast %broadcast_in_dim3A_1 : vector<16xf32> to vector<1x16xf32>
      tpu.vector_store %arg11[%swap3A_77, %swap3A_78], %swap3A_81 {strides = array<i32>} : memref<80x128xf32, #tpu.memory_space<vmem>>, vector<1x16xf32>,
      %swap3A_82 = arith.index_cast %add3A_52 : i32 to index
      %swap3A_83 = arith.constant 96 : index
      %swap3A_84 = tpu.vector_load %arg11[%swap3A_82, %swap3A_83] {strides = array<i32>} : memref<80x128xf32, #tpu.memory_space<vmem>>, vector<1x16xf32>,
      %swap3A_85 = vector.shape_cast %swap3A_84 : vector<1x16xf32> to vector<16xf32>
      %swap3A_86 = vector.shape_cast %broadcast_in_dim3A_1 : vector<16xf32> to vector<1x16xf32>
      tpu.vector_store %arg11[%swap3A_82, %swap3A_83], %swap3A_86 {strides = array<i32>} : memref<80x128xf32, #tpu.memory_space<vmem>>, vector<1x16xf32>,
      %swap3A_87 = arith.index_cast %add3A_52 : i32 to index
      %swap3A_88 = arith.constant 112 : index
      %swap3A_89 = tpu.vector_load %arg11[%swap3A_87, %swap3A_88] {strides = array<i32>} : memref<80x128xf32, #tpu.memory_space<vmem>>, vector<1x16xf32>,
      %swap3A_90 = vector.shape_cast %swap3A_89 : vector<1x16xf32> to vector<16xf32>
      %swap3A_91 = vector.shape_cast %broadcast_in_dim3A_1 : vector<16xf32> to vector<1x16xf32>
      tpu.vector_store %arg11[%swap3A_87, %swap3A_88], %swap3A_91 {strides = array<i32>} : memref<80x128xf32, #tpu.memory_space<vmem>>, vector<1x16xf32>,
    }
    %scan3A_5 = arith.constant 80 : i32
    %scan3A_6 = arith.constant 0 : i32
    %scan3A_7 = arith.constant 7 : i32
    %scan3A_8 = arith.addi %scan3A_6, %scan3A_7 : i32
    %scan3A_9 = arith.constant 1 : i32
    scf.for %scan3A_48 = %scan3A_6 to %scan3A_8 step %scan3A_9  : i32 {
      %mul3A_49 = arith.constant 1 : i32
      %mul3A_50 = arith.muli %scan3A_48, %mul3A_49 : i32
      %add3A_51 = arith.constant 0 : i32
      %add3A_52 = arith.addi %add3A_51, %mul3A_50 : i32
      %mul3A_53 = arith.constant 624 : i32
      %mul3A_54 = arith.muli %arg1, %mul3A_53 : i32
      %mul3A_55 = arith.constant 80 : i32
      %mul3A_56 = arith.muli %add3A_52, %mul3A_55 : i32
      %add3A_57 = arith.addi %mul3A_54, %mul3A_56 : i32
      "tpu.region"() ({
        %run_scoped3A = tpu.sem_alloc : memref<!tpu.dma_semaphore, #tpu.memory_space<semaphore_mem>>
        %dma_start3A_58 = arith.constant 0 : i32
        %dma_start3A_59 = tpu.memref_slice %arg15[%add3A_57, %dma_start3A_58] : memref<10000x128xf32, #tpu.memory_space<vmem_shared>> -> memref<80x128xf32, #tpu.memory_space<vmem_shared>>
        %dma_start3A_60 = arith.constant 0 : i32
        %dma_start3A_61 = tpu.memref_slice %arg15[%add3A_57, %dma_start3A_60] : memref<10000x128xf32, #tpu.memory_space<vmem_shared>> -> memref<80x128xf32, #tpu.memory_space<vmem_shared>>
        tpu.enqueue_dma source(%arg11 : memref<80x128xf32, #tpu.memory_space<vmem>>) target(%dma_start3A_61 : memref<80x128xf32, #tpu.memory_space<vmem_shared>>) target_semaphore(%run_scoped3A : memref<!tpu.dma_semaphore, #tpu.memory_space<semaphore_mem>>)
        %dma_wait3A = arith.constant 0 : i32
        %dma_wait3A_62 = tpu.memref_slice %arg15[%add3A_57, %dma_wait3A] : memref<10000x128xf32, #tpu.memory_space<vmem_shared>> -> memref<80x128xf32, #tpu.memory_space<vmem_shared>>
        %dma_wait3A_63 = arith.constant 0 : i32
        %dma_wait3A_64 = tpu.memref_slice %arg15[%add3A_57, %dma_wait3A_63] : memref<10000x128xf32, #tpu.memory_space<vmem_shared>> -> memref<80x128xf32, #tpu.memory_space<vmem_shared>>
        tpu.wait_dma2 semaphore(%run_scoped3A : memref<!tpu.dma_semaphore, #tpu.memory_space<semaphore_mem>>) src(%arg11 : memref<80x128xf32, #tpu.memory_space<vmem>>) dst(%dma_wait3A_64 : memref<80x128xf32, #tpu.memory_space<vmem_shared>>)
        tpu.yield
      }) : () -> ()
    }
    %scan3A_10 = arith.constant 7 : i32
    %mul3A_11 = arith.constant 624 : i32
    %mul3A_12 = arith.muli %arg1, %mul3A_11 : i32
    %add3A_13 = arith.constant 560 : i32
    %add3A_14 = arith.addi %mul3A_12, %add3A_13 : i32
    "tpu.region"() ({
      %run_scoped3A = tpu.sem_alloc : memref<!tpu.dma_semaphore, #tpu.memory_space<semaphore_mem>>
      %dma_start3A_48 = arith.constant 0 : i32
      %dma_start3A_49 = arith.constant 0 : i32
      %dma_start3A_50 = tpu.memref_slice %arg11[%dma_start3A_48, %dma_start3A_49] : memref<80x128xf32, #tpu.memory_space<vmem>> -> memref<64x128xf32, #tpu.memory_space<vmem>>
      %dma_start3A_51 = arith.constant 0 : i32
      %dma_start3A_52 = tpu.memref_slice %arg15[%add3A_14, %dma_start3A_51] : memref<10000x128xf32, #tpu.memory_space<vmem_shared>> -> memref<64x128xf32, #tpu.memory_space<vmem_shared>>
      %dma_start3A_53 = arith.constant 0 : i32
      %dma_start3A_54 = tpu.memref_slice %arg15[%add3A_14, %dma_start3A_53] : memref<10000x128xf32, #tpu.memory_space<vmem_shared>> -> memref<64x128xf32, #tpu.memory_space<vmem_shared>>
      %dma_start3A_55 = arith.constant 0 : i32
      %dma_start3A_56 = arith.constant 0 : i32
      %dma_start3A_57 = tpu.memref_slice %arg11[%dma_start3A_55, %dma_start3A_56] : memref<80x128xf32, #tpu.memory_space<vmem>> -> memref<64x128xf32, #tpu.memory_space<vmem>>
      tpu.enqueue_dma source(%dma_start3A_57 : memref<64x128xf32, #tpu.memory_space<vmem>>) target(%dma_start3A_54 : memref<64x128xf32, #tpu.memory_space<vmem_shared>>) target_semaphore(%run_scoped3A : memref<!tpu.dma_semaphore, #tpu.memory_space<semaphore_mem>>)
      %dma_wait3A = arith.constant 0 : i32
      %dma_wait3A_58 = arith.constant 0 : i32
      %dma_wait3A_59 = tpu.memref_slice %arg11[%dma_wait3A, %dma_wait3A_58] : memref<80x128xf32, #tpu.memory_space<vmem>> -> memref<64x128xf32, #tpu.memory_space<vmem>>
      %dma_wait3A_60 = arith.constant 0 : i32
      %dma_wait3A_61 = tpu.memref_slice %arg15[%add3A_14, %dma_wait3A_60] : memref<10000x128xf32, #tpu.memory_space<vmem_shared>> -> memref<64x128xf32, #tpu.memory_space<vmem_shared>>
      %dma_wait3A_62 = arith.constant 0 : i32
      %dma_wait3A_63 = tpu.memref_slice %arg15[%add3A_14, %dma_wait3A_62] : memref<10000x128xf32, #tpu.memory_space<vmem_shared>> -> memref<64x128xf32, #tpu.memory_space<vmem_shared>>
      %dma_wait3A_64 = arith.constant 0 : i32
      %dma_wait3A_65 = arith.constant 0 : i32
      %dma_wait3A_66 = tpu.memref_slice %arg11[%dma_wait3A_64, %dma_wait3A_65] : memref<80x128xf32, #tpu.memory_space<vmem>> -> memref<64x128xf32, #tpu.memory_space<vmem>>
      tpu.wait_dma2 semaphore(%run_scoped3A : memref<!tpu.dma_semaphore, #tpu.memory_space<semaphore_mem>>) src(%dma_wait3A_66 : memref<64x128xf32, #tpu.memory_space<vmem>>) dst(%dma_wait3A_63 : memref<64x128xf32, #tpu.memory_space<vmem_shared>>)
      tpu.yield
    }) : () -> ()
    %eq3A = arith.constant 15 : i32
    %eq3A_15 = arith.cmpi eq, %arg1, %eq3A : i32
    %convert_element_type3A = arith.extui %eq3A_15 : i1 to i32
    %cond3A = arith.constant 0 : i32
    %cond3A_16 = arith.cmpi ne, %convert_element_type3A, %cond3A : i32
    scf.if %cond3A_16 {
      "tpu.region"() ({
        %run_scoped3A = tpu.sem_alloc : memref<!tpu.dma_semaphore, #tpu.memory_space<semaphore_mem>>
        %dma_start3A_48 = arith.constant 0 : i32
        %dma_start3A_49 = arith.constant 0 : i32
        %dma_start3A_50 = tpu.memref_slice %arg11[%dma_start3A_48, %dma_start3A_49] : memref<80x128xf32, #tpu.memory_space<vmem>> -> memref<16x128xf32, #tpu.memory_space<vmem>>
        %dma_start3A_51 = arith.constant 9984 : i32
        %dma_start3A_52 = arith.constant 0 : i32
        %dma_start3A_53 = tpu.memref_slice %arg15[%dma_start3A_51, %dma_start3A_52] : memref<10000x128xf32, #tpu.memory_space<vmem_shared>> -> memref<16x128xf32, #tpu.memory_space<vmem_shared>>
        %dma_start3A_54 = arith.constant 9984 : i32
        %dma_start3A_55 = arith.constant 0 : i32
        %dma_start3A_56 = tpu.memref_slice %arg15[%dma_start3A_54, %dma_start3A_55] : memref<10000x128xf32, #tpu.memory_space<vmem_shared>> -> memref<16x128xf32, #tpu.memory_space<vmem_shared>>
        %dma_start3A_57 = arith.constant 0 : i32
        %dma_start3A_58 = arith.constant 0 : i32
        %dma_start3A_59 = tpu.memref_slice %arg11[%dma_start3A_57, %dma_start3A_58] : memref<80x128xf32, #tpu.memory_space<vmem>> -> memref<16x128xf32, #tpu.memory_space<vmem>>
        tpu.enqueue_dma source(%dma_start3A_59 : memref<16x128xf32, #tpu.memory_space<vmem>>) target(%dma_start3A_56 : memref<16x128xf32, #tpu.memory_space<vmem_shared>>) target_semaphore(%run_scoped3A : memref<!tpu.dma_semaphore, #tpu.memory_space<semaphore_mem>>)
        %dma_wait3A = arith.constant 0 : i32
        %dma_wait3A_60 = arith.constant 0 : i32
        %dma_wait3A_61 = tpu.memref_slice %arg11[%dma_wait3A, %dma_wait3A_60] : memref<80x128xf32, #tpu.memory_space<vmem>> -> memref<16x128xf32, #tpu.memory_space<vmem>>
        %dma_wait3A_62 = arith.constant 9984 : i32
        %dma_wait3A_63 = arith.constant 0 : i32
        %dma_wait3A_64 = tpu.memref_slice %arg15[%dma_wait3A_62, %dma_wait3A_63] : memref<10000x128xf32, #tpu.memory_space<vmem_shared>> -> memref<16x128xf32, #tpu.memory_space<vmem_shared>>
        %dma_wait3A_65 = arith.constant 9984 : i32
        %dma_wait3A_66 = arith.constant 0 : i32
        %dma_wait3A_67 = tpu.memref_slice %arg15[%dma_wait3A_65, %dma_wait3A_66] : memref<10000x128xf32, #tpu.memory_space<vmem_shared>> -> memref<16x128xf32, #tpu.memory_space<vmem_shared>>
        %dma_wait3A_68 = arith.constant 0 : i32
        %dma_wait3A_69 = arith.constant 0 : i32
        %dma_wait3A_70 = tpu.memref_slice %arg11[%dma_wait3A_68, %dma_wait3A_69] : memref<80x128xf32, #tpu.memory_space<vmem>> -> memref<16x128xf32, #tpu.memory_space<vmem>>
        tpu.wait_dma2 semaphore(%run_scoped3A : memref<!tpu.dma_semaphore, #tpu.memory_space<semaphore_mem>>) src(%dma_wait3A_70 : memref<16x128xf32, #tpu.memory_space<vmem>>) dst(%dma_wait3A_67 : memref<16x128xf32, #tpu.memory_space<vmem_shared>>)
        tpu.yield
      }) : () -> ()
    } else {
    }
    %barrier3A = arith.constant 0 : index
    tpu.barrier barrier_id(%barrier3A)
    %mul3A_17 = arith.constant 10000 : i32
    %mul3A_18 = arith.muli %add3A, %mul3A_17 : i32
    %add3A_19 = arith.constant 0 : i32
    %add3A_20 = arith.addi %mul3A_18, %add3A_19 : i32
    "tpu.region"() ({
      %run_scoped3A = tpu.sem_alloc : memref<!tpu.dma_semaphore, #tpu.memory_space<semaphore_mem>>
      %dma_start3A_48 = tpu.memref_slice %arg4[%add3A_20] : memref<320000xi32, #tpu.memory_space<hbm>> -> memref<80xi32, #tpu.memory_space<hbm>>
      %dma_start3A_49 = tpu.memref_slice %arg4[%add3A_20] : memref<320000xi32, #tpu.memory_space<hbm>> -> memref<80xi32, #tpu.memory_space<hbm>>
      tpu.enqueue_dma source(%dma_start3A_49 : memref<80xi32, #tpu.memory_space<hbm>>) target(%arg7 : memref<80xi32, #tpu.memory_space<vmem>>) target_semaphore(%run_scoped3A : memref<!tpu.dma_semaphore, #tpu.memory_space<semaphore_mem>>)
      %dma_wait3A = tpu.memref_slice %arg4[%add3A_20] : memref<320000xi32, #tpu.memory_space<hbm>> -> memref<80xi32, #tpu.memory_space<hbm>>
      %dma_wait3A_50 = tpu.memref_slice %arg4[%add3A_20] : memref<320000xi32, #tpu.memory_space<hbm>> -> memref<80xi32, #tpu.memory_space<hbm>>
      tpu.wait_dma2 semaphore(%run_scoped3A : memref<!tpu.dma_semaphore, #tpu.memory_space<semaphore_mem>>) src(%dma_wait3A_50 : memref<80xi32, #tpu.memory_space<hbm>>) dst(%arg7 : memref<80xi32, #tpu.memory_space<vmem>>)
      tpu.yield
    }) : () -> ()
    %mul3A_21 = arith.constant 10000 : i32
    %mul3A_22 = arith.muli %add3A, %mul3A_21 : i32
    %add3A_23 = arith.constant 0 : i32
    %add3A_24 = arith.addi %mul3A_22, %add3A_23 : i32
    "tpu.region"() ({
      %run_scoped3A = tpu.sem_alloc : memref<!tpu.dma_semaphore, #tpu.memory_space<semaphore_mem>>
      %dma_start3A_48 = tpu.memref_slice %arg5[%add3A_24] : memref<320000xi32, #tpu.memory_space<hbm>> -> memref<80xi32, #tpu.memory_space<hbm>>
      %dma_start3A_49 = tpu.memref_slice %arg5[%add3A_24] : memref<320000xi32, #tpu.memory_space<hbm>> -> memref<80xi32, #tpu.memory_space<hbm>>
      tpu.enqueue_dma source(%dma_start3A_49 : memref<80xi32, #tpu.memory_space<hbm>>) target(%arg9 : memref<80xi32, #tpu.memory_space<vmem>>) target_semaphore(%run_scoped3A : memref<!tpu.dma_semaphore, #tpu.memory_space<semaphore_mem>>)
      %dma_wait3A = tpu.memref_slice %arg5[%add3A_24] : memref<320000xi32, #tpu.memory_space<hbm>> -> memref<80xi32, #tpu.memory_space<hbm>>
      %dma_wait3A_50 = tpu.memref_slice %arg5[%add3A_24] : memref<320000xi32, #tpu.memory_space<hbm>> -> memref<80xi32, #tpu.memory_space<hbm>>
      tpu.wait_dma2 semaphore(%run_scoped3A : memref<!tpu.dma_semaphore, #tpu.memory_space<semaphore_mem>>) src(%dma_wait3A_50 : memref<80xi32, #tpu.memory_space<hbm>>) dst(%arg9 : memref<80xi32, #tpu.memory_space<vmem>>)
      tpu.yield
    }) : () -> ()
    %dma_start3A = arith.constant 0 : i32
    %dma_start3A_25 = arith.constant 0 : i32
    %dma_start3A_26 = tpu.memref_slice %arg2[%dma_start3A, %dma_start3A_25] : memref<10000x128xf32, #tpu.memory_space<hbm>> -> memref<10000x128xf32, #tpu.memory_space<hbm>>
    tpu.enqueue_indirect_dma source(%dma_start3A_26 : memref<10000x128xf32, #tpu.memory_space<hbm>>) target(%arg11 : memref<80x128xf32, #tpu.memory_space<vmem>>) offsets(%arg7 : memref<80xi32, #tpu.memory_space<vmem>>) semaphore(%arg20 : memref<!tpu.dma_semaphore, #tpu.memory_space<semaphore_mem>>)
    %mul3A_27 = arith.constant 10000 : i32
    %mul3A_28 = arith.muli %add3A, %mul3A_27 : i32
    %add3A_29 = arith.constant 0 : i32
    %add3A_30 = arith.addi %mul3A_28, %add3A_29 : i32
    %dma_start3A_31 = arith.constant 0 : i32
    %dma_start3A_32 = tpu.memref_slice %arg3[%add3A_30, %dma_start3A_31] : memref<320000x128xf32, #tpu.memory_space<hbm>> -> memref<80x128xf32, #tpu.memory_space<hbm>>
    %dma_start3A_33 = arith.constant 0 : i32
    %dma_start3A_34 = tpu.memref_slice %arg3[%add3A_30, %dma_start3A_33] : memref<320000x128xf32, #tpu.memory_space<hbm>> -> memref<80x128xf32, #tpu.memory_space<hbm>>
    tpu.enqueue_dma source(%dma_start3A_34 : memref<80x128xf32, #tpu.memory_space<hbm>>) target(%arg13 : memref<80x128xf32, #tpu.memory_space<vmem>>) target_semaphore(%arg22 : memref<!tpu.dma_semaphore, #tpu.memory_space<semaphore_mem>>)
    %scan3A_35 = arith.constant 0 : i32
    %scan3A_36 = arith.constant 63 : i32
    %scan3A_37 = arith.addi %scan3A_35, %scan3A_36 : i32
    %scan3A_38 = arith.constant 1 : i32
    scf.for %scan3A_48 = %scan3A_35 to %scan3A_37 step %scan3A_38  : i32 {
      %mul3A_49 = arith.constant 2 : i32
      %mul3A_50 = arith.muli %scan3A_48, %mul3A_49 : i32
      %add3A_51 = arith.constant 0 : i32
      %add3A_52 = arith.addi %add3A_51, %mul3A_50 : i32
      %add3A_53 = arith.constant 0 : i32
      %add3A_54 = arith.addi %add3A_52, %add3A_53 : i32
      %lt3A = arith.constant 125 : i32
      %lt3A_55 = arith.cmpi slt, %add3A_54, %lt3A : i32
      %convert_element_type3A_56 = arith.extui %lt3A_55 : i1 to i32
      %cond3A_57 = arith.constant 0 : i32
      %cond3A_58 = arith.cmpi ne, %convert_element_type3A_56, %cond3A_57 : i32
      scf.if %cond3A_58 {
        %add3A_66 = arith.constant 1 : i32
        %add3A_67 = arith.addi %add3A_54, %add3A_66 : i32
        %lt3A_68 = arith.constant 125 : i32
        %lt3A_69 = arith.cmpi slt, %add3A_67, %lt3A_68 : i32
        %ge3A = arith.constant 1 : i32
        %ge3A_70 = arith.cmpi sge, %add3A_54, %ge3A : i32
        %and3A = arith.andi %lt3A_69, %ge3A_70 : i1
        %convert_element_type3A_71 = arith.extui %and3A : i1 to i32
        %cond3A_72 = arith.constant 0 : i32
        %cond3A_73 = arith.cmpi ne, %convert_element_type3A_71, %cond3A_72 : i32
        scf.if %cond3A_73 {
          %dma_wait3A_106 = arith.constant 0 : i32
          %dma_wait3A_107 = arith.constant 0 : i32
          %dma_wait3A_108 = tpu.memref_slice %arg15[%dma_wait3A_106, %dma_wait3A_107] : memref<10000x128xf32, #tpu.memory_space<vmem_shared>> -> memref<10000x128xf32, #tpu.memory_space<vmem_shared>>
          tpu.wait_indirect_dma semaphore(%arg25 : memref<!tpu.dma_semaphore, #tpu.memory_space<semaphore_mem>>) src(%arg12 : memref<80x128xf32, #tpu.memory_space<vmem>>) dst(%dma_wait3A_108 : memref<10000x128xf32, #tpu.memory_space<vmem_shared>>)
        } else {
        }
        %convert_element_type3A_74 = arith.extui %lt3A_69 : i1 to i32
        %cond3A_75 = arith.constant 0 : i32
        %cond3A_76 = arith.cmpi ne, %convert_element_type3A_74, %cond3A_75 : i32
        scf.if %cond3A_76 {
          %add3A_106 = arith.constant 1 : i32
          %add3A_107 = arith.addi %add3A_54, %add3A_106 : i32
          %mul3A_108 = arith.constant 10000 : i32
          %mul3A_109 = arith.muli %add3A, %mul3A_108 : i32
          %mul3A_110 = arith.constant 80 : i32
          %mul3A_111 = arith.muli %add3A_107, %mul3A_110 : i32
          %add3A_112 = arith.addi %mul3A_109, %mul3A_111 : i32
          %dma_start3A_113 = tpu.memref_slice %arg4[%add3A_112] : memref<320000xi32, #tpu.memory_space<hbm>> -> memref<80xi32, #tpu.memory_space<hbm>>
          %dma_start3A_114 = tpu.memref_slice %arg4[%add3A_112] : memref<320000xi32, #tpu.memory_space<hbm>> -> memref<80xi32, #tpu.memory_space<hbm>>
          tpu.enqueue_dma source(%dma_start3A_114 : memref<80xi32, #tpu.memory_space<hbm>>) target(%arg8 : memref<80xi32, #tpu.memory_space<vmem>>) target_semaphore(%arg17 : memref<!tpu.dma_semaphore, #tpu.memory_space<semaphore_mem>>)
          %add3A_115 = arith.constant 1 : i32
          %add3A_116 = arith.addi %add3A_54, %add3A_115 : i32
          %mul3A_117 = arith.constant 10000 : i32
          %mul3A_118 = arith.muli %add3A, %mul3A_117 : i32
          %mul3A_119 = arith.constant 80 : i32
          %mul3A_120 = arith.muli %add3A_116, %mul3A_119 : i32
          %add3A_121 = arith.addi %mul3A_118, %mul3A_120 : i32
          %dma_start3A_122 = tpu.memref_slice %arg5[%add3A_121] : memref<320000xi32, #tpu.memory_space<hbm>> -> memref<80xi32, #tpu.memory_space<hbm>>
          %dma_start3A_123 = tpu.memref_slice %arg5[%add3A_121] : memref<320000xi32, #tpu.memory_space<hbm>> -> memref<80xi32, #tpu.memory_space<hbm>>
          tpu.enqueue_dma source(%dma_start3A_123 : memref<80xi32, #tpu.memory_space<hbm>>) target(%arg10 : memref<80xi32, #tpu.memory_space<vmem>>) target_semaphore(%arg19 : memref<!tpu.dma_semaphore, #tpu.memory_space<semaphore_mem>>)
        } else {
        }
        %dma_wait3A = arith.constant 0 : i32
        %dma_wait3A_77 = arith.constant 0 : i32
        %dma_wait3A_78 = tpu.memref_slice %arg2[%dma_wait3A, %dma_wait3A_77] : memref<10000x128xf32, #tpu.memory_space<hbm>> -> memref<10000x128xf32, #tpu.memory_space<hbm>>
        tpu.wait_indirect_dma semaphore(%arg20 : memref<!tpu.dma_semaphore, #tpu.memory_space<semaphore_mem>>) src(%dma_wait3A_78 : memref<10000x128xf32, #tpu.memory_space<hbm>>) dst(%arg11 : memref<80x128xf32, #tpu.memory_space<vmem>>)
        %convert_element_type3A_79 = arith.extui %lt3A_69 : i1 to i32
        %cond3A_80 = arith.constant 0 : i32
        %cond3A_81 = arith.cmpi ne, %convert_element_type3A_79, %cond3A_80 : i32
        scf.if %cond3A_81 {
          %add3A_106 = arith.constant 1 : i32
          %add3A_107 = arith.addi %add3A_54, %add3A_106 : i32
          %mul3A_108 = arith.constant 10000 : i32
          %mul3A_109 = arith.muli %add3A, %mul3A_108 : i32
          %mul3A_110 = arith.constant 80 : i32
          %mul3A_111 = arith.muli %add3A_107, %mul3A_110 : i32
          %add3A_112 = arith.addi %mul3A_109, %mul3A_111 : i32
          %dma_wait3A_113 = tpu.memref_slice %arg4[%add3A_112] : memref<320000xi32, #tpu.memory_space<hbm>> -> memref<80xi32, #tpu.memory_space<hbm>>
          %dma_wait3A_114 = tpu.memref_slice %arg4[%add3A_112] : memref<320000xi32, #tpu.memory_space<hbm>> -> memref<80xi32, #tpu.memory_space<hbm>>
          tpu.wait_dma2 semaphore(%arg17 : memref<!tpu.dma_semaphore, #tpu.memory_space<semaphore_mem>>) src(%dma_wait3A_114 : memref<80xi32, #tpu.memory_space<hbm>>) dst(%arg8 : memref<80xi32, #tpu.memory_space<vmem>>)
          %add3A_115 = arith.constant 1 : i32
          %add3A_116 = arith.addi %add3A_54, %add3A_115 : i32
          %mul3A_117 = arith.constant 10000 : i32
          %mul3A_118 = arith.muli %add3A, %mul3A_117 : i32
          %mul3A_119 = arith.constant 80 : i32
          %mul3A_120 = arith.muli %add3A_116, %mul3A_119 : i32
          %add3A_121 = arith.addi %mul3A_118, %mul3A_120 : i32
          %dma_wait3A_122 = tpu.memref_slice %arg5[%add3A_121] : memref<320000xi32, #tpu.memory_space<hbm>> -> memref<80xi32, #tpu.memory_space<hbm>>
          %dma_wait3A_123 = tpu.memref_slice %arg5[%add3A_121] : memref<320000xi32, #tpu.memory_space<hbm>> -> memref<80xi32, #tpu.memory_space<hbm>>
          tpu.wait_dma2 semaphore(%arg19 : memref<!tpu.dma_semaphore, #tpu.memory_space<semaphore_mem>>) src(%dma_wait3A_123 : memref<80xi32, #tpu.memory_space<hbm>>) dst(%arg10 : memref<80xi32, #tpu.memory_space<vmem>>)
          %dma_start3A_124 = arith.constant 0 : i32
          %dma_start3A_125 = arith.constant 0 : i32
          %dma_start3A_126 = tpu.memref_slice %arg2[%dma_start3A_124, %dma_start3A_125] : memref<10000x128xf32, #tpu.memory_space<hbm>> -> memref<10000x128xf32, #tpu.memory_space<hbm>>
          tpu.enqueue_indirect_dma source(%dma_start3A_126 : memref<10000x128xf32, #tpu.memory_space<hbm>>) target(%arg12 : memref<80x128xf32, #tpu.memory_space<vmem>>) offsets(%arg8 : memref<80xi32, #tpu.memory_space<vmem>>) semaphore(%arg21 : memref<!tpu.dma_semaphore, #tpu.memory_space<semaphore_mem>>)
          %add3A_127 = arith.constant 1 : i32
          %add3A_128 = arith.addi %add3A_54, %add3A_127 : i32
          %mul3A_129 = arith.constant 10000 : i32
          %mul3A_130 = arith.muli %add3A, %mul3A_129 : i32
          %mul3A_131 = arith.constant 80 : i32
          %mul3A_132 = arith.muli %add3A_128, %mul3A_131 : i32
          %add3A_133 = arith.addi %mul3A_130, %mul3A_132 : i32
          %dma_start3A_134 = arith.constant 0 : i32
          %dma_start3A_135 = tpu.memref_slice %arg3[%add3A_133, %dma_start3A_134] : memref<320000x128xf32, #tpu.memory_space<hbm>> -> memref<80x128xf32, #tpu.memory_space<hbm>>
          %dma_start3A_136 = arith.constant 0 : i32
          %dma_start3A_137 = tpu.memref_slice %arg3[%add3A_133, %dma_start3A_136] : memref<320000x128xf32, #tpu.memory_space<hbm>> -> memref<80x128xf32, #tpu.memory_space<hbm>>
          tpu.enqueue_dma source(%dma_start3A_137 : memref<80x128xf32, #tpu.memory_space<hbm>>) target(%arg14 : memref<80x128xf32, #tpu.memory_space<vmem>>) target_semaphore(%arg23 : memref<!tpu.dma_semaphore, #tpu.memory_space<semaphore_mem>>)
        } else {
        }
        %mul3A_82 = arith.constant 10000 : i32
        %mul3A_83 = arith.muli %add3A, %mul3A_82 : i32
        %mul3A_84 = arith.constant 80 : i32
        %mul3A_85 = arith.muli %add3A_54, %mul3A_84 : i32
        %add3A_86 = arith.addi %mul3A_83, %mul3A_85 : i32
        %dma_wait3A_87 = arith.constant 0 : i32
        %dma_wait3A_88 = tpu.memref_slice %arg3[%add3A_86, %dma_wait3A_87] : memref<320000x128xf32, #tpu.memory_space<hbm>> -> memref<80x128xf32, #tpu.memory_space<hbm>>
        %dma_wait3A_89 = arith.constant 0 : i32
        %dma_wait3A_90 = tpu.memref_slice %arg3[%add3A_86, %dma_wait3A_89] : memref<320000x128xf32, #tpu.memory_space<hbm>> -> memref<80x128xf32, #tpu.memory_space<hbm>>
        tpu.wait_dma2 semaphore(%arg22 : memref<!tpu.dma_semaphore, #tpu.memory_space<semaphore_mem>>) src(%dma_wait3A_90 : memref<80x128xf32, #tpu.memory_space<hbm>>) dst(%arg13 : memref<80x128xf32, #tpu.memory_space<vmem>>)
        %scan3A_91 = arith.constant 0 : i32
        %scan3A_92 = arith.constant 80 : i32
        %scan3A_93 = arith.addi %scan3A_91, %scan3A_92 : i32
        %scan3A_94 = arith.constant 1 : i32
        scf.for %scan3A_106 = %scan3A_91 to %scan3A_93 step %scan3A_94  : i32 {
          %mul3A_107 = arith.constant 1 : i32
          %mul3A_108 = arith.muli %scan3A_106, %mul3A_107 : i32
          %add3A_109 = arith.constant 0 : i32
          %add3A_110 = arith.addi %add3A_109, %mul3A_108 : i32
          %get3A = arith.index_cast %add3A_110 : i32 to index
          %get3A_111 = arith.constant 0 : index
          %get3A_112 = tpu.vector_load %arg11[%get3A, %get3A_111] {strides = array<i32>} : memref<80x128xf32, #tpu.memory_space<vmem>>, vector<1x16xf32>,
          %get3A_113 = vector.shape_cast %get3A_112 : vector<1x16xf32> to vector<16xf32>
          %get3A_114 = arith.index_cast %add3A_110 : i32 to index
          %get3A_115 = arith.constant 0 : index
          %get3A_116 = tpu.vector_load %arg13[%get3A_114, %get3A_115] {strides = array<i32>} : memref<80x128xf32, #tpu.memory_space<vmem>>, vector<1x16xf32>,
          %get3A_117 = vector.shape_cast %get3A_116 : vector<1x16xf32> to vector<16xf32>
          %mul3A_118 = arith.mulf %get3A_113, %get3A_117 : vector<16xf32>
          %swap3A = arith.index_cast %add3A_110 : i32 to index
          %swap3A_119 = arith.constant 0 : index
          %swap3A_120 = tpu.vector_load %arg11[%swap3A, %swap3A_119] {strides = array<i32>} : memref<80x128xf32, #tpu.memory_space<vmem>>, vector<1x16xf32>,
          %swap3A_121 = vector.shape_cast %swap3A_120 : vector<1x16xf32> to vector<16xf32>
          %swap3A_122 = vector.shape_cast %mul3A_118 : vector<16xf32> to vector<1x16xf32>
          tpu.vector_store %arg11[%swap3A, %swap3A_119], %swap3A_122 {strides = array<i32>} : memref<80x128xf32, #tpu.memory_space<vmem>>, vector<1x16xf32>,
          %get3A_123 = arith.index_cast %add3A_110 : i32 to index
          %get3A_124 = arith.constant 16 : index
          %get3A_125 = tpu.vector_load %arg11[%get3A_123, %get3A_124] {strides = array<i32>} : memref<80x128xf32, #tpu.memory_space<vmem>>, vector<1x16xf32>,
          %get3A_126 = vector.shape_cast %get3A_125 : vector<1x16xf32> to vector<16xf32>
          %get3A_127 = arith.index_cast %add3A_110 : i32 to index
          %get3A_128 = arith.constant 16 : index
          %get3A_129 = tpu.vector_load %arg13[%get3A_127, %get3A_128] {strides = array<i32>} : memref<80x128xf32, #tpu.memory_space<vmem>>, vector<1x16xf32>,
          %get3A_130 = vector.shape_cast %get3A_129 : vector<1x16xf32> to vector<16xf32>
          %mul3A_131 = arith.mulf %get3A_126, %get3A_130 : vector<16xf32>
          %swap3A_132 = arith.index_cast %add3A_110 : i32 to index
          %swap3A_133 = arith.constant 16 : index
          %swap3A_134 = tpu.vector_load %arg11[%swap3A_132, %swap3A_133] {strides = array<i32>} : memref<80x128xf32, #tpu.memory_space<vmem>>, vector<1x16xf32>,
          %swap3A_135 = vector.shape_cast %swap3A_134 : vector<1x16xf32> to vector<16xf32>
          %swap3A_136 = vector.shape_cast %mul3A_131 : vector<16xf32> to vector<1x16xf32>
          tpu.vector_store %arg11[%swap3A_132, %swap3A_133], %swap3A_136 {strides = array<i32>} : memref<80x128xf32, #tpu.memory_space<vmem>>, vector<1x16xf32>,
          %get3A_137 = arith.index_cast %add3A_110 : i32 to index
          %get3A_138 = arith.constant 32 : index
          %get3A_139 = tpu.vector_load %arg11[%get3A_137, %get3A_138] {strides = array<i32>} : memref<80x128xf32, #tpu.memory_space<vmem>>, vector<1x16xf32>,
          %get3A_140 = vector.shape_cast %get3A_139 : vector<1x16xf32> to vector<16xf32>
          %get3A_141 = arith.index_cast %add3A_110 : i32 to index
          %get3A_142 = arith.constant 32 : index
          %get3A_143 = tpu.vector_load %arg13[%get3A_141, %get3A_142] {strides = array<i32>} : memref<80x128xf32, #tpu.memory_space<vmem>>, vector<1x16xf32>,
          %get3A_144 = vector.shape_cast %get3A_143 : vector<1x16xf32> to vector<16xf32>
          %mul3A_145 = arith.mulf %get3A_140, %get3A_144 : vector<16xf32>
          %swap3A_146 = arith.index_cast %add3A_110 : i32 to index
          %swap3A_147 = arith.constant 32 : index
          %swap3A_148 = tpu.vector_load %arg11[%swap3A_146, %swap3A_147] {strides = array<i32>} : memref<80x128xf32, #tpu.memory_space<vmem>>, vector<1x16xf32>,
          %swap3A_149 = vector.shape_cast %swap3A_148 : vector<1x16xf32> to vector<16xf32>
          %swap3A_150 = vector.shape_cast %mul3A_145 : vector<16xf32> to vector<1x16xf32>
          tpu.vector_store %arg11[%swap3A_146, %swap3A_147], %swap3A_150 {strides = array<i32>} : memref<80x128xf32, #tpu.memory_space<vmem>>, vector<1x16xf32>,
          %get3A_151 = arith.index_cast %add3A_110 : i32 to index
          %get3A_152 = arith.constant 48 : index
          %get3A_153 = tpu.vector_load %arg11[%get3A_151, %get3A_152] {strides = array<i32>} : memref<80x128xf32, #tpu.memory_space<vmem>>, vector<1x16xf32>,
          %get3A_154 = vector.shape_cast %get3A_153 : vector<1x16xf32> to vector<16xf32>
          %get3A_155 = arith.index_cast %add3A_110 : i32 to index
          %get3A_156 = arith.constant 48 : index
          %get3A_157 = tpu.vector_load %arg13[%get3A_155, %get3A_156] {strides = array<i32>} : memref<80x128xf32, #tpu.memory_space<vmem>>, vector<1x16xf32>,
          %get3A_158 = vector.shape_cast %get3A_157 : vector<1x16xf32> to vector<16xf32>
          %mul3A_159 = arith.mulf %get3A_154, %get3A_158 : vector<16xf32>
          %swap3A_160 = arith.index_cast %add3A_110 : i32 to index
          %swap3A_161 = arith.constant 48 : index
          %swap3A_162 = tpu.vector_load %arg11[%swap3A_160, %swap3A_161] {strides = array<i32>} : memref<80x128xf32, #tpu.memory_space<vmem>>, vector<1x16xf32>,
          %swap3A_163 = vector.shape_cast %swap3A_162 : vector<1x16xf32> to vector<16xf32>
          %swap3A_164 = vector.shape_cast %mul3A_159 : vector<16xf32> to vector<1x16xf32>
          tpu.vector_store %arg11[%swap3A_160, %swap3A_161], %swap3A_164 {strides = array<i32>} : memref<80x128xf32, #tpu.memory_space<vmem>>, vector<1x16xf32>,
          %get3A_165 = arith.index_cast %add3A_110 : i32 to index
          %get3A_166 = arith.constant 64 : index
          %get3A_167 = tpu.vector_load %arg11[%get3A_165, %get3A_166] {strides = array<i32>} : memref<80x128xf32, #tpu.memory_space<vmem>>, vector<1x16xf32>,
          %get3A_168 = vector.shape_cast %get3A_167 : vector<1x16xf32> to vector<16xf32>
          %get3A_169 = arith.index_cast %add3A_110 : i32 to index
          %get3A_170 = arith.constant 64 : index
          %get3A_171 = tpu.vector_load %arg13[%get3A_169, %get3A_170] {strides = array<i32>} : memref<80x128xf32, #tpu.memory_space<vmem>>, vector<1x16xf32>,
          %get3A_172 = vector.shape_cast %get3A_171 : vector<1x16xf32> to vector<16xf32>
          %mul3A_173 = arith.mulf %get3A_168, %get3A_172 : vector<16xf32>
          %swap3A_174 = arith.index_cast %add3A_110 : i32 to index
          %swap3A_175 = arith.constant 64 : index
          %swap3A_176 = tpu.vector_load %arg11[%swap3A_174, %swap3A_175] {strides = array<i32>} : memref<80x128xf32, #tpu.memory_space<vmem>>, vector<1x16xf32>,
          %swap3A_177 = vector.shape_cast %swap3A_176 : vector<1x16xf32> to vector<16xf32>
          %swap3A_178 = vector.shape_cast %mul3A_173 : vector<16xf32> to vector<1x16xf32>
          tpu.vector_store %arg11[%swap3A_174, %swap3A_175], %swap3A_178 {strides = array<i32>} : memref<80x128xf32, #tpu.memory_space<vmem>>, vector<1x16xf32>,
          %get3A_179 = arith.index_cast %add3A_110 : i32 to index
          %get3A_180 = arith.constant 80 : index
          %get3A_181 = tpu.vector_load %arg11[%get3A_179, %get3A_180] {strides = array<i32>} : memref<80x128xf32, #tpu.memory_space<vmem>>, vector<1x16xf32>,
          %get3A_182 = vector.shape_cast %get3A_181 : vector<1x16xf32> to vector<16xf32>
          %get3A_183 = arith.index_cast %add3A_110 : i32 to index
          %get3A_184 = arith.constant 80 : index
          %get3A_185 = tpu.vector_load %arg13[%get3A_183, %get3A_184] {strides = array<i32>} : memref<80x128xf32, #tpu.memory_space<vmem>>, vector<1x16xf32>,
          %get3A_186 = vector.shape_cast %get3A_185 : vector<1x16xf32> to vector<16xf32>
          %mul3A_187 = arith.mulf %get3A_182, %get3A_186 : vector<16xf32>
          %swap3A_188 = arith.index_cast %add3A_110 : i32 to index
          %swap3A_189 = arith.constant 80 : index
          %swap3A_190 = tpu.vector_load %arg11[%swap3A_188, %swap3A_189] {strides = array<i32>} : memref<80x128xf32, #tpu.memory_space<vmem>>, vector<1x16xf32>,
          %swap3A_191 = vector.shape_cast %swap3A_190 : vector<1x16xf32> to vector<16xf32>
          %swap3A_192 = vector.shape_cast %mul3A_187 : vector<16xf32> to vector<1x16xf32>
          tpu.vector_store %arg11[%swap3A_188, %swap3A_189], %swap3A_192 {strides = array<i32>} : memref<80x128xf32, #tpu.memory_space<vmem>>, vector<1x16xf32>,
          %get3A_193 = arith.index_cast %add3A_110 : i32 to index
          %get3A_194 = arith.constant 96 : index
          %get3A_195 = tpu.vector_load %arg11[%get3A_193, %get3A_194] {strides = array<i32>} : memref<80x128xf32, #tpu.memory_space<vmem>>, vector<1x16xf32>,
          %get3A_196 = vector.shape_cast %get3A_195 : vector<1x16xf32> to vector<16xf32>
          %get3A_197 = arith.index_cast %add3A_110 : i32 to index
          %get3A_198 = arith.constant 96 : index
          %get3A_199 = tpu.vector_load %arg13[%get3A_197, %get3A_198] {strides = array<i32>} : memref<80x128xf32, #tpu.memory_space<vmem>>, vector<1x16xf32>,
          %get3A_200 = vector.shape_cast %get3A_199 : vector<1x16xf32> to vector<16xf32>
          %mul3A_201 = arith.mulf %get3A_196, %get3A_200 : vector<16xf32>
          %swap3A_202 = arith.index_cast %add3A_110 : i32 to index
          %swap3A_203 = arith.constant 96 : index
          %swap3A_204 = tpu.vector_load %arg11[%swap3A_202, %swap3A_203] {strides = array<i32>} : memref<80x128xf32, #tpu.memory_space<vmem>>, vector<1x16xf32>,
          %swap3A_205 = vector.shape_cast %swap3A_204 : vector<1x16xf32> to vector<16xf32>
          %swap3A_206 = vector.shape_cast %mul3A_201 : vector<16xf32> to vector<1x16xf32>
          tpu.vector_store %arg11[%swap3A_202, %swap3A_203], %swap3A_206 {strides = array<i32>} : memref<80x128xf32, #tpu.memory_space<vmem>>, vector<1x16xf32>,
          %get3A_207 = arith.index_cast %add3A_110 : i32 to index
          %get3A_208 = arith.constant 112 : index
          %get3A_209 = tpu.vector_load %arg11[%get3A_207, %get3A_208] {strides = array<i32>} : memref<80x128xf32, #tpu.memory_space<vmem>>, vector<1x16xf32>,
          %get3A_210 = vector.shape_cast %get3A_209 : vector<1x16xf32> to vector<16xf32>
          %get3A_211 = arith.index_cast %add3A_110 : i32 to index
          %get3A_212 = arith.constant 112 : index
          %get3A_213 = tpu.vector_load %arg13[%get3A_211, %get3A_212] {strides = array<i32>} : memref<80x128xf32, #tpu.memory_space<vmem>>, vector<1x16xf32>,
          %get3A_214 = vector.shape_cast %get3A_213 : vector<1x16xf32> to vector<16xf32>
          %mul3A_215 = arith.mulf %get3A_210, %get3A_214 : vector<16xf32>
          %swap3A_216 = arith.index_cast %add3A_110 : i32 to index
          %swap3A_217 = arith.constant 112 : index
          %swap3A_218 = tpu.vector_load %arg11[%swap3A_216, %swap3A_217] {strides = array<i32>} : memref<80x128xf32, #tpu.memory_space<vmem>>, vector<1x16xf32>,
          %swap3A_219 = vector.shape_cast %swap3A_218 : vector<1x16xf32> to vector<16xf32>
          %swap3A_220 = vector.shape_cast %mul3A_215 : vector<16xf32> to vector<1x16xf32>
          tpu.vector_store %arg11[%swap3A_216, %swap3A_217], %swap3A_220 {strides = array<i32>} : memref<80x128xf32, #tpu.memory_space<vmem>>, vector<1x16xf32>,
        }
        %scan3A_95 = arith.constant 80 : i32
        %ge3A_96 = arith.constant 123 : i32
        %ge3A_97 = arith.cmpi sge, %add3A_54, %ge3A_96 : i32
        %convert_element_type3A_98 = arith.extui %ge3A_97 : i1 to i32
        %cond3A_99 = arith.constant 0 : i32
        %cond3A_100 = arith.cmpi ne, %convert_element_type3A_98, %cond3A_99 : i32
        scf.if %cond3A_100 {
          "tpu.region"() ({
            %run_scoped3A = tpu.sem_alloc : memref<!tpu.dma_semaphore, #tpu.memory_space<semaphore_mem>>
            %dma_start3A_106 = arith.constant 0 : i32
            %dma_start3A_107 = arith.constant 0 : i32
            %dma_start3A_108 = tpu.memref_slice %arg15[%dma_start3A_106, %dma_start3A_107] : memref<10000x128xf32, #tpu.memory_space<vmem_shared>> -> memref<10000x128xf32, #tpu.memory_space<vmem_shared>>
            tpu.enqueue_indirect_dma source(%arg11 : memref<80x128xf32, #tpu.memory_space<vmem>>) target(%dma_start3A_108 : memref<10000x128xf32, #tpu.memory_space<vmem_shared>>) offsets(%arg9 : memref<80xi32, #tpu.memory_space<vmem>>) semaphore(%run_scoped3A : memref<!tpu.dma_semaphore, #tpu.memory_space<semaphore_mem>>) {add = true}
            %dma_wait3A_109 = arith.constant 0 : i32
            %dma_wait3A_110 = arith.constant 0 : i32
            %dma_wait3A_111 = tpu.memref_slice %arg15[%dma_wait3A_109, %dma_wait3A_110] : memref<10000x128xf32, #tpu.memory_space<vmem_shared>> -> memref<10000x128xf32, #tpu.memory_space<vmem_shared>>
            tpu.wait_indirect_dma semaphore(%run_scoped3A : memref<!tpu.dma_semaphore, #tpu.memory_space<semaphore_mem>>) src(%arg11 : memref<80x128xf32, #tpu.memory_space<vmem>>) dst(%dma_wait3A_111 : memref<10000x128xf32, #tpu.memory_space<vmem_shared>>)
            tpu.yield
          }) : () -> ()
        } else {
        }
        %lt3A_101 = arith.constant 123 : i32
        %lt3A_102 = arith.cmpi slt, %add3A_54, %lt3A_101 : i32
        %convert_element_type3A_103 = arith.extui %lt3A_102 : i1 to i32
        %cond3A_104 = arith.constant 0 : i32
        %cond3A_105 = arith.cmpi ne, %convert_element_type3A_103, %cond3A_104 : i32
        scf.if %cond3A_105 {
          %dma_start3A_106 = arith.constant 0 : i32
          %dma_start3A_107 = arith.constant 0 : i32
          %dma_start3A_108 = tpu.memref_slice %arg15[%dma_start3A_106, %dma_start3A_107] : memref<10000x128xf32, #tpu.memory_space<vmem_shared>> -> memref<10000x128xf32, #tpu.memory_space<vmem_shared>>
          tpu.enqueue_indirect_dma source(%arg11 : memref<80x128xf32, #tpu.memory_space<vmem>>) target(%dma_start3A_108 : memref<10000x128xf32, #tpu.memory_space<vmem_shared>>) offsets(%arg9 : memref<80xi32, #tpu.memory_space<vmem>>) semaphore(%arg24 : memref<!tpu.dma_semaphore, #tpu.memory_space<semaphore_mem>>) {add = true}
        } else {
        }
      } else {
      }
      %add3A_59 = arith.constant 1 : i32
      %add3A_60 = arith.addi %add3A_52, %add3A_59 : i32
      %lt3A_61 = arith.constant 125 : i32
      %lt3A_62 = arith.cmpi slt, %add3A_60, %lt3A_61 : i32
      %convert_element_type3A_63 = arith.extui %lt3A_62 : i1 to i32
      %cond3A_64 = arith.constant 0 : i32
      %cond3A_65 = arith.cmpi ne, %convert_element_type3A_63, %cond3A_64 : i32
      scf.if %cond3A_65 {
        %add3A_66 = arith.constant 1 : i32
        %add3A_67 = arith.addi %add3A_60, %add3A_66 : i32
        %lt3A_68 = arith.constant 125 : i32
        %lt3A_69 = arith.cmpi slt, %add3A_67, %lt3A_68 : i32
        %ge3A = arith.constant 1 : i32
        %ge3A_70 = arith.cmpi sge, %add3A_60, %ge3A : i32
        %and3A = arith.andi %lt3A_69, %ge3A_70 : i1
        %convert_element_type3A_71 = arith.extui %and3A : i1 to i32
        %cond3A_72 = arith.constant 0 : i32
        %cond3A_73 = arith.cmpi ne, %convert_element_type3A_71, %cond3A_72 : i32
        scf.if %cond3A_73 {
          %dma_wait3A_106 = arith.constant 0 : i32
          %dma_wait3A_107 = arith.constant 0 : i32
          %dma_wait3A_108 = tpu.memref_slice %arg15[%dma_wait3A_106, %dma_wait3A_107] : memref<10000x128xf32, #tpu.memory_space<vmem_shared>> -> memref<10000x128xf32, #tpu.memory_space<vmem_shared>>
          tpu.wait_indirect_dma semaphore(%arg24 : memref<!tpu.dma_semaphore, #tpu.memory_space<semaphore_mem>>) src(%arg11 : memref<80x128xf32, #tpu.memory_space<vmem>>) dst(%dma_wait3A_108 : memref<10000x128xf32, #tpu.memory_space<vmem_shared>>)
        } else {
        }
        %convert_element_type3A_74 = arith.extui %lt3A_69 : i1 to i32
        %cond3A_75 = arith.constant 0 : i32
        %cond3A_76 = arith.cmpi ne, %convert_element_type3A_74, %cond3A_75 : i32
        scf.if %cond3A_76 {
          %add3A_106 = arith.constant 1 : i32
          %add3A_107 = arith.addi %add3A_60, %add3A_106 : i32
          %mul3A_108 = arith.constant 10000 : i32
          %mul3A_109 = arith.muli %add3A, %mul3A_108 : i32
          %mul3A_110 = arith.constant 80 : i32
          %mul3A_111 = arith.muli %add3A_107, %mul3A_110 : i32
          %add3A_112 = arith.addi %mul3A_109, %mul3A_111 : i32
          %dma_start3A_113 = tpu.memref_slice %arg4[%add3A_112] : memref<320000xi32, #tpu.memory_space<hbm>> -> memref<80xi32, #tpu.memory_space<hbm>>
          %dma_start3A_114 = tpu.memref_slice %arg4[%add3A_112] : memref<320000xi32, #tpu.memory_space<hbm>> -> memref<80xi32, #tpu.memory_space<hbm>>
          tpu.enqueue_dma source(%dma_start3A_114 : memref<80xi32, #tpu.memory_space<hbm>>) target(%arg7 : memref<80xi32, #tpu.memory_space<vmem>>) target_semaphore(%arg16 : memref<!tpu.dma_semaphore, #tpu.memory_space<semaphore_mem>>)
          %add3A_115 = arith.constant 1 : i32
          %add3A_116 = arith.addi %add3A_60, %add3A_115 : i32
          %mul3A_117 = arith.constant 10000 : i32
          %mul3A_118 = arith.muli %add3A, %mul3A_117 : i32
          %mul3A_119 = arith.constant 80 : i32
          %mul3A_120 = arith.muli %add3A_116, %mul3A_119 : i32
          %add3A_121 = arith.addi %mul3A_118, %mul3A_120 : i32
          %dma_start3A_122 = tpu.memref_slice %arg5[%add3A_121] : memref<320000xi32, #tpu.memory_space<hbm>> -> memref<80xi32, #tpu.memory_space<hbm>>
          %dma_start3A_123 = tpu.memref_slice %arg5[%add3A_121] : memref<320000xi32, #tpu.memory_space<hbm>> -> memref<80xi32, #tpu.memory_space<hbm>>
          tpu.enqueue_dma source(%dma_start3A_123 : memref<80xi32, #tpu.memory_space<hbm>>) target(%arg9 : memref<80xi32, #tpu.memory_space<vmem>>) target_semaphore(%arg18 : memref<!tpu.dma_semaphore, #tpu.memory_space<semaphore_mem>>)
        } else {
        }
        %dma_wait3A = arith.constant 0 : i32
        %dma_wait3A_77 = arith.constant 0 : i32
        %dma_wait3A_78 = tpu.memref_slice %arg2[%dma_wait3A, %dma_wait3A_77] : memref<10000x128xf32, #tpu.memory_space<hbm>> -> memref<10000x128xf32, #tpu.memory_space<hbm>>
        tpu.wait_indirect_dma semaphore(%arg21 : memref<!tpu.dma_semaphore, #tpu.memory_space<semaphore_mem>>) src(%dma_wait3A_78 : memref<10000x128xf32, #tpu.memory_space<hbm>>) dst(%arg12 : memref<80x128xf32, #tpu.memory_space<vmem>>)
        %convert_element_type3A_79 = arith.extui %lt3A_69 : i1 to i32
        %cond3A_80 = arith.constant 0 : i32
        %cond3A_81 = arith.cmpi ne, %convert_element_type3A_79, %cond3A_80 : i32
        scf.if %cond3A_81 {
          %add3A_106 = arith.constant 1 : i32
          %add3A_107 = arith.addi %add3A_60, %add3A_106 : i32
          %mul3A_108 = arith.constant 10000 : i32
          %mul3A_109 = arith.muli %add3A, %mul3A_108 : i32
          %mul3A_110 = arith.constant 80 : i32
          %mul3A_111 = arith.muli %add3A_107, %mul3A_110 : i32
          %add3A_112 = arith.addi %mul3A_109, %mul3A_111 : i32
          %dma_wait3A_113 = tpu.memref_slice %arg4[%add3A_112] : memref<320000xi32, #tpu.memory_space<hbm>> -> memref<80xi32, #tpu.memory_space<hbm>>
          %dma_wait3A_114 = tpu.memref_slice %arg4[%add3A_112] : memref<320000xi32, #tpu.memory_space<hbm>> -> memref<80xi32, #tpu.memory_space<hbm>>
          tpu.wait_dma2 semaphore(%arg16 : memref<!tpu.dma_semaphore, #tpu.memory_space<semaphore_mem>>) src(%dma_wait3A_114 : memref<80xi32, #tpu.memory_space<hbm>>) dst(%arg7 : memref<80xi32, #tpu.memory_space<vmem>>)
          %add3A_115 = arith.constant 1 : i32
          %add3A_116 = arith.addi %add3A_60, %add3A_115 : i32
          %mul3A_117 = arith.constant 10000 : i32
          %mul3A_118 = arith.muli %add3A, %mul3A_117 : i32
          %mul3A_119 = arith.constant 80 : i32
          %mul3A_120 = arith.muli %add3A_116, %mul3A_119 : i32
          %add3A_121 = arith.addi %mul3A_118, %mul3A_120 : i32
          %dma_wait3A_122 = tpu.memref_slice %arg5[%add3A_121] : memref<320000xi32, #tpu.memory_space<hbm>> -> memref<80xi32, #tpu.memory_space<hbm>>
          %dma_wait3A_123 = tpu.memref_slice %arg5[%add3A_121] : memref<320000xi32, #tpu.memory_space<hbm>> -> memref<80xi32, #tpu.memory_space<hbm>>
          tpu.wait_dma2 semaphore(%arg18 : memref<!tpu.dma_semaphore, #tpu.memory_space<semaphore_mem>>) src(%dma_wait3A_123 : memref<80xi32, #tpu.memory_space<hbm>>) dst(%arg9 : memref<80xi32, #tpu.memory_space<vmem>>)
          %dma_start3A_124 = arith.constant 0 : i32
          %dma_start3A_125 = arith.constant 0 : i32
          %dma_start3A_126 = tpu.memref_slice %arg2[%dma_start3A_124, %dma_start3A_125] : memref<10000x128xf32, #tpu.memory_space<hbm>> -> memref<10000x128xf32, #tpu.memory_space<hbm>>
          tpu.enqueue_indirect_dma source(%dma_start3A_126 : memref<10000x128xf32, #tpu.memory_space<hbm>>) target(%arg11 : memref<80x128xf32, #tpu.memory_space<vmem>>) offsets(%arg7 : memref<80xi32, #tpu.memory_space<vmem>>) semaphore(%arg20 : memref<!tpu.dma_semaphore, #tpu.memory_space<semaphore_mem>>)
          %add3A_127 = arith.constant 1 : i32
          %add3A_128 = arith.addi %add3A_60, %add3A_127 : i32
          %mul3A_129 = arith.constant 10000 : i32
          %mul3A_130 = arith.muli %add3A, %mul3A_129 : i32
          %mul3A_131 = arith.constant 80 : i32
          %mul3A_132 = arith.muli %add3A_128, %mul3A_131 : i32
          %add3A_133 = arith.addi %mul3A_130, %mul3A_132 : i32
          %dma_start3A_134 = arith.constant 0 : i32
          %dma_start3A_135 = tpu.memref_slice %arg3[%add3A_133, %dma_start3A_134] : memref<320000x128xf32, #tpu.memory_space<hbm>> -> memref<80x128xf32, #tpu.memory_space<hbm>>
          %dma_start3A_136 = arith.constant 0 : i32
          %dma_start3A_137 = tpu.memref_slice %arg3[%add3A_133, %dma_start3A_136] : memref<320000x128xf32, #tpu.memory_space<hbm>> -> memref<80x128xf32, #tpu.memory_space<hbm>>
          tpu.enqueue_dma source(%dma_start3A_137 : memref<80x128xf32, #tpu.memory_space<hbm>>) target(%arg13 : memref<80x128xf32, #tpu.memory_space<vmem>>) target_semaphore(%arg22 : memref<!tpu.dma_semaphore, #tpu.memory_space<semaphore_mem>>)
        } else {
        }
        %mul3A_82 = arith.constant 10000 : i32
        %mul3A_83 = arith.muli %add3A, %mul3A_82 : i32
        %mul3A_84 = arith.constant 80 : i32
        %mul3A_85 = arith.muli %add3A_60, %mul3A_84 : i32
        %add3A_86 = arith.addi %mul3A_83, %mul3A_85 : i32
        %dma_wait3A_87 = arith.constant 0 : i32
        %dma_wait3A_88 = tpu.memref_slice %arg3[%add3A_86, %dma_wait3A_87] : memref<320000x128xf32, #tpu.memory_space<hbm>> -> memref<80x128xf32, #tpu.memory_space<hbm>>
        %dma_wait3A_89 = arith.constant 0 : i32
        %dma_wait3A_90 = tpu.memref_slice %arg3[%add3A_86, %dma_wait3A_89] : memref<320000x128xf32, #tpu.memory_space<hbm>> -> memref<80x128xf32, #tpu.memory_space<hbm>>
        tpu.wait_dma2 semaphore(%arg23 : memref<!tpu.dma_semaphore, #tpu.memory_space<semaphore_mem>>) src(%dma_wait3A_90 : memref<80x128xf32, #tpu.memory_space<hbm>>) dst(%arg14 : memref<80x128xf32, #tpu.memory_space<vmem>>)
        %scan3A_91 = arith.constant 0 : i32
        %scan3A_92 = arith.constant 80 : i32
        %scan3A_93 = arith.addi %scan3A_91, %scan3A_92 : i32
        %scan3A_94 = arith.constant 1 : i32
        scf.for %scan3A_106 = %scan3A_91 to %scan3A_93 step %scan3A_94  : i32 {
          %mul3A_107 = arith.constant 1 : i32
          %mul3A_108 = arith.muli %scan3A_106, %mul3A_107 : i32
          %add3A_109 = arith.constant 0 : i32
          %add3A_110 = arith.addi %add3A_109, %mul3A_108 : i32
          %get3A = arith.index_cast %add3A_110 : i32 to index
          %get3A_111 = arith.constant 0 : index
          %get3A_112 = tpu.vector_load %arg12[%get3A, %get3A_111] {strides = array<i32>} : memref<80x128xf32, #tpu.memory_space<vmem>>, vector<1x16xf32>,
          %get3A_113 = vector.shape_cast %get3A_112 : vector<1x16xf32> to vector<16xf32>
          %get3A_114 = arith.index_cast %add3A_110 : i32 to index
          %get3A_115 = arith.constant 0 : index
          %get3A_116 = tpu.vector_load %arg14[%get3A_114, %get3A_115] {strides = array<i32>} : memref<80x128xf32, #tpu.memory_space<vmem>>, vector<1x16xf32>,
          %get3A_117 = vector.shape_cast %get3A_116 : vector<1x16xf32> to vector<16xf32>
          %mul3A_118 = arith.mulf %get3A_113, %get3A_117 : vector<16xf32>
          %swap3A = arith.index_cast %add3A_110 : i32 to index
          %swap3A_119 = arith.constant 0 : index
          %swap3A_120 = tpu.vector_load %arg12[%swap3A, %swap3A_119] {strides = array<i32>} : memref<80x128xf32, #tpu.memory_space<vmem>>, vector<1x16xf32>,
          %swap3A_121 = vector.shape_cast %swap3A_120 : vector<1x16xf32> to vector<16xf32>
          %swap3A_122 = vector.shape_cast %mul3A_118 : vector<16xf32> to vector<1x16xf32>
          tpu.vector_store %arg12[%swap3A, %swap3A_119], %swap3A_122 {strides = array<i32>} : memref<80x128xf32, #tpu.memory_space<vmem>>, vector<1x16xf32>,
          %get3A_123 = arith.index_cast %add3A_110 : i32 to index
          %get3A_124 = arith.constant 16 : index
          %get3A_125 = tpu.vector_load %arg12[%get3A_123, %get3A_124] {strides = array<i32>} : memref<80x128xf32, #tpu.memory_space<vmem>>, vector<1x16xf32>,
          %get3A_126 = vector.shape_cast %get3A_125 : vector<1x16xf32> to vector<16xf32>
          %get3A_127 = arith.index_cast %add3A_110 : i32 to index
          %get3A_128 = arith.constant 16 : index
          %get3A_129 = tpu.vector_load %arg14[%get3A_127, %get3A_128] {strides = array<i32>} : memref<80x128xf32, #tpu.memory_space<vmem>>, vector<1x16xf32>,
          %get3A_130 = vector.shape_cast %get3A_129 : vector<1x16xf32> to vector<16xf32>
          %mul3A_131 = arith.mulf %get3A_126, %get3A_130 : vector<16xf32>
          %swap3A_132 = arith.index_cast %add3A_110 : i32 to index
          %swap3A_133 = arith.constant 16 : index
          %swap3A_134 = tpu.vector_load %arg12[%swap3A_132, %swap3A_133] {strides = array<i32>} : memref<80x128xf32, #tpu.memory_space<vmem>>, vector<1x16xf32>,
          %swap3A_135 = vector.shape_cast %swap3A_134 : vector<1x16xf32> to vector<16xf32>
          %swap3A_136 = vector.shape_cast %mul3A_131 : vector<16xf32> to vector<1x16xf32>
          tpu.vector_store %arg12[%swap3A_132, %swap3A_133], %swap3A_136 {strides = array<i32>} : memref<80x128xf32, #tpu.memory_space<vmem>>, vector<1x16xf32>,
          %get3A_137 = arith.index_cast %add3A_110 : i32 to index
          %get3A_138 = arith.constant 32 : index
          %get3A_139 = tpu.vector_load %arg12[%get3A_137, %get3A_138] {strides = array<i32>} : memref<80x128xf32, #tpu.memory_space<vmem>>, vector<1x16xf32>,
          %get3A_140 = vector.shape_cast %get3A_139 : vector<1x16xf32> to vector<16xf32>
          %get3A_141 = arith.index_cast %add3A_110 : i32 to index
          %get3A_142 = arith.constant 32 : index
          %get3A_143 = tpu.vector_load %arg14[%get3A_141, %get3A_142] {strides = array<i32>} : memref<80x128xf32, #tpu.memory_space<vmem>>, vector<1x16xf32>,
          %get3A_144 = vector.shape_cast %get3A_143 : vector<1x16xf32> to vector<16xf32>
          %mul3A_145 = arith.mulf %get3A_140, %get3A_144 : vector<16xf32>
          %swap3A_146 = arith.index_cast %add3A_110 : i32 to index
          %swap3A_147 = arith.constant 32 : index
          %swap3A_148 = tpu.vector_load %arg12[%swap3A_146, %swap3A_147] {strides = array<i32>} : memref<80x128xf32, #tpu.memory_space<vmem>>, vector<1x16xf32>,
          %swap3A_149 = vector.shape_cast %swap3A_148 : vector<1x16xf32> to vector<16xf32>
          %swap3A_150 = vector.shape_cast %mul3A_145 : vector<16xf32> to vector<1x16xf32>
          tpu.vector_store %arg12[%swap3A_146, %swap3A_147], %swap3A_150 {strides = array<i32>} : memref<80x128xf32, #tpu.memory_space<vmem>>, vector<1x16xf32>,
          %get3A_151 = arith.index_cast %add3A_110 : i32 to index
          %get3A_152 = arith.constant 48 : index
          %get3A_153 = tpu.vector_load %arg12[%get3A_151, %get3A_152] {strides = array<i32>} : memref<80x128xf32, #tpu.memory_space<vmem>>, vector<1x16xf32>,
          %get3A_154 = vector.shape_cast %get3A_153 : vector<1x16xf32> to vector<16xf32>
          %get3A_155 = arith.index_cast %add3A_110 : i32 to index
          %get3A_156 = arith.constant 48 : index
          %get3A_157 = tpu.vector_load %arg14[%get3A_155, %get3A_156] {strides = array<i32>} : memref<80x128xf32, #tpu.memory_space<vmem>>, vector<1x16xf32>,
          %get3A_158 = vector.shape_cast %get3A_157 : vector<1x16xf32> to vector<16xf32>
          %mul3A_159 = arith.mulf %get3A_154, %get3A_158 : vector<16xf32>
          %swap3A_160 = arith.index_cast %add3A_110 : i32 to index
          %swap3A_161 = arith.constant 48 : index
          %swap3A_162 = tpu.vector_load %arg12[%swap3A_160, %swap3A_161] {strides = array<i32>} : memref<80x128xf32, #tpu.memory_space<vmem>>, vector<1x16xf32>,
          %swap3A_163 = vector.shape_cast %swap3A_162 : vector<1x16xf32> to vector<16xf32>
          %swap3A_164 = vector.shape_cast %mul3A_159 : vector<16xf32> to vector<1x16xf32>
          tpu.vector_store %arg12[%swap3A_160, %swap3A_161], %swap3A_164 {strides = array<i32>} : memref<80x128xf32, #tpu.memory_space<vmem>>, vector<1x16xf32>,
          %get3A_165 = arith.index_cast %add3A_110 : i32 to index
          %get3A_166 = arith.constant 64 : index
          %get3A_167 = tpu.vector_load %arg12[%get3A_165, %get3A_166] {strides = array<i32>} : memref<80x128xf32, #tpu.memory_space<vmem>>, vector<1x16xf32>,
          %get3A_168 = vector.shape_cast %get3A_167 : vector<1x16xf32> to vector<16xf32>
          %get3A_169 = arith.index_cast %add3A_110 : i32 to index
          %get3A_170 = arith.constant 64 : index
          %get3A_171 = tpu.vector_load %arg14[%get3A_169, %get3A_170] {strides = array<i32>} : memref<80x128xf32, #tpu.memory_space<vmem>>, vector<1x16xf32>,
          %get3A_172 = vector.shape_cast %get3A_171 : vector<1x16xf32> to vector<16xf32>
          %mul3A_173 = arith.mulf %get3A_168, %get3A_172 : vector<16xf32>
          %swap3A_174 = arith.index_cast %add3A_110 : i32 to index
          %swap3A_175 = arith.constant 64 : index
          %swap3A_176 = tpu.vector_load %arg12[%swap3A_174, %swap3A_175] {strides = array<i32>} : memref<80x128xf32, #tpu.memory_space<vmem>>, vector<1x16xf32>,
          %swap3A_177 = vector.shape_cast %swap3A_176 : vector<1x16xf32> to vector<16xf32>
          %swap3A_178 = vector.shape_cast %mul3A_173 : vector<16xf32> to vector<1x16xf32>
          tpu.vector_store %arg12[%swap3A_174, %swap3A_175], %swap3A_178 {strides = array<i32>} : memref<80x128xf32, #tpu.memory_space<vmem>>, vector<1x16xf32>,
          %get3A_179 = arith.index_cast %add3A_110 : i32 to index
          %get3A_180 = arith.constant 80 : index
          %get3A_181 = tpu.vector_load %arg12[%get3A_179, %get3A_180] {strides = array<i32>} : memref<80x128xf32, #tpu.memory_space<vmem>>, vector<1x16xf32>,
          %get3A_182 = vector.shape_cast %get3A_181 : vector<1x16xf32> to vector<16xf32>
          %get3A_183 = arith.index_cast %add3A_110 : i32 to index
          %get3A_184 = arith.constant 80 : index
          %get3A_185 = tpu.vector_load %arg14[%get3A_183, %get3A_184] {strides = array<i32>} : memref<80x128xf32, #tpu.memory_space<vmem>>, vector<1x16xf32>,
          %get3A_186 = vector.shape_cast %get3A_185 : vector<1x16xf32> to vector<16xf32>
          %mul3A_187 = arith.mulf %get3A_182, %get3A_186 : vector<16xf32>
          %swap3A_188 = arith.index_cast %add3A_110 : i32 to index
          %swap3A_189 = arith.constant 80 : index
          %swap3A_190 = tpu.vector_load %arg12[%swap3A_188, %swap3A_189] {strides = array<i32>} : memref<80x128xf32, #tpu.memory_space<vmem>>, vector<1x16xf32>,
          %swap3A_191 = vector.shape_cast %swap3A_190 : vector<1x16xf32> to vector<16xf32>
          %swap3A_192 = vector.shape_cast %mul3A_187 : vector<16xf32> to vector<1x16xf32>
          tpu.vector_store %arg12[%swap3A_188, %swap3A_189], %swap3A_192 {strides = array<i32>} : memref<80x128xf32, #tpu.memory_space<vmem>>, vector<1x16xf32>,
          %get3A_193 = arith.index_cast %add3A_110 : i32 to index
          %get3A_194 = arith.constant 96 : index
          %get3A_195 = tpu.vector_load %arg12[%get3A_193, %get3A_194] {strides = array<i32>} : memref<80x128xf32, #tpu.memory_space<vmem>>, vector<1x16xf32>,
          %get3A_196 = vector.shape_cast %get3A_195 : vector<1x16xf32> to vector<16xf32>
          %get3A_197 = arith.index_cast %add3A_110 : i32 to index
          %get3A_198 = arith.constant 96 : index
          %get3A_199 = tpu.vector_load %arg14[%get3A_197, %get3A_198] {strides = array<i32>} : memref<80x128xf32, #tpu.memory_space<vmem>>, vector<1x16xf32>,
          %get3A_200 = vector.shape_cast %get3A_199 : vector<1x16xf32> to vector<16xf32>
          %mul3A_201 = arith.mulf %get3A_196, %get3A_200 : vector<16xf32>
          %swap3A_202 = arith.index_cast %add3A_110 : i32 to index
          %swap3A_203 = arith.constant 96 : index
          %swap3A_204 = tpu.vector_load %arg12[%swap3A_202, %swap3A_203] {strides = array<i32>} : memref<80x128xf32, #tpu.memory_space<vmem>>, vector<1x16xf32>,
          %swap3A_205 = vector.shape_cast %swap3A_204 : vector<1x16xf32> to vector<16xf32>
          %swap3A_206 = vector.shape_cast %mul3A_201 : vector<16xf32> to vector<1x16xf32>
          tpu.vector_store %arg12[%swap3A_202, %swap3A_203], %swap3A_206 {strides = array<i32>} : memref<80x128xf32, #tpu.memory_space<vmem>>, vector<1x16xf32>,
          %get3A_207 = arith.index_cast %add3A_110 : i32 to index
          %get3A_208 = arith.constant 112 : index
          %get3A_209 = tpu.vector_load %arg12[%get3A_207, %get3A_208] {strides = array<i32>} : memref<80x128xf32, #tpu.memory_space<vmem>>, vector<1x16xf32>,
          %get3A_210 = vector.shape_cast %get3A_209 : vector<1x16xf32> to vector<16xf32>
          %get3A_211 = arith.index_cast %add3A_110 : i32 to index
          %get3A_212 = arith.constant 112 : index
          %get3A_213 = tpu.vector_load %arg14[%get3A_211, %get3A_212] {strides = array<i32>} : memref<80x128xf32, #tpu.memory_space<vmem>>, vector<1x16xf32>,
          %get3A_214 = vector.shape_cast %get3A_213 : vector<1x16xf32> to vector<16xf32>
          %mul3A_215 = arith.mulf %get3A_210, %get3A_214 : vector<16xf32>
          %swap3A_216 = arith.index_cast %add3A_110 : i32 to index
          %swap3A_217 = arith.constant 112 : index
          %swap3A_218 = tpu.vector_load %arg12[%swap3A_216, %swap3A_217] {strides = array<i32>} : memref<80x128xf32, #tpu.memory_space<vmem>>, vector<1x16xf32>,
          %swap3A_219 = vector.shape_cast %swap3A_218 : vector<1x16xf32> to vector<16xf32>
          %swap3A_220 = vector.shape_cast %mul3A_215 : vector<16xf32> to vector<1x16xf32>
          tpu.vector_store %arg12[%swap3A_216, %swap3A_217], %swap3A_220 {strides = array<i32>} : memref<80x128xf32, #tpu.memory_space<vmem>>, vector<1x16xf32>,
        }
        %scan3A_95 = arith.constant 80 : i32
        %ge3A_96 = arith.constant 123 : i32
        %ge3A_97 = arith.cmpi sge, %add3A_60, %ge3A_96 : i32
        %convert_element_type3A_98 = arith.extui %ge3A_97 : i1 to i32
        %cond3A_99 = arith.constant 0 : i32
        %cond3A_100 = arith.cmpi ne, %convert_element_type3A_98, %cond3A_99 : i32
        scf.if %cond3A_100 {
          "tpu.region"() ({
            %run_scoped3A = tpu.sem_alloc : memref<!tpu.dma_semaphore, #tpu.memory_space<semaphore_mem>>
            %dma_start3A_106 = arith.constant 0 : i32
            %dma_start3A_107 = arith.constant 0 : i32
            %dma_start3A_108 = tpu.memref_slice %arg15[%dma_start3A_106, %dma_start3A_107] : memref<10000x128xf32, #tpu.memory_space<vmem_shared>> -> memref<10000x128xf32, #tpu.memory_space<vmem_shared>>
            tpu.enqueue_indirect_dma source(%arg12 : memref<80x128xf32, #tpu.memory_space<vmem>>) target(%dma_start3A_108 : memref<10000x128xf32, #tpu.memory_space<vmem_shared>>) offsets(%arg10 : memref<80xi32, #tpu.memory_space<vmem>>) semaphore(%run_scoped3A : memref<!tpu.dma_semaphore, #tpu.memory_space<semaphore_mem>>) {add = true}
            %dma_wait3A_109 = arith.constant 0 : i32
            %dma_wait3A_110 = arith.constant 0 : i32
            %dma_wait3A_111 = tpu.memref_slice %arg15[%dma_wait3A_109, %dma_wait3A_110] : memref<10000x128xf32, #tpu.memory_space<vmem_shared>> -> memref<10000x128xf32, #tpu.memory_space<vmem_shared>>
            tpu.wait_indirect_dma semaphore(%run_scoped3A : memref<!tpu.dma_semaphore, #tpu.memory_space<semaphore_mem>>) src(%arg12 : memref<80x128xf32, #tpu.memory_space<vmem>>) dst(%dma_wait3A_111 : memref<10000x128xf32, #tpu.memory_space<vmem_shared>>)
            tpu.yield
          }) : () -> ()
        } else {
        }
        %lt3A_101 = arith.constant 123 : i32
        %lt3A_102 = arith.cmpi slt, %add3A_60, %lt3A_101 : i32
        %convert_element_type3A_103 = arith.extui %lt3A_102 : i1 to i32
        %cond3A_104 = arith.constant 0 : i32
        %cond3A_105 = arith.cmpi ne, %convert_element_type3A_103, %cond3A_104 : i32
        scf.if %cond3A_105 {
          %dma_start3A_106 = arith.constant 0 : i32
          %dma_start3A_107 = arith.constant 0 : i32
          %dma_start3A_108 = tpu.memref_slice %arg15[%dma_start3A_106, %dma_start3A_107] : memref<10000x128xf32, #tpu.memory_space<vmem_shared>> -> memref<10000x128xf32, #tpu.memory_space<vmem_shared>>
          tpu.enqueue_indirect_dma source(%arg12 : memref<80x128xf32, #tpu.memory_space<vmem>>) target(%dma_start3A_108 : memref<10000x128xf32, #tpu.memory_space<vmem_shared>>) offsets(%arg10 : memref<80xi32, #tpu.memory_space<vmem>>) semaphore(%arg25 : memref<!tpu.dma_semaphore, #tpu.memory_space<semaphore_mem>>) {add = true}
        } else {
        }
      } else {
      }
    }
    %scan3A_39 = arith.constant 63 : i32
    %barrier3A_40 = arith.constant 0 : index
    tpu.barrier barrier_id(%barrier3A_40)
    %mul3A_41 = arith.constant 624 : i32
    %mul3A_42 = arith.muli %arg1, %mul3A_41 : i32
    "tpu.region"() ({
      %run_scoped3A = tpu.sem_alloc : memref<!tpu.dma_semaphore, #tpu.memory_space<semaphore_mem>>
      %dma_start3A_48 = arith.constant 0 : i32
      %dma_start3A_49 = tpu.memref_slice %arg6[%arg0, %mul3A_42, %dma_start3A_48] : memref<2x10000x128xf32, #tpu.memory_space<hbm>> -> memref<1x624x128xf32, #tpu.memory_space<hbm>>
      %dma_start3A_50 = tpu.memref_squeeze %dma_start3A_49 : memref<1x624x128xf32, #tpu.memory_space<hbm>> -> memref<624x128xf32, #tpu.memory_space<hbm>>
      %dma_start3A_51 = arith.constant 0 : i32
      %dma_start3A_52 = tpu.memref_slice %arg15[%mul3A_42, %dma_start3A_51] : memref<10000x128xf32, #tpu.memory_space<vmem_shared>> -> memref<624x128xf32, #tpu.memory_space<vmem_shared>>
      tpu.enqueue_dma source(%dma_start3A_52 : memref<624x128xf32, #tpu.memory_space<vmem_shared>>) target(%dma_start3A_50 : memref<624x128xf32, #tpu.memory_space<hbm>>) target_semaphore(%run_scoped3A : memref<!tpu.dma_semaphore, #tpu.memory_space<semaphore_mem>>)
      %dma_wait3A = arith.constant 0 : i32
      %dma_wait3A_53 = tpu.memref_slice %arg6[%arg0, %mul3A_42, %dma_wait3A] : memref<2x10000x128xf32, #tpu.memory_space<hbm>> -> memref<1x624x128xf32, #tpu.memory_space<hbm>>
      %dma_wait3A_54 = tpu.memref_squeeze %dma_wait3A_53 : memref<1x624x128xf32, #tpu.memory_space<hbm>> -> memref<624x128xf32, #tpu.memory_space<hbm>>
      %dma_wait3A_55 = arith.constant 0 : i32
      %dma_wait3A_56 = tpu.memref_slice %arg15[%mul3A_42, %dma_wait3A_55] : memref<10000x128xf32, #tpu.memory_space<vmem_shared>> -> memref<624x128xf32, #tpu.memory_space<vmem_shared>>
      tpu.wait_dma2 semaphore(%run_scoped3A : memref<!tpu.dma_semaphore, #tpu.memory_space<semaphore_mem>>) src(%dma_wait3A_56 : memref<624x128xf32, #tpu.memory_space<vmem_shared>>) dst(%dma_wait3A_54 : memref<624x128xf32, #tpu.memory_space<hbm>>)
      tpu.yield
    }) : () -> ()
    %eq3A_43 = arith.constant 15 : i32
    %eq3A_44 = arith.cmpi eq, %arg1, %eq3A_43 : i32
    %convert_element_type3A_45 = arith.extui %eq3A_44 : i1 to i32
    %cond3A_46 = arith.constant 0 : i32
    %cond3A_47 = arith.cmpi ne, %convert_element_type3A_45, %cond3A_46 : i32
    scf.if %cond3A_47 {
      "tpu.region"() ({
        %run_scoped3A = tpu.sem_alloc : memref<!tpu.dma_semaphore, #tpu.memory_space<semaphore_mem>>
        %dma_start3A_48 = arith.constant 9984 : i32
        %dma_start3A_49 = arith.constant 0 : i32
        %dma_start3A_50 = tpu.memref_slice %arg6[%arg0, %dma_start3A_48, %dma_start3A_49] : memref<2x10000x128xf32, #tpu.memory_space<hbm>> -> memref<1x16x128xf32, #tpu.memory_space<hbm>>
        %dma_start3A_51 = tpu.memref_squeeze %dma_start3A_50 : memref<1x16x128xf32, #tpu.memory_space<hbm>> -> memref<16x128xf32, #tpu.memory_space<hbm>>
        %dma_start3A_52 = arith.constant 9984 : i32
        %dma_start3A_53 = arith.constant 0 : i32
        %dma_start3A_54 = tpu.memref_slice %arg15[%dma_start3A_52, %dma_start3A_53] : memref<10000x128xf32, #tpu.memory_space<vmem_shared>> -> memref<16x128xf32, #tpu.memory_space<vmem_shared>>
        tpu.enqueue_dma source(%dma_start3A_54 : memref<16x128xf32, #tpu.memory_space<vmem_shared>>) target(%dma_start3A_51 : memref<16x128xf32, #tpu.memory_space<hbm>>) target_semaphore(%run_scoped3A : memref<!tpu.dma_semaphore, #tpu.memory_space<semaphore_mem>>)
        %dma_wait3A = arith.constant 9984 : i32
        %dma_wait3A_55 = arith.constant 0 : i32
        %dma_wait3A_56 = tpu.memref_slice %arg6[%arg0, %dma_wait3A, %dma_wait3A_55] : memref<2x10000x128xf32, #tpu.memory_space<hbm>> -> memref<1x16x128xf32, #tpu.memory_space<hbm>>
        %dma_wait3A_57 = tpu.memref_squeeze %dma_wait3A_56 : memref<1x16x128xf32, #tpu.memory_space<hbm>> -> memref<16x128xf32, #tpu.memory_space<hbm>>
        %dma_wait3A_58 = arith.constant 9984 : i32
        %dma_wait3A_59 = arith.constant 0 : i32
        %dma_wait3A_60 = tpu.memref_slice %arg15[%dma_wait3A_58, %dma_wait3A_59] : memref<10000x128xf32, #tpu.memory_space<vmem_shared>> -> memref<16x128xf32, #tpu.memory_space<vmem_shared>>
        tpu.wait_dma2 semaphore(%run_scoped3A : memref<!tpu.dma_semaphore, #tpu.memory_space<semaphore_mem>>) src(%dma_wait3A_60 : memref<16x128xf32, #tpu.memory_space<vmem_shared>>) dst(%dma_wait3A_57 : memref<16x128xf32, #tpu.memory_space<hbm>>)
        tpu.yield
      }) : () -> ()
    } else {
    }
    return
  }
}

module attributes {stable_mosaic.version = 14 : i64} {
  func.func @_lin2_body(%arg0: i32, %arg1: memref<2x2000x128xf32, #tpu.memory_space<vmem>>, %arg2: memref<128x128xf32, #tpu.memory_space<vmem>>, %arg3: memref<1x128xf32, #tpu.memory_space<vmem>>, %arg4: memref<2000x128xf32, #tpu.memory_space<vmem>>) attributes {dimension_semantics = [#tpu.dimension_semantics<arbitrary>], iteration_bounds = array<i64: 5>, scalar_prefetch = 0 : i64, scratch_operands = 0 : i64, tpu.core_type = #tpu.core_type<tc>, window_params = [{transform_indices = @transform_0, window_bounds = array<i64: 2, 2000, 128>}, {pipeline_mode = #tpu.pipeline_mode<synchronous>, transform_indices = @transform_1, window_bounds = array<i64: 128, 128>}, {pipeline_mode = #tpu.pipeline_mode<synchronous>, transform_indices = @transform_2, window_bounds = array<i64: 1, 128>}, {transform_indices = @transform_3, window_bounds = array<i64: 2000, 128>}]} {
    %get3A = arith.constant 0 : index
    %get3A_0 = arith.constant 0 : index
    %get3A_1 = arith.constant 0 : index
    %get3A_2 = vector.load %arg1[%get3A, %get3A_0, %get3A_1] : memref<2x2000x128xf32, #tpu.memory_space<vmem>>, vector<1x2000x128xf32>
    %get3A_3 = vector.shape_cast %get3A_2 : vector<1x2000x128xf32> to vector<2000x128xf32>
    %get3A_4 = arith.constant 1 : index
    %get3A_5 = arith.constant 0 : index
    %get3A_6 = arith.constant 0 : index
    %get3A_7 = vector.load %arg1[%get3A_4, %get3A_5, %get3A_6] : memref<2x2000x128xf32, #tpu.memory_space<vmem>>, vector<1x2000x128xf32>
    %get3A_8 = vector.shape_cast %get3A_7 : vector<1x2000x128xf32> to vector<2000x128xf32>
    %add3A = arith.addf %get3A_3, %get3A_8 : vector<2000x128xf32>
    %max3A = arith.constant 0.000000e+00 : f32
    %max3A_9 = vector.broadcast %max3A : f32 to vector<2000x128xf32>
    %max3A_10 = arith.maximumf %add3A, %max3A_9 : vector<2000x128xf32>
    %get3A_11 = arith.constant 0 : index
    %get3A_12 = arith.constant 0 : index
    %get3A_13 = vector.load %arg2[%get3A_11, %get3A_12] : memref<128x128xf32, #tpu.memory_space<vmem>>, vector<128x128xf32>
    %dot_general3A = arith.constant dense<0.000000e+00> : vector<2000x128xf32>
    %dot_general3A_14 = tpu.matmul %max3A_10, %get3A_13, %dot_general3A {dimension_numbers = #tpu.dot_dimension_numbers<[1], [0], [0], [1], [0, 0, 1, 1], [], []>, transpose_lhs_hint = false} : vector<2000x128xf32>, vector<128x128xf32>, vector<2000x128xf32> -> vector<2000x128xf32>
    %get3A_15 = arith.constant 0 : index
    %get3A_16 = arith.constant 0 : index
    %get3A_17 = vector.load %arg3[%get3A_15, %get3A_16] : memref<1x128xf32, #tpu.memory_space<vmem>>, vector<1x128xf32>
    %add3A_18 = vector.broadcast %get3A_17 : vector<1x128xf32> to vector<2000x128xf32>
    %add3A_19 = arith.addf %dot_general3A_14, %add3A_18 : vector<2000x128xf32>
    %swap3A = arith.constant 0 : index
    %swap3A_20 = arith.constant 0 : index
    %swap3A_21 = vector.load %arg4[%swap3A, %swap3A_20] : memref<2000x128xf32, #tpu.memory_space<vmem>>, vector<2000x128xf32>
    tpu.vector_store %arg4[%swap3A, %swap3A_20], %add3A_19 {strides = array<i32>} : memref<2000x128xf32, #tpu.memory_space<vmem>>, vector<2000x128xf32>,
    return
  }
  func.func @transform_0(%arg0: i32) -> (i32, i32, i32) {
    %c0_i32 = arith.constant 0 : i32
    %c0_i32_0 = arith.constant 0 : i32
    %c0_i32_1 = arith.constant 0 : i32
    return %c0_i32, %arg0, %c0_i32_0 : i32, i32, i32
  }
  func.func @transform_1(%arg0: i32) -> (i32, i32) {
    %c0_i32 = arith.constant 0 : i32
    %c0_i32_0 = arith.constant 0 : i32
    %c0_i32_1 = arith.constant 0 : i32
    return %c0_i32, %c0_i32_0 : i32, i32
  }
  func.func @transform_2(%arg0: i32) -> (i32, i32) {
    %c0_i32 = arith.constant 0 : i32
    %c0_i32_0 = arith.constant 0 : i32
    %c0_i32_1 = arith.constant 0 : i32
    return %c0_i32, %c0_i32_0 : i32, i32
  }
  func.func @transform_3(%arg0: i32) -> (i32, i32) {
    %c0_i32 = arith.constant 0 : i32
    %c0_i32_0 = arith.constant 0 : i32
    return %arg0, %c0_i32 : i32, i32
  }
}

module attributes {stable_mosaic.version = 14 : i64} {
  func.func @_lin_body(%arg0: i32, %arg1: memref<2000x128xf32, #tpu.memory_space<vmem>>, %arg2: memref<128x128xf32, #tpu.memory_space<vmem>>, %arg3: memref<1x128xf32, #tpu.memory_space<vmem>>, %arg4: memref<2000x128xf32, #tpu.memory_space<vmem>>) attributes {dimension_semantics = [#tpu.dimension_semantics<arbitrary>], iteration_bounds = array<i64: 5>, scalar_prefetch = 0 : i64, scratch_operands = 0 : i64, tpu.core_type = #tpu.core_type<tc>, window_params = [{transform_indices = @transform_0, window_bounds = array<i64: 2000, 128>}, {pipeline_mode = #tpu.pipeline_mode<synchronous>, transform_indices = @transform_1, window_bounds = array<i64: 128, 128>}, {pipeline_mode = #tpu.pipeline_mode<synchronous>, transform_indices = @transform_2, window_bounds = array<i64: 1, 128>}, {transform_indices = @transform_3, window_bounds = array<i64: 2000, 128>}]} {
    %get3A = arith.constant 0 : index
    %get3A_0 = arith.constant 0 : index
    %get3A_1 = vector.load %arg1[%get3A, %get3A_0] : memref<2000x128xf32, #tpu.memory_space<vmem>>, vector<2000x128xf32>
    %get3A_2 = arith.constant 0 : index
    %get3A_3 = arith.constant 0 : index
    %get3A_4 = vector.load %arg2[%get3A_2, %get3A_3] : memref<128x128xf32, #tpu.memory_space<vmem>>, vector<128x128xf32>
    %dot_general3A = arith.constant dense<0.000000e+00> : vector<2000x128xf32>
    %dot_general3A_5 = tpu.matmul %get3A_1, %get3A_4, %dot_general3A {dimension_numbers = #tpu.dot_dimension_numbers<[1], [0], [0], [1], [0, 0, 1, 1], [], []>, transpose_lhs_hint = false} : vector<2000x128xf32>, vector<128x128xf32>, vector<2000x128xf32> -> vector<2000x128xf32>
    %get3A_6 = arith.constant 0 : index
    %get3A_7 = arith.constant 0 : index
    %get3A_8 = vector.load %arg3[%get3A_6, %get3A_7] : memref<1x128xf32, #tpu.memory_space<vmem>>, vector<1x128xf32>
    %add3A = vector.broadcast %get3A_8 : vector<1x128xf32> to vector<2000x128xf32>
    %add3A_9 = arith.addf %dot_general3A_5, %add3A : vector<2000x128xf32>
    %swap3A = arith.constant 0 : index
    %swap3A_10 = arith.constant 0 : index
    %swap3A_11 = vector.load %arg4[%swap3A, %swap3A_10] : memref<2000x128xf32, #tpu.memory_space<vmem>>, vector<2000x128xf32>
    tpu.vector_store %arg4[%swap3A, %swap3A_10], %add3A_9 {strides = array<i32>} : memref<2000x128xf32, #tpu.memory_space<vmem>>, vector<2000x128xf32>,
    return
  }
  func.func @transform_0(%arg0: i32) -> (i32, i32) {
    %c0_i32 = arith.constant 0 : i32
    %c0_i32_0 = arith.constant 0 : i32
    return %arg0, %c0_i32 : i32, i32
  }
  func.func @transform_1(%arg0: i32) -> (i32, i32) {
    %c0_i32 = arith.constant 0 : i32
    %c0_i32_0 = arith.constant 0 : i32
    %c0_i32_1 = arith.constant 0 : i32
    return %c0_i32, %c0_i32_0 : i32, i32
  }
  func.func @transform_2(%arg0: i32) -> (i32, i32) {
    %c0_i32 = arith.constant 0 : i32
    %c0_i32_0 = arith.constant 0 : i32
    %c0_i32_1 = arith.constant 0 : i32
    return %c0_i32, %c0_i32_0 : i32, i32
  }
  func.func @transform_3(%arg0: i32) -> (i32, i32) {
    %c0_i32 = arith.constant 0 : i32
    %c0_i32_0 = arith.constant 0 : i32
    return %arg0, %c0_i32 : i32, i32
  }
}

module attributes {stable_mosaic.version = 14 : i64} {
  func.func @_gates_body(%arg0: i32, %arg1: memref<3200x16xf32, #tpu.memory_space<vmem>>, %arg2: memref<16x128xf32, #tpu.memory_space<vmem>>, %arg3: memref<1x128xf32, #tpu.memory_space<vmem>>, %arg4: memref<128x128xf32, #tpu.memory_space<vmem>>, %arg5: memref<1x128xf32, #tpu.memory_space<vmem>>, %arg6: memref<3200x128xf32, #tpu.memory_space<vmem>>) attributes {dimension_semantics = [#tpu.dimension_semantics<arbitrary>], iteration_bounds = array<i64: 100>, scalar_prefetch = 0 : i64, scratch_operands = 0 : i64, tpu.core_type = #tpu.core_type<tc>, window_params = [{transform_indices = @transform_0, window_bounds = array<i64: 3200, 16>}, {pipeline_mode = #tpu.pipeline_mode<synchronous>, transform_indices = @transform_1, window_bounds = array<i64: 16, 128>}, {pipeline_mode = #tpu.pipeline_mode<synchronous>, transform_indices = @transform_2, window_bounds = array<i64: 1, 128>}, {pipeline_mode = #tpu.pipeline_mode<synchronous>, transform_indices = @transform_3, window_bounds = array<i64: 128, 128>}, {pipeline_mode = #tpu.pipeline_mode<synchronous>, transform_indices = @transform_4, window_bounds = array<i64: 1, 128>}, {transform_indices = @transform_5, window_bounds = array<i64: 3200, 128>}]} {
    %get3A = arith.constant 0 : index
    %get3A_0 = arith.constant 0 : index
    %get3A_1 = vector.load %arg1[%get3A, %get3A_0] : memref<3200x16xf32, #tpu.memory_space<vmem>>, vector<3200x16xf32>
    %get3A_2 = arith.constant 0 : index
    %get3A_3 = arith.constant 0 : index
    %get3A_4 = vector.load %arg2[%get3A_2, %get3A_3] : memref<16x128xf32, #tpu.memory_space<vmem>>, vector<16x128xf32>
    %dot_general3A = arith.constant dense<0.000000e+00> : vector<3200x128xf32>
    %dot_general3A_5 = tpu.matmul %get3A_1, %get3A_4, %dot_general3A {dimension_numbers = #tpu.dot_dimension_numbers<[1], [0], [0], [1], [0, 0, 1, 1], [], []>, transpose_lhs_hint = false} : vector<3200x16xf32>, vector<16x128xf32>, vector<3200x128xf32> -> vector<3200x128xf32>
    %get3A_6 = arith.constant 0 : index
    %get3A_7 = arith.constant 0 : index
    %get3A_8 = vector.load %arg3[%get3A_6, %get3A_7] : memref<1x128xf32, #tpu.memory_space<vmem>>, vector<1x128xf32>
    %add3A = vector.broadcast %get3A_8 : vector<1x128xf32> to vector<3200x128xf32>
    %add3A_9 = arith.addf %dot_general3A_5, %add3A : vector<3200x128xf32>
    %max3A = arith.constant 0.000000e+00 : f32
    %max3A_10 = vector.broadcast %max3A : f32 to vector<3200x128xf32>
    %max3A_11 = arith.maximumf %add3A_9, %max3A_10 : vector<3200x128xf32>
    %get3A_12 = arith.constant 0 : index
    %get3A_13 = arith.constant 0 : index
    %get3A_14 = vector.load %arg4[%get3A_12, %get3A_13] : memref<128x128xf32, #tpu.memory_space<vmem>>, vector<128x128xf32>
    %dot_general3A_15 = arith.constant dense<0.000000e+00> : vector<3200x128xf32>
    %dot_general3A_16 = tpu.matmul %max3A_11, %get3A_14, %dot_general3A_15 {dimension_numbers = #tpu.dot_dimension_numbers<[1], [0], [0], [1], [0, 0, 1, 1], [], []>, transpose_lhs_hint = false} : vector<3200x128xf32>, vector<128x128xf32>, vector<3200x128xf32> -> vector<3200x128xf32>
    %get3A_17 = arith.constant 0 : index
    %get3A_18 = arith.constant 0 : index
    %get3A_19 = vector.load %arg5[%get3A_17, %get3A_18] : memref<1x128xf32, #tpu.memory_space<vmem>>, vector<1x128xf32>
    %add3A_20 = vector.broadcast %get3A_19 : vector<1x128xf32> to vector<3200x128xf32>
    %add3A_21 = arith.addf %dot_general3A_16, %add3A_20 : vector<3200x128xf32>
    %logistic3A = arith.negf %add3A_21 : vector<3200x128xf32>
    %logistic3A_22 = math.exp %logistic3A : vector<3200x128xf32>
    %logistic3A_23 = arith.constant 1.000000e+00 : f32
    %logistic3A_24 = vector.broadcast %logistic3A_23 : f32 to vector<3200x128xf32>
    %logistic3A_25 = arith.addf %logistic3A_24, %logistic3A_22 : vector<3200x128xf32>
    %logistic3A_26 = arith.divf %logistic3A_24, %logistic3A_25 : vector<3200x128xf32>
    %swap3A = arith.constant 0 : index
    %swap3A_27 = arith.constant 0 : index
    %swap3A_28 = vector.load %arg6[%swap3A, %swap3A_27] : memref<3200x128xf32, #tpu.memory_space<vmem>>, vector<3200x128xf32>
    tpu.vector_store %arg6[%swap3A, %swap3A_27], %logistic3A_26 {strides = array<i32>} : memref<3200x128xf32, #tpu.memory_space<vmem>>, vector<3200x128xf32>,
    return
  }
  func.func @transform_0(%arg0: i32) -> (i32, i32) {
    %c0_i32 = arith.constant 0 : i32
    %c0_i32_0 = arith.constant 0 : i32
    return %arg0, %c0_i32 : i32, i32
  }
  func.func @transform_1(%arg0: i32) -> (i32, i32) {
    %c0_i32 = arith.constant 0 : i32
    %c0_i32_0 = arith.constant 0 : i32
    %c0_i32_1 = arith.constant 0 : i32
    return %c0_i32, %c0_i32_0 : i32, i32
  }
  func.func @transform_2(%arg0: i32) -> (i32, i32) {
    %c0_i32 = arith.constant 0 : i32
    %c0_i32_0 = arith.constant 0 : i32
    %c0_i32_1 = arith.constant 0 : i32
    return %c0_i32, %c0_i32_0 : i32, i32
  }
  func.func @transform_3(%arg0: i32) -> (i32, i32) {
    %c0_i32 = arith.constant 0 : i32
    %c0_i32_0 = arith.constant 0 : i32
    %c0_i32_1 = arith.constant 0 : i32
    return %c0_i32, %c0_i32_0 : i32, i32
  }
  func.func @transform_4(%arg0: i32) -> (i32, i32) {
    %c0_i32 = arith.constant 0 : i32
    %c0_i32_0 = arith.constant 0 : i32
    %c0_i32_1 = arith.constant 0 : i32
    return %c0_i32, %c0_i32_0 : i32, i32
  }
  func.func @transform_5(%arg0: i32) -> (i32, i32) {
    %c0_i32 = arith.constant 0 : i32
    %c0_i32_0 = arith.constant 0 : i32
    return %arg0, %c0_i32 : i32, i32
  }
}

module attributes {stable_mosaic.version = 14 : i64} {
  func.func @_pool_body(%arg0: i32, %arg1: memref<2x2000x128xf32, #tpu.memory_space<vmem>>, %arg2: memref<2000x1xi32, #tpu.memory_space<vmem>>, %arg3: memref<64x128xf32, #tpu.memory_space<vmem>>) attributes {dimension_semantics = [#tpu.dimension_semantics<arbitrary>], iteration_bounds = array<i64: 5>, scalar_prefetch = 0 : i64, scratch_operands = 0 : i64, tpu.core_type = #tpu.core_type<tc>, window_params = [{transform_indices = @transform_0, window_bounds = array<i64: 2, 2000, 128>}, {transform_indices = @transform_1, window_bounds = array<i64: 2000, 1>}, {pipeline_mode = #tpu.pipeline_mode<synchronous>, transform_indices = @transform_2, window_bounds = array<i64: 64, 128>}]} {
    %eq3A = arith.constant 0 : i32
    %eq3A_0 = arith.cmpi eq, %arg0, %eq3A : i32
    %convert_element_type3A = arith.extui %eq3A_0 : i1 to i32
    %cond3A = arith.constant 0 : i32
    %cond3A_1 = arith.cmpi ne, %convert_element_type3A, %cond3A : i32
    scf.if %cond3A_1 {
      %broadcast_in_dim3A = arith.constant 0.000000e+00 : f32
      %broadcast_in_dim3A_26 = vector.broadcast %broadcast_in_dim3A : f32 to vector<64x128xf32>
      %swap3A_27 = arith.constant 0 : index
      %swap3A_28 = arith.constant 0 : index
      %swap3A_29 = vector.load %arg3[%swap3A_27, %swap3A_28] : memref<64x128xf32, #tpu.memory_space<vmem>>, vector<64x128xf32>
      tpu.vector_store %arg3[%swap3A_27, %swap3A_28], %broadcast_in_dim3A_26 {strides = array<i32>} : memref<64x128xf32, #tpu.memory_space<vmem>>, vector<64x128xf32>,
    } else {
    }
    %get3A = arith.constant 0 : index
    %get3A_2 = arith.constant 0 : index
    %get3A_3 = arith.constant 0 : index
    %get3A_4 = vector.load %arg1[%get3A, %get3A_2, %get3A_3] : memref<2x2000x128xf32, #tpu.memory_space<vmem>>, vector<1x2000x128xf32>
    %get3A_5 = vector.shape_cast %get3A_4 : vector<1x2000x128xf32> to vector<2000x128xf32>
    %get3A_6 = arith.constant 1 : index
    %get3A_7 = arith.constant 0 : index
    %get3A_8 = arith.constant 0 : index
    %get3A_9 = vector.load %arg1[%get3A_6, %get3A_7, %get3A_8] : memref<2x2000x128xf32, #tpu.memory_space<vmem>>, vector<1x2000x128xf32>
    %get3A_10 = vector.shape_cast %get3A_9 : vector<1x2000x128xf32> to vector<2000x128xf32>
    %add3A = arith.addf %get3A_5, %get3A_10 : vector<2000x128xf32>
    %get3A_11 = arith.constant 0 : index
    %get3A_12 = arith.constant 0 : index
    %get3A_13 = vector.load %arg2[%get3A_11, %get3A_12] : memref<2000x1xi32, #tpu.memory_space<vmem>>, vector<2000x1xi32>
    %iota3A = tpu.iota {dimensions = array<i32: 1>} : vector<1x64xi32>
    %eq3A_14 = vector.broadcast %get3A_13 : vector<2000x1xi32> to vector<2000x64xi32>
    %eq3A_15 = vector.broadcast %iota3A : vector<1x64xi32> to vector<2000x64xi32>
    %eq3A_16 = arith.cmpi eq, %eq3A_14, %eq3A_15 : vector<2000x64xi32>
    %convert_element_type3A_17 = arith.extui %eq3A_16 : vector<2000x64xi1> to vector<2000x64xi32>
    %convert_element_type3A_18 = arith.sitofp %convert_element_type3A_17 : vector<2000x64xi32> to vector<2000x64xf32>
    %get3A_19 = arith.constant 0 : index
    %get3A_20 = arith.constant 0 : index
    %get3A_21 = vector.load %arg3[%get3A_19, %get3A_20] : memref<64x128xf32, #tpu.memory_space<vmem>>, vector<64x128xf32>
    %dot_general3A = arith.constant dense<0.000000e+00> : vector<64x128xf32>
    %dot_general3A_22 = tpu.matmul %convert_element_type3A_18, %add3A, %dot_general3A {dimension_numbers = #tpu.dot_dimension_numbers<[0], [0], [1], [1], [0, 1, 1, 1], [], []>, transpose_lhs_hint = false} : vector<2000x64xf32>, vector<2000x128xf32>, vector<64x128xf32> -> vector<64x128xf32>
    %add3A_23 = arith.addf %get3A_21, %dot_general3A_22 : vector<64x128xf32>
    %swap3A = arith.constant 0 : index
    %swap3A_24 = arith.constant 0 : index
    %swap3A_25 = vector.load %arg3[%swap3A, %swap3A_24] : memref<64x128xf32, #tpu.memory_space<vmem>>, vector<64x128xf32>
    tpu.vector_store %arg3[%swap3A, %swap3A_24], %add3A_23 {strides = array<i32>} : memref<64x128xf32, #tpu.memory_space<vmem>>, vector<64x128xf32>,
    return
  }
  func.func @transform_0(%arg0: i32) -> (i32, i32, i32) {
    %c0_i32 = arith.constant 0 : i32
    %c0_i32_0 = arith.constant 0 : i32
    %c0_i32_1 = arith.constant 0 : i32
    return %c0_i32, %arg0, %c0_i32_0 : i32, i32, i32
  }
  func.func @transform_1(%arg0: i32) -> (i32, i32) {
    %c0_i32 = arith.constant 0 : i32
    %c0_i32_0 = arith.constant 0 : i32
    return %arg0, %c0_i32 : i32, i32
  }
  func.func @transform_2(%arg0: i32) -> (i32, i32) {
    %c0_i32 = arith.constant 0 : i32
    %c0_i32_0 = arith.constant 0 : i32
    %c0_i32_1 = arith.constant 0 : i32
    return %c0_i32, %c0_i32_0 : i32, i32
  }
}

</mosaic_0001>

<sc_bundles>
// kernel: kernel.12.cloned.1.call-start
scs
__scs_entry_jumppad:
0x0: {  	(pc) =	sbr.rel $0x88, $3  }
0x1: {  	(tag) =	ssettag $0x0;
	lr =	simm.s32 $0x1  }
0x2: {  	[smem:$0x3F8A] =	sst lr;
	_ =	strace $0xD0000000  }
0x3: {  	_ = 	snop  }
0x4: {  	_ = 	snop  }
0x5: {  	_ = 	snop  }
0x6: {  	_ = 	snop  }
0x7: {  	_ = 	snop  }
__scs_overlays_trampoline_lowered:
0x8: {  	[smem:$0x3F99] =	sst s0  }
0x9: {  	[smem:$0x3F9A] =	sst s1  }
0xa: {  	[smem:$0x3F9B] =	sst s2  }
0xb: {  	[smem:$0x3F9C] =	sst s3  }
0xc: {  	[smem:$0x3F9D] =	sst s4  }
0xd: {  	[smem:$0x3F9E] =	sst s5  }
0xe: {  	[smem:$0x3F9F] =	sst s6  }
0xf: {  	[smem:$0x3FA0] =	sst s7  }
0x10: {  	[smem:$0x3FA1] =	sst s8  }
0x11: {  	[smem:$0x3FA2] =	sst s9;
	s0 =	simm.s32 @!p0 $0x0  }
0x12: {  	s1 =	sld [smem:$0x3F88];
	s0 =	simm.s32 @p0 $0x1  }
0x13: {  	[smem:$0x3FA3] =	sst s0;
	s0 =	simm.s32 @!p1 $0x0  }
0x14: {  	s2 =	sld [smem:$0x3F87];
	s0 =	simm.s32 @p1 $0x1  }
0x15: {  	[smem:$0x3FA4] =	sst s0;
	s0 =	simm.s32 @!p2 $0x0  }
0x16: {  	s3 =	sld [smem:$0x3FDB];
	s0 =	simm.s32 @p2 $0x1  }
0x17: {  	s4 =	simm.s32 $0x1BF5;
	[smem:$0x3FA6] =	sst s0  }
0x18: {  	s0 =	sld [smem:$0x3F89];
	_ =	swait.ge [sflag:s4], $0x0  }
0x19: {  	s7 =	sld [smem:$0x3F8A]  }
0x1a: {  	s8 =	sadd.s32 $0xFFFFE003, lr  }
0x1b: {  	s9 =	sadd.s32 $0xFFFFFEF7, lr;
	s5 =	simm.s32 $0xFFFFFFFF;
	p2 =	slt.u32 s8, $0xFFFFF086  }
0x1c: {  	p1 =	slt.u32 s9, $0xF7A;
	s5 =	simm.s32 @!p2 $0x0  }
0x1d: {  	s5 =	simm.s32 @p1 $0x1;
	p0 =	seq.s32 s7, s2  }
0x1e: {  	s7 =	smul.u32 @!p0 $0xF7A, s2;
	p2 =	seq.s32 @!p0 s5, $0x0  }
0x1f: {  	s9 =	smul.u32 $0xF7A, s1;
	s8 =	simm.s32 @!p0 $0x1BF5;
	p2 =	por !p2, p0  }
0x20: {  	[sflag:s8] =	ssyncset.s32 @!p0 $0xFFFFF086;
	s6 =	sadd.s32 @!p0 s3, s7;
	s7 =	simm.s32 @!p0 $0x108  }
0x21: {  	s3 =	sadd.s32 s3, s9;
	s6 =	sadd.s32 @!p0 $0x88, s6;
	s7 =	simm.s32 @p2 $0x1082  }
0x22: {  	[simem:s7], [sflag:s8] =	dma.local @!p0 [hbm:s6], $0xF7A  }
0x23: {  	s9 =	sor.u32 $0xD0000000, s2;
	s6 =	simm.s32 $0x108;
	_ =	swait.ge @!p0 [sflag:s8], $0x0  }
0x24: {  	s3 =	sadd.s32 $0x88, s3;
	s6 =	simm.s32 @!p1 $0x1082;
	[sflag:s4] =	ssyncset.s32 $0xFFFFF086  }
0x25: {  	[simem:s6], [sflag:s4] =	dma.local [hbm:s3], $0xF7A  }
0x26: {  	[smem:$0x3F8A] =	sst s1;
	(tag) =	ssettag s2;
	_ =	strace s9  }
0x27: {  	s1 =	sld [smem:$0x3F9A]  }
0x28: {  	s2 =	sld [smem:$0x3F9B]  }
0x29: {  	s4 =	sld [smem:$0x3F9D]  }
0x2a: {  	p0 =	seq.s32 s5, $0x0;
	s5 =	sld [smem:$0x3F9E]  }
0x2b: {  	s6 =	sld [smem:$0x3F9F]  }
0x2c: {  	s7 =	sld [smem:$0x3FA0]  }
0x2d: {  	s3 =	simm.s32 $0x108;
	s8 =	sld [smem:$0x3FA1]  }
0x2e: {  	s3 =	simm.s32 @!p0 $0x1082;
	s9 =	sld [smem:$0x3FA2]  }
0x2f: {  	lr =	sadd.s32 s0, s3;
	s0 =	sld [smem:$0x3F99]  }
0x30: {  	s3 =	sld [smem:$0x3F9C]  }
0x31: {  	[smem:$0x3FA5] =	sst s10  }
0x32: {  	s10 =	sld [smem:$0x3FA3];
	_ =	sdelay $0x3  }
0x33: {  	p0 =	seq.s32 s10, $0x1;
	s10 =	sld [smem:$0x3FA5];
	_ =	sdelay $0x3  }
0x34: {  	[smem:$0x3FA5] =	sst s10  }
0x35: {  	s10 =	sld [smem:$0x3FA4];
	_ =	sdelay $0x3  }
0x36: {  	p1 =	seq.s32 s10, $0x1;
	s10 =	sld [smem:$0x3FA5];
	_ =	sdelay $0x3  }
0x37: {  	[smem:$0x3FA5] =	sst s10  }
0x38: {  	s10 =	sld [smem:$0x3FA6]  }
0x39: {  	_ = 	snop;
	(pc) =	sbr.ind lr, $3  }
0x3a: {  	_ = 	snop  }
0x3b: {  	_ = 	snop  }
0x3c: {  	p2 =	seq.s32 s10, $0x1;
	s10 =	sld [smem:$0x3FA5]  }
0x3d: {  	_ =	shalt  }
0x3e: {  	_ =	shalt  }
0x3f: {  	_ =	shalt  }
0x40: {  	_ =	shalt  }
0x41: {  	_ =	shalt  }
0x42: {  	_ =	shalt  }
0x43: {  	_ =	shalt  }
0x44: {  	_ =	shalt  }
0x45: {  	_ =	shalt  }
0x46: {  	_ =	shalt  }
0x47: {  	_ =	shalt  }
0x48: {  	_ =	shalt  }
0x49: {  	_ =	shalt  }
0x4a: {  	_ =	shalt  }
0x4b: {  	_ =	shalt  }
0x4c: {  	_ =	shalt  }
0x4d: {  	_ =	shalt  }
0x4e: {  	_ =	shalt  }
0x4f: {  	_ =	shalt  }
0x50: {  	_ =	shalt  }
0x51: {  	_ =	shalt  }
0x52: {  	_ =	shalt  }
0x53: {  	_ =	shalt  }
0x54: {  	_ =	shalt  }
0x55: {  	_ =	shalt  }
0x56: {  	_ =	shalt  }
0x57: {  	_ =	shalt  }
0x58: {  	_ =	shalt  }
0x59: {  	_ =	shalt  }
0x5a: {  	_ =	shalt  }
0x5b: {  	_ =	shalt  }
0x5c: {  	_ =	shalt  }
0x5d: {  	_ =	shalt  }
0x5e: {  	_ =	shalt  }
0x5f: {  	_ =	shalt  }
0x60: {  	_ =	shalt  }
0x61: {  	_ =	shalt  }
0x62: {  	_ =	shalt  }
0x63: {  	_ =	shalt  }
0x64: {  	_ =	shalt  }
0x65: {  	_ =	shalt  }
0x66: {  	_ =	shalt  }
0x67: {  	_ =	shalt  }
0x68: {  	_ =	shalt  }
0x69: {  	_ =	shalt  }
0x6a: {  	_ =	shalt  }
0x6b: {  	_ =	shalt  }
0x6c: {  	_ =	shalt  }
0x6d: {  	_ =	shalt  }
0x6e: {  	_ =	shalt  }
0x6f: {  	_ =	shalt  }
0x70: {  	_ =	shalt  }
0x71: {  	_ =	shalt  }
0x72: {  	_ =	shalt  }
0x73: {  	_ =	shalt  }
0x74: {  	_ =	shalt  }
0x75: {  	_ =	shalt  }
0x76: {  	_ =	shalt  }
0x77: {  	_ =	shalt  }
0x78: {  	_ =	shalt  }
0x79: {  	_ =	shalt  }
0x7a: {  	_ =	shalt  }
0x7b: {  	_ =	shalt  }
0x7c: {  	_ =	shalt  }
0x7d: {  	_ =	shalt  }
0x7e: {  	_ =	shalt  }
0x7f: {  	_ =	shalt  }
0x80: {  	_ =	shalt  }
0x81: {  	_ =	shalt  }
0x82: {  	_ =	shalt  }
0x83: {  	_ =	shalt  }
0x84: {  	_ =	shalt  }
0x85: {  	_ =	shalt  }
0x86: {  	_ =	shalt  }
0x87: {  	_ =	shalt  }
.Lfunc_end0:
.L_simem_size_0:
called_computation_lowered:
.L_overlay_start_0:
0x88: {  	s2 =	sld [smem:$0x3FD9]  }
0x89: {  	s3 =	sld [smem:$0x3FFE];
	_ =	sdelay $0x1  }
0x8a: {  	s1 =	srdreg.scid  }
0x8b: {  	s0 =	sand.u32 $0x1, s1  }
0x8c: {  	s17 =	sshll.u32 s0, $0xA;
	s2 =	sadd.s32 s3, s2  }
0x8d: {  	s2 =	sadd.s32 s2, s17  }
0x8e: {  	[smem:$0x3FB1] =	sst s2  }
0x8f: {  	_ = 	snop  }
0x90: {  	s2 =	sld [smem:$0x3FC7]  }
0x91: {  	s18 =	sld [smem:$0x3FC6];
	(tm) =	ssettm $0x1  }
0x92: {  	s4 =	sld [smem:$0x3FFB];
	_ =	sdelay $0x3  }
0x93: {  	_ =	strace s4  }
0x94: {  	s4 =	sld [smem:$0x3FFC];
	_ =	sdelay $0x3  }
0x95: {  	_ =	strace s4  }
0x96: {  	s4 =	sld [smem:$0x3FFD];
	_ =	sdelay $0x3  }
0x97: {  	_ =	strace s4  }
0x98: {  	_ =	strace $0x8FFFFFFF  }
0x99: {  	s19 =	sld [smem:$0x3FDB];
	_ =	sdelay $0x1  }
0x9a: {  	s5 =	simm.s32 $_scs_section_size  }
0x9b: {  	s6 =	simm.s32 $_size__tile_overlayer_lowered;
	s7 =	simm.s32 $_tile_overlayer_lowered  }
0x9c: {  	s22 =	simm.s32 $0x1BFF;
	s21 =	sshll.u32 s7, $0x1;
	s4 =	sadd.s32 s5, s19  }
0x9d: {  	s8 =	simm.s32 $0x0;
	s20 =	sshll.u32 s6, $0x1;
	s6 =	sadd.s32 s21, s4  }
0x9e: {  	[timem:s8], [sflag:s22] =	dma.local [hbm:s6], s20  }
0x9f: {  	_ =	swait.ge [sflag:s22], s20  }
0xa0: {  	s5 =	ssub.s32 $0x0, s20;
	[sflag:s22] =	ssyncset.done $0x0  }
0xa1: {  	[sflag:s22] =	ssyncadd.s32 s5;
	_ =	sdelay $0x1  }
0xa2: {  	s23 =	simm.s32 $0x1B8B  }
0xa3: {  	_ =	swait.ge [sflag:s23], $0x1  }
0xa4: {  	[sflag:s23] =	ssyncset.done $0x0  }
0xa5: {  	s25 =	simm.s32 $0x1B8E;
	s24 =	sld [smem:$0x3FFE];
	[sflag:s23] =	ssyncadd.s32 $0xFFFFFFFF  }
0xa6: {  	s26 =	simm.s32 $execute0_lowered;
	[smem:$0x3FD2] =	sst s25  }
0xa7: {  	s6 =	sshll.u32 s26, $0x1;
	_ =	strace $0x80000046;
	[dreg:$0x1] =	wrdreg $0xFFFFFFFF  }
0xa8: {  	s28 =	simm.s32 $_size_execute0_lowered;
	s4 =	sadd.s32 s4, s6;
	[dreg:$0x0] =	wrdreg $0x0  }
0xa9: {  	s6 =	sshll.u32 s28, $0x1;
	[dreg:$0x2] =	wrdreg s4  }
0xaa: {  	[dreg:$0x3] =	wrdreg s6  }
0xab: {  	[dreg:$0x4] =	wrdreg $0xC0  }
0xac: {  	_ =	task [dreg:s8], $0x5FFFF  }
0xad: {  	[dreg:$0x1] =	wrdreg $0xFFFFFFFF  }
0xae: {  	[dreg:$0x0] =	wrdreg $0x60  }
0xaf: {  	[dreg:$0x2] =	wrdreg s24  }
0xb0: {  	[dreg:$0x3] =	wrdreg s2  }
0xb1: {  	[dreg:$0x4] =	wrdreg s18  }
0xb2: {  	[dreg:$0x5] =	wrdreg $0xA2000  }
0xb3: {  	[dreg:$0x6] =	wrdreg $0x9  }
0xb4: {  	_ =	task.clear_ibuf [dreg:s8], $0x7FFFF;
	_ =	strace $0x90000046  }
0xb5: {  	s29 =	simm.s32 $0x9;
	_ =	strace $0x80000048  }
0xb6: {  	_ =	swait.ge [sflag:s29], $0x1  }
0xb7: {  	[sflag:s29] =	ssyncadd.s32 $0xFFFFFFFF  }
0xb8: {  	_ =	strace $0x90000048  }
0xb9: {  	_ =	sfence  }
0xba: {  	s30 =	sld [smem:$0x0];
	_ =	sdelay $0x2  }
0xbb: {  	s31 =	sshll.u32 s1, $0xD;
	s1 =	sshrl.u32 s1, $0x2  }
0xbc: {  	s3 =	sand.u32 $0x4000, s31;
	s1 =	sadd.s32 s1, s30  }
0xbd: {  	s0 =	sor.u32 s3, s0;
	s1 =	sshll.u32 s1, $0x11  }
0xbe: {  	s0 =	sor.u32 s1, s0  }
0xbf: {  	s0 =	sadd.s32 $0x8F2B, s0  }
0xc0: {  	[sflag:s0] =	ssyncadd.remote.s32 $0x1  }
0xc1: {  	_ =	sfence.sel $0xFFFF  }
0xc2: {  	[dreg:$0x0] =	wrdreg $0xFFFFFFFF;
	(pc) =	sbr.abs _section_cstart, $3  }
0xc3: {  	[dreg:$0x1] =	wrdreg $0xFFFFFFFF  }
0xc4: {  	_ =	task.clear_ibuf [dreg:s8], $0x2FFFF;
	_ =	strace $0x9FFFFFFF  }
0xc5: {  	(tm) =	ssettm $0x7FFFFFFF  }
tec
execute0_lowered:
.L_overlay_start_1:
0x0: {  	(tag) =	ssettag $0x1  }
0x1: {  	s0 =	rddreg [dreg:$0x0]  }
0x2: {  	s1 =	rddreg [dreg:$0x1]  }
0x3: {  	s2 =	rddreg [dreg:$0x2]  }
0x4: {  	s3 =	rddreg [dreg:$0x3]  }
0x5: {  	s4 =	simm.s32 $0x0;
	s5 =	srdreg.scid;
	s13 =	stileid.u32  }
0x6: {  	s28 =	simm.s32 $0x100;
	s29 =	simm.s32 $0x50;
	s31 =	simm.s32 $0xA  }
0x7: {  	[smem:$0x7FF] =	sst s4;
	s5 =	sand.u32 $0x1, s5;
	s7 =	sadd.s32 $0x50D200, s0  }
0x8: {  	s6 =	sadd.s32 $0x4E6000, s0;
	s10 =	smul.u32 $0x4E000, s13;
	s0 =	sadd.s32 $0x9EF200, s0  }
0x9: {  	s17 =	smul.u32 $0x13800, s13;
	s24 =	sadd.s32 $0x138000, s3;
	p0 =	sne.s32 s13, $0xF  }
0xa: {  	_ =	strace $0x80000047;
	s8 =	sshll.u32 s5, $0x4;
	s11 =	ssub.s32 $0x2, s5  }
0xb: {  	s5 =	smul.u32 $0x138800, s5;
	[dreg:$0x7] =	wrdreg s24;
	s9 =	sor.u32 s13, s8  }
0xc: {  	s12 =	sshrl.u32 s11, $0x1;
	s10 =	sshrl.u32 s10, $0x2;
	s8 =	smul.u32 $0x2710, s9  }
0xd: {  	s13 =	simm.s32 $0x4;
	s9 =	smul.u32 $0x27100, s9;
	s14 =	sadd.s32 s10, s3  }
0xe: {  	s11 =	ssub.s32 s11, s12;
	s10 =	sadd.s32 $0x11800, s14;
	[dreg:$0x5] =	wrdreg s14  }
0xf: {  	s18 =	sadd.s32 s17, s5;
	s20 =	smax.u32 s11, $0x1;
	[dreg:$0x6] =	wrdreg s10  }
0x10: {  	s5 =	sshrl.u32 s5, $0x3;
	s21 =	sadd.s32 $0x2800, s14;
	[dreg:$0xd] =	wrdreg s20  }
0x11: {  	s12 =	simm.s32 $0x2;
	s22 =	sadd.s32 $0x5000, s14;
	[dreg:$0xe] =	wrdreg s21  }
0x12: {  	s17 =	simm.s32 $0x7;
	s23 =	sadd.s32 $0x7800, s14;
	[dreg:$0xf] =	wrdreg s22  }
0x13: {  	s5 =	sadd.s32 s0, s5;
	s25 =	sadd.s32 $0xA000, s14;
	[dreg:$0x10] =	wrdreg s23  }
0x14: {  	s26 =	sadd.s32 $0xC800, s14;
	s30 =	sadd.s32 $0xF000, s14;
	[dreg:$0x11] =	wrdreg s25  }
0x15: {  	s16 =	sshrl.u32 s8, $0x3;
	s9 =	sadd.s32 s7, s9;
	[dreg:$0x12] =	wrdreg s26  }
0x16: {  	s19 =	sadd.s32 $0x27000, s5;
	[dreg:$0x13] =	wrdreg s30;
	s25 =	simm.s32 $0x200  }
0x17: {  	s26 =	simm.s32 $0xB;
	s20 =	simm.s32 $0x1;
	s21 =	simm.s32 $0x3  }
0x18: {  	s22 =	simm.s32 $0x8;
	s23 =	simm.s32 $0x0;
	s15 =	sadd.s32 s1, s16  }
.Ltmp0:
0x19: {  	s10 =	sadd.s32 s2, s16;
	[dreg:$0xa] =	wrdreg s9;
	(pc) =	sbr.rel .LBB2_1-.Ltmp0, $4  }
0x1a: {  	s9 =	sshrl.u32 s18, $0x3;
	[dreg:$0xc] =	wrdreg s19;
	s16 =	simm.s32 $0x7A00  }
0x1b: {  	s18 =	simm.s32 $0x9;
	s19 =	simm.s32 $0x6;
	[dreg:$0x8] =	wrdreg s15  }
0x1c: {  	[dreg:$0x9] =	wrdreg s10;
	s15 =	sadd.s32 $0xA0, s8;
	s0 =	sadd.s32 s0, s9  }
0x1d: {  	v0 =	vimm.f32 $0.0e+00;
	s10 =	simm.s32 $0x5;
	[dreg:$0xb] =	wrdreg s0;
	s0 =	simm.s32 $0x80  }
.LBB2_12:
0x1e: {  	[spmem:s3] =	stream.indirect.scatter.add.f32 [tilespmem:s25], [sflag:$0xB], $0x80, s28, s29, $0xb8;
	[tilespmem:$0x1DA80] =	vst v63  }
0x1f: {  	_ =	swait.ge [sflag:s26], $0x2800  }
0x20: {  	[sflag:s26] =	ssyncset.done $0x0  }
0x21: {  	[sflag:s26] =	ssyncadd.s32 $0xFFFFD800  }
.LBB2_18:
0x22: {  	s5 =	stileid.u32;
	[bflag:$0x0] =	sbarrier.arrive $0xFFFF  }
0x23: {  	s5 =	sshll.u32 s5, $0x6;
	s14 =	rddreg [dreg:$0x5]  }
0x24: {  	s11 =	rddreg [dreg:$0xb];
	s5 =	sor.u32 $0x1C0B, s5;
	s9 =	sshrl.u32 s14, $0x3  }
0x25: {  	[hbm:s11], [sflag:s5] =	dma.local [spmem:s9], $0x2700  }
0x26: {  	_ =	swait.ge [sflag:s26], $0x2700  }
0x27: {  	[sflag:s26] =	ssyncset.done $0x0;
	s24 =	rddreg [dreg:$0x7]  }
0x28: {  	s11 =	rddreg [dreg:$0xc];
	[sflag:s26] =	ssyncadd.s32 $0xFFFFD900;
	s9 =	sshrl.u32 @!p0 s24, $0x3  }
0x29: {  	[hbm:s11], [sflag:s5] =	dma.local @!p0 [spmem:s9], $0x100  }
0x2a: {  	s5 =	simm.s32 @!p0 $0xB  }
0x2b: {  	_ =	swait.ge @!p0 [sflag:s5], $0x100  }
0x2c: {  	s23 =	sadd.s32 $0x1, s23;
	s30 =	rddreg [dreg:$0xd]  }
0x2d: {  	p1 =	sne.s32 s23, s30  }
.Ltmp1:
0x2e: {  	_ = 	snop;
	(pc) =	sbr.rel @!p1 .LBB2_19-.Ltmp1, $3  }
0x2f: {  	_ =	sdelay $0x1  }
0x30: {  	[sflag:s5] =	ssyncset.done @!p0 $0x0  }
0x31: {  	[sflag:s5] =	ssyncadd.s32 @!p0 $0xFFFFFF00  }
.LBB2_1:
0x32: {  	s9 =	simm.s32 $0x0;
	s11 =	simm.s32 $0x200  }
.LBB2_2:
0x33: {  	p1 =	sne.s32 s11, $0x9E00;
	[tilespmem:s9+$0x270] =	vst v0  }
0x34: {  	[tilespmem:s9+$0x200] =	vst v0  }
0x35: {  	[tilespmem:s9+$0x210] =	vst v0  }
.Ltmp2:
0x36: {  	[tilespmem:s9+$0x220] =	vst v0;
	(pc) =	sbr.rel @p1 .LBB2_2-.Ltmp2, $4  }
0x37: {  	[tilespmem:s9+$0x230] =	vst v0  }
0x38: {  	[tilespmem:s9+$0x240] =	vst v0  }
0x39: {  	[tilespmem:s9+$0x250] =	vst v0  }
0x3a: {  	[tilespmem:s9+$0x260] =	vst v0;
	s9 =	sshra.s32 s11, $0x2;
	s11 =	sadd.s32 $0x200, s11  }
0x3b: {  	[tilespmem:s9+$0x270] =	vst v0  }
0x3c: {  	[tilespmem:s9+$0x200] =	vst v0  }
0x3d: {  	[tilespmem:s9+$0x210] =	vst v0  }
0x3e: {  	[tilespmem:s9+$0x220] =	vst v0  }
0x3f: {  	[tilespmem:s9+$0x230] =	vst v0  }
0x40: {  	[tilespmem:s9+$0x240] =	vst v0  }
0x41: {  	[tilespmem:s9+$0x250] =	vst v0  }
0x42: {  	[tilespmem:s9+$0x260] =	vst v0  }
0x43: {  	[spmem:s14] =	stream.linear.scatter [tilespmem:s25], [sflag:$0xB], $0x2800, $0x38;
	[tilespmem:$0x1DA80] =	vst v63  }
0x44: {  	_ =	swait.ge [sflag:s26], $0x2800  }
0x45: {  	[sflag:s26] =	ssyncset.done $0x0  }
0x46: {  	s5 =	rddreg [dreg:$0xe];
	[sflag:s26] =	ssyncadd.s32 $0xFFFFD800  }
0x47: {  	[spmem:s5] =	stream.linear.scatter [tilespmem:s25], [sflag:$0xB], $0x2800, $0x38;
	[tilespmem:$0x1DA80] =	vst v63  }
0x48: {  	_ =	swait.ge [sflag:s26], $0x2800  }
0x49: {  	[sflag:s26] =	ssyncset.done $0x0  }
0x4a: {  	s14 =	rddreg [dreg:$0xf];
	[sflag:s26] =	ssyncadd.s32 $0xFFFFD800  }
0x4b: {  	[spmem:s14] =	stream.linear.scatter [tilespmem:s25], [sflag:$0xB], $0x2800, $0x38;
	[tilespmem:$0x1DA80] =	vst v63  }
0x4c: {  	_ =	swait.ge [sflag:s26], $0x2800  }
0x4d: {  	[sflag:s26] =	ssyncset.done $0x0  }
0x4e: {  	s30 =	rddreg [dreg:$0x10];
	[sflag:s26] =	ssyncadd.s32 $0xFFFFD800  }
0x4f: {  	[spmem:s30] =	stream.linear.scatter [tilespmem:s25], [sflag:$0xB], $0x2800, $0x38;
	[tilespmem:$0x1DA80] =	vst v63  }
0x50: {  	_ =	swait.ge [sflag:s26], $0x2800  }
0x51: {  	[sflag:s26] =	ssyncset.done $0x0  }
0x52: {  	s9 =	rddreg [dreg:$0x11];
	[sflag:s26] =	ssyncadd.s32 $0xFFFFD800  }
0x53: {  	[spmem:s9] =	stream.linear.scatter [tilespmem:s25], [sflag:$0xB], $0x2800, $0x38;
	[tilespmem:$0x1DA80] =	vst v63  }
0x54: {  	_ =	swait.ge [sflag:s26], $0x2800  }
0x55: {  	[sflag:s26] =	ssyncset.done $0x0  }
0x56: {  	s11 =	rddreg [dreg:$0x12];
	[sflag:s26] =	ssyncadd.s32 $0xFFFFD800  }
0x57: {  	[spmem:s11] =	stream.linear.scatter [tilespmem:s25], [sflag:$0xB], $0x2800, $0x38;
	[tilespmem:$0x1DA80] =	vst v63  }
0x58: {  	_ =	swait.ge [sflag:s26], $0x2800  }
0x59: {  	[sflag:s26] =	ssyncset.done $0x0  }
0x5a: {  	s14 =	rddreg [dreg:$0x13];
	[sflag:s26] =	ssyncadd.s32 $0xFFFFD800  }
0x5b: {  	[spmem:s14] =	stream.linear.scatter [tilespmem:s25], [sflag:$0xB], $0x2800, $0x38;
	[tilespmem:$0x1DA80] =	vst v63  }
0x5c: {  	_ =	swait.ge [sflag:s26], $0x2800  }
0x5d: {  	[sflag:s26] =	ssyncset.done $0x0  }
0x5e: {  	s30 =	rddreg [dreg:$0x6];
	[sflag:s26] =	ssyncadd.s32 $0xFFFFD800  }
0x5f: {  	[spmem:s30] =	stream.linear.scatter [tilespmem:s25], [sflag:$0xB], $0x2000, $0x38;
	[tilespmem:$0x1DA80] =	vst v63  }
0x60: {  	_ =	swait.ge [sflag:s26], $0x2000  }
0x61: {  	[sflag:s26] =	ssyncset.done $0x0  }
0x62: {  	s9 =	simm.s32 @!p0 $0x200;
	[sflag:s26] =	ssyncadd.s32 $0xFFFFE000  }
0x63: {  	[spmem:s24] =	stream.linear.scatter @!p0 [tilespmem:s9], [sflag:$0xB], $0x800, $0x38;
	[tilespmem:$0x1DA80] =	vst v63  }
0x64: {  	s9 =	simm.s32 @!p0 $0xB  }
0x65: {  	_ =	swait.ge @!p0 [sflag:s9], $0x800  }
0x66: {  	[sflag:s9] =	ssyncset.done @!p0 $0x0  }
0x67: {  	[sflag:s9] =	ssyncadd.s32 @!p0 $0xFFFFF800  }
0x68: {  	[bflag:$0x0] =	sbarrier.arrive $0xFFFF  }
0x69: {  	s24 =	simm.s32 $0x0;
	s9 =	rddreg [dreg:$0x8]  }
0x6a: {  	[tilespmem:s24], [sflag:$0xB] =	stream.linear.gather [hbm4b:s9+s24], $0x50, $0x38;
	[tilespmem:$0x1DA80] =	vst v63  }
0x6b: {  	_ =	swait.ge [sflag:s26], $0x50  }
0x6c: {  	[sflag:s26] =	ssyncset.done $0x0  }
0x6d: {  	s11 =	rddreg [dreg:$0x9];
	[sflag:s26] =	ssyncadd.s32 $0xFFFFFFB0  }
0x6e: {  	[tilespmem:s28], [sflag:$0xB] =	stream.linear.gather [hbm4b:s11+s24], $0x50, $0x38;
	[tilespmem:$0x1DA80] =	vst v63  }
0x6f: {  	_ =	swait.ge [sflag:s26], $0x50  }
.Ltmp3:
0x70: {  	[sflag:s26] =	ssyncset.done $0x0;
	(pc) =	sbr.rel .LBB2_4-.Ltmp3, $4  }
0x71: {  	[sflag:s26] =	ssyncadd.s32 $0xFFFFFFB0  }
0x72: {  	[tilespmem:s25], [sflag:$0x5] =	stream.indirect.gather [hbm4b:s6+s29], $0x80, s24, s29, $0xb8;
	[tilespmem:$0x1DA80] =	vst v63  }
0x73: {  	s30 =	simm.s32 $0x5200;
	s14 =	rddreg [dreg:$0xa]  }
0x74: {  	[tilespmem:s30], [sflag:$0x7] =	stream.linear.gather [hbm4b:s14+s24], $0x2800, $0x38;
	[tilespmem:$0x1DA80] =	vst v63  }
.LBB2_17:
0x75: {  	s24 =	sadd.s32 $0x1, s24  }
0x76: {  	p1 =	sne.s32 s24, $0x3F  }
.Ltmp4:
0x77: {  	_ = 	snop;
	(pc) =	sbr.rel @!p1 .LBB2_18-.Ltmp4, $1  }
0x78: {  	_ =	sdelay $0x3  }
.LBB2_4:
0x79: {  	s11 =	sshllo.u32 s24, $0x1;
	p1 =	seq.s32 s24, $0x0  }
0x7a: {  	p2 =	sgt.u32 @!p1 s11, $0x7C  }
0x7b: {  	p1 =	por p1, p2  }
.Ltmp5:
0x7c: {  	_ = 	snop;
	(pc) =	sbr.rel @p1 .LBB2_6-.Ltmp5, $1  }
0x7d: {  	_ =	sdelay $0x3  }
0x7e: {  	_ =	swait.ge [sflag:s31], $0x2800  }
0x7f: {  	[sflag:s31] =	ssyncset.done $0x0  }
0x80: {  	[sflag:s31] =	ssyncadd.s32 $0xFFFFD800  }
.LBB2_7:
0x81: {  	s9 =	smul.u32 $0x50, s11;
	_ =	sdelay $0x1  }
0x82: {  	s9 =	sadd.s32 s8, s9  }
0x83: {  	s30 =	sshrl.u32 s9, $0x3  }
0x84: {  	s5 =	sadd.s32 s1, s30  }
0x85: {  	[tilespmem:s0], [sflag:$0x2] =	stream.linear.gather [hbm4b:s5+s4], $0x50, $0x38;
	[tilespmem:$0x1DA80] =	vst v63  }
0x86: {  	s14 =	simm.s32 $0x180;
	s30 =	sadd.s32 s2, s30  }
0x87: {  	[tilespmem:s14], [sflag:$0x4] =	stream.linear.gather [hbm4b:s30+s4], $0x50, $0x38;
	[tilespmem:$0x1DA80] =	vst v63  }
0x88: {  	_ =	swait.ge [sflag:s10], $0x2800  }
0x89: {  	[sflag:s10] =	ssyncset.done $0x0  }
0x8a: {  	[sflag:s10] =	ssyncadd.s32 $0xFFFFD800  }
0x8b: {  	_ =	swait.ge [sflag:s12], $0x50  }
0x8c: {  	[sflag:s12] =	ssyncset.done $0x0  }
0x8d: {  	[sflag:s12] =	ssyncadd.s32 $0xFFFFFFB0  }
0x8e: {  	_ =	swait.ge [sflag:s13], $0x50  }
0x8f: {  	[sflag:s13] =	ssyncset.done $0x0  }
0x90: {  	s14 =	simm.s32 $0x2A00;
	s30 =	sshll.u32 s9, $0x4;
	[sflag:s13] =	ssyncadd.s32 $0xFFFFFFB0  }
0x91: {  	[tilespmem:s14], [sflag:$0x6] =	stream.indirect.gather [hbm4b:s6+s29], $0x80, s0, s29, $0xb8;
	[tilespmem:$0x1DA80] =	vst v63  }
0x92: {  	s5 =	sadd.s32 s7, s30  }
0x93: {  	[tilespmem:s16], [sflag:$0x8] =	stream.linear.gather [hbm4b:s5+s4], $0x2800, $0x38;
	[tilespmem:$0x1DA80] =	vst v63  }
.LBB2_9:
0x94: {  	_ =	swait.ge [sflag:s17], $0x2800  }
0x95: {  	[sflag:s17] =	ssyncset.done $0x0  }
0x96: {  	s9 =	simm.s32 $0x0;
	[sflag:s17] =	ssyncadd.s32 $0xFFFFD800  }
0x97: {  	v8 =	vld [tilespmem:s9+$0x5200]  }
0x98: {  	v12 =	vld [tilespmem:s9+$0x5210]  }
0x99: {  	v6 =	vld [tilespmem:s9+$0x5220]  }
0x9a: {  	v5 =	vld [tilespmem:s9+$0x5230]  }
0x9b: {  	v4 =	vld [tilespmem:s9+$0x5240]  }
0x9c: {  	v3 =	vld [tilespmem:s9+$0x5250]  }
0x9d: {  	v2 =	vld [tilespmem:s9+$0x5260]  }
0x9e: {  	v1 =	vld [tilespmem:s9+$0x5270]  }
0x9f: {  	v13 =	vld [tilespmem:s9+$0x200]  }
0xa0: {  	v14 =	vld [tilespmem:s9+$0x210]  }
0xa1: {  	v11 =	vld [tilespmem:s9+$0x220]  }
0xa2: {  	v10 =	vld [tilespmem:s9+$0x230]  }
0xa3: {  	v9 =	vld [tilespmem:s9+$0x240]  }
0xa4: {  	v7 =	vld [tilespmem:s9+$0x250];
	v13 =	vmul.f32 v8, v13  }
0xa5: {  	s30 =	simm.s32 $0x200;
	v12 =	vmul.f32 v12, v14;
	v8 =	vld [tilespmem:s9+$0x260]  }
.LBB2_10:
0xa6: {  	s5 =	sshra.s32 s30, $0x2;
	p1 =	sne.s32 s30, $0x9E00;
	[tilespmem:s9+$0x200] =	vst v13;
	v6 =	vmul.f32 v6, v11;
	v11 =	vld [tilespmem:s9+$0x270]  }
0xa7: {  	v13 =	vld [tilespmem:s5+$0x5200];
	[tilespmem:s9+$0x210] =	vst v12;
	v5 =	vmul.f32 v5, v10  }
0xa8: {  	v12 =	vld [tilespmem:s5+$0x5210];
	[tilespmem:s9+$0x220] =	vst v6;
	v4 =	vmul.f32 v4, v9  }
0xa9: {  	v6 =	vld [tilespmem:s5+$0x5220];
	[tilespmem:s9+$0x230] =	vst v5;
	v3 =	vmul.f32 v3, v7  }
0xaa: {  	v5 =	vld [tilespmem:s5+$0x5230];
	[tilespmem:s9+$0x240] =	vst v4;
	v2 =	vmul.f32 v2, v8  }
0xab: {  	v4 =	vld [tilespmem:s5+$0x5240];
	[tilespmem:s9+$0x250] =	vst v3;
	v1 =	vmul.f32 v1, v11  }
0xac: {  	v3 =	vld [tilespmem:s5+$0x5250];
	[tilespmem:s9+$0x260] =	vst v2  }
0xad: {  	v2 =	vld [tilespmem:s5+$0x5260];
	[tilespmem:s9+$0x270] =	vst v1;
	s9 =	smov.u32 s5  }
0xae: {  	v1 =	vld [tilespmem:s9+$0x5270]  }
0xaf: {  	v7 =	vld [tilespmem:s9+$0x200]  }
0xb0: {  	v8 =	vld [tilespmem:s9+$0x210]  }
.Ltmp6:
0xb1: {  	v11 =	vld [tilespmem:s9+$0x220];
	(pc) =	sbr.rel @p1 .LBB2_10-.Ltmp6, $4  }
0xb2: {  	v10 =	vld [tilespmem:s9+$0x230]  }
0xb3: {  	v9 =	vld [tilespmem:s9+$0x240]  }
0xb4: {  	v13 =	vmul.f32 v13, v7;
	v7 =	vld [tilespmem:s9+$0x250]  }
0xb5: {  	s30 =	sadd.s32 $0x200, s30;
	v12 =	vmul.f32 v12, v8;
	v8 =	vld [tilespmem:s9+$0x260]  }
0xb6: {  	[tilespmem:s9+$0x200] =	vst v13;
	v6 =	vmul.f32 v6, v11;
	v63 =	vld [tilespmem:s9+$0x270]  }
0xb7: {  	[tilespmem:s9+$0x210] =	vst v12;
	v5 =	vmul.f32 v5, v10  }
0xb8: {  	p1 =	sne.s32 s24, $0x3E;
	[tilespmem:s9+$0x220] =	vst v6;
	v4 =	vmul.f32 v4, v9  }
.Ltmp7:
0xb9: {  	[tilespmem:s9+$0x230] =	vst v5;
	v3 =	vmul.f32 v3, v7;
	(pc) =	sbr.rel @!p1 .LBB2_12-.Ltmp7, $4  }
0xba: {  	[tilespmem:s9+$0x240] =	vst v4;
	v2 =	vmul.f32 v2, v8  }
0xbb: {  	[tilespmem:s9+$0x250] =	vst v3;
	v1 =	vmul.f32 v1, v63  }
0xbc: {  	[tilespmem:s9+$0x260] =	vst v2  }
0xbd: {  	[tilespmem:s9+$0x270] =	vst v1  }
0xbe: {  	p1 =	sgt.u32 s11, $0x7C  }
.Ltmp8:
0xbf: {  	_ = 	snop;
	(pc) =	sbr.rel @p1 .LBB2_17-.Ltmp8, $2  }
0xc0: {  	_ =	sdelay $0x2  }
0xc1: {  	[spmem:s3] =	stream.indirect.scatter.add.f32 [tilespmem:s25], [sflag:$0x9], $0x80, s28, s29, $0xb8;
	[tilespmem:$0x1DA80] =	vst v63  }
0xc2: {  	s5 =	smul.u32 $0xA0, s24;
	_ =	sdelay $0x1  }
0xc3: {  	_ =	swait.ge [sflag:s18], $0x2800;
	s5 =	sadd.s32 s5, s15  }
0xc4: {  	[sflag:s18] =	ssyncset.done $0x0;
	s9 =	sshrl.u32 s5, $0x3  }
0xc5: {  	s14 =	simm.s32 $0x0;
	[sflag:s18] =	ssyncadd.s32 $0xFFFFD800;
	s30 =	sadd.s32 s1, s9  }
0xc6: {  	[tilespmem:s14], [sflag:$0x1] =	stream.linear.gather [hbm4b:s30+s14], $0x50, $0x38;
	[tilespmem:$0x1DA80] =	vst v63  }
0xc7: {  	s9 =	sadd.s32 s2, s9  }
0xc8: {  	[tilespmem:s28], [sflag:$0x3] =	stream.linear.gather [hbm4b:s9+s14], $0x50, $0x38;
	[tilespmem:$0x1DA80] =	vst v63  }
0xc9: {  	_ =	swait.ge [sflag:s19], $0x2800  }
0xca: {  	[sflag:s19] =	ssyncset.done $0x0  }
0xcb: {  	[sflag:s19] =	ssyncadd.s32 $0xFFFFD800  }
0xcc: {  	_ =	swait.ge [sflag:s20], $0x50  }
0xcd: {  	[sflag:s20] =	ssyncset.done $0x0  }
0xce: {  	[sflag:s20] =	ssyncadd.s32 $0xFFFFFFB0  }
0xcf: {  	_ =	swait.ge [sflag:s21], $0x50  }
0xd0: {  	[sflag:s21] =	ssyncset.done $0x0  }
0xd1: {  	s5 =	sshll.u32 s5, $0x4;
	[sflag:s21] =	ssyncadd.s32 $0xFFFFFFB0  }
0xd2: {  	[tilespmem:s25], [sflag:$0x5] =	stream.indirect.gather [hbm4b:s6+s29], $0x80, s14, s29, $0xb8;
	[tilespmem:$0x1DA80] =	vst v63  }
0xd3: {  	s5 =	sadd.s32 s7, s5;
	s9 =	simm.s32 $0x5200  }
0xd4: {  	[tilespmem:s9], [sflag:$0x7] =	stream.linear.gather [hbm4b:s5+s14], $0x2800, $0x38;
	[tilespmem:$0x1DA80] =	vst v63  }
0xd5: {  	_ =	swait.ge [sflag:s22], $0x2800  }
0xd6: {  	[sflag:s22] =	ssyncset.done $0x0  }
0xd7: {  	s9 =	simm.s32 $0x0;
	[sflag:s22] =	ssyncadd.s32 $0xFFFFD800  }
0xd8: {  	v8 =	vld [tilespmem:s9+$0x7A00]  }
0xd9: {  	v12 =	vld [tilespmem:s9+$0x7A10]  }
0xda: {  	v6 =	vld [tilespmem:s9+$0x7A20]  }
0xdb: {  	v5 =	vld [tilespmem:s9+$0x7A30]  }
0xdc: {  	v4 =	vld [tilespmem:s9+$0x7A40]  }
0xdd: {  	v3 =	vld [tilespmem:s9+$0x7A50]  }
0xde: {  	v2 =	vld [tilespmem:s9+$0x7A60]  }
0xdf: {  	v1 =	vld [tilespmem:s9+$0x7A70]  }
0xe0: {  	v13 =	vld [tilespmem:s9+$0x2A00]  }
0xe1: {  	v14 =	vld [tilespmem:s9+$0x2A10]  }
0xe2: {  	v11 =	vld [tilespmem:s9+$0x2A20]  }
0xe3: {  	v10 =	vld [tilespmem:s9+$0x2A30]  }
0xe4: {  	v9 =	vld [tilespmem:s9+$0x2A40]  }
0xe5: {  	v7 =	vld [tilespmem:s9+$0x2A50];
	v13 =	vmul.f32 v8, v13  }
0xe6: {  	s30 =	simm.s32 $0x200;
	v12 =	vmul.f32 v12, v14;
	v8 =	vld [tilespmem:s9+$0x2A60]  }
.LBB2_15:
0xe7: {  	s5 =	sshra.s32 s30, $0x2;
	p1 =	sne.s32 s30, $0x9E00;
	[tilespmem:s9+$0x2A00] =	vst v13;
	v6 =	vmul.f32 v6, v11;
	v11 =	vld [tilespmem:s9+$0x2A70]  }
0xe8: {  	v13 =	vld [tilespmem:s5+$0x7A00];
	[tilespmem:s9+$0x2A10] =	vst v12;
	v5 =	vmul.f32 v5, v10  }
0xe9: {  	v12 =	vld [tilespmem:s5+$0x7A10];
	[tilespmem:s9+$0x2A20] =	vst v6;
	v4 =	vmul.f32 v4, v9  }
0xea: {  	v6 =	vld [tilespmem:s5+$0x7A20];
	[tilespmem:s9+$0x2A30] =	vst v5;
	v3 =	vmul.f32 v3, v7  }
0xeb: {  	v5 =	vld [tilespmem:s5+$0x7A30];
	[tilespmem:s9+$0x2A40] =	vst v4;
	v2 =	vmul.f32 v2, v8  }
0xec: {  	v4 =	vld [tilespmem:s5+$0x7A40];
	[tilespmem:s9+$0x2A50] =	vst v3;
	v1 =	vmul.f32 v1, v11  }
0xed: {  	v3 =	vld [tilespmem:s5+$0x7A50];
	[tilespmem:s9+$0x2A60] =	vst v2  }
0xee: {  	v2 =	vld [tilespmem:s5+$0x7A60];
	[tilespmem:s9+$0x2A70] =	vst v1;
	s9 =	smov.u32 s5  }
0xef: {  	v1 =	vld [tilespmem:s9+$0x7A70]  }
0xf0: {  	v7 =	vld [tilespmem:s9+$0x2A00]  }
0xf1: {  	v8 =	vld [tilespmem:s9+$0x2A10]  }
.Ltmp9:
0xf2: {  	v11 =	vld [tilespmem:s9+$0x2A20];
	(pc) =	sbr.rel @p1 .LBB2_15-.Ltmp9, $4  }
0xf3: {  	v10 =	vld [tilespmem:s9+$0x2A30]  }
0xf4: {  	v9 =	vld [tilespmem:s9+$0x2A40]  }
0xf5: {  	v13 =	vmul.f32 v13, v7;
	v7 =	vld [tilespmem:s9+$0x2A50]  }
0xf6: {  	s30 =	sadd.s32 $0x200, s30;
	v12 =	vmul.f32 v12, v8;
	v8 =	vld [tilespmem:s9+$0x2A60]  }
0xf7: {  	[tilespmem:s9+$0x2A00] =	vst v13;
	v6 =	vmul.f32 v6, v11;
	v63 =	vld [tilespmem:s9+$0x2A70]  }
0xf8: {  	[tilespmem:s9+$0x2A10] =	vst v12;
	v5 =	vmul.f32 v5, v10  }
0xf9: {  	[tilespmem:s9+$0x2A20] =	vst v6;
	v4 =	vmul.f32 v4, v9  }
0xfa: {  	[tilespmem:s9+$0x2A30] =	vst v5;
	v3 =	vmul.f32 v3, v7  }
0xfb: {  	[tilespmem:s9+$0x2A40] =	vst v4;
	v2 =	vmul.f32 v2, v8  }
0xfc: {  	[tilespmem:s9+$0x2A50] =	vst v3;
	v1 =	vmul.f32 v1, v63  }
0xfd: {  	p1 =	slt.u32 s24, $0x3D;
	[tilespmem:s9+$0x2A60] =	vst v2  }
0xfe: {  	s5 =	simm.s32 @!p1 $0x50;
	s14 =	simm.s32 @!p1 $0x2A00;
	[tilespmem:s9+$0x2A70] =	vst v1;
	s9 =	simm.s32 @!p1 $0x180  }
0xff: {  	[spmem:s3] =	stream.indirect.scatter.add.f32 @!p1 [tilespmem:s14], [sflag:$0xB], $0x80, s9, s5, $0xb8;
	[tilespmem:$0x1DA80] =	vst v63  }
0x100: {  	s5 =	simm.s32 @!p1 $0xB  }
.Ltmp10:
0x101: {  	_ =	swait.ge @!p1 [sflag:s5], $0x2800;
	(pc) =	sbr.rel .LBB2_17-.Ltmp10, $4  }
0x102: {  	[sflag:s5] =	ssyncset.done @!p1 $0x0  }
0x103: {  	[sflag:s5] =	ssyncadd.s32 @!p1 $0xFFFFD800;
	p1 =	sgt.u32 s11, $0x7A  }
0x104: {  	s5 =	simm.s32 @!p1 $0x50;
	s9 =	simm.s32 @!p1 $0x180;
	s11 =	simm.s32 @!p1 $0x2A00  }
0x105: {  	[spmem:s3] =	stream.indirect.scatter.add.f32 @!p1 [tilespmem:s11], [sflag:$0xA], $0x80, s9, s5, $0xb8;
	[tilespmem:$0x1DA80] =	vst v63  }
.LBB2_6:
0x106: {  	p1 =	sgt.u32 s11, $0x7C  }
.Ltmp11:
0x107: {  	_ = 	snop;
	(pc) =	sbr.rel @!p1 .LBB2_7-.Ltmp11, $1  }
0x108: {  	_ =	sdelay $0x3  }
.Ltmp12:
0x109: {  	(pc) =	sbr.rel .LBB2_9-.Ltmp12, $4  }
0x10a: {  	_ = 	snop  }
0x10b: {  	_ =	swait.ge [sflag:s10], $0x2800  }
0x10c: {  	[sflag:s10] =	ssyncset.done $0x0  }
0x10d: {  	[sflag:s10] =	ssyncadd.s32 $0xFFFFD800  }
.LBB2_19:
0x10e: {  	_ =	sfence.sel $0x180000  }
0x10f: {  	[bflag:$0x0] =	sbarrier.arrive $0xFFFF  }
0x110: {  	_ =	strace $0x90000047  }
0x111: {  	s0 =	stileid.u32;
	[bflag:$0x2] =	sbarrier.arrive $0xFFFF  }
0x112: {  	p0 =	sne.s32 s0, $0x0;
	s0 =	rddreg [dreg:$0x4]  }
0x113: {  	s0 =	sadd.s32 @!p0 $0x100000, s0  }
0x114: {  	[sflag:s0] =	ssyncadd.tile.s32 @!p0 $0x1;
	_ =	shalt  }
.Lfunc_end2:
_tile_overlayer_lowered:
.L_overlay_start_2:
0x115: {  	(tag) =	ssettag $0x2  }
0x116: {  	s0 =	rddreg [dreg:$0x0];
	s2 =	stileid.u32  }
0x117: {  	s1 =	rddreg [dreg:$0x1];
	p0 =	sne.s32 s2, $0x0  }
0x118: {  	s3 =	rddreg [dreg:$0x2];
	[bflag:$0x3] =	sbarrier.arrive $0xFFFF;
	s2 =	simm.s32 @!p0 $0x1C0B  }
0x119: {  	[timem:s3], [sflag:s2] =	dma.local @!p0 [hbm:s0], s1  }
0x11a: {  	s0 =	simm.s32 @!p0 $0xB  }
0x11b: {  	_ =	swait.ge @!p0 [sflag:s0], s1  }
0x11c: {  	s1 =	ssub.s32 @!p0 $0x0, s1;
	[sflag:s0] =	ssyncset.done @!p0 $0x0  }
0x11d: {  	[sflag:s0] =	ssyncadd.s32 @!p0 s1  }
0x11e: {  	[bflag:$0x3] =	sbarrier.arrive $0xFFFF  }
0x11f: {  	_ =	shalt  }

// kernel: kernel.15.cloned.1.call-start
scs
__scs_entry_jumppad:
0x0: {  	(pc) =	sbr.rel $0x88, $3  }
0x1: {  	(tag) =	ssettag $0x0;
	lr =	simm.s32 $0x1  }
0x2: {  	[smem:$0x3F8A] =	sst lr;
	_ =	strace $0xD0000000  }
0x3: {  	_ = 	snop  }
0x4: {  	_ = 	snop  }
0x5: {  	_ = 	snop  }
0x6: {  	_ = 	snop  }
0x7: {  	_ = 	snop  }
__scs_overlays_trampoline_lowered:
0x8: {  	[smem:$0x3F99] =	sst s0  }
0x9: {  	[smem:$0x3F9A] =	sst s1  }
0xa: {  	[smem:$0x3F9B] =	sst s2  }
0xb: {  	[smem:$0x3F9C] =	sst s3  }
0xc: {  	[smem:$0x3F9D] =	sst s4  }
0xd: {  	[smem:$0x3F9E] =	sst s5  }
0xe: {  	[smem:$0x3F9F] =	sst s6  }
0xf: {  	[smem:$0x3FA0] =	sst s7  }
0x10: {  	[smem:$0x3FA1] =	sst s8  }
0x11: {  	[smem:$0x3FA2] =	sst s9;
	s0 =	simm.s32 @!p0 $0x0  }
0x12: {  	s1 =	sld [smem:$0x3F88];
	s0 =	simm.s32 @p0 $0x1  }
0x13: {  	[smem:$0x3FA3] =	sst s0;
	s0 =	simm.s32 @!p1 $0x0  }
0x14: {  	s2 =	sld [smem:$0x3F87];
	s0 =	simm.s32 @p1 $0x1  }
0x15: {  	[smem:$0x3FA4] =	sst s0;
	s0 =	simm.s32 @!p2 $0x0  }
0x16: {  	s3 =	sld [smem:$0x3FDB];
	s0 =	simm.s32 @p2 $0x1  }
0x17: {  	s4 =	simm.s32 $0x1BF5;
	[smem:$0x3FA6] =	sst s0  }
0x18: {  	s0 =	sld [smem:$0x3F89];
	_ =	swait.ge [sflag:s4], $0x0  }
0x19: {  	s7 =	sld [smem:$0x3F8A]  }
0x1a: {  	s8 =	sadd.s32 $0xFFFFE003, lr  }
0x1b: {  	s9 =	sadd.s32 $0xFFFFFEF7, lr;
	s5 =	simm.s32 $0xFFFFFFFF;
	p2 =	slt.u32 s8, $0xFFFFF086  }
0x1c: {  	p1 =	slt.u32 s9, $0xF7A;
	s5 =	simm.s32 @!p2 $0x0  }
0x1d: {  	s5 =	simm.s32 @p1 $0x1;
	p0 =	seq.s32 s7, s2  }
0x1e: {  	s7 =	smul.u32 @!p0 $0xF7A, s2;
	p2 =	seq.s32 @!p0 s5, $0x0  }
0x1f: {  	s9 =	smul.u32 $0xF7A, s1;
	s8 =	simm.s32 @!p0 $0x1BF5;
	p2 =	por !p2, p0  }
0x20: {  	[sflag:s8] =	ssyncset.s32 @!p0 $0xFFFFF086;
	s6 =	sadd.s32 @!p0 s3, s7;
	s7 =	simm.s32 @!p0 $0x108  }
0x21: {  	s3 =	sadd.s32 s3, s9;
	s6 =	sadd.s32 @!p0 $0x88, s6;
	s7 =	simm.s32 @p2 $0x1082  }
0x22: {  	[simem:s7], [sflag:s8] =	dma.local @!p0 [hbm:s6], $0xF7A  }
0x23: {  	s9 =	sor.u32 $0xD0000000, s2;
	s6 =	simm.s32 $0x108;
	_ =	swait.ge @!p0 [sflag:s8], $0x0  }
0x24: {  	s3 =	sadd.s32 $0x88, s3;
	s6 =	simm.s32 @!p1 $0x1082;
	[sflag:s4] =	ssyncset.s32 $0xFFFFF086  }
0x25: {  	[simem:s6], [sflag:s4] =	dma.local [hbm:s3], $0xF7A  }
0x26: {  	[smem:$0x3F8A] =	sst s1;
	(tag) =	ssettag s2;
	_ =	strace s9  }
0x27: {  	s1 =	sld [smem:$0x3F9A]  }
0x28: {  	s2 =	sld [smem:$0x3F9B]  }
0x29: {  	s4 =	sld [smem:$0x3F9D]  }
0x2a: {  	p0 =	seq.s32 s5, $0x0;
	s5 =	sld [smem:$0x3F9E]  }
0x2b: {  	s6 =	sld [smem:$0x3F9F]  }
0x2c: {  	s7 =	sld [smem:$0x3FA0]  }
0x2d: {  	s3 =	simm.s32 $0x108;
	s8 =	sld [smem:$0x3FA1]  }
0x2e: {  	s3 =	simm.s32 @!p0 $0x1082;
	s9 =	sld [smem:$0x3FA2]  }
0x2f: {  	lr =	sadd.s32 s0, s3;
	s0 =	sld [smem:$0x3F99]  }
0x30: {  	s3 =	sld [smem:$0x3F9C]  }
0x31: {  	[smem:$0x3FA5] =	sst s10  }
0x32: {  	s10 =	sld [smem:$0x3FA3];
	_ =	sdelay $0x3  }
0x33: {  	p0 =	seq.s32 s10, $0x1;
	s10 =	sld [smem:$0x3FA5];
	_ =	sdelay $0x3  }
0x34: {  	[smem:$0x3FA5] =	sst s10  }
0x35: {  	s10 =	sld [smem:$0x3FA4];
	_ =	sdelay $0x3  }
0x36: {  	p1 =	seq.s32 s10, $0x1;
	s10 =	sld [smem:$0x3FA5];
	_ =	sdelay $0x3  }
0x37: {  	[smem:$0x3FA5] =	sst s10  }
0x38: {  	s10 =	sld [smem:$0x3FA6]  }
0x39: {  	_ = 	snop;
	(pc) =	sbr.ind lr, $3  }
0x3a: {  	_ = 	snop  }
0x3b: {  	_ = 	snop  }
0x3c: {  	p2 =	seq.s32 s10, $0x1;
	s10 =	sld [smem:$0x3FA5]  }
0x3d: {  	_ =	shalt  }
0x3e: {  	_ =	shalt  }
0x3f: {  	_ =	shalt  }
0x40: {  	_ =	shalt  }
0x41: {  	_ =	shalt  }
0x42: {  	_ =	shalt  }
0x43: {  	_ =	shalt  }
0x44: {  	_ =	shalt  }
0x45: {  	_ =	shalt  }
0x46: {  	_ =	shalt  }
0x47: {  	_ =	shalt  }
0x48: {  	_ =	shalt  }
0x49: {  	_ =	shalt  }
0x4a: {  	_ =	shalt  }
0x4b: {  	_ =	shalt  }
0x4c: {  	_ =	shalt  }
0x4d: {  	_ =	shalt  }
0x4e: {  	_ =	shalt  }
0x4f: {  	_ =	shalt  }
0x50: {  	_ =	shalt  }
0x51: {  	_ =	shalt  }
0x52: {  	_ =	shalt  }
0x53: {  	_ =	shalt  }
0x54: {  	_ =	shalt  }
0x55: {  	_ =	shalt  }
0x56: {  	_ =	shalt  }
0x57: {  	_ =	shalt  }
0x58: {  	_ =	shalt  }
0x59: {  	_ =	shalt  }
0x5a: {  	_ =	shalt  }
0x5b: {  	_ =	shalt  }
0x5c: {  	_ =	shalt  }
0x5d: {  	_ =	shalt  }
0x5e: {  	_ =	shalt  }
0x5f: {  	_ =	shalt  }
0x60: {  	_ =	shalt  }
0x61: {  	_ =	shalt  }
0x62: {  	_ =	shalt  }
0x63: {  	_ =	shalt  }
0x64: {  	_ =	shalt  }
0x65: {  	_ =	shalt  }
0x66: {  	_ =	shalt  }
0x67: {  	_ =	shalt  }
0x68: {  	_ =	shalt  }
0x69: {  	_ =	shalt  }
0x6a: {  	_ =	shalt  }
0x6b: {  	_ =	shalt  }
0x6c: {  	_ =	shalt  }
0x6d: {  	_ =	shalt  }
0x6e: {  	_ =	shalt  }
0x6f: {  	_ =	shalt  }
0x70: {  	_ =	shalt  }
0x71: {  	_ =	shalt  }
0x72: {  	_ =	shalt  }
0x73: {  	_ =	shalt  }
0x74: {  	_ =	shalt  }
0x75: {  	_ =	shalt  }
0x76: {  	_ =	shalt  }
0x77: {  	_ =	shalt  }
0x78: {  	_ =	shalt  }
0x79: {  	_ =	shalt  }
0x7a: {  	_ =	shalt  }
0x7b: {  	_ =	shalt  }
0x7c: {  	_ =	shalt  }
0x7d: {  	_ =	shalt  }
0x7e: {  	_ =	shalt  }
0x7f: {  	_ =	shalt  }
0x80: {  	_ =	shalt  }
0x81: {  	_ =	shalt  }
0x82: {  	_ =	shalt  }
0x83: {  	_ =	shalt  }
0x84: {  	_ =	shalt  }
0x85: {  	_ =	shalt  }
0x86: {  	_ =	shalt  }
0x87: {  	_ =	shalt  }
.Lfunc_end0:
.L_simem_size_0:
called_computation.1_lowered:
.L_overlay_start_0:
0x88: {  	s2 =	sld [smem:$0x3FD9]  }
0x89: {  	s3 =	sld [smem:$0x3FFE];
	_ =	sdelay $0x1  }
0x8a: {  	s1 =	srdreg.scid  }
0x8b: {  	s0 =	sand.u32 $0x1, s1  }
0x8c: {  	s17 =	sshll.u32 s0, $0xA;
	s2 =	sadd.s32 s3, s2  }
0x8d: {  	s2 =	sadd.s32 s2, s17  }
0x8e: {  	[smem:$0x3FB1] =	sst s2  }
0x8f: {  	_ = 	snop  }
0x90: {  	s2 =	sld [smem:$0x3FC7]  }
0x91: {  	s18 =	sld [smem:$0x3FC6];
	(tm) =	ssettm $0x1  }
0x92: {  	s4 =	sld [smem:$0x3FFB];
	_ =	sdelay $0x3  }
0x93: {  	_ =	strace s4  }
0x94: {  	s4 =	sld [smem:$0x3FFC];
	_ =	sdelay $0x3  }
0x95: {  	_ =	strace s4  }
0x96: {  	s4 =	sld [smem:$0x3FFD];
	_ =	sdelay $0x3  }
0x97: {  	_ =	strace s4  }
0x98: {  	_ =	strace $0x8FFFFFFF  }
0x99: {  	s19 =	sld [smem:$0x3FDB];
	_ =	sdelay $0x1  }
0x9a: {  	s5 =	simm.s32 $_scs_section_size  }
0x9b: {  	s6 =	simm.s32 $_size__tile_overlayer_lowered;
	s7 =	simm.s32 $_tile_overlayer_lowered  }
0x9c: {  	s22 =	simm.s32 $0x1BFF;
	s21 =	sshll.u32 s7, $0x1;
	s4 =	sadd.s32 s5, s19  }
0x9d: {  	s8 =	simm.s32 $0x0;
	s20 =	sshll.u32 s6, $0x1;
	s6 =	sadd.s32 s21, s4  }
0x9e: {  	[timem:s8], [sflag:s22] =	dma.local [hbm:s6], s20  }
0x9f: {  	_ =	swait.ge [sflag:s22], s20  }
0xa0: {  	s5 =	ssub.s32 $0x0, s20;
	[sflag:s22] =	ssyncset.done $0x0  }
0xa1: {  	[sflag:s22] =	ssyncadd.s32 s5;
	_ =	sdelay $0x1  }
0xa2: {  	s23 =	simm.s32 $0x1B8B  }
0xa3: {  	_ =	swait.ge [sflag:s23], $0x1  }
0xa4: {  	[sflag:s23] =	ssyncset.done $0x0  }
0xa5: {  	s25 =	simm.s32 $0x1B8E;
	s24 =	sld [smem:$0x3FFE];
	[sflag:s23] =	ssyncadd.s32 $0xFFFFFFFF  }
0xa6: {  	s26 =	simm.s32 $execute0_lowered;
	[smem:$0x3FD2] =	sst s25  }
0xa7: {  	s6 =	sshll.u32 s26, $0x1;
	_ =	strace $0x80000049;
	[dreg:$0x1] =	wrdreg $0xFFFFFFFF  }
0xa8: {  	s28 =	simm.s32 $_size_execute0_lowered;
	s4 =	sadd.s32 s4, s6;
	[dreg:$0x0] =	wrdreg $0x0  }
0xa9: {  	s6 =	sshll.u32 s28, $0x1;
	[dreg:$0x2] =	wrdreg s4  }
0xaa: {  	[dreg:$0x3] =	wrdreg s6  }
0xab: {  	[dreg:$0x4] =	wrdreg $0xC0  }
0xac: {  	_ =	task [dreg:s8], $0x5FFFF  }
0xad: {  	[dreg:$0x1] =	wrdreg $0xFFFFFFFF  }
0xae: {  	[dreg:$0x0] =	wrdreg $0x60  }
0xaf: {  	[dreg:$0x2] =	wrdreg s24  }
0xb0: {  	[dreg:$0x3] =	wrdreg s2  }
0xb1: {  	[dreg:$0x4] =	wrdreg s18  }
0xb2: {  	[dreg:$0x5] =	wrdreg $0xA2000  }
0xb3: {  	[dreg:$0x6] =	wrdreg $0x9  }
0xb4: {  	_ =	task.clear_ibuf [dreg:s8], $0x7FFFF;
	_ =	strace $0x90000049  }
0xb5: {  	s29 =	simm.s32 $0x9;
	_ =	strace $0x8000004B  }
0xb6: {  	_ =	swait.ge [sflag:s29], $0x1  }
0xb7: {  	[sflag:s29] =	ssyncadd.s32 $0xFFFFFFFF  }
0xb8: {  	_ =	strace $0x9000004B  }
0xb9: {  	_ =	sfence  }
0xba: {  	s30 =	sld [smem:$0x0];
	_ =	sdelay $0x2  }
0xbb: {  	s31 =	sshll.u32 s1, $0xD;
	s1 =	sshrl.u32 s1, $0x2  }
0xbc: {  	s3 =	sand.u32 $0x4000, s31;
	s1 =	sadd.s32 s1, s30  }
0xbd: {  	s0 =	sor.u32 s3, s0;
	s1 =	sshll.u32 s1, $0x11  }
0xbe: {  	s0 =	sor.u32 s1, s0  }
0xbf: {  	s0 =	sadd.s32 $0x8F2B, s0  }
0xc0: {  	[sflag:s0] =	ssyncadd.remote.s32 $0x1  }
0xc1: {  	_ =	sfence.sel $0xFFFF  }
0xc2: {  	[dreg:$0x0] =	wrdreg $0xFFFFFFFF;
	(pc) =	sbr.abs _section_cstart, $3  }
0xc3: {  	[dreg:$0x1] =	wrdreg $0xFFFFFFFF  }
0xc4: {  	_ =	task.clear_ibuf [dreg:s8], $0x2FFFF;
	_ =	strace $0x9FFFFFFF  }
0xc5: {  	(tm) =	ssettm $0x7FFFFFFF  }
tec
execute0_lowered:
.L_overlay_start_1:
0x0: {  	(tag) =	ssettag $0x1  }
0x1: {  	s0 =	rddreg [dreg:$0x0]  }
0x2: {  	s1 =	rddreg [dreg:$0x1]  }
0x3: {  	s2 =	rddreg [dreg:$0x2]  }
0x4: {  	s3 =	rddreg [dreg:$0x3]  }
0x5: {  	s4 =	simm.s32 $0x0;
	s5 =	srdreg.scid;
	s13 =	stileid.u32  }
0x6: {  	s28 =	simm.s32 $0x100;
	s29 =	simm.s32 $0x50;
	s31 =	simm.s32 $0xA  }
0x7: {  	[smem:$0x7FF] =	sst s4;
	s5 =	sand.u32 $0x1, s5;
	s7 =	sadd.s32 $0xA3D400, s0  }
0x8: {  	s6 =	sadd.s32 $0x4E6000, s0;
	s10 =	smul.u32 $0x4E000, s13;
	s0 =	sadd.s32 $0x50D200, s0  }
0x9: {  	s17 =	smul.u32 $0x13800, s13;
	s24 =	sadd.s32 $0x138000, s3;
	p0 =	sne.s32 s13, $0xF  }
0xa: {  	_ =	strace $0x8000004A;
	s8 =	sshll.u32 s5, $0x4;
	s11 =	ssub.s32 $0x2, s5  }
0xb: {  	s5 =	smul.u32 $0x138800, s5;
	[dreg:$0x7] =	wrdreg s24;
	s9 =	sor.u32 s13, s8  }
0xc: {  	s12 =	sshrl.u32 s11, $0x1;
	s10 =	sshrl.u32 s10, $0x2;
	s8 =	smul.u32 $0x2710, s9  }
0xd: {  	s13 =	simm.s32 $0x4;
	s9 =	smul.u32 $0x27100, s9;
	s14 =	sadd.s32 s10, s3  }
0xe: {  	s11 =	ssub.s32 s11, s12;
	s10 =	sadd.s32 $0x11800, s14;
	[dreg:$0x5] =	wrdreg s14  }
0xf: {  	s18 =	sadd.s32 s17, s5;
	s20 =	smax.u32 s11, $0x1;
	[dreg:$0x6] =	wrdreg s10  }
0x10: {  	s5 =	sshrl.u32 s5, $0x3;
	s21 =	sadd.s32 $0x2800, s14;
	[dreg:$0xd] =	wrdreg s20  }
0x11: {  	s12 =	simm.s32 $0x2;
	s22 =	sadd.s32 $0x5000, s14;
	[dreg:$0xe] =	wrdreg s21  }
0x12: {  	s17 =	simm.s32 $0x7;
	s23 =	sadd.s32 $0x7800, s14;
	[dreg:$0xf] =	wrdreg s22  }
0x13: {  	s5 =	sadd.s32 s0, s5;
	s25 =	sadd.s32 $0xA000, s14;
	[dreg:$0x10] =	wrdreg s23  }
0x14: {  	s26 =	sadd.s32 $0xC800, s14;
	s30 =	sadd.s32 $0xF000, s14;
	[dreg:$0x11] =	wrdreg s25  }
0x15: {  	s16 =	sshrl.u32 s8, $0x3;
	s9 =	sadd.s32 s7, s9;
	[dreg:$0x12] =	wrdreg s26  }
0x16: {  	s19 =	sadd.s32 $0x27000, s5;
	[dreg:$0x13] =	wrdreg s30;
	s25 =	simm.s32 $0x200  }
0x17: {  	s26 =	simm.s32 $0xB;
	s20 =	simm.s32 $0x1;
	s21 =	simm.s32 $0x3  }
0x18: {  	s22 =	simm.s32 $0x8;
	s23 =	simm.s32 $0x0;
	s15 =	sadd.s32 s1, s16  }
.Ltmp0:
0x19: {  	s10 =	sadd.s32 s2, s16;
	[dreg:$0xa] =	wrdreg s9;
	(pc) =	sbr.rel .LBB2_1-.Ltmp0, $4  }
0x1a: {  	s9 =	sshrl.u32 s18, $0x3;
	[dreg:$0xc] =	wrdreg s19;
	s16 =	simm.s32 $0x7A00  }
0x1b: {  	s18 =	simm.s32 $0x9;
	s19 =	simm.s32 $0x6;
	[dreg:$0x8] =	wrdreg s15  }
0x1c: {  	[dreg:$0x9] =	wrdreg s10;
	s15 =	sadd.s32 $0xA0, s8;
	s0 =	sadd.s32 s0, s9  }
0x1d: {  	v0 =	vimm.f32 $0.0e+00;
	s10 =	simm.s32 $0x5;
	[dreg:$0xb] =	wrdreg s0;
	s0 =	simm.s32 $0x80  }
.LBB2_12:
0x1e: {  	[spmem:s3] =	stream.indirect.scatter.add.f32 [tilespmem:s25], [sflag:$0xB], $0x80, s28, s29, $0xb8;
	[tilespmem:$0x1DA80] =	vst v63  }
0x1f: {  	_ =	swait.ge [sflag:s26], $0x2800  }
0x20: {  	[sflag:s26] =	ssyncset.done $0x0  }
0x21: {  	[sflag:s26] =	ssyncadd.s32 $0xFFFFD800  }
.LBB2_18:
0x22: {  	s5 =	stileid.u32;
	[bflag:$0x0] =	sbarrier.arrive $0xFFFF  }
0x23: {  	s5 =	sshll.u32 s5, $0x6;
	s14 =	rddreg [dreg:$0x5]  }
0x24: {  	s11 =	rddreg [dreg:$0xb];
	s5 =	sor.u32 $0x1C0B, s5;
	s9 =	sshrl.u32 s14, $0x3  }
0x25: {  	[hbm:s11], [sflag:s5] =	dma.local [spmem:s9], $0x2700  }
0x26: {  	_ =	swait.ge [sflag:s26], $0x2700  }
0x27: {  	[sflag:s26] =	ssyncset.done $0x0;
	s24 =	rddreg [dreg:$0x7]  }
0x28: {  	s11 =	rddreg [dreg:$0xc];
	[sflag:s26] =	ssyncadd.s32 $0xFFFFD900;
	s9 =	sshrl.u32 @!p0 s24, $0x3  }
0x29: {  	[hbm:s11], [sflag:s5] =	dma.local @!p0 [spmem:s9], $0x100  }
0x2a: {  	s5 =	simm.s32 @!p0 $0xB  }
0x2b: {  	_ =	swait.ge @!p0 [sflag:s5], $0x100  }
0x2c: {  	s23 =	sadd.s32 $0x1, s23;
	s30 =	rddreg [dreg:$0xd]  }
0x2d: {  	p1 =	sne.s32 s23, s30  }
.Ltmp1:
0x2e: {  	_ = 	snop;
	(pc) =	sbr.rel @!p1 .LBB2_19-.Ltmp1, $3  }
0x2f: {  	_ =	sdelay $0x1  }
0x30: {  	[sflag:s5] =	ssyncset.done @!p0 $0x0  }
0x31: {  	[sflag:s5] =	ssyncadd.s32 @!p0 $0xFFFFFF00  }
.LBB2_1:
0x32: {  	s9 =	simm.s32 $0x0;
	s11 =	simm.s32 $0x200  }
.LBB2_2:
0x33: {  	p1 =	sne.s32 s11, $0x9E00;
	[tilespmem:s9+$0x270] =	vst v0  }
0x34: {  	[tilespmem:s9+$0x200] =	vst v0  }
0x35: {  	[tilespmem:s9+$0x210] =	vst v0  }
.Ltmp2:
0x36: {  	[tilespmem:s9+$0x220] =	vst v0;
	(pc) =	sbr.rel @p1 .LBB2_2-.Ltmp2, $4  }
0x37: {  	[tilespmem:s9+$0x230] =	vst v0  }
0x38: {  	[tilespmem:s9+$0x240] =	vst v0  }
0x39: {  	[tilespmem:s9+$0x250] =	vst v0  }
0x3a: {  	[tilespmem:s9+$0x260] =	vst v0;
	s9 =	sshra.s32 s11, $0x2;
	s11 =	sadd.s32 $0x200, s11  }
0x3b: {  	[tilespmem:s9+$0x270] =	vst v0  }
0x3c: {  	[tilespmem:s9+$0x200] =	vst v0  }
0x3d: {  	[tilespmem:s9+$0x210] =	vst v0  }
0x3e: {  	[tilespmem:s9+$0x220] =	vst v0  }
0x3f: {  	[tilespmem:s9+$0x230] =	vst v0  }
0x40: {  	[tilespmem:s9+$0x240] =	vst v0  }
0x41: {  	[tilespmem:s9+$0x250] =	vst v0  }
0x42: {  	[tilespmem:s9+$0x260] =	vst v0  }
0x43: {  	[spmem:s14] =	stream.linear.scatter [tilespmem:s25], [sflag:$0xB], $0x2800, $0x38;
	[tilespmem:$0x1DA80] =	vst v63  }
0x44: {  	_ =	swait.ge [sflag:s26], $0x2800  }
0x45: {  	[sflag:s26] =	ssyncset.done $0x0  }
0x46: {  	s5 =	rddreg [dreg:$0xe];
	[sflag:s26] =	ssyncadd.s32 $0xFFFFD800  }
0x47: {  	[spmem:s5] =	stream.linear.scatter [tilespmem:s25], [sflag:$0xB], $0x2800, $0x38;
	[tilespmem:$0x1DA80] =	vst v63  }
0x48: {  	_ =	swait.ge [sflag:s26], $0x2800  }
0x49: {  	[sflag:s26] =	ssyncset.done $0x0  }
0x4a: {  	s14 =	rddreg [dreg:$0xf];
	[sflag:s26] =	ssyncadd.s32 $0xFFFFD800  }
0x4b: {  	[spmem:s14] =	stream.linear.scatter [tilespmem:s25], [sflag:$0xB], $0x2800, $0x38;
	[tilespmem:$0x1DA80] =	vst v63  }
0x4c: {  	_ =	swait.ge [sflag:s26], $0x2800  }
0x4d: {  	[sflag:s26] =	ssyncset.done $0x0  }
0x4e: {  	s30 =	rddreg [dreg:$0x10];
	[sflag:s26] =	ssyncadd.s32 $0xFFFFD800  }
0x4f: {  	[spmem:s30] =	stream.linear.scatter [tilespmem:s25], [sflag:$0xB], $0x2800, $0x38;
	[tilespmem:$0x1DA80] =	vst v63  }
0x50: {  	_ =	swait.ge [sflag:s26], $0x2800  }
0x51: {  	[sflag:s26] =	ssyncset.done $0x0  }
0x52: {  	s9 =	rddreg [dreg:$0x11];
	[sflag:s26] =	ssyncadd.s32 $0xFFFFD800  }
0x53: {  	[spmem:s9] =	stream.linear.scatter [tilespmem:s25], [sflag:$0xB], $0x2800, $0x38;
	[tilespmem:$0x1DA80] =	vst v63  }
0x54: {  	_ =	swait.ge [sflag:s26], $0x2800  }
0x55: {  	[sflag:s26] =	ssyncset.done $0x0  }
0x56: {  	s11 =	rddreg [dreg:$0x12];
	[sflag:s26] =	ssyncadd.s32 $0xFFFFD800  }
0x57: {  	[spmem:s11] =	stream.linear.scatter [tilespmem:s25], [sflag:$0xB], $0x2800, $0x38;
	[tilespmem:$0x1DA80] =	vst v63  }
0x58: {  	_ =	swait.ge [sflag:s26], $0x2800  }
0x59: {  	[sflag:s26] =	ssyncset.done $0x0  }
0x5a: {  	s14 =	rddreg [dreg:$0x13];
	[sflag:s26] =	ssyncadd.s32 $0xFFFFD800  }
0x5b: {  	[spmem:s14] =	stream.linear.scatter [tilespmem:s25], [sflag:$0xB], $0x2800, $0x38;
	[tilespmem:$0x1DA80] =	vst v63  }
0x5c: {  	_ =	swait.ge [sflag:s26], $0x2800  }
0x5d: {  	[sflag:s26] =	ssyncset.done $0x0  }
0x5e: {  	s30 =	rddreg [dreg:$0x6];
	[sflag:s26] =	ssyncadd.s32 $0xFFFFD800  }
0x5f: {  	[spmem:s30] =	stream.linear.scatter [tilespmem:s25], [sflag:$0xB], $0x2000, $0x38;
	[tilespmem:$0x1DA80] =	vst v63  }
0x60: {  	_ =	swait.ge [sflag:s26], $0x2000  }
0x61: {  	[sflag:s26] =	ssyncset.done $0x0  }
0x62: {  	s9 =	simm.s32 @!p0 $0x200;
	[sflag:s26] =	ssyncadd.s32 $0xFFFFE000  }
0x63: {  	[spmem:s24] =	stream.linear.scatter @!p0 [tilespmem:s9], [sflag:$0xB], $0x800, $0x38;
	[tilespmem:$0x1DA80] =	vst v63  }
0x64: {  	s9 =	simm.s32 @!p0 $0xB  }
0x65: {  	_ =	swait.ge @!p0 [sflag:s9], $0x800  }
0x66: {  	[sflag:s9] =	ssyncset.done @!p0 $0x0  }
0x67: {  	[sflag:s9] =	ssyncadd.s32 @!p0 $0xFFFFF800  }
0x68: {  	[bflag:$0x0] =	sbarrier.arrive $0xFFFF  }
0x69: {  	s24 =	simm.s32 $0x0;
	s9 =	rddreg [dreg:$0x8]  }
0x6a: {  	[tilespmem:s24], [sflag:$0xB] =	stream.linear.gather [hbm4b:s9+s24], $0x50, $0x38;
	[tilespmem:$0x1DA80] =	vst v63  }
0x6b: {  	_ =	swait.ge [sflag:s26], $0x50  }
0x6c: {  	[sflag:s26] =	ssyncset.done $0x0  }
0x6d: {  	s11 =	rddreg [dreg:$0x9];
	[sflag:s26] =	ssyncadd.s32 $0xFFFFFFB0  }
0x6e: {  	[tilespmem:s28], [sflag:$0xB] =	stream.linear.gather [hbm4b:s11+s24], $0x50, $0x38;
	[tilespmem:$0x1DA80] =	vst v63  }
0x6f: {  	_ =	swait.ge [sflag:s26], $0x50  }
.Ltmp3:
0x70: {  	[sflag:s26] =	ssyncset.done $0x0;
	(pc) =	sbr.rel .LBB2_4-.Ltmp3, $4  }
0x71: {  	[sflag:s26] =	ssyncadd.s32 $0xFFFFFFB0  }
0x72: {  	[tilespmem:s25], [sflag:$0x5] =	stream.indirect.gather [hbm4b:s6+s29], $0x80, s24, s29, $0xb8;
	[tilespmem:$0x1DA80] =	vst v63  }
0x73: {  	s30 =	simm.s32 $0x5200;
	s14 =	rddreg [dreg:$0xa]  }
0x74: {  	[tilespmem:s30], [sflag:$0x7] =	stream.linear.gather [hbm4b:s14+s24], $0x2800, $0x38;
	[tilespmem:$0x1DA80] =	vst v63  }
.LBB2_17:
0x75: {  	s24 =	sadd.s32 $0x1, s24  }
0x76: {  	p1 =	sne.s32 s24, $0x3F  }
.Ltmp4:
0x77: {  	_ = 	snop;
	(pc) =	sbr.rel @!p1 .LBB2_18-.Ltmp4, $1  }
0x78: {  	_ =	sdelay $0x3  }
.LBB2_4:
0x79: {  	s11 =	sshllo.u32 s24, $0x1;
	p1 =	seq.s32 s24, $0x0  }
0x7a: {  	p2 =	sgt.u32 @!p1 s11, $0x7C  }
0x7b: {  	p1 =	por p1, p2  }
.Ltmp5:
0x7c: {  	_ = 	snop;
	(pc) =	sbr.rel @p1 .LBB2_6-.Ltmp5, $1  }
0x7d: {  	_ =	sdelay $0x3  }
0x7e: {  	_ =	swait.ge [sflag:s31], $0x2800  }
0x7f: {  	[sflag:s31] =	ssyncset.done $0x0  }
0x80: {  	[sflag:s31] =	ssyncadd.s32 $0xFFFFD800  }
.LBB2_7:
0x81: {  	s9 =	smul.u32 $0x50, s11;
	_ =	sdelay $0x1  }
0x82: {  	s9 =	sadd.s32 s8, s9  }
0x83: {  	s30 =	sshrl.u32 s9, $0x3  }
0x84: {  	s5 =	sadd.s32 s1, s30  }
0x85: {  	[tilespmem:s0], [sflag:$0x2] =	stream.linear.gather [hbm4b:s5+s4], $0x50, $0x38;
	[tilespmem:$0x1DA80] =	vst v63  }
0x86: {  	s14 =	simm.s32 $0x180;
	s30 =	sadd.s32 s2, s30  }
0x87: {  	[tilespmem:s14], [sflag:$0x4] =	stream.linear.gather [hbm4b:s30+s4], $0x50, $0x38;
	[tilespmem:$0x1DA80] =	vst v63  }
0x88: {  	_ =	swait.ge [sflag:s10], $0x2800  }
0x89: {  	[sflag:s10] =	ssyncset.done $0x0  }
0x8a: {  	[sflag:s10] =	ssyncadd.s32 $0xFFFFD800  }
0x8b: {  	_ =	swait.ge [sflag:s12], $0x50  }
0x8c: {  	[sflag:s12] =	ssyncset.done $0x0  }
0x8d: {  	[sflag:s12] =	ssyncadd.s32 $0xFFFFFFB0  }
0x8e: {  	_ =	swait.ge [sflag:s13], $0x50  }
0x8f: {  	[sflag:s13] =	ssyncset.done $0x0  }
0x90: {  	s14 =	simm.s32 $0x2A00;
	s30 =	sshll.u32 s9, $0x4;
	[sflag:s13] =	ssyncadd.s32 $0xFFFFFFB0  }
0x91: {  	[tilespmem:s14], [sflag:$0x6] =	stream.indirect.gather [hbm4b:s6+s29], $0x80, s0, s29, $0xb8;
	[tilespmem:$0x1DA80] =	vst v63  }
0x92: {  	s5 =	sadd.s32 s7, s30  }
0x93: {  	[tilespmem:s16], [sflag:$0x8] =	stream.linear.gather [hbm4b:s5+s4], $0x2800, $0x38;
	[tilespmem:$0x1DA80] =	vst v63  }
.LBB2_9:
0x94: {  	_ =	swait.ge [sflag:s17], $0x2800  }
0x95: {  	[sflag:s17] =	ssyncset.done $0x0  }
0x96: {  	s9 =	simm.s32 $0x0;
	[sflag:s17] =	ssyncadd.s32 $0xFFFFD800  }
0x97: {  	v8 =	vld [tilespmem:s9+$0x5200]  }
0x98: {  	v12 =	vld [tilespmem:s9+$0x5210]  }
0x99: {  	v6 =	vld [tilespmem:s9+$0x5220]  }
0x9a: {  	v5 =	vld [tilespmem:s9+$0x5230]  }
0x9b: {  	v4 =	vld [tilespmem:s9+$0x5240]  }
0x9c: {  	v3 =	vld [tilespmem:s9+$0x5250]  }
0x9d: {  	v2 =	vld [tilespmem:s9+$0x5260]  }
0x9e: {  	v1 =	vld [tilespmem:s9+$0x5270]  }
0x9f: {  	v13 =	vld [tilespmem:s9+$0x200]  }
0xa0: {  	v14 =	vld [tilespmem:s9+$0x210]  }
0xa1: {  	v11 =	vld [tilespmem:s9+$0x220]  }
0xa2: {  	v10 =	vld [tilespmem:s9+$0x230]  }
0xa3: {  	v9 =	vld [tilespmem:s9+$0x240]  }
0xa4: {  	v7 =	vld [tilespmem:s9+$0x250];
	v13 =	vmul.f32 v8, v13  }
0xa5: {  	s30 =	simm.s32 $0x200;
	v12 =	vmul.f32 v12, v14;
	v8 =	vld [tilespmem:s9+$0x260]  }
.LBB2_10:
0xa6: {  	s5 =	sshra.s32 s30, $0x2;
	p1 =	sne.s32 s30, $0x9E00;
	[tilespmem:s9+$0x200] =	vst v13;
	v6 =	vmul.f32 v6, v11;
	v11 =	vld [tilespmem:s9+$0x270]  }
0xa7: {  	v13 =	vld [tilespmem:s5+$0x5200];
	[tilespmem:s9+$0x210] =	vst v12;
	v5 =	vmul.f32 v5, v10  }
0xa8: {  	v12 =	vld [tilespmem:s5+$0x5210];
	[tilespmem:s9+$0x220] =	vst v6;
	v4 =	vmul.f32 v4, v9  }
0xa9: {  	v6 =	vld [tilespmem:s5+$0x5220];
	[tilespmem:s9+$0x230] =	vst v5;
	v3 =	vmul.f32 v3, v7  }
0xaa: {  	v5 =	vld [tilespmem:s5+$0x5230];
	[tilespmem:s9+$0x240] =	vst v4;
	v2 =	vmul.f32 v2, v8  }
0xab: {  	v4 =	vld [tilespmem:s5+$0x5240];
	[tilespmem:s9+$0x250] =	vst v3;
	v1 =	vmul.f32 v1, v11  }
0xac: {  	v3 =	vld [tilespmem:s5+$0x5250];
	[tilespmem:s9+$0x260] =	vst v2  }
0xad: {  	v2 =	vld [tilespmem:s5+$0x5260];
	[tilespmem:s9+$0x270] =	vst v1;
	s9 =	smov.u32 s5  }
0xae: {  	v1 =	vld [tilespmem:s9+$0x5270]  }
0xaf: {  	v7 =	vld [tilespmem:s9+$0x200]  }
0xb0: {  	v8 =	vld [tilespmem:s9+$0x210]  }
.Ltmp6:
0xb1: {  	v11 =	vld [tilespmem:s9+$0x220];
	(pc) =	sbr.rel @p1 .LBB2_10-.Ltmp6, $4  }
0xb2: {  	v10 =	vld [tilespmem:s9+$0x230]  }
0xb3: {  	v9 =	vld [tilespmem:s9+$0x240]  }
0xb4: {  	v13 =	vmul.f32 v13, v7;
	v7 =	vld [tilespmem:s9+$0x250]  }
0xb5: {  	s30 =	sadd.s32 $0x200, s30;
	v12 =	vmul.f32 v12, v8;
	v8 =	vld [tilespmem:s9+$0x260]  }
0xb6: {  	[tilespmem:s9+$0x200] =	vst v13;
	v6 =	vmul.f32 v6, v11;
	v63 =	vld [tilespmem:s9+$0x270]  }
0xb7: {  	[tilespmem:s9+$0x210] =	vst v12;
	v5 =	vmul.f32 v5, v10  }
0xb8: {  	p1 =	sne.s32 s24, $0x3E;
	[tilespmem:s9+$0x220] =	vst v6;
	v4 =	vmul.f32 v4, v9  }
.Ltmp7:
0xb9: {  	[tilespmem:s9+$0x230] =	vst v5;
	v3 =	vmul.f32 v3, v7;
	(pc) =	sbr.rel @!p1 .LBB2_12-.Ltmp7, $4  }
0xba: {  	[tilespmem:s9+$0x240] =	vst v4;
	v2 =	vmul.f32 v2, v8  }
0xbb: {  	[tilespmem:s9+$0x250] =	vst v3;
	v1 =	vmul.f32 v1, v63  }
0xbc: {  	[tilespmem:s9+$0x260] =	vst v2  }
0xbd: {  	[tilespmem:s9+$0x270] =	vst v1  }
0xbe: {  	p1 =	sgt.u32 s11, $0x7C  }
.Ltmp8:
0xbf: {  	_ = 	snop;
	(pc) =	sbr.rel @p1 .LBB2_17-.Ltmp8, $2  }
0xc0: {  	_ =	sdelay $0x2  }
0xc1: {  	[spmem:s3] =	stream.indirect.scatter.add.f32 [tilespmem:s25], [sflag:$0x9], $0x80, s28, s29, $0xb8;
	[tilespmem:$0x1DA80] =	vst v63  }
0xc2: {  	s5 =	smul.u32 $0xA0, s24;
	_ =	sdelay $0x1  }
0xc3: {  	_ =	swait.ge [sflag:s18], $0x2800;
	s5 =	sadd.s32 s5, s15  }
0xc4: {  	[sflag:s18] =	ssyncset.done $0x0;
	s9 =	sshrl.u32 s5, $0x3  }
0xc5: {  	s14 =	simm.s32 $0x0;
	[sflag:s18] =	ssyncadd.s32 $0xFFFFD800;
	s30 =	sadd.s32 s1, s9  }
0xc6: {  	[tilespmem:s14], [sflag:$0x1] =	stream.linear.gather [hbm4b:s30+s14], $0x50, $0x38;
	[tilespmem:$0x1DA80] =	vst v63  }
0xc7: {  	s9 =	sadd.s32 s2, s9  }
0xc8: {  	[tilespmem:s28], [sflag:$0x3] =	stream.linear.gather [hbm4b:s9+s14], $0x50, $0x38;
	[tilespmem:$0x1DA80] =	vst v63  }
0xc9: {  	_ =	swait.ge [sflag:s19], $0x2800  }
0xca: {  	[sflag:s19] =	ssyncset.done $0x0  }
0xcb: {  	[sflag:s19] =	ssyncadd.s32 $0xFFFFD800  }
0xcc: {  	_ =	swait.ge [sflag:s20], $0x50  }
0xcd: {  	[sflag:s20] =	ssyncset.done $0x0  }
0xce: {  	[sflag:s20] =	ssyncadd.s32 $0xFFFFFFB0  }
0xcf: {  	_ =	swait.ge [sflag:s21], $0x50  }
0xd0: {  	[sflag:s21] =	ssyncset.done $0x0  }
0xd1: {  	s5 =	sshll.u32 s5, $0x4;
	[sflag:s21] =	ssyncadd.s32 $0xFFFFFFB0  }
0xd2: {  	[tilespmem:s25], [sflag:$0x5] =	stream.indirect.gather [hbm4b:s6+s29], $0x80, s14, s29, $0xb8;
	[tilespmem:$0x1DA80] =	vst v63  }
0xd3: {  	s5 =	sadd.s32 s7, s5;
	s9 =	simm.s32 $0x5200  }
0xd4: {  	[tilespmem:s9], [sflag:$0x7] =	stream.linear.gather [hbm4b:s5+s14], $0x2800, $0x38;
	[tilespmem:$0x1DA80] =	vst v63  }
0xd5: {  	_ =	swait.ge [sflag:s22], $0x2800  }
0xd6: {  	[sflag:s22] =	ssyncset.done $0x0  }
0xd7: {  	s9 =	simm.s32 $0x0;
	[sflag:s22] =	ssyncadd.s32 $0xFFFFD800  }
0xd8: {  	v8 =	vld [tilespmem:s9+$0x7A00]  }
0xd9: {  	v12 =	vld [tilespmem:s9+$0x7A10]  }
0xda: {  	v6 =	vld [tilespmem:s9+$0x7A20]  }
0xdb: {  	v5 =	vld [tilespmem:s9+$0x7A30]  }
0xdc: {  	v4 =	vld [tilespmem:s9+$0x7A40]  }
0xdd: {  	v3 =	vld [tilespmem:s9+$0x7A50]  }
0xde: {  	v2 =	vld [tilespmem:s9+$0x7A60]  }
0xdf: {  	v1 =	vld [tilespmem:s9+$0x7A70]  }
0xe0: {  	v13 =	vld [tilespmem:s9+$0x2A00]  }
0xe1: {  	v14 =	vld [tilespmem:s9+$0x2A10]  }
0xe2: {  	v11 =	vld [tilespmem:s9+$0x2A20]  }
0xe3: {  	v10 =	vld [tilespmem:s9+$0x2A30]  }
0xe4: {  	v9 =	vld [tilespmem:s9+$0x2A40]  }
0xe5: {  	v7 =	vld [tilespmem:s9+$0x2A50];
	v13 =	vmul.f32 v8, v13  }
0xe6: {  	s30 =	simm.s32 $0x200;
	v12 =	vmul.f32 v12, v14;
	v8 =	vld [tilespmem:s9+$0x2A60]  }
.LBB2_15:
0xe7: {  	s5 =	sshra.s32 s30, $0x2;
	p1 =	sne.s32 s30, $0x9E00;
	[tilespmem:s9+$0x2A00] =	vst v13;
	v6 =	vmul.f32 v6, v11;
	v11 =	vld [tilespmem:s9+$0x2A70]  }
0xe8: {  	v13 =	vld [tilespmem:s5+$0x7A00];
	[tilespmem:s9+$0x2A10] =	vst v12;
	v5 =	vmul.f32 v5, v10  }
0xe9: {  	v12 =	vld [tilespmem:s5+$0x7A10];
	[tilespmem:s9+$0x2A20] =	vst v6;
	v4 =	vmul.f32 v4, v9  }
0xea: {  	v6 =	vld [tilespmem:s5+$0x7A20];
	[tilespmem:s9+$0x2A30] =	vst v5;
	v3 =	vmul.f32 v3, v7  }
0xeb: {  	v5 =	vld [tilespmem:s5+$0x7A30];
	[tilespmem:s9+$0x2A40] =	vst v4;
	v2 =	vmul.f32 v2, v8  }
0xec: {  	v4 =	vld [tilespmem:s5+$0x7A40];
	[tilespmem:s9+$0x2A50] =	vst v3;
	v1 =	vmul.f32 v1, v11  }
0xed: {  	v3 =	vld [tilespmem:s5+$0x7A50];
	[tilespmem:s9+$0x2A60] =	vst v2  }
0xee: {  	v2 =	vld [tilespmem:s5+$0x7A60];
	[tilespmem:s9+$0x2A70] =	vst v1;
	s9 =	smov.u32 s5  }
0xef: {  	v1 =	vld [tilespmem:s9+$0x7A70]  }
0xf0: {  	v7 =	vld [tilespmem:s9+$0x2A00]  }
0xf1: {  	v8 =	vld [tilespmem:s9+$0x2A10]  }
.Ltmp9:
0xf2: {  	v11 =	vld [tilespmem:s9+$0x2A20];
	(pc) =	sbr.rel @p1 .LBB2_15-.Ltmp9, $4  }
0xf3: {  	v10 =	vld [tilespmem:s9+$0x2A30]  }
0xf4: {  	v9 =	vld [tilespmem:s9+$0x2A40]  }
0xf5: {  	v13 =	vmul.f32 v13, v7;
	v7 =	vld [tilespmem:s9+$0x2A50]  }
0xf6: {  	s30 =	sadd.s32 $0x200, s30;
	v12 =	vmul.f32 v12, v8;
	v8 =	vld [tilespmem:s9+$0x2A60]  }
0xf7: {  	[tilespmem:s9+$0x2A00] =	vst v13;
	v6 =	vmul.f32 v6, v11;
	v63 =	vld [tilespmem:s9+$0x2A70]  }
0xf8: {  	[tilespmem:s9+$0x2A10] =	vst v12;
	v5 =	vmul.f32 v5, v10  }
0xf9: {  	[tilespmem:s9+$0x2A20] =	vst v6;
	v4 =	vmul.f32 v4, v9  }
0xfa: {  	[tilespmem:s9+$0x2A30] =	vst v5;
	v3 =	vmul.f32 v3, v7  }
0xfb: {  	[tilespmem:s9+$0x2A40] =	vst v4;
	v2 =	vmul.f32 v2, v8  }
0xfc: {  	[tilespmem:s9+$0x2A50] =	vst v3;
	v1 =	vmul.f32 v1, v63  }
0xfd: {  	p1 =	slt.u32 s24, $0x3D;
	[tilespmem:s9+$0x2A60] =	vst v2  }
0xfe: {  	s5 =	simm.s32 @!p1 $0x50;
	s14 =	simm.s32 @!p1 $0x2A00;
	[tilespmem:s9+$0x2A70] =	vst v1;
	s9 =	simm.s32 @!p1 $0x180  }
0xff: {  	[spmem:s3] =	stream.indirect.scatter.add.f32 @!p1 [tilespmem:s14], [sflag:$0xB], $0x80, s9, s5, $0xb8;
	[tilespmem:$0x1DA80] =	vst v63  }
0x100: {  	s5 =	simm.s32 @!p1 $0xB  }
.Ltmp10:
0x101: {  	_ =	swait.ge @!p1 [sflag:s5], $0x2800;
	(pc) =	sbr.rel .LBB2_17-.Ltmp10, $4  }
0x102: {  	[sflag:s5] =	ssyncset.done @!p1 $0x0  }
0x103: {  	[sflag:s5] =	ssyncadd.s32 @!p1 $0xFFFFD800;
	p1 =	sgt.u32 s11, $0x7A  }
0x104: {  	s5 =	simm.s32 @!p1 $0x50;
	s9 =	simm.s32 @!p1 $0x180;
	s11 =	simm.s32 @!p1 $0x2A00  }
0x105: {  	[spmem:s3] =	stream.indirect.scatter.add.f32 @!p1 [tilespmem:s11], [sflag:$0xA], $0x80, s9, s5, $0xb8;
	[tilespmem:$0x1DA80] =	vst v63  }
.LBB2_6:
0x106: {  	p1 =	sgt.u32 s11, $0x7C  }
.Ltmp11:
0x107: {  	_ = 	snop;
	(pc) =	sbr.rel @!p1 .LBB2_7-.Ltmp11, $1  }
0x108: {  	_ =	sdelay $0x3  }
.Ltmp12:
0x109: {  	(pc) =	sbr.rel .LBB2_9-.Ltmp12, $4  }
0x10a: {  	_ = 	snop  }
0x10b: {  	_ =	swait.ge [sflag:s10], $0x2800  }
0x10c: {  	[sflag:s10] =	ssyncset.done $0x0  }
0x10d: {  	[sflag:s10] =	ssyncadd.s32 $0xFFFFD800  }
.LBB2_19:
0x10e: {  	_ =	sfence.sel $0x180000  }
0x10f: {  	[bflag:$0x0] =	sbarrier.arrive $0xFFFF  }
0x110: {  	_ =	strace $0x9000004A  }
0x111: {  	s0 =	stileid.u32;
	[bflag:$0x2] =	sbarrier.arrive $0xFFFF  }
0x112: {  	p0 =	sne.s32 s0, $0x0;
	s0 =	rddreg [dreg:$0x4]  }
0x113: {  	s0 =	sadd.s32 @!p0 $0x100000, s0  }
0x114: {  	[sflag:s0] =	ssyncadd.tile.s32 @!p0 $0x1;
	_ =	shalt  }
.Lfunc_end2:
_tile_overlayer_lowered:
.L_overlay_start_2:
0x115: {  	(tag) =	ssettag $0x2  }
0x116: {  	s0 =	rddreg [dreg:$0x0];
	s2 =	stileid.u32  }
0x117: {  	s1 =	rddreg [dreg:$0x1];
	p0 =	sne.s32 s2, $0x0  }
0x118: {  	s3 =	rddreg [dreg:$0x2];
	[bflag:$0x3] =	sbarrier.arrive $0xFFFF;
	s2 =	simm.s32 @!p0 $0x1C0B  }
0x119: {  	[timem:s3], [sflag:s2] =	dma.local @!p0 [hbm:s0], s1  }
0x11a: {  	s0 =	simm.s32 @!p0 $0xB  }
0x11b: {  	_ =	swait.ge @!p0 [sflag:s0], s1  }
0x11c: {  	s1 =	ssub.s32 @!p0 $0x0, s1;
	[sflag:s0] =	ssyncset.done @!p0 $0x0  }
0x11d: {  	[sflag:s0] =	ssyncadd.s32 @!p0 s1  }
0x11e: {  	[bflag:$0x3] =	sbarrier.arrive $0xFFFF  }
0x11f: {  	_ =	shalt  }

// kernel: kernel.18.cloned.1.call-start
scs
__scs_entry_jumppad:
0x0: {  	(pc) =	sbr.rel $0x88, $3  }
0x1: {  	(tag) =	ssettag $0x0;
	lr =	simm.s32 $0x1  }
0x2: {  	[smem:$0x3F8A] =	sst lr;
	_ =	strace $0xD0000000  }
0x3: {  	_ = 	snop  }
0x4: {  	_ = 	snop  }
0x5: {  	_ = 	snop  }
0x6: {  	_ = 	snop  }
0x7: {  	_ = 	snop  }
__scs_overlays_trampoline_lowered:
0x8: {  	[smem:$0x3F99] =	sst s0  }
0x9: {  	[smem:$0x3F9A] =	sst s1  }
0xa: {  	[smem:$0x3F9B] =	sst s2  }
0xb: {  	[smem:$0x3F9C] =	sst s3  }
0xc: {  	[smem:$0x3F9D] =	sst s4  }
0xd: {  	[smem:$0x3F9E] =	sst s5  }
0xe: {  	[smem:$0x3F9F] =	sst s6  }
0xf: {  	[smem:$0x3FA0] =	sst s7  }
0x10: {  	[smem:$0x3FA1] =	sst s8  }
0x11: {  	[smem:$0x3FA2] =	sst s9;
	s0 =	simm.s32 @!p0 $0x0  }
0x12: {  	s1 =	sld [smem:$0x3F88];
	s0 =	simm.s32 @p0 $0x1  }
0x13: {  	[smem:$0x3FA3] =	sst s0;
	s0 =	simm.s32 @!p1 $0x0  }
0x14: {  	s2 =	sld [smem:$0x3F87];
	s0 =	simm.s32 @p1 $0x1  }
0x15: {  	[smem:$0x3FA4] =	sst s0;
	s0 =	simm.s32 @!p2 $0x0  }
0x16: {  	s3 =	sld [smem:$0x3FDB];
	s0 =	simm.s32 @p2 $0x1  }
0x17: {  	s4 =	simm.s32 $0x1BF5;
	[smem:$0x3FA6] =	sst s0  }
0x18: {  	s0 =	sld [smem:$0x3F89];
	_ =	swait.ge [sflag:s4], $0x0  }
0x19: {  	s7 =	sld [smem:$0x3F8A]  }
0x1a: {  	s8 =	sadd.s32 $0xFFFFE003, lr  }
0x1b: {  	s9 =	sadd.s32 $0xFFFFFEF7, lr;
	s5 =	simm.s32 $0xFFFFFFFF;
	p2 =	slt.u32 s8, $0xFFFFF086  }
0x1c: {  	p1 =	slt.u32 s9, $0xF7A;
	s5 =	simm.s32 @!p2 $0x0  }
0x1d: {  	s5 =	simm.s32 @p1 $0x1;
	p0 =	seq.s32 s7, s2  }
0x1e: {  	s7 =	smul.u32 @!p0 $0xF7A, s2;
	p2 =	seq.s32 @!p0 s5, $0x0  }
0x1f: {  	s9 =	smul.u32 $0xF7A, s1;
	s8 =	simm.s32 @!p0 $0x1BF5;
	p2 =	por !p2, p0  }
0x20: {  	[sflag:s8] =	ssyncset.s32 @!p0 $0xFFFFF086;
	s6 =	sadd.s32 @!p0 s3, s7;
	s7 =	simm.s32 @!p0 $0x108  }
0x21: {  	s3 =	sadd.s32 s3, s9;
	s6 =	sadd.s32 @!p0 $0x88, s6;
	s7 =	simm.s32 @p2 $0x1082  }
0x22: {  	[simem:s7], [sflag:s8] =	dma.local @!p0 [hbm:s6], $0xF7A  }
0x23: {  	s9 =	sor.u32 $0xD0000000, s2;
	s6 =	simm.s32 $0x108;
	_ =	swait.ge @!p0 [sflag:s8], $0x0  }
0x24: {  	s3 =	sadd.s32 $0x88, s3;
	s6 =	simm.s32 @!p1 $0x1082;
	[sflag:s4] =	ssyncset.s32 $0xFFFFF086  }
0x25: {  	[simem:s6], [sflag:s4] =	dma.local [hbm:s3], $0xF7A  }
0x26: {  	[smem:$0x3F8A] =	sst s1;
	(tag) =	ssettag s2;
	_ =	strace s9  }
0x27: {  	s1 =	sld [smem:$0x3F9A]  }
0x28: {  	s2 =	sld [smem:$0x3F9B]  }
0x29: {  	s4 =	sld [smem:$0x3F9D]  }
0x2a: {  	p0 =	seq.s32 s5, $0x0;
	s5 =	sld [smem:$0x3F9E]  }
0x2b: {  	s6 =	sld [smem:$0x3F9F]  }
0x2c: {  	s7 =	sld [smem:$0x3FA0]  }
0x2d: {  	s3 =	simm.s32 $0x108;
	s8 =	sld [smem:$0x3FA1]  }
0x2e: {  	s3 =	simm.s32 @!p0 $0x1082;
	s9 =	sld [smem:$0x3FA2]  }
0x2f: {  	lr =	sadd.s32 s0, s3;
	s0 =	sld [smem:$0x3F99]  }
0x30: {  	s3 =	sld [smem:$0x3F9C]  }
0x31: {  	[smem:$0x3FA5] =	sst s10  }
0x32: {  	s10 =	sld [smem:$0x3FA3];
	_ =	sdelay $0x3  }
0x33: {  	p0 =	seq.s32 s10, $0x1;
	s10 =	sld [smem:$0x3FA5];
	_ =	sdelay $0x3  }
0x34: {  	[smem:$0x3FA5] =	sst s10  }
0x35: {  	s10 =	sld [smem:$0x3FA4];
	_ =	sdelay $0x3  }
0x36: {  	p1 =	seq.s32 s10, $0x1;
	s10 =	sld [smem:$0x3FA5];
	_ =	sdelay $0x3  }
0x37: {  	[smem:$0x3FA5] =	sst s10  }
0x38: {  	s10 =	sld [smem:$0x3FA6]  }
0x39: {  	_ = 	snop;
	(pc) =	sbr.ind lr, $3  }
0x3a: {  	_ = 	snop  }
0x3b: {  	_ = 	snop  }
0x3c: {  	p2 =	seq.s32 s10, $0x1;
	s10 =	sld [smem:$0x3FA5]  }
0x3d: {  	_ =	shalt  }
0x3e: {  	_ =	shalt  }
0x3f: {  	_ =	shalt  }
0x40: {  	_ =	shalt  }
0x41: {  	_ =	shalt  }
0x42: {  	_ =	shalt  }
0x43: {  	_ =	shalt  }
0x44: {  	_ =	shalt  }
0x45: {  	_ =	shalt  }
0x46: {  	_ =	shalt  }
0x47: {  	_ =	shalt  }
0x48: {  	_ =	shalt  }
0x49: {  	_ =	shalt  }
0x4a: {  	_ =	shalt  }
0x4b: {  	_ =	shalt  }
0x4c: {  	_ =	shalt  }
0x4d: {  	_ =	shalt  }
0x4e: {  	_ =	shalt  }
0x4f: {  	_ =	shalt  }
0x50: {  	_ =	shalt  }
0x51: {  	_ =	shalt  }
0x52: {  	_ =	shalt  }
0x53: {  	_ =	shalt  }
0x54: {  	_ =	shalt  }
0x55: {  	_ =	shalt  }
0x56: {  	_ =	shalt  }
0x57: {  	_ =	shalt  }
0x58: {  	_ =	shalt  }
0x59: {  	_ =	shalt  }
0x5a: {  	_ =	shalt  }
0x5b: {  	_ =	shalt  }
0x5c: {  	_ =	shalt  }
0x5d: {  	_ =	shalt  }
0x5e: {  	_ =	shalt  }
0x5f: {  	_ =	shalt  }
0x60: {  	_ =	shalt  }
0x61: {  	_ =	shalt  }
0x62: {  	_ =	shalt  }
0x63: {  	_ =	shalt  }
0x64: {  	_ =	shalt  }
0x65: {  	_ =	shalt  }
0x66: {  	_ =	shalt  }
0x67: {  	_ =	shalt  }
0x68: {  	_ =	shalt  }
0x69: {  	_ =	shalt  }
0x6a: {  	_ =	shalt  }
0x6b: {  	_ =	shalt  }
0x6c: {  	_ =	shalt  }
0x6d: {  	_ =	shalt  }
0x6e: {  	_ =	shalt  }
0x6f: {  	_ =	shalt  }
0x70: {  	_ =	shalt  }
0x71: {  	_ =	shalt  }
0x72: {  	_ =	shalt  }
0x73: {  	_ =	shalt  }
0x74: {  	_ =	shalt  }
0x75: {  	_ =	shalt  }
0x76: {  	_ =	shalt  }
0x77: {  	_ =	shalt  }
0x78: {  	_ =	shalt  }
0x79: {  	_ =	shalt  }
0x7a: {  	_ =	shalt  }
0x7b: {  	_ =	shalt  }
0x7c: {  	_ =	shalt  }
0x7d: {  	_ =	shalt  }
0x7e: {  	_ =	shalt  }
0x7f: {  	_ =	shalt  }
0x80: {  	_ =	shalt  }
0x81: {  	_ =	shalt  }
0x82: {  	_ =	shalt  }
0x83: {  	_ =	shalt  }
0x84: {  	_ =	shalt  }
0x85: {  	_ =	shalt  }
0x86: {  	_ =	shalt  }
0x87: {  	_ =	shalt  }
.Lfunc_end0:
.L_simem_size_0:
called_computation.2_lowered:
.L_overlay_start_0:
0x88: {  	s2 =	sld [smem:$0x3FD9]  }
0x89: {  	s3 =	sld [smem:$0x3FFE];
	_ =	sdelay $0x1  }
0x8a: {  	s1 =	srdreg.scid  }
0x8b: {  	s0 =	sand.u32 $0x1, s1  }
0x8c: {  	s17 =	sshll.u32 s0, $0xA;
	s2 =	sadd.s32 s3, s2  }
0x8d: {  	s2 =	sadd.s32 s2, s17  }
0x8e: {  	[smem:$0x3FB1] =	sst s2  }
0x8f: {  	_ = 	snop  }
0x90: {  	s2 =	sld [smem:$0x3FC7]  }
0x91: {  	s18 =	sld [smem:$0x3FC6];
	(tm) =	ssettm $0x1  }
0x92: {  	s4 =	sld [smem:$0x3FFB];
	_ =	sdelay $0x3  }
0x93: {  	_ =	strace s4  }
0x94: {  	s4 =	sld [smem:$0x3FFC];
	_ =	sdelay $0x3  }
0x95: {  	_ =	strace s4  }
0x96: {  	s4 =	sld [smem:$0x3FFD];
	_ =	sdelay $0x3  }
0x97: {  	_ =	strace s4  }
0x98: {  	_ =	strace $0x8FFFFFFF  }
0x99: {  	s19 =	sld [smem:$0x3FDB];
	_ =	sdelay $0x1  }
0x9a: {  	s5 =	simm.s32 $_scs_section_size  }
0x9b: {  	s6 =	simm.s32 $_size__tile_overlayer_lowered;
	s7 =	simm.s32 $_tile_overlayer_lowered  }
0x9c: {  	s22 =	simm.s32 $0x1BFF;
	s21 =	sshll.u32 s7, $0x1;
	s4 =	sadd.s32 s5, s19  }
0x9d: {  	s8 =	simm.s32 $0x0;
	s20 =	sshll.u32 s6, $0x1;
	s6 =	sadd.s32 s21, s4  }
0x9e: {  	[timem:s8], [sflag:s22] =	dma.local [hbm:s6], s20  }
0x9f: {  	_ =	swait.ge [sflag:s22], s20  }
0xa0: {  	s5 =	ssub.s32 $0x0, s20;
	[sflag:s22] =	ssyncset.done $0x0  }
0xa1: {  	[sflag:s22] =	ssyncadd.s32 s5;
	_ =	sdelay $0x1  }
0xa2: {  	s23 =	simm.s32 $0x1B8B  }
0xa3: {  	_ =	swait.ge [sflag:s23], $0x1  }
0xa4: {  	[sflag:s23] =	ssyncset.done $0x0  }
0xa5: {  	s25 =	simm.s32 $0x1B8E;
	s24 =	sld [smem:$0x3FFE];
	[sflag:s23] =	ssyncadd.s32 $0xFFFFFFFF  }
0xa6: {  	s26 =	simm.s32 $execute0_lowered;
	[smem:$0x3FD2] =	sst s25  }
0xa7: {  	s6 =	sshll.u32 s26, $0x1;
	_ =	strace $0x8000004C;
	[dreg:$0x1] =	wrdreg $0xFFFFFFFF  }
0xa8: {  	s28 =	simm.s32 $_size_execute0_lowered;
	s4 =	sadd.s32 s4, s6;
	[dreg:$0x0] =	wrdreg $0x0  }
0xa9: {  	s6 =	sshll.u32 s28, $0x1;
	[dreg:$0x2] =	wrdreg s4  }
0xaa: {  	[dreg:$0x3] =	wrdreg s6  }
0xab: {  	[dreg:$0x4] =	wrdreg $0xC0  }
0xac: {  	_ =	task [dreg:s8], $0x5FFFF  }
0xad: {  	[dreg:$0x1] =	wrdreg $0xFFFFFFFF  }
0xae: {  	[dreg:$0x0] =	wrdreg $0x60  }
0xaf: {  	[dreg:$0x2] =	wrdreg s24  }
0xb0: {  	[dreg:$0x3] =	wrdreg s2  }
0xb1: {  	[dreg:$0x4] =	wrdreg s18  }
0xb2: {  	[dreg:$0x5] =	wrdreg $0xA2000  }
0xb3: {  	[dreg:$0x6] =	wrdreg $0x9  }
0xb4: {  	_ =	task.clear_ibuf [dreg:s8], $0x7FFFF;
	_ =	strace $0x9000004C  }
0xb5: {  	s29 =	simm.s32 $0x9;
	_ =	strace $0x8000004E  }
0xb6: {  	_ =	swait.ge [sflag:s29], $0x1  }
0xb7: {  	[sflag:s29] =	ssyncadd.s32 $0xFFFFFFFF  }
0xb8: {  	_ =	strace $0x9000004E  }
0xb9: {  	_ =	sfence  }
0xba: {  	s30 =	sld [smem:$0x0];
	_ =	sdelay $0x2  }
0xbb: {  	s31 =	sshll.u32 s1, $0xD;
	s1 =	sshrl.u32 s1, $0x2  }
0xbc: {  	s3 =	sand.u32 $0x4000, s31;
	s1 =	sadd.s32 s1, s30  }
0xbd: {  	s0 =	sor.u32 s3, s0;
	s1 =	sshll.u32 s1, $0x11  }
0xbe: {  	s0 =	sor.u32 s1, s0  }
0xbf: {  	s0 =	sadd.s32 $0x8F2B, s0  }
0xc0: {  	[sflag:s0] =	ssyncadd.remote.s32 $0x1  }
0xc1: {  	_ =	sfence.sel $0xFFFF  }
0xc2: {  	[dreg:$0x0] =	wrdreg $0xFFFFFFFF;
	(pc) =	sbr.abs _section_cstart, $3  }
0xc3: {  	[dreg:$0x1] =	wrdreg $0xFFFFFFFF  }
0xc4: {  	_ =	task.clear_ibuf [dreg:s8], $0x2FFFF;
	_ =	strace $0x9FFFFFFF  }
0xc5: {  	(tm) =	ssettm $0x7FFFFFFF  }
tec
execute0_lowered:
.L_overlay_start_1:
0x0: {  	(tag) =	ssettag $0x1  }
0x1: {  	s0 =	rddreg [dreg:$0x0]  }
0x2: {  	s1 =	rddreg [dreg:$0x1]  }
0x3: {  	s2 =	rddreg [dreg:$0x2]  }
0x4: {  	s3 =	rddreg [dreg:$0x3]  }
0x5: {  	s4 =	simm.s32 $0x0;
	s5 =	srdreg.scid;
	s13 =	stileid.u32  }
0x6: {  	s28 =	simm.s32 $0x100;
	s29 =	simm.s32 $0x50;
	s31 =	simm.s32 $0xA  }
0x7: {  	[smem:$0x7FF] =	sst s4;
	s5 =	sand.u32 $0x1, s5;
	s6 =	sadd.s32 $0x4000, s0  }
0x8: {  	s7 =	sadd.s32 $0x55B400, s0;
	s10 =	smul.u32 $0x4E000, s13;
	s0 =	sadd.s32 $0x2B200, s0  }
0x9: {  	s17 =	smul.u32 $0x13800, s13;
	s24 =	sadd.s32 $0x138000, s3;
	p0 =	sne.s32 s13, $0xF  }
0xa: {  	_ =	strace $0x8000004D;
	s8 =	sshll.u32 s5, $0x4;
	s11 =	ssub.s32 $0x2, s5  }
0xb: {  	s5 =	smul.u32 $0x138800, s5;
	[dreg:$0x7] =	wrdreg s24;
	s9 =	sor.u32 s13, s8  }
0xc: {  	s12 =	sshrl.u32 s11, $0x1;
	s10 =	sshrl.u32 s10, $0x2;
	s8 =	smul.u32 $0x2710, s9  }
0xd: {  	s13 =	simm.s32 $0x4;
	s9 =	smul.u32 $0x27100, s9;
	s14 =	sadd.s32 s10, s3  }
0xe: {  	s11 =	ssub.s32 s11, s12;
	s10 =	sadd.s32 $0x11800, s14;
	[dreg:$0x5] =	wrdreg s14  }
0xf: {  	s18 =	sadd.s32 s17, s5;
	s20 =	smax.u32 s11, $0x1;
	[dreg:$0x6] =	wrdreg s10  }
0x10: {  	s5 =	sshrl.u32 s5, $0x3;
	s21 =	sadd.s32 $0x2800, s14;
	[dreg:$0xd] =	wrdreg s20  }
0x11: {  	s12 =	simm.s32 $0x2;
	s22 =	sadd.s32 $0x5000, s14;
	[dreg:$0xe] =	wrdreg s21  }
0x12: {  	s17 =	simm.s32 $0x7;
	s23 =	sadd.s32 $0x7800, s14;
	[dreg:$0xf] =	wrdreg s22  }
0x13: {  	s5 =	sadd.s32 s0, s5;
	s25 =	sadd.s32 $0xA000, s14;
	[dreg:$0x10] =	wrdreg s23  }
0x14: {  	s26 =	sadd.s32 $0xC800, s14;
	s30 =	sadd.s32 $0xF000, s14;
	[dreg:$0x11] =	wrdreg s25  }
0x15: {  	s16 =	sshrl.u32 s8, $0x3;
	s9 =	sadd.s32 s7, s9;
	[dreg:$0x12] =	wrdreg s26  }
0x16: {  	s19 =	sadd.s32 $0x27000, s5;
	[dreg:$0x13] =	wrdreg s30;
	s25 =	simm.s32 $0x200  }
0x17: {  	s26 =	simm.s32 $0xB;
	s20 =	simm.s32 $0x1;
	s21 =	simm.s32 $0x3  }
0x18: {  	s22 =	simm.s32 $0x8;
	s23 =	simm.s32 $0x0;
	s15 =	sadd.s32 s1, s16  }
.Ltmp0:
0x19: {  	s10 =	sadd.s32 s2, s16;
	[dreg:$0xa] =	wrdreg s9;
	(pc) =	sbr.rel .LBB2_1-.Ltmp0, $4  }
0x1a: {  	s9 =	sshrl.u32 s18, $0x3;
	[dreg:$0xc] =	wrdreg s19;
	s16 =	simm.s32 $0x7A00  }
0x1b: {  	s18 =	simm.s32 $0x9;
	s19 =	simm.s32 $0x6;
	[dreg:$0x8] =	wrdreg s15  }
0x1c: {  	[dreg:$0x9] =	wrdreg s10;
	s15 =	sadd.s32 $0xA0, s8;
	s0 =	sadd.s32 s0, s9  }
0x1d: {  	v0 =	vimm.f32 $0.0e+00;
	s10 =	simm.s32 $0x5;
	[dreg:$0xb] =	wrdreg s0;
	s0 =	simm.s32 $0x80  }
.LBB2_12:
0x1e: {  	[spmem:s3] =	stream.indirect.scatter.add.f32 [tilespmem:s25], [sflag:$0xB], $0x80, s28, s29, $0xb8;
	[tilespmem:$0x1DA80] =	vst v63  }
0x1f: {  	_ =	swait.ge [sflag:s26], $0x2800  }
0x20: {  	[sflag:s26] =	ssyncset.done $0x0  }
0x21: {  	[sflag:s26] =	ssyncadd.s32 $0xFFFFD800  }
.LBB2_18:
0x22: {  	s5 =	stileid.u32;
	[bflag:$0x0] =	sbarrier.arrive $0xFFFF  }
0x23: {  	s5 =	sshll.u32 s5, $0x6;
	s14 =	rddreg [dreg:$0x5]  }
0x24: {  	s11 =	rddreg [dreg:$0xb];
	s5 =	sor.u32 $0x1C0B, s5;
	s9 =	sshrl.u32 s14, $0x3  }
0x25: {  	[hbm:s11], [sflag:s5] =	dma.local [spmem:s9], $0x2700  }
0x26: {  	_ =	swait.ge [sflag:s26], $0x2700  }
0x27: {  	[sflag:s26] =	ssyncset.done $0x0;
	s24 =	rddreg [dreg:$0x7]  }
0x28: {  	s11 =	rddreg [dreg:$0xc];
	[sflag:s26] =	ssyncadd.s32 $0xFFFFD900;
	s9 =	sshrl.u32 @!p0 s24, $0x3  }
0x29: {  	[hbm:s11], [sflag:s5] =	dma.local @!p0 [spmem:s9], $0x100  }
0x2a: {  	s5 =	simm.s32 @!p0 $0xB  }
0x2b: {  	_ =	swait.ge @!p0 [sflag:s5], $0x100  }
0x2c: {  	s23 =	sadd.s32 $0x1, s23;
	s30 =	rddreg [dreg:$0xd]  }
0x2d: {  	p1 =	sne.s32 s23, s30  }
.Ltmp1:
0x2e: {  	_ = 	snop;
	(pc) =	sbr.rel @!p1 .LBB2_19-.Ltmp1, $3  }
0x2f: {  	_ =	sdelay $0x1  }
0x30: {  	[sflag:s5] =	ssyncset.done @!p0 $0x0  }
0x31: {  	[sflag:s5] =	ssyncadd.s32 @!p0 $0xFFFFFF00  }
.LBB2_1:
0x32: {  	s9 =	simm.s32 $0x0;
	s11 =	simm.s32 $0x200  }
.LBB2_2:
0x33: {  	p1 =	sne.s32 s11, $0x9E00;
	[tilespmem:s9+$0x270] =	vst v0  }
0x34: {  	[tilespmem:s9+$0x200] =	vst v0  }
0x35: {  	[tilespmem:s9+$0x210] =	vst v0  }
.Ltmp2:
0x36: {  	[tilespmem:s9+$0x220] =	vst v0;
	(pc) =	sbr.rel @p1 .LBB2_2-.Ltmp2, $4  }
0x37: {  	[tilespmem:s9+$0x230] =	vst v0  }
0x38: {  	[tilespmem:s9+$0x240] =	vst v0  }
0x39: {  	[tilespmem:s9+$0x250] =	vst v0  }
0x3a: {  	[tilespmem:s9+$0x260] =	vst v0;
	s9 =	sshra.s32 s11, $0x2;
	s11 =	sadd.s32 $0x200, s11  }
0x3b: {  	[tilespmem:s9+$0x270] =	vst v0  }
0x3c: {  	[tilespmem:s9+$0x200] =	vst v0  }
0x3d: {  	[tilespmem:s9+$0x210] =	vst v0  }
0x3e: {  	[tilespmem:s9+$0x220] =	vst v0  }
0x3f: {  	[tilespmem:s9+$0x230] =	vst v0  }
0x40: {  	[tilespmem:s9+$0x240] =	vst v0  }
0x41: {  	[tilespmem:s9+$0x250] =	vst v0  }
0x42: {  	[tilespmem:s9+$0x260] =	vst v0  }
0x43: {  	[spmem:s14] =	stream.linear.scatter [tilespmem:s25], [sflag:$0xB], $0x2800, $0x38;
	[tilespmem:$0x1DA80] =	vst v63  }
0x44: {  	_ =	swait.ge [sflag:s26], $0x2800  }
0x45: {  	[sflag:s26] =	ssyncset.done $0x0  }
0x46: {  	s5 =	rddreg [dreg:$0xe];
	[sflag:s26] =	ssyncadd.s32 $0xFFFFD800  }
0x47: {  	[spmem:s5] =	stream.linear.scatter [tilespmem:s25], [sflag:$0xB], $0x2800, $0x38;
	[tilespmem:$0x1DA80] =	vst v63  }
0x48: {  	_ =	swait.ge [sflag:s26], $0x2800  }
0x49: {  	[sflag:s26] =	ssyncset.done $0x0  }
0x4a: {  	s14 =	rddreg [dreg:$0xf];
	[sflag:s26] =	ssyncadd.s32 $0xFFFFD800  }
0x4b: {  	[spmem:s14] =	stream.linear.scatter [tilespmem:s25], [sflag:$0xB], $0x2800, $0x38;
	[tilespmem:$0x1DA80] =	vst v63  }
0x4c: {  	_ =	swait.ge [sflag:s26], $0x2800  }
0x4d: {  	[sflag:s26] =	ssyncset.done $0x0  }
0x4e: {  	s30 =	rddreg [dreg:$0x10];
	[sflag:s26] =	ssyncadd.s32 $0xFFFFD800  }
0x4f: {  	[spmem:s30] =	stream.linear.scatter [tilespmem:s25], [sflag:$0xB], $0x2800, $0x38;
	[tilespmem:$0x1DA80] =	vst v63  }
0x50: {  	_ =	swait.ge [sflag:s26], $0x2800  }
0x51: {  	[sflag:s26] =	ssyncset.done $0x0  }
0x52: {  	s9 =	rddreg [dreg:$0x11];
	[sflag:s26] =	ssyncadd.s32 $0xFFFFD800  }
0x53: {  	[spmem:s9] =	stream.linear.scatter [tilespmem:s25], [sflag:$0xB], $0x2800, $0x38;
	[tilespmem:$0x1DA80] =	vst v63  }
0x54: {  	_ =	swait.ge [sflag:s26], $0x2800  }
0x55: {  	[sflag:s26] =	ssyncset.done $0x0  }
0x56: {  	s11 =	rddreg [dreg:$0x12];
	[sflag:s26] =	ssyncadd.s32 $0xFFFFD800  }
0x57: {  	[spmem:s11] =	stream.linear.scatter [tilespmem:s25], [sflag:$0xB], $0x2800, $0x38;
	[tilespmem:$0x1DA80] =	vst v63  }
0x58: {  	_ =	swait.ge [sflag:s26], $0x2800  }
0x59: {  	[sflag:s26] =	ssyncset.done $0x0  }
0x5a: {  	s14 =	rddreg [dreg:$0x13];
	[sflag:s26] =	ssyncadd.s32 $0xFFFFD800  }
0x5b: {  	[spmem:s14] =	stream.linear.scatter [tilespmem:s25], [sflag:$0xB], $0x2800, $0x38;
	[tilespmem:$0x1DA80] =	vst v63  }
0x5c: {  	_ =	swait.ge [sflag:s26], $0x2800  }
0x5d: {  	[sflag:s26] =	ssyncset.done $0x0  }
0x5e: {  	s30 =	rddreg [dreg:$0x6];
	[sflag:s26] =	ssyncadd.s32 $0xFFFFD800  }
0x5f: {  	[spmem:s30] =	stream.linear.scatter [tilespmem:s25], [sflag:$0xB], $0x2000, $0x38;
	[tilespmem:$0x1DA80] =	vst v63  }
0x60: {  	_ =	swait.ge [sflag:s26], $0x2000  }
0x61: {  	[sflag:s26] =	ssyncset.done $0x0  }
0x62: {  	s9 =	simm.s32 @!p0 $0x200;
	[sflag:s26] =	ssyncadd.s32 $0xFFFFE000  }
0x63: {  	[spmem:s24] =	stream.linear.scatter @!p0 [tilespmem:s9], [sflag:$0xB], $0x800, $0x38;
	[tilespmem:$0x1DA80] =	vst v63  }
0x64: {  	s9 =	simm.s32 @!p0 $0xB  }
0x65: {  	_ =	swait.ge @!p0 [sflag:s9], $0x800  }
0x66: {  	[sflag:s9] =	ssyncset.done @!p0 $0x0  }
0x67: {  	[sflag:s9] =	ssyncadd.s32 @!p0 $0xFFFFF800  }
0x68: {  	[bflag:$0x0] =	sbarrier.arrive $0xFFFF  }
0x69: {  	s24 =	simm.s32 $0x0;
	s9 =	rddreg [dreg:$0x8]  }
0x6a: {  	[tilespmem:s24], [sflag:$0xB] =	stream.linear.gather [hbm4b:s9+s24], $0x50, $0x38;
	[tilespmem:$0x1DA80] =	vst v63  }
0x6b: {  	_ =	swait.ge [sflag:s26], $0x50  }
0x6c: {  	[sflag:s26] =	ssyncset.done $0x0  }
0x6d: {  	s11 =	rddreg [dreg:$0x9];
	[sflag:s26] =	ssyncadd.s32 $0xFFFFFFB0  }
0x6e: {  	[tilespmem:s28], [sflag:$0xB] =	stream.linear.gather [hbm4b:s11+s24], $0x50, $0x38;
	[tilespmem:$0x1DA80] =	vst v63  }
0x6f: {  	_ =	swait.ge [sflag:s26], $0x50  }
.Ltmp3:
0x70: {  	[sflag:s26] =	ssyncset.done $0x0;
	(pc) =	sbr.rel .LBB2_4-.Ltmp3, $4  }
0x71: {  	[sflag:s26] =	ssyncadd.s32 $0xFFFFFFB0  }
0x72: {  	[tilespmem:s25], [sflag:$0x5] =	stream.indirect.gather [hbm4b:s6+s29], $0x80, s24, s29, $0xb8;
	[tilespmem:$0x1DA80] =	vst v63  }
0x73: {  	s30 =	simm.s32 $0x5200;
	s14 =	rddreg [dreg:$0xa]  }
0x74: {  	[tilespmem:s30], [sflag:$0x7] =	stream.linear.gather [hbm4b:s14+s24], $0x2800, $0x38;
	[tilespmem:$0x1DA80] =	vst v63  }
.LBB2_17:
0x75: {  	s24 =	sadd.s32 $0x1, s24  }
0x76: {  	p1 =	sne.s32 s24, $0x3F  }
.Ltmp4:
0x77: {  	_ = 	snop;
	(pc) =	sbr.rel @!p1 .LBB2_18-.Ltmp4, $1  }
0x78: {  	_ =	sdelay $0x3  }
.LBB2_4:
0x79: {  	s11 =	sshllo.u32 s24, $0x1;
	p1 =	seq.s32 s24, $0x0  }
0x7a: {  	p2 =	sgt.u32 @!p1 s11, $0x7C  }
0x7b: {  	p1 =	por p1, p2  }
.Ltmp5:
0x7c: {  	_ = 	snop;
	(pc) =	sbr.rel @p1 .LBB2_6-.Ltmp5, $1  }
0x7d: {  	_ =	sdelay $0x3  }
0x7e: {  	_ =	swait.ge [sflag:s31], $0x2800  }
0x7f: {  	[sflag:s31] =	ssyncset.done $0x0  }
0x80: {  	[sflag:s31] =	ssyncadd.s32 $0xFFFFD800  }
.LBB2_7:
0x81: {  	s9 =	smul.u32 $0x50, s11;
	_ =	sdelay $0x1  }
0x82: {  	s9 =	sadd.s32 s8, s9  }
0x83: {  	s30 =	sshrl.u32 s9, $0x3  }
0x84: {  	s5 =	sadd.s32 s1, s30  }
0x85: {  	[tilespmem:s0], [sflag:$0x2] =	stream.linear.gather [hbm4b:s5+s4], $0x50, $0x38;
	[tilespmem:$0x1DA80] =	vst v63  }
0x86: {  	s14 =	simm.s32 $0x180;
	s30 =	sadd.s32 s2, s30  }
0x87: {  	[tilespmem:s14], [sflag:$0x4] =	stream.linear.gather [hbm4b:s30+s4], $0x50, $0x38;
	[tilespmem:$0x1DA80] =	vst v63  }
0x88: {  	_ =	swait.ge [sflag:s10], $0x2800  }
0x89: {  	[sflag:s10] =	ssyncset.done $0x0  }
0x8a: {  	[sflag:s10] =	ssyncadd.s32 $0xFFFFD800  }
0x8b: {  	_ =	swait.ge [sflag:s12], $0x50  }
0x8c: {  	[sflag:s12] =	ssyncset.done $0x0  }
0x8d: {  	[sflag:s12] =	ssyncadd.s32 $0xFFFFFFB0  }
0x8e: {  	_ =	swait.ge [sflag:s13], $0x50  }
0x8f: {  	[sflag:s13] =	ssyncset.done $0x0  }
0x90: {  	s14 =	simm.s32 $0x2A00;
	s30 =	sshll.u32 s9, $0x4;
	[sflag:s13] =	ssyncadd.s32 $0xFFFFFFB0  }
0x91: {  	[tilespmem:s14], [sflag:$0x6] =	stream.indirect.gather [hbm4b:s6+s29], $0x80, s0, s29, $0xb8;
	[tilespmem:$0x1DA80] =	vst v63  }
0x92: {  	s5 =	sadd.s32 s7, s30  }
0x93: {  	[tilespmem:s16], [sflag:$0x8] =	stream.linear.gather [hbm4b:s5+s4], $0x2800, $0x38;
	[tilespmem:$0x1DA80] =	vst v63  }
.LBB2_9:
0x94: {  	_ =	swait.ge [sflag:s17], $0x2800  }
0x95: {  	[sflag:s17] =	ssyncset.done $0x0  }
0x96: {  	s9 =	simm.s32 $0x0;
	[sflag:s17] =	ssyncadd.s32 $0xFFFFD800  }
0x97: {  	v8 =	vld [tilespmem:s9+$0x5200]  }
0x98: {  	v12 =	vld [tilespmem:s9+$0x5210]  }
0x99: {  	v6 =	vld [tilespmem:s9+$0x5220]  }
0x9a: {  	v5 =	vld [tilespmem:s9+$0x5230]  }
0x9b: {  	v4 =	vld [tilespmem:s9+$0x5240]  }
0x9c: {  	v3 =	vld [tilespmem:s9+$0x5250]  }
0x9d: {  	v2 =	vld [tilespmem:s9+$0x5260]  }
0x9e: {  	v1 =	vld [tilespmem:s9+$0x5270]  }
0x9f: {  	v13 =	vld [tilespmem:s9+$0x200]  }
0xa0: {  	v14 =	vld [tilespmem:s9+$0x210]  }
0xa1: {  	v11 =	vld [tilespmem:s9+$0x220]  }
0xa2: {  	v10 =	vld [tilespmem:s9+$0x230]  }
0xa3: {  	v9 =	vld [tilespmem:s9+$0x240]  }
0xa4: {  	v7 =	vld [tilespmem:s9+$0x250];
	v13 =	vmul.f32 v8, v13  }
0xa5: {  	s30 =	simm.s32 $0x200;
	v12 =	vmul.f32 v12, v14;
	v8 =	vld [tilespmem:s9+$0x260]  }
.LBB2_10:
0xa6: {  	s5 =	sshra.s32 s30, $0x2;
	p1 =	sne.s32 s30, $0x9E00;
	[tilespmem:s9+$0x200] =	vst v13;
	v6 =	vmul.f32 v6, v11;
	v11 =	vld [tilespmem:s9+$0x270]  }
0xa7: {  	v13 =	vld [tilespmem:s5+$0x5200];
	[tilespmem:s9+$0x210] =	vst v12;
	v5 =	vmul.f32 v5, v10  }
0xa8: {  	v12 =	vld [tilespmem:s5+$0x5210];
	[tilespmem:s9+$0x220] =	vst v6;
	v4 =	vmul.f32 v4, v9  }
0xa9: {  	v6 =	vld [tilespmem:s5+$0x5220];
	[tilespmem:s9+$0x230] =	vst v5;
	v3 =	vmul.f32 v3, v7  }
0xaa: {  	v5 =	vld [tilespmem:s5+$0x5230];
	[tilespmem:s9+$0x240] =	vst v4;
	v2 =	vmul.f32 v2, v8  }
0xab: {  	v4 =	vld [tilespmem:s5+$0x5240];
	[tilespmem:s9+$0x250] =	vst v3;
	v1 =	vmul.f32 v1, v11  }
0xac: {  	v3 =	vld [tilespmem:s5+$0x5250];
	[tilespmem:s9+$0x260] =	vst v2  }
0xad: {  	v2 =	vld [tilespmem:s5+$0x5260];
	[tilespmem:s9+$0x270] =	vst v1;
	s9 =	smov.u32 s5  }
0xae: {  	v1 =	vld [tilespmem:s9+$0x5270]  }
0xaf: {  	v7 =	vld [tilespmem:s9+$0x200]  }
0xb0: {  	v8 =	vld [tilespmem:s9+$0x210]  }
.Ltmp6:
0xb1: {  	v11 =	vld [tilespmem:s9+$0x220];
	(pc) =	sbr.rel @p1 .LBB2_10-.Ltmp6, $4  }
0xb2: {  	v10 =	vld [tilespmem:s9+$0x230]  }
0xb3: {  	v9 =	vld [tilespmem:s9+$0x240]  }
0xb4: {  	v13 =	vmul.f32 v13, v7;
	v7 =	vld [tilespmem:s9+$0x250]  }
0xb5: {  	s30 =	sadd.s32 $0x200, s30;
	v12 =	vmul.f32 v12, v8;
	v8 =	vld [tilespmem:s9+$0x260]  }
0xb6: {  	[tilespmem:s9+$0x200] =	vst v13;
	v6 =	vmul.f32 v6, v11;
	v63 =	vld [tilespmem:s9+$0x270]  }
0xb7: {  	[tilespmem:s9+$0x210] =	vst v12;
	v5 =	vmul.f32 v5, v10  }
0xb8: {  	p1 =	sne.s32 s24, $0x3E;
	[tilespmem:s9+$0x220] =	vst v6;
	v4 =	vmul.f32 v4, v9  }
.Ltmp7:
0xb9: {  	[tilespmem:s9+$0x230] =	vst v5;
	v3 =	vmul.f32 v3, v7;
	(pc) =	sbr.rel @!p1 .LBB2_12-.Ltmp7, $4  }
0xba: {  	[tilespmem:s9+$0x240] =	vst v4;
	v2 =	vmul.f32 v2, v8  }
0xbb: {  	[tilespmem:s9+$0x250] =	vst v3;
	v1 =	vmul.f32 v1, v63  }
0xbc: {  	[tilespmem:s9+$0x260] =	vst v2  }
0xbd: {  	[tilespmem:s9+$0x270] =	vst v1  }
0xbe: {  	p1 =	sgt.u32 s11, $0x7C  }
.Ltmp8:
0xbf: {  	_ = 	snop;
	(pc) =	sbr.rel @p1 .LBB2_17-.Ltmp8, $2  }
0xc0: {  	_ =	sdelay $0x2  }
0xc1: {  	[spmem:s3] =	stream.indirect.scatter.add.f32 [tilespmem:s25], [sflag:$0x9], $0x80, s28, s29, $0xb8;
	[tilespmem:$0x1DA80] =	vst v63  }
0xc2: {  	s5 =	smul.u32 $0xA0, s24;
	_ =	sdelay $0x1  }
0xc3: {  	_ =	swait.ge [sflag:s18], $0x2800;
	s5 =	sadd.s32 s5, s15  }
0xc4: {  	[sflag:s18] =	ssyncset.done $0x0;
	s9 =	sshrl.u32 s5, $0x3  }
0xc5: {  	s14 =	simm.s32 $0x0;
	[sflag:s18] =	ssyncadd.s32 $0xFFFFD800;
	s30 =	sadd.s32 s1, s9  }
0xc6: {  	[tilespmem:s14], [sflag:$0x1] =	stream.linear.gather [hbm4b:s30+s14], $0x50, $0x38;
	[tilespmem:$0x1DA80] =	vst v63  }
0xc7: {  	s9 =	sadd.s32 s2, s9  }
0xc8: {  	[tilespmem:s28], [sflag:$0x3] =	stream.linear.gather [hbm4b:s9+s14], $0x50, $0x38;
	[tilespmem:$0x1DA80] =	vst v63  }
0xc9: {  	_ =	swait.ge [sflag:s19], $0x2800  }
0xca: {  	[sflag:s19] =	ssyncset.done $0x0  }
0xcb: {  	[sflag:s19] =	ssyncadd.s32 $0xFFFFD800  }
0xcc: {  	_ =	swait.ge [sflag:s20], $0x50  }
0xcd: {  	[sflag:s20] =	ssyncset.done $0x0  }
0xce: {  	[sflag:s20] =	ssyncadd.s32 $0xFFFFFFB0  }
0xcf: {  	_ =	swait.ge [sflag:s21], $0x50  }
0xd0: {  	[sflag:s21] =	ssyncset.done $0x0  }
0xd1: {  	s5 =	sshll.u32 s5, $0x4;
	[sflag:s21] =	ssyncadd.s32 $0xFFFFFFB0  }
0xd2: {  	[tilespmem:s25], [sflag:$0x5] =	stream.indirect.gather [hbm4b:s6+s29], $0x80, s14, s29, $0xb8;
	[tilespmem:$0x1DA80] =	vst v63  }
0xd3: {  	s5 =	sadd.s32 s7, s5;
	s9 =	simm.s32 $0x5200  }
0xd4: {  	[tilespmem:s9], [sflag:$0x7] =	stream.linear.gather [hbm4b:s5+s14], $0x2800, $0x38;
	[tilespmem:$0x1DA80] =	vst v63  }
0xd5: {  	_ =	swait.ge [sflag:s22], $0x2800  }
0xd6: {  	[sflag:s22] =	ssyncset.done $0x0  }
0xd7: {  	s9 =	simm.s32 $0x0;
	[sflag:s22] =	ssyncadd.s32 $0xFFFFD800  }
0xd8: {  	v8 =	vld [tilespmem:s9+$0x7A00]  }
0xd9: {  	v12 =	vld [tilespmem:s9+$0x7A10]  }
0xda: {  	v6 =	vld [tilespmem:s9+$0x7A20]  }
0xdb: {  	v5 =	vld [tilespmem:s9+$0x7A30]  }
0xdc: {  	v4 =	vld [tilespmem:s9+$0x7A40]  }
0xdd: {  	v3 =	vld [tilespmem:s9+$0x7A50]  }
0xde: {  	v2 =	vld [tilespmem:s9+$0x7A60]  }
0xdf: {  	v1 =	vld [tilespmem:s9+$0x7A70]  }
0xe0: {  	v13 =	vld [tilespmem:s9+$0x2A00]  }
0xe1: {  	v14 =	vld [tilespmem:s9+$0x2A10]  }
0xe2: {  	v11 =	vld [tilespmem:s9+$0x2A20]  }
0xe3: {  	v10 =	vld [tilespmem:s9+$0x2A30]  }
0xe4: {  	v9 =	vld [tilespmem:s9+$0x2A40]  }
0xe5: {  	v7 =	vld [tilespmem:s9+$0x2A50];
	v13 =	vmul.f32 v8, v13  }
0xe6: {  	s30 =	simm.s32 $0x200;
	v12 =	vmul.f32 v12, v14;
	v8 =	vld [tilespmem:s9+$0x2A60]  }
.LBB2_15:
0xe7: {  	s5 =	sshra.s32 s30, $0x2;
	p1 =	sne.s32 s30, $0x9E00;
	[tilespmem:s9+$0x2A00] =	vst v13;
	v6 =	vmul.f32 v6, v11;
	v11 =	vld [tilespmem:s9+$0x2A70]  }
0xe8: {  	v13 =	vld [tilespmem:s5+$0x7A00];
	[tilespmem:s9+$0x2A10] =	vst v12;
	v5 =	vmul.f32 v5, v10  }
0xe9: {  	v12 =	vld [tilespmem:s5+$0x7A10];
	[tilespmem:s9+$0x2A20] =	vst v6;
	v4 =	vmul.f32 v4, v9  }
0xea: {  	v6 =	vld [tilespmem:s5+$0x7A20];
	[tilespmem:s9+$0x2A30] =	vst v5;
	v3 =	vmul.f32 v3, v7  }
0xeb: {  	v5 =	vld [tilespmem:s5+$0x7A30];
	[tilespmem:s9+$0x2A40] =	vst v4;
	v2 =	vmul.f32 v2, v8  }
0xec: {  	v4 =	vld [tilespmem:s5+$0x7A40];
	[tilespmem:s9+$0x2A50] =	vst v3;
	v1 =	vmul.f32 v1, v11  }
0xed: {  	v3 =	vld [tilespmem:s5+$0x7A50];
	[tilespmem:s9+$0x2A60] =	vst v2  }
0xee: {  	v2 =	vld [tilespmem:s5+$0x7A60];
	[tilespmem:s9+$0x2A70] =	vst v1;
	s9 =	smov.u32 s5  }
0xef: {  	v1 =	vld [tilespmem:s9+$0x7A70]  }
0xf0: {  	v7 =	vld [tilespmem:s9+$0x2A00]  }
0xf1: {  	v8 =	vld [tilespmem:s9+$0x2A10]  }
.Ltmp9:
0xf2: {  	v11 =	vld [tilespmem:s9+$0x2A20];
	(pc) =	sbr.rel @p1 .LBB2_15-.Ltmp9, $4  }
0xf3: {  	v10 =	vld [tilespmem:s9+$0x2A30]  }
0xf4: {  	v9 =	vld [tilespmem:s9+$0x2A40]  }
0xf5: {  	v13 =	vmul.f32 v13, v7;
	v7 =	vld [tilespmem:s9+$0x2A50]  }
0xf6: {  	s30 =	sadd.s32 $0x200, s30;
	v12 =	vmul.f32 v12, v8;
	v8 =	vld [tilespmem:s9+$0x2A60]  }
0xf7: {  	[tilespmem:s9+$0x2A00] =	vst v13;
	v6 =	vmul.f32 v6, v11;
	v63 =	vld [tilespmem:s9+$0x2A70]  }
0xf8: {  	[tilespmem:s9+$0x2A10] =	vst v12;
	v5 =	vmul.f32 v5, v10  }
0xf9: {  	[tilespmem:s9+$0x2A20] =	vst v6;
	v4 =	vmul.f32 v4, v9  }
0xfa: {  	[tilespmem:s9+$0x2A30] =	vst v5;
	v3 =	vmul.f32 v3, v7  }
0xfb: {  	[tilespmem:s9+$0x2A40] =	vst v4;
	v2 =	vmul.f32 v2, v8  }
0xfc: {  	[tilespmem:s9+$0x2A50] =	vst v3;
	v1 =	vmul.f32 v1, v63  }
0xfd: {  	p1 =	slt.u32 s24, $0x3D;
	[tilespmem:s9+$0x2A60] =	vst v2  }
0xfe: {  	s5 =	simm.s32 @!p1 $0x50;
	s14 =	simm.s32 @!p1 $0x2A00;
	[tilespmem:s9+$0x2A70] =	vst v1;
	s9 =	simm.s32 @!p1 $0x180  }
0xff: {  	[spmem:s3] =	stream.indirect.scatter.add.f32 @!p1 [tilespmem:s14], [sflag:$0xB], $0x80, s9, s5, $0xb8;
	[tilespmem:$0x1DA80] =	vst v63  }
0x100: {  	s5 =	simm.s32 @!p1 $0xB  }
.Ltmp10:
0x101: {  	_ =	swait.ge @!p1 [sflag:s5], $0x2800;
	(pc) =	sbr.rel .LBB2_17-.Ltmp10, $4  }
0x102: {  	[sflag:s5] =	ssyncset.done @!p1 $0x0  }
0x103: {  	[sflag:s5] =	ssyncadd.s32 @!p1 $0xFFFFD800;
	p1 =	sgt.u32 s11, $0x7A  }
0x104: {  	s5 =	simm.s32 @!p1 $0x50;
	s9 =	simm.s32 @!p1 $0x180;
	s11 =	simm.s32 @!p1 $0x2A00  }
0x105: {  	[spmem:s3] =	stream.indirect.scatter.add.f32 @!p1 [tilespmem:s11], [sflag:$0xA], $0x80, s9, s5, $0xb8;
	[tilespmem:$0x1DA80] =	vst v63  }
.LBB2_6:
0x106: {  	p1 =	sgt.u32 s11, $0x7C  }
.Ltmp11:
0x107: {  	_ = 	snop;
	(pc) =	sbr.rel @!p1 .LBB2_7-.Ltmp11, $1  }
0x108: {  	_ =	sdelay $0x3  }
.Ltmp12:
0x109: {  	(pc) =	sbr.rel .LBB2_9-.Ltmp12, $4  }
0x10a: {  	_ = 	snop  }
0x10b: {  	_ =	swait.ge [sflag:s10], $0x2800  }
0x10c: {  	[sflag:s10] =	ssyncset.done $0x0  }
0x10d: {  	[sflag:s10] =	ssyncadd.s32 $0xFFFFD800  }
.LBB2_19:
0x10e: {  	_ =	sfence.sel $0x180000  }
0x10f: {  	[bflag:$0x0] =	sbarrier.arrive $0xFFFF  }
0x110: {  	_ =	strace $0x9000004D  }
0x111: {  	s0 =	stileid.u32;
	[bflag:$0x2] =	sbarrier.arrive $0xFFFF  }
0x112: {  	p0 =	sne.s32 s0, $0x0;
	s0 =	rddreg [dreg:$0x4]  }
0x113: {  	s0 =	sadd.s32 @!p0 $0x100000, s0  }
0x114: {  	[sflag:s0] =	ssyncadd.tile.s32 @!p0 $0x1;
	_ =	shalt  }
.Lfunc_end2:
_tile_overlayer_lowered:
.L_overlay_start_2:
0x115: {  	(tag) =	ssettag $0x2  }
0x116: {  	s0 =	rddreg [dreg:$0x0];
	s2 =	stileid.u32  }
0x117: {  	s1 =	rddreg [dreg:$0x1];
	p0 =	sne.s32 s2, $0x0  }
0x118: {  	s3 =	rddreg [dreg:$0x2];
	[bflag:$0x3] =	sbarrier.arrive $0xFFFF;
	s2 =	simm.s32 @!p0 $0x1C0B  }
0x119: {  	[timem:s3], [sflag:s2] =	dma.local @!p0 [hbm:s0], s1  }
0x11a: {  	s0 =	simm.s32 @!p0 $0xB  }
0x11b: {  	_ =	swait.ge @!p0 [sflag:s0], s1  }
0x11c: {  	s1 =	ssub.s32 @!p0 $0x0, s1;
	[sflag:s0] =	ssyncset.done @!p0 $0x0  }
0x11d: {  	[sflag:s0] =	ssyncadd.s32 @!p0 s1  }
0x11e: {  	[bflag:$0x3] =	sbarrier.arrive $0xFFFF  }
0x11f: {  	_ =	shalt  }

</sc_bundles>
